<compile_context>
chip_gen: v7x
topology: tpu7x:2x2x1
jax: 0.10.2.dev20260603
libtpu: 0.0.44.dev20260713+nightly
codegen_flags: <defaults>
</compile_context>

<pallas_src>
import jax
import jax.numpy as jnp
from jax import lax
from jax.experimental import pallas as pl
from jax.experimental.pallas import tpu as pltpu
from jax.experimental.pallas import tpu_sc as plsc

_N = 10000
_E = 320000
_NC, _NS = 2, 16
_NW = _NC * _NS
_B = 128
_CPW = 80
_NBUF = 2
_EPAD = _NW * _CPW * _B
_SPT = 632
_LAST = _N - (_NS - 1) * _SPT
_GROW = 128
_D1 = 64
_D2 = 48

_mesh = plsc.VectorSubcoreMesh(core_axis_name="c", subcore_axis_name="s")


def _iota16():
    return lax.iota(jnp.int32, 16)


def _fori(hi, body):
    return lax.fori_loop(jnp.int32(0), jnp.int32(hi),
                         lambda i, carry: (body(i), carry)[1], jnp.int32(0))


def _zero_acc_stripe(s, msg0, acc):
    d = msg0.shape[-1]
    z16 = jnp.zeros((16,), jnp.float32)

    def _zrow(e):
        for q in range(d // 16):
            msg0[e, pl.ds(16 * q, 16)] = z16
    _fori(8, _zrow)

    base_r = jnp.int32(s) * _SPT
    nz8 = jnp.where(s == _NS - 1, jnp.int32(_LAST // 8), jnp.int32(_SPT // 8))

    def _zacc(r):
        pltpu.sync_copy(msg0.at[pl.ds(0, 8)], acc.at[pl.ds(base_r + 8 * r, 8)])
    _fori(nz8, _zacc)


def _stage_table(s, hbm_ref, sp_ref):
    @pl.when(s < _NS - 1)
    def _():
        base = jnp.int32(s) * _SPT
        pltpu.sync_copy(hbm_ref.at[pl.ds(base, _SPT)],
                        sp_ref.at[pl.ds(base, _SPT)])

    @pl.when(s == _NS - 1)
    def _():
        pltpu.sync_copy(hbm_ref.at[pl.ds((_NS - 1) * _SPT, _LAST)],
                        sp_ref.at[pl.ds((_NS - 1) * _SPT, _LAST)])


def _copy_out_stripe(c, s, acc, out_ref):
    @pl.when(s < _NS - 1)
    def _():
        base = jnp.int32(s) * _SPT
        pltpu.sync_copy(acc.at[pl.ds(base, _SPT)],
                        out_ref.at[c, pl.ds(base, _SPT)])

    @pl.when(s == _NS - 1)
    def _():
        pltpu.sync_copy(acc.at[pl.ds((_NS - 1) * _SPT, _LAST)],
                        out_ref.at[c, pl.ds((_NS - 1) * _SPT, _LAST)])




def _sc_l1_body(src_ref, dst_ref, asd_ref, xwe_ref, out_ref, outd_ref,
                sidx2, didx2, asg, adg, xwg, wbuf, msg, acc, accd,
                gsem0, gsem1, ssem0, ssem1):
    c = lax.axis_index("c")
    s = lax.axis_index("s")
    wid = jnp.int32(s) * _NC + jnp.int32(c)
    it = _iota16()
    shift = (it & 7) + 8
    pats = [2 * q + (it >> 3) for q in range(4)]
    gsems = (gsem0, gsem1)
    ssems = (ssem0, ssem1)

    pltpu.sync_copy(src_ref.at[pl.ds(wid * _CPW, _CPW)], sidx2)
    pltpu.sync_copy(dst_ref.at[pl.ds(wid * _CPW, _CPW)], didx2)
    _zero_acc_stripe(s, msg.at[jnp.int32(0)], acc)
    _zero_acc_stripe(s, wbuf.at[jnp.int32(0)], accd)
    plsc.subcore_barrier()

    def _gather_cps(k, b):
        return (
            pltpu.make_async_copy(asd_ref.at[sidx2.at[k]], asg.at[jnp.int32(b)], gsems[b]),
            pltpu.make_async_copy(asd_ref.at[didx2.at[k]], adg.at[jnp.int32(b)], gsems[b]),
            pltpu.make_async_copy(xwe_ref.at[sidx2.at[k]], xwg.at[jnp.int32(b)], gsems[b]),
        )

    def _issue(k, b):
        for cp in _gather_cps(k, b):
            cp.start()

    def _wait_gathers(k, b):
        for cp in _gather_cps(k, b):
            cp.wait()

    def _scatter_cps(k, b):
        return (
            pltpu.make_async_copy(msg.at[jnp.int32(b)], acc.at[didx2.at[k]], ssems[b]),
            pltpu.make_async_copy(wbuf.at[jnp.int32(b)], accd.at[didx2.at[k]], ssems[b]),
        )

    def _compute(b):
        bi = jnp.int32(b)
        asgb, adgb, xwgb, wbufb, msgb = (
            asg.at[bi], adg.at[bi], xwg.at[bi], wbuf.at[bi], msg.at[bi])

        @plsc.parallel_loop(jnp.int32(0), jnp.int32(_B), step=jnp.int32(1), unroll=4)
        def _edge(e):
            esp = jnp.full((16,), e, jnp.int32)
            vas = asgb[e, :]
            vad = plsc.load_gather(adgb, [esp, shift])
            lg = vas + vad
            lg = jnp.where(lg > 0, lg, 0.2 * lg)
            w = jnp.exp(lg)
            wbufb[e, :] = w
            for q2 in range(_D1 // 32):
                v32 = xwgb[e, pl.ds(32 * q2, 32)]
                va, vb = plsc.unpack(v32, format=plsc.PackFormat.INTERLEAVED)
                for j, vv in enumerate((va, vb)):
                    q = 2 * q2 + j
                    wq = w[pats[q]]
                    msgb[e, pl.ds(16 * q, 16)] = wq * vv

    for b in range(_NBUF):
        _issue(jnp.int32(b), b)

    def _outer(t):
        for b in range(_NBUF):
            k = _NBUF * t + b
            _wait_gathers(k, b)

            @pl.when(t > 0)
            def _():
                for cp in _scatter_cps(k - _NBUF, b):
                    cp.wait()

            _compute(b)
            for cp in _scatter_cps(k, b):
                cp.start(add=True)

            @pl.when(t < _CPW // _NBUF - 1)
            def _():
                _issue(k + _NBUF, b)
    _fori(_CPW // _NBUF, _outer)
    for b in range(_NBUF):
        for cp in _scatter_cps(jnp.int32(_CPW - _NBUF + b), b):
            cp.wait()

    plsc.subcore_barrier()
    _copy_out_stripe(c, s, acc, out_ref)
    _copy_out_stripe(c, s, accd, outd_ref)


_sc_l1 = pl.kernel(
    _sc_l1_body,
    out_type=[jax.ShapeDtypeStruct((_NC, _N, _D1), jnp.float32),
              jax.ShapeDtypeStruct((_NC, _N, 16), jnp.float32)],
    mesh=_mesh,
    scratch_types=[
        pltpu.VMEM((_CPW, _B), jnp.int32),
        pltpu.VMEM((_CPW, _B), jnp.int32),
        pltpu.VMEM((_NBUF, _B, 16), jnp.float32),
        pltpu.VMEM((_NBUF, _B, 16), jnp.float32),
        pltpu.VMEM((_NBUF, _B, _D1), jnp.bfloat16),
        pltpu.VMEM((_NBUF, _B, 16), jnp.float32),
        pltpu.VMEM((_NBUF, _B, _D1), jnp.float32),
        pltpu.VMEM_SHARED((_N + _GROW, _D1), jnp.float32),
        pltpu.VMEM_SHARED((_N + _GROW, 16), jnp.float32),
        pltpu.SemaphoreType.DMA,
        pltpu.SemaphoreType.DMA,
        pltpu.SemaphoreType.DMA,
        pltpu.SemaphoreType.DMA,
    ],
    compiler_params=pltpu.CompilerParams(needs_layout_passes=False,
                                         use_tc_tiling_on_sc=False),
)




def _sc_l2_body(src_ref, dst_ref, a2s_ref, a2d_ref, hwe_ref, out_ref,
                sidx2, didx2, a2sv, a2dv, hwg, wbuf, msg, acc, hwe_s,
                gsem0, gsem1, ssem0, ssem1):
    c = lax.axis_index("c")
    s = lax.axis_index("s")
    wid = jnp.int32(s) * _NC + jnp.int32(c)
    gsems = (gsem0, gsem1)
    ssems = (ssem0, ssem1)

    pltpu.sync_copy(src_ref.at[pl.ds(wid * _CPW, _CPW)], sidx2)
    pltpu.sync_copy(dst_ref.at[pl.ds(wid * _CPW, _CPW)], didx2)
    pltpu.sync_copy(a2s_ref, a2sv)
    pltpu.sync_copy(a2d_ref, a2dv)
    _stage_table(s, hwe_ref, hwe_s)
    _zero_acc_stripe(s, msg.at[jnp.int32(0)], acc)
    plsc.subcore_barrier()

    def _gather_cp(k, b):
        return pltpu.make_async_copy(hwe_s.at[sidx2.at[k]],
                                     hwg.at[jnp.int32(b)], gsems[b])

    def _scatter_cp(k, b):
        return pltpu.make_async_copy(msg.at[jnp.int32(b)], acc.at[didx2.at[k]], ssems[b])

    def _compute(k, b):
        bi = jnp.int32(b)
        hwgb, wbufb, msgb = hwg.at[bi], wbuf.at[bi], msg.at[bi]

        @plsc.parallel_loop(jnp.int32(0), jnp.int32(_B // 16), step=jnp.int32(1), unroll=2)
        def _grp(gi):
            sv = sidx2[k, pl.ds(16 * gi, 16)]
            dv = didx2[k, pl.ds(16 * gi, 16)]
            as16 = plsc.load_gather(a2sv, [sv])
            ad16 = plsc.load_gather(a2dv, [dv])
            lg = as16 + ad16
            lg = jnp.where(lg > 0, lg, 0.2 * lg)
            wbufb[pl.ds(16 * gi, 16)] = jnp.exp(lg)

        @plsc.parallel_loop(jnp.int32(0), jnp.int32(_B), step=jnp.int32(1), unroll=8)
        def _edge(e):
            esp = jnp.full((16,), e, jnp.int32)
            spl = plsc.load_gather(wbufb, [esp])
            for q in range(_D2 // 16):
                msgb[e, pl.ds(16 * q, 16)] = spl * hwgb[e, pl.ds(16 * q, 16)]

    for b in range(_NBUF):
        _gather_cp(jnp.int32(b), b).start()

    def _outer(t):
        for b in range(_NBUF):
            k = _NBUF * t + b
            _gather_cp(k, b).wait()

            @pl.when(t > 0)
            def _():
                _scatter_cp(k - _NBUF, b).wait()

            _compute(k, b)
            _scatter_cp(k, b).start(add=True)

            @pl.when(t < _CPW // _NBUF - 1)
            def _():
                _gather_cp(k + _NBUF, b).start()
    _fori(_CPW // _NBUF, _outer)
    for b in range(_NBUF):
        _scatter_cp(jnp.int32(_CPW - _NBUF + b), b).wait()

    plsc.subcore_barrier()
    _copy_out_stripe(c, s, acc, out_ref)


_sc_l2 = pl.kernel(
    _sc_l2_body,
    out_type=jax.ShapeDtypeStruct((_NC, _N, _D2), jnp.float32),
    mesh=_mesh,
    scratch_types=[
        pltpu.VMEM((_CPW, _B), jnp.int32),
        pltpu.VMEM((_CPW, _B), jnp.int32),
        pltpu.VMEM((_N,), jnp.float32),
        pltpu.VMEM((_N,), jnp.float32),
        pltpu.VMEM((_NBUF, _B, _D2), jnp.float32),
        pltpu.VMEM((_NBUF, _B), jnp.float32),
        pltpu.VMEM((_NBUF, _B, _D2), jnp.float32),
        pltpu.VMEM_SHARED((_N + _GROW, _D2), jnp.float32),
        pltpu.VMEM_SHARED((_N, _D2), jnp.float32),
        pltpu.SemaphoreType.DMA,
        pltpu.SemaphoreType.DMA,
        pltpu.SemaphoreType.DMA,
        pltpu.SemaphoreType.DMA,
    ],
    compiler_params=pltpu.CompilerParams(needs_layout_passes=False,
                                         use_tc_tiling_on_sc=False),
)




def _tc1_body(x_ref, w1_ref, as_ref, ad_ref, pm_ref, xwe_ref, asd_ref):
    xw = jnp.dot(x_ref[...], w1_ref[...], preferred_element_type=jnp.float32)
    a_s = jnp.dot(xw, as_ref[...], preferred_element_type=jnp.float32)
    a_d = jnp.dot(xw, ad_ref[...], preferred_element_type=jnp.float32)
    xwp = jnp.dot(xw, pm_ref[...], preferred_element_type=jnp.float32)
    xwe_ref[...] = xwp.astype(jnp.bfloat16)
    asd_ref[...] = jnp.concatenate([a_s, a_d], axis=1)


_tc1 = pl.pallas_call(
    _tc1_body,
    out_shape=[
        jax.ShapeDtypeStruct((_N, _D1), jnp.bfloat16),
        jax.ShapeDtypeStruct((_N, 16), jnp.float32),
    ],
)


def _tc2_body(acc_ref, accd_ref, b1_ref, w2_ref, a2s_ref, a2d_ref, r_ref,
              hwe_ref, a2_ref):
    num = acc_ref[0] + acc_ref[1]
    den8 = accd_ref[0][:, 0:8] + accd_ref[1][:, 0:8]
    den64 = jnp.dot(den8, r_ref[...], preferred_element_type=jnp.float32)
    h = num / jnp.maximum(den64, 1e-30) + b1_ref[...]
    h = jnp.where(h > 0, h, jnp.exp(jnp.minimum(h, 0.0)) - 1.0)
    hw = jnp.dot(h, w2_ref[...], preferred_element_type=jnp.float32)
    a2s = jnp.dot(hw, a2s_ref[...], preferred_element_type=jnp.float32)
    a2d = jnp.dot(hw, a2d_ref[...], preferred_element_type=jnp.float32)
    ones = jnp.ones((_N, 1), jnp.float32)
    zeros = jnp.zeros((_N, 7), jnp.float32)
    hwe_ref[...] = jnp.concatenate([hw, ones, zeros], axis=1)
    a2_ref[...] = jnp.concatenate([a2s, a2d], axis=1)


_tc2 = pl.pallas_call(
    _tc2_body,
    out_shape=[
        jax.ShapeDtypeStruct((_N, _D2), jnp.float32),
        jax.ShapeDtypeStruct((_N, 2), jnp.float32),
    ],
)


def _tc3_body(acc_ref, b2_ref, out_ref):
    num = acc_ref[0] + acc_ref[1]
    den = jnp.maximum(num[:, 40:41], 1e-30)
    lg = num[:, 0:40] / den + b2_ref[...]
    m = jnp.max(lg, axis=1, keepdims=True)
    ls = lg - m
    out_ref[...] = ls - jnp.log(jnp.sum(jnp.exp(ls), axis=1, keepdims=True))


_tc3 = pl.pallas_call(
    _tc3_body,
    out_shape=jax.ShapeDtypeStruct((_N, 40), jnp.float32),
)




def kernel(x, edge_index, y, W1, att_src1, att_dst1, b1, W2, att_src2,
           att_dst2, b2):
    del y
    f32 = jnp.float32
    x = x.astype(f32)
    src = edge_index[0].astype(jnp.int32)
    dst = edge_index[1].astype(jnp.int32)
    npad = _EPAD - _E
    src_p = jnp.pad(src, (0, npad)).reshape(_NW * _CPW, _B)
    dst_p = jnp.pad(dst, (0, npad),
                    constant_values=_N).reshape(_NW * _CPW, _B)

    hh = jnp.repeat(jnp.arange(8), 8)
    hmask = (hh[:, None] == jnp.arange(8)[None, :])
    As = jnp.where(hmask, att_src1.reshape(64).astype(f32)[:, None], 0.0)
    Ad = jnp.where(hmask, att_dst1.reshape(64).astype(f32)[:, None], 0.0)
    R = (jnp.arange(8)[:, None] == hh[None, :]).astype(f32)
    perm = []
    for half in range(2):
        for j in range(16):
            perm += [32 * half + j, 32 * half + 16 + j]
    Pm = (jnp.arange(64)[:, None] == jnp.array(perm)[None, :]).astype(f32)

    xwe, asd = _tc1(x, W1.astype(f32), As, Ad, Pm)
    acc1, acc1d = _sc_l1(src_p, dst_p, asd, xwe)
    hwe, a2 = _tc2(acc1, acc1d, b1.astype(f32).reshape(1, 64), W2.astype(f32),
                   att_src2.astype(f32).reshape(40, 1),
                   att_dst2.astype(f32).reshape(40, 1), R)
    acc2 = _sc_l2(src_p, dst_p, a2[:, 0], a2[:, 1], hwe)
    return _tc3(acc2, b2.astype(f32).reshape(1, 40))

# --- scband reference (transcript-rebuilt; emitter-appended) ---
"""Pipeline reference for scband-gat-36215164240765 (READ-ONLY COPY).

The authoritative reference and input builder live on the scoring server;
editing this copy changes nothing except your own understanding.
"""

import jax, jax.numpy as jnp
import numpy as np
jax.config.update("jax_enable_x64", True)


def gat_conv(x, edge_index, W, att_src, att_dst, bias, heads, out_ch, concat):
    N = x.shape[0]
    src = edge_index[0]
    dst = edge_index[1]
    xw = (x @ W).reshape(N, heads, out_ch)
    a_src = (xw * att_src[None]).sum(-1)  # [N, H]
    a_dst = (xw * att_dst[None]).sum(-1)  # [N, H]
    e = jax.nn.leaky_relu(a_src[src] + a_dst[dst], negative_slope=0.2)  # [E, H]
    e_max = jax.ops.segment_max(e, dst, num_segments=N)
    e_max = jnp.where(jnp.isfinite(e_max), e_max, 0.0)
    e_max = jax.lax.stop_gradient(e_max)
    ex = jnp.exp(e - e_max[dst])
    denom = jax.ops.segment_sum(ex, dst, num_segments=N)
    alpha = ex / (denom[dst] + 1e-16)  # [E, H] softmax over incoming edges per dst
    msg = xw[src] * alpha[..., None]  # [E, H, C]
    out = jax.ops.segment_sum(msg, dst, num_segments=N)  # [N, H, C]
    if concat:
        out = out.reshape(N, heads * out_ch)
    else:
        out = out.mean(axis=1)
    return out + bias


def setup_inputs(seed: int = 0):
    key = jax.random.key(seed)
    ks = jax.random.split(key, 12)
    N, E, F_in, hidden, heads, n_cls = 10000, 320000, 128, 8, 8, 40
    x = jax.random.normal(ks[0], (N, F_in), dtype=jnp.float32)
    edge_index = jax.random.randint(ks[1], (2, E), 0, N, dtype=jnp.int64)
    y = jax.random.randint(ks[2], (N,), 0, n_cls, dtype=jnp.int64)
    s1 = float(np.sqrt(2.0 / (F_in + hidden * heads)))
    W1 = jax.random.normal(ks[3], (F_in, hidden * heads), dtype=jnp.float32) * s1
    att_src1 = jax.random.normal(ks[4], (heads, hidden), dtype=jnp.float32) * 0.1
    att_dst1 = jax.random.normal(ks[5], (heads, hidden), dtype=jnp.float32) * 0.1
    b1 = jnp.zeros((hidden * heads,), dtype=jnp.float32)
    s2 = float(np.sqrt(2.0 / (hidden * heads + n_cls)))
    W2 = jax.random.normal(ks[6], (hidden * heads, n_cls), dtype=jnp.float32) * s2
    att_src2 = jax.random.normal(ks[7], (1, n_cls), dtype=jnp.float32) * 0.1
    att_dst2 = jax.random.normal(ks[8], (1, n_cls), dtype=jnp.float32) * 0.1
    b2 = jnp.zeros((n_cls,), dtype=jnp.float32)
    return {"x": x, "edge_index": edge_index, "y": y,
            "W1": W1, "att_src1": att_src1, "att_dst1": att_dst1, "b1": b1,
            "W2": W2, "att_src2": att_src2, "att_dst2": att_dst2, "b2": b2}


def reference(x, edge_index, y, W1, att_src1, att_dst1, b1, W2, att_src2, att_dst2, b2):
    # eval mode: dropout is identity
    h = jax.nn.elu(gat_conv(x, edge_index, W1, att_src1, att_dst1, b1, 8, 8, True))
    out = gat_conv(h, edge_index, W2, att_src2, att_dst2, b2, 1, 40, True)
    return jax.nn.log_softmax(out, axis=1)

if __name__ == "__main__":
    import jax
    _d = setup_inputs()
    print(jax.jit(kernel)(*tuple(_d.values())))

</pallas_src>

<mosaic_0001>
#map = affine_map<(d0, d1) -> (0, 0)>
#map1 = affine_map<(d0, d1) -> (0, 0, 0)>
module attributes {stable_mosaic.version = 14 : i64} {
  func.func @_sc_l1_body(%arg0: i32, %arg1: i32, %arg2: memref<2560x128xi32, #tpu.memory_space<hbm>>, %arg3: memref<2560x128xi32, #tpu.memory_space<hbm>>, %arg4: memref<10000x16xf32, #tpu.memory_space<hbm>>, %arg5: memref<10000x64xbf16, #tpu.memory_space<hbm>>, %arg6: memref<2x10000x64xf32, #tpu.memory_space<hbm>>, %arg7: memref<2x10000x16xf32, #tpu.memory_space<hbm>>, %arg8: memref<80x128xi32, #tpu.memory_space<vmem>>, %arg9: memref<80x128xi32, #tpu.memory_space<vmem>>, %arg10: memref<2x128x16xf32, #tpu.memory_space<vmem>>, %arg11: memref<2x128x16xf32, #tpu.memory_space<vmem>>, %arg12: memref<2x128x64xbf16, #tpu.memory_space<vmem>>, %arg13: memref<2x128x16xf32, #tpu.memory_space<vmem>>, %arg14: memref<2x128x64xf32, #tpu.memory_space<vmem>>, %arg15: memref<10128x64xf32, #tpu.memory_space<vmem_shared>>, %arg16: memref<10128x16xf32, #tpu.memory_space<vmem_shared>>, %arg17: memref<!tpu.dma_semaphore, #tpu.memory_space<semaphore_mem>>, %arg18: memref<!tpu.dma_semaphore, #tpu.memory_space<semaphore_mem>>, %arg19: memref<!tpu.dma_semaphore, #tpu.memory_space<semaphore_mem>>, %arg20: memref<!tpu.dma_semaphore, #tpu.memory_space<semaphore_mem>>) attributes {dimension_semantics = [#tpu.dimension_semantics<core_parallel>, #tpu.dimension_semantics<subcore_parallel>], iteration_bounds = array<i64: 2, 16>, scalar_prefetch = 0 : i64, scratch_operands = 13 : i64, tpu.core_type = #tpu.core_type<sc_vector_subcore>, window_params = [{transform_indices = #map}, {transform_indices = #map}, {transform_indices = #map}, {transform_indices = #map}, {transform_indices = #map1}, {transform_indices = #map1}]} {
    %mul3A = arith.constant 2 : i32
    %mul3A_0 = arith.muli %arg1, %mul3A : i32
    %add3A = arith.addi %mul3A_0, %arg0 : i32
    %iota3A = tpu.iota {dimensions = array<i32: 0>} : vector<16xi32>
    %and3A = arith.constant 7 : i32
    %and3A_1 = vector.broadcast %and3A : i32 to vector<16xi32>
    %and3A_2 = arith.andi %iota3A, %and3A_1 : vector<16xi32>
    %add3A_3 = arith.constant 8 : i32
    %add3A_4 = vector.broadcast %add3A_3 : i32 to vector<16xi32>
    %add3A_5 = arith.addi %and3A_2, %add3A_4 : vector<16xi32>
    %shift_right_arithmetic3A = arith.constant 3 : i32
    %shift_right_arithmetic3A_6 = vector.broadcast %shift_right_arithmetic3A : i32 to vector<16xi32>
    %shift_right_arithmetic3A_7 = arith.shrsi %iota3A, %shift_right_arithmetic3A_6 : vector<16xi32>
    %add3A_8 = arith.constant 0 : i32
    %add3A_9 = vector.broadcast %add3A_8 : i32 to vector<16xi32>
    %add3A_10 = arith.addi %add3A_9, %shift_right_arithmetic3A_7 : vector<16xi32>
    %shift_right_arithmetic3A_11 = arith.constant 3 : i32
    %shift_right_arithmetic3A_12 = vector.broadcast %shift_right_arithmetic3A_11 : i32 to vector<16xi32>
    %shift_right_arithmetic3A_13 = arith.shrsi %iota3A, %shift_right_arithmetic3A_12 : vector<16xi32>
    %add3A_14 = arith.constant 2 : i32
    %add3A_15 = vector.broadcast %add3A_14 : i32 to vector<16xi32>
    %add3A_16 = arith.addi %add3A_15, %shift_right_arithmetic3A_13 : vector<16xi32>
    %shift_right_arithmetic3A_17 = arith.constant 3 : i32
    %shift_right_arithmetic3A_18 = vector.broadcast %shift_right_arithmetic3A_17 : i32 to vector<16xi32>
    %shift_right_arithmetic3A_19 = arith.shrsi %iota3A, %shift_right_arithmetic3A_18 : vector<16xi32>
    %add3A_20 = arith.constant 4 : i32
    %add3A_21 = vector.broadcast %add3A_20 : i32 to vector<16xi32>
    %add3A_22 = arith.addi %add3A_21, %shift_right_arithmetic3A_19 : vector<16xi32>
    %shift_right_arithmetic3A_23 = arith.constant 3 : i32
    %shift_right_arithmetic3A_24 = vector.broadcast %shift_right_arithmetic3A_23 : i32 to vector<16xi32>
    %shift_right_arithmetic3A_25 = arith.shrsi %iota3A, %shift_right_arithmetic3A_24 : vector<16xi32>
    %add3A_26 = arith.constant 6 : i32
    %add3A_27 = vector.broadcast %add3A_26 : i32 to vector<16xi32>
    %add3A_28 = arith.addi %add3A_27, %shift_right_arithmetic3A_25 : vector<16xi32>
    %mul3A_29 = arith.constant 80 : i32
    %mul3A_30 = arith.muli %add3A, %mul3A_29 : i32
    "tpu.region"() ({
      %run_scoped3A = tpu.sem_alloc : memref<!tpu.dma_semaphore, #tpu.memory_space<semaphore_mem>>
      %dma_start3A_239 = arith.constant 0 : i32
      %dma_start3A_240 = tpu.memref_slice %arg2[%mul3A_30, %dma_start3A_239] : memref<2560x128xi32, #tpu.memory_space<hbm>> -> memref<80x128xi32, #tpu.memory_space<hbm>>
      %dma_start3A_241 = arith.constant 0 : i32
      %dma_start3A_242 = tpu.memref_slice %arg2[%mul3A_30, %dma_start3A_241] : memref<2560x128xi32, #tpu.memory_space<hbm>> -> memref<80x128xi32, #tpu.memory_space<hbm>>
      tpu.enqueue_dma source(%dma_start3A_242 : memref<80x128xi32, #tpu.memory_space<hbm>>) target(%arg8 : memref<80x128xi32, #tpu.memory_space<vmem>>) target_semaphore(%run_scoped3A : memref<!tpu.dma_semaphore, #tpu.memory_space<semaphore_mem>>)
      %dma_wait3A_243 = arith.constant 0 : i32
      %dma_wait3A_244 = tpu.memref_slice %arg2[%mul3A_30, %dma_wait3A_243] : memref<2560x128xi32, #tpu.memory_space<hbm>> -> memref<80x128xi32, #tpu.memory_space<hbm>>
      %dma_wait3A_245 = arith.constant 0 : i32
      %dma_wait3A_246 = tpu.memref_slice %arg2[%mul3A_30, %dma_wait3A_245] : memref<2560x128xi32, #tpu.memory_space<hbm>> -> memref<80x128xi32, #tpu.memory_space<hbm>>
      tpu.wait_dma2 semaphore(%run_scoped3A : memref<!tpu.dma_semaphore, #tpu.memory_space<semaphore_mem>>) src(%dma_wait3A_246 : memref<80x128xi32, #tpu.memory_space<hbm>>) dst(%arg8 : memref<80x128xi32, #tpu.memory_space<vmem>>)
      tpu.yield
    }) : () -> ()
    %mul3A_31 = arith.constant 80 : i32
    %mul3A_32 = arith.muli %add3A, %mul3A_31 : i32
    "tpu.region"() ({
      %run_scoped3A = tpu.sem_alloc : memref<!tpu.dma_semaphore, #tpu.memory_space<semaphore_mem>>
      %dma_start3A_239 = arith.constant 0 : i32
      %dma_start3A_240 = tpu.memref_slice %arg3[%mul3A_32, %dma_start3A_239] : memref<2560x128xi32, #tpu.memory_space<hbm>> -> memref<80x128xi32, #tpu.memory_space<hbm>>
      %dma_start3A_241 = arith.constant 0 : i32
      %dma_start3A_242 = tpu.memref_slice %arg3[%mul3A_32, %dma_start3A_241] : memref<2560x128xi32, #tpu.memory_space<hbm>> -> memref<80x128xi32, #tpu.memory_space<hbm>>
      tpu.enqueue_dma source(%dma_start3A_242 : memref<80x128xi32, #tpu.memory_space<hbm>>) target(%arg9 : memref<80x128xi32, #tpu.memory_space<vmem>>) target_semaphore(%run_scoped3A : memref<!tpu.dma_semaphore, #tpu.memory_space<semaphore_mem>>)
      %dma_wait3A_243 = arith.constant 0 : i32
      %dma_wait3A_244 = tpu.memref_slice %arg3[%mul3A_32, %dma_wait3A_243] : memref<2560x128xi32, #tpu.memory_space<hbm>> -> memref<80x128xi32, #tpu.memory_space<hbm>>
      %dma_wait3A_245 = arith.constant 0 : i32
      %dma_wait3A_246 = tpu.memref_slice %arg3[%mul3A_32, %dma_wait3A_245] : memref<2560x128xi32, #tpu.memory_space<hbm>> -> memref<80x128xi32, #tpu.memory_space<hbm>>
      tpu.wait_dma2 semaphore(%run_scoped3A : memref<!tpu.dma_semaphore, #tpu.memory_space<semaphore_mem>>) src(%dma_wait3A_246 : memref<80x128xi32, #tpu.memory_space<hbm>>) dst(%arg9 : memref<80x128xi32, #tpu.memory_space<vmem>>)
      tpu.yield
    }) : () -> ()
    %broadcast_in_dim3A = arith.constant 0.000000e+00 : f32
    %broadcast_in_dim3A_33 = vector.broadcast %broadcast_in_dim3A : f32 to vector<16xf32>
    %while3A = arith.constant 0 : i32
    %while3A_34 = arith.constant 0 : i32
    %while3A_35 = arith.constant 0 : i32
    %while3A_36 = arith.constant 8 : i32
    %while3A_37 = arith.subi %while3A_36, %while3A_35 : i32
    %while3A_38 = arith.addi %while3A_35, %while3A_37 : i32
    %while3A_39 = arith.constant 1 : i32
    %while3A_40 = arith.divsi %while3A_37, %while3A_39 : i32
    %while3A_41 = arith.muli %while3A_40, %while3A_39 : i32
    %while3A_42 = arith.addi %while3A_35, %while3A_41 : i32
    %while3A_43 = arith.constant 1 : i32
    scf.for %while3A_239 = %while3A_35 to %while3A_42 step %while3A_43  : i32 {
      %swap3A = arith.constant 0 : i32
      %swap3A_240 = arith.constant 0 : i32
      %swap3A_241 = tpu.memref_slice %arg14[%while3A_34, %swap3A, %swap3A_240] : memref<2x128x64xf32, #tpu.memory_space<vmem>> -> memref<1x128x64xf32, #tpu.memory_space<vmem>>
      %swap3A_242 = tpu.memref_squeeze %swap3A_241 : memref<1x128x64xf32, #tpu.memory_space<vmem>> -> memref<128x64xf32, #tpu.memory_space<vmem>>
      %swap3A_243 = arith.index_cast %while3A_239 : i32 to index
      %swap3A_244 = arith.constant 0 : index
      %swap3A_245 = tpu.vector_load %swap3A_242[%swap3A_243, %swap3A_244] {strides = array<i32>} : memref<128x64xf32, #tpu.memory_space<vmem>>, vector<16xf32>,
      tpu.vector_store %swap3A_242[%swap3A_243, %swap3A_244], %broadcast_in_dim3A_33 {strides = array<i32>} : memref<128x64xf32, #tpu.memory_space<vmem>>, vector<16xf32>,
      %swap3A_246 = arith.constant 0 : i32
      %swap3A_247 = arith.constant 0 : i32
      %swap3A_248 = tpu.memref_slice %arg14[%while3A_34, %swap3A_246, %swap3A_247] : memref<2x128x64xf32, #tpu.memory_space<vmem>> -> memref<1x128x64xf32, #tpu.memory_space<vmem>>
      %swap3A_249 = tpu.memref_squeeze %swap3A_248 : memref<1x128x64xf32, #tpu.memory_space<vmem>> -> memref<128x64xf32, #tpu.memory_space<vmem>>
      %swap3A_250 = arith.index_cast %while3A_239 : i32 to index
      %swap3A_251 = arith.constant 16 : index
      %swap3A_252 = tpu.vector_load %swap3A_249[%swap3A_250, %swap3A_251] {strides = array<i32>} : memref<128x64xf32, #tpu.memory_space<vmem>>, vector<16xf32>,
      tpu.vector_store %swap3A_249[%swap3A_250, %swap3A_251], %broadcast_in_dim3A_33 {strides = array<i32>} : memref<128x64xf32, #tpu.memory_space<vmem>>, vector<16xf32>,
      %swap3A_253 = arith.constant 0 : i32
      %swap3A_254 = arith.constant 0 : i32
      %swap3A_255 = tpu.memref_slice %arg14[%while3A_34, %swap3A_253, %swap3A_254] : memref<2x128x64xf32, #tpu.memory_space<vmem>> -> memref<1x128x64xf32, #tpu.memory_space<vmem>>
      %swap3A_256 = tpu.memref_squeeze %swap3A_255 : memref<1x128x64xf32, #tpu.memory_space<vmem>> -> memref<128x64xf32, #tpu.memory_space<vmem>>
      %swap3A_257 = arith.index_cast %while3A_239 : i32 to index
      %swap3A_258 = arith.constant 32 : index
      %swap3A_259 = tpu.vector_load %swap3A_256[%swap3A_257, %swap3A_258] {strides = array<i32>} : memref<128x64xf32, #tpu.memory_space<vmem>>, vector<16xf32>,
      tpu.vector_store %swap3A_256[%swap3A_257, %swap3A_258], %broadcast_in_dim3A_33 {strides = array<i32>} : memref<128x64xf32, #tpu.memory_space<vmem>>, vector<16xf32>,
      %swap3A_260 = arith.constant 0 : i32
      %swap3A_261 = arith.constant 0 : i32
      %swap3A_262 = tpu.memref_slice %arg14[%while3A_34, %swap3A_260, %swap3A_261] : memref<2x128x64xf32, #tpu.memory_space<vmem>> -> memref<1x128x64xf32, #tpu.memory_space<vmem>>
      %swap3A_263 = tpu.memref_squeeze %swap3A_262 : memref<1x128x64xf32, #tpu.memory_space<vmem>> -> memref<128x64xf32, #tpu.memory_space<vmem>>
      %swap3A_264 = arith.index_cast %while3A_239 : i32 to index
      %swap3A_265 = arith.constant 48 : index
      %swap3A_266 = tpu.vector_load %swap3A_263[%swap3A_264, %swap3A_265] {strides = array<i32>} : memref<128x64xf32, #tpu.memory_space<vmem>>, vector<16xf32>,
      tpu.vector_store %swap3A_263[%swap3A_264, %swap3A_265], %broadcast_in_dim3A_33 {strides = array<i32>} : memref<128x64xf32, #tpu.memory_space<vmem>>, vector<16xf32>,
    }
    %while3A_44 = arith.constant 1 : i32
    scf.for %while3A_239 = %while3A_42 to %while3A_38 step %while3A_44  : i32 {
      %swap3A = arith.constant 0 : i32
      %swap3A_240 = arith.constant 0 : i32
      %swap3A_241 = tpu.memref_slice %arg14[%while3A_34, %swap3A, %swap3A_240] : memref<2x128x64xf32, #tpu.memory_space<vmem>> -> memref<1x128x64xf32, #tpu.memory_space<vmem>>
      %swap3A_242 = tpu.memref_squeeze %swap3A_241 : memref<1x128x64xf32, #tpu.memory_space<vmem>> -> memref<128x64xf32, #tpu.memory_space<vmem>>
      %swap3A_243 = arith.index_cast %while3A_239 : i32 to index
      %swap3A_244 = arith.constant 0 : index
      %swap3A_245 = tpu.vector_load %swap3A_242[%swap3A_243, %swap3A_244] {strides = array<i32>} : memref<128x64xf32, #tpu.memory_space<vmem>>, vector<16xf32>,
      tpu.vector_store %swap3A_242[%swap3A_243, %swap3A_244], %broadcast_in_dim3A_33 {strides = array<i32>} : memref<128x64xf32, #tpu.memory_space<vmem>>, vector<16xf32>,
      %swap3A_246 = arith.constant 0 : i32
      %swap3A_247 = arith.constant 0 : i32
      %swap3A_248 = tpu.memref_slice %arg14[%while3A_34, %swap3A_246, %swap3A_247] : memref<2x128x64xf32, #tpu.memory_space<vmem>> -> memref<1x128x64xf32, #tpu.memory_space<vmem>>
      %swap3A_249 = tpu.memref_squeeze %swap3A_248 : memref<1x128x64xf32, #tpu.memory_space<vmem>> -> memref<128x64xf32, #tpu.memory_space<vmem>>
      %swap3A_250 = arith.index_cast %while3A_239 : i32 to index
      %swap3A_251 = arith.constant 16 : index
      %swap3A_252 = tpu.vector_load %swap3A_249[%swap3A_250, %swap3A_251] {strides = array<i32>} : memref<128x64xf32, #tpu.memory_space<vmem>>, vector<16xf32>,
      tpu.vector_store %swap3A_249[%swap3A_250, %swap3A_251], %broadcast_in_dim3A_33 {strides = array<i32>} : memref<128x64xf32, #tpu.memory_space<vmem>>, vector<16xf32>,
      %swap3A_253 = arith.constant 0 : i32
      %swap3A_254 = arith.constant 0 : i32
      %swap3A_255 = tpu.memref_slice %arg14[%while3A_34, %swap3A_253, %swap3A_254] : memref<2x128x64xf32, #tpu.memory_space<vmem>> -> memref<1x128x64xf32, #tpu.memory_space<vmem>>
      %swap3A_256 = tpu.memref_squeeze %swap3A_255 : memref<1x128x64xf32, #tpu.memory_space<vmem>> -> memref<128x64xf32, #tpu.memory_space<vmem>>
      %swap3A_257 = arith.index_cast %while3A_239 : i32 to index
      %swap3A_258 = arith.constant 32 : index
      %swap3A_259 = tpu.vector_load %swap3A_256[%swap3A_257, %swap3A_258] {strides = array<i32>} : memref<128x64xf32, #tpu.memory_space<vmem>>, vector<16xf32>,
      tpu.vector_store %swap3A_256[%swap3A_257, %swap3A_258], %broadcast_in_dim3A_33 {strides = array<i32>} : memref<128x64xf32, #tpu.memory_space<vmem>>, vector<16xf32>,
      %swap3A_260 = arith.constant 0 : i32
      %swap3A_261 = arith.constant 0 : i32
      %swap3A_262 = tpu.memref_slice %arg14[%while3A_34, %swap3A_260, %swap3A_261] : memref<2x128x64xf32, #tpu.memory_space<vmem>> -> memref<1x128x64xf32, #tpu.memory_space<vmem>>
      %swap3A_263 = tpu.memref_squeeze %swap3A_262 : memref<1x128x64xf32, #tpu.memory_space<vmem>> -> memref<128x64xf32, #tpu.memory_space<vmem>>
      %swap3A_264 = arith.index_cast %while3A_239 : i32 to index
      %swap3A_265 = arith.constant 48 : index
      %swap3A_266 = tpu.vector_load %swap3A_263[%swap3A_264, %swap3A_265] {strides = array<i32>} : memref<128x64xf32, #tpu.memory_space<vmem>>, vector<16xf32>,
      tpu.vector_store %swap3A_263[%swap3A_264, %swap3A_265], %broadcast_in_dim3A_33 {strides = array<i32>} : memref<128x64xf32, #tpu.memory_space<vmem>>, vector<16xf32>,
    }
    %mul3A_45 = arith.constant 632 : i32
    %mul3A_46 = arith.muli %arg1, %mul3A_45 : i32
    %eq3A = arith.constant 15 : i32
    %eq3A_47 = arith.cmpi eq, %arg1, %eq3A : i32
    %jit3A = arith.constant 65 : i32
    %jit3A_48 = arith.constant 79 : i32
    %select_n3A = arith.select %eq3A_47, %jit3A, %jit3A_48 : i32
    %while3A_49 = arith.constant 0 : i32
    %while3A_50 = arith.constant 0 : i32
    %while3A_51 = arith.constant 0 : i32
    %while3A_52 = arith.subi %select_n3A, %while3A_51 : i32
    %while3A_53 = arith.addi %while3A_51, %while3A_52 : i32
    %while3A_54 = arith.constant 1 : i32
    %while3A_55 = arith.divsi %while3A_52, %while3A_54 : i32
    %while3A_56 = arith.muli %while3A_55, %while3A_54 : i32
    %while3A_57 = arith.addi %while3A_51, %while3A_56 : i32
    %while3A_58 = arith.constant 1 : i32
    scf.for %while3A_239 = %while3A_51 to %while3A_57 step %while3A_58  : i32 {
      %mul3A_240 = arith.constant 8 : i32
      %mul3A_241 = arith.muli %mul3A_240, %while3A_239 : i32
      %add3A_242 = arith.addi %mul3A_46, %mul3A_241 : i32
      "tpu.region"() ({
        %run_scoped3A = tpu.sem_alloc : memref<!tpu.dma_semaphore, #tpu.memory_space<semaphore_mem>>
        %dma_start3A_243 = arith.constant 0 : i32
        %dma_start3A_244 = arith.constant 0 : i32
        %dma_start3A_245 = tpu.memref_slice %arg14[%while3A_50, %dma_start3A_243, %dma_start3A_244] : memref<2x128x64xf32, #tpu.memory_space<vmem>> -> memref<1x128x64xf32, #tpu.memory_space<vmem>>
        %dma_start3A_246 = tpu.memref_squeeze %dma_start3A_245 : memref<1x128x64xf32, #tpu.memory_space<vmem>> -> memref<128x64xf32, #tpu.memory_space<vmem>>
        %dma_start3A_247 = arith.constant 0 : i32
        %dma_start3A_248 = arith.constant 0 : i32
        %dma_start3A_249 = tpu.memref_slice %dma_start3A_246[%dma_start3A_247, %dma_start3A_248] : memref<128x64xf32, #tpu.memory_space<vmem>> -> memref<8x64xf32, #tpu.memory_space<vmem>>
        %dma_start3A_250 = arith.constant 0 : i32
        %dma_start3A_251 = tpu.memref_slice %arg15[%add3A_242, %dma_start3A_250] : memref<10128x64xf32, #tpu.memory_space<vmem_shared>> -> memref<8x64xf32, #tpu.memory_space<vmem_shared>>
        %dma_start3A_252 = arith.constant 0 : i32
        %dma_start3A_253 = tpu.memref_slice %arg15[%add3A_242, %dma_start3A_252] : memref<10128x64xf32, #tpu.memory_space<vmem_shared>> -> memref<8x64xf32, #tpu.memory_space<vmem_shared>>
        %dma_start3A_254 = arith.constant 0 : i32
        %dma_start3A_255 = arith.constant 0 : i32
        %dma_start3A_256 = tpu.memref_slice %arg14[%while3A_50, %dma_start3A_254, %dma_start3A_255] : memref<2x128x64xf32, #tpu.memory_space<vmem>> -> memref<1x128x64xf32, #tpu.memory_space<vmem>>
        %dma_start3A_257 = tpu.memref_squeeze %dma_start3A_256 : memref<1x128x64xf32, #tpu.memory_space<vmem>> -> memref<128x64xf32, #tpu.memory_space<vmem>>
        %dma_start3A_258 = arith.constant 0 : i32
        %dma_start3A_259 = arith.constant 0 : i32
        %dma_start3A_260 = tpu.memref_slice %dma_start3A_257[%dma_start3A_258, %dma_start3A_259] : memref<128x64xf32, #tpu.memory_space<vmem>> -> memref<8x64xf32, #tpu.memory_space<vmem>>
        tpu.enqueue_dma source(%dma_start3A_260 : memref<8x64xf32, #tpu.memory_space<vmem>>) target(%dma_start3A_253 : memref<8x64xf32, #tpu.memory_space<vmem_shared>>) target_semaphore(%run_scoped3A : memref<!tpu.dma_semaphore, #tpu.memory_space<semaphore_mem>>)
        %dma_wait3A_261 = arith.constant 0 : i32
        %dma_wait3A_262 = arith.constant 0 : i32
        %dma_wait3A_263 = tpu.memref_slice %arg14[%while3A_50, %dma_wait3A_261, %dma_wait3A_262] : memref<2x128x64xf32, #tpu.memory_space<vmem>> -> memref<1x128x64xf32, #tpu.memory_space<vmem>>
        %dma_wait3A_264 = tpu.memref_squeeze %dma_wait3A_263 : memref<1x128x64xf32, #tpu.memory_space<vmem>> -> memref<128x64xf32, #tpu.memory_space<vmem>>
        %dma_wait3A_265 = arith.constant 0 : i32
        %dma_wait3A_266 = arith.constant 0 : i32
        %dma_wait3A_267 = tpu.memref_slice %dma_wait3A_264[%dma_wait3A_265, %dma_wait3A_266] : memref<128x64xf32, #tpu.memory_space<vmem>> -> memref<8x64xf32, #tpu.memory_space<vmem>>
        %dma_wait3A_268 = arith.constant 0 : i32
        %dma_wait3A_269 = tpu.memref_slice %arg15[%add3A_242, %dma_wait3A_268] : memref<10128x64xf32, #tpu.memory_space<vmem_shared>> -> memref<8x64xf32, #tpu.memory_space<vmem_shared>>
        %dma_wait3A_270 = arith.constant 0 : i32
        %dma_wait3A_271 = tpu.memref_slice %arg15[%add3A_242, %dma_wait3A_270] : memref<10128x64xf32, #tpu.memory_space<vmem_shared>> -> memref<8x64xf32, #tpu.memory_space<vmem_shared>>
        %dma_wait3A_272 = arith.constant 0 : i32
        %dma_wait3A_273 = arith.constant 0 : i32
        %dma_wait3A_274 = tpu.memref_slice %arg14[%while3A_50, %dma_wait3A_272, %dma_wait3A_273] : memref<2x128x64xf32, #tpu.memory_space<vmem>> -> memref<1x128x64xf32, #tpu.memory_space<vmem>>
        %dma_wait3A_275 = tpu.memref_squeeze %dma_wait3A_274 : memref<1x128x64xf32, #tpu.memory_space<vmem>> -> memref<128x64xf32, #tpu.memory_space<vmem>>
        %dma_wait3A_276 = arith.constant 0 : i32
        %dma_wait3A_277 = arith.constant 0 : i32
        %dma_wait3A_278 = tpu.memref_slice %dma_wait3A_275[%dma_wait3A_276, %dma_wait3A_277] : memref<128x64xf32, #tpu.memory_space<vmem>> -> memref<8x64xf32, #tpu.memory_space<vmem>>
        tpu.wait_dma2 semaphore(%run_scoped3A : memref<!tpu.dma_semaphore, #tpu.memory_space<semaphore_mem>>) src(%dma_wait3A_278 : memref<8x64xf32, #tpu.memory_space<vmem>>) dst(%dma_wait3A_271 : memref<8x64xf32, #tpu.memory_space<vmem_shared>>)
        tpu.yield
      }) : () -> ()
    }
    %while3A_59 = arith.constant 1 : i32
    scf.for %while3A_239 = %while3A_57 to %while3A_53 step %while3A_59  : i32 {
      %mul3A_240 = arith.constant 8 : i32
      %mul3A_241 = arith.muli %mul3A_240, %while3A_239 : i32
      %add3A_242 = arith.addi %mul3A_46, %mul3A_241 : i32
      "tpu.region"() ({
        %run_scoped3A = tpu.sem_alloc : memref<!tpu.dma_semaphore, #tpu.memory_space<semaphore_mem>>
        %dma_start3A_243 = arith.constant 0 : i32
        %dma_start3A_244 = arith.constant 0 : i32
        %dma_start3A_245 = tpu.memref_slice %arg14[%while3A_50, %dma_start3A_243, %dma_start3A_244] : memref<2x128x64xf32, #tpu.memory_space<vmem>> -> memref<1x128x64xf32, #tpu.memory_space<vmem>>
        %dma_start3A_246 = tpu.memref_squeeze %dma_start3A_245 : memref<1x128x64xf32, #tpu.memory_space<vmem>> -> memref<128x64xf32, #tpu.memory_space<vmem>>
        %dma_start3A_247 = arith.constant 0 : i32
        %dma_start3A_248 = arith.constant 0 : i32
        %dma_start3A_249 = tpu.memref_slice %dma_start3A_246[%dma_start3A_247, %dma_start3A_248] : memref<128x64xf32, #tpu.memory_space<vmem>> -> memref<8x64xf32, #tpu.memory_space<vmem>>
        %dma_start3A_250 = arith.constant 0 : i32
        %dma_start3A_251 = tpu.memref_slice %arg15[%add3A_242, %dma_start3A_250] : memref<10128x64xf32, #tpu.memory_space<vmem_shared>> -> memref<8x64xf32, #tpu.memory_space<vmem_shared>>
        %dma_start3A_252 = arith.constant 0 : i32
        %dma_start3A_253 = tpu.memref_slice %arg15[%add3A_242, %dma_start3A_252] : memref<10128x64xf32, #tpu.memory_space<vmem_shared>> -> memref<8x64xf32, #tpu.memory_space<vmem_shared>>
        %dma_start3A_254 = arith.constant 0 : i32
        %dma_start3A_255 = arith.constant 0 : i32
        %dma_start3A_256 = tpu.memref_slice %arg14[%while3A_50, %dma_start3A_254, %dma_start3A_255] : memref<2x128x64xf32, #tpu.memory_space<vmem>> -> memref<1x128x64xf32, #tpu.memory_space<vmem>>
        %dma_start3A_257 = tpu.memref_squeeze %dma_start3A_256 : memref<1x128x64xf32, #tpu.memory_space<vmem>> -> memref<128x64xf32, #tpu.memory_space<vmem>>
        %dma_start3A_258 = arith.constant 0 : i32
        %dma_start3A_259 = arith.constant 0 : i32
        %dma_start3A_260 = tpu.memref_slice %dma_start3A_257[%dma_start3A_258, %dma_start3A_259] : memref<128x64xf32, #tpu.memory_space<vmem>> -> memref<8x64xf32, #tpu.memory_space<vmem>>
        tpu.enqueue_dma source(%dma_start3A_260 : memref<8x64xf32, #tpu.memory_space<vmem>>) target(%dma_start3A_253 : memref<8x64xf32, #tpu.memory_space<vmem_shared>>) target_semaphore(%run_scoped3A : memref<!tpu.dma_semaphore, #tpu.memory_space<semaphore_mem>>)
        %dma_wait3A_261 = arith.constant 0 : i32
        %dma_wait3A_262 = arith.constant 0 : i32
        %dma_wait3A_263 = tpu.memref_slice %arg14[%while3A_50, %dma_wait3A_261, %dma_wait3A_262] : memref<2x128x64xf32, #tpu.memory_space<vmem>> -> memref<1x128x64xf32, #tpu.memory_space<vmem>>
        %dma_wait3A_264 = tpu.memref_squeeze %dma_wait3A_263 : memref<1x128x64xf32, #tpu.memory_space<vmem>> -> memref<128x64xf32, #tpu.memory_space<vmem>>
        %dma_wait3A_265 = arith.constant 0 : i32
        %dma_wait3A_266 = arith.constant 0 : i32
        %dma_wait3A_267 = tpu.memref_slice %dma_wait3A_264[%dma_wait3A_265, %dma_wait3A_266] : memref<128x64xf32, #tpu.memory_space<vmem>> -> memref<8x64xf32, #tpu.memory_space<vmem>>
        %dma_wait3A_268 = arith.constant 0 : i32
        %dma_wait3A_269 = tpu.memref_slice %arg15[%add3A_242, %dma_wait3A_268] : memref<10128x64xf32, #tpu.memory_space<vmem_shared>> -> memref<8x64xf32, #tpu.memory_space<vmem_shared>>
        %dma_wait3A_270 = arith.constant 0 : i32
        %dma_wait3A_271 = tpu.memref_slice %arg15[%add3A_242, %dma_wait3A_270] : memref<10128x64xf32, #tpu.memory_space<vmem_shared>> -> memref<8x64xf32, #tpu.memory_space<vmem_shared>>
        %dma_wait3A_272 = arith.constant 0 : i32
        %dma_wait3A_273 = arith.constant 0 : i32
        %dma_wait3A_274 = tpu.memref_slice %arg14[%while3A_50, %dma_wait3A_272, %dma_wait3A_273] : memref<2x128x64xf32, #tpu.memory_space<vmem>> -> memref<1x128x64xf32, #tpu.memory_space<vmem>>
        %dma_wait3A_275 = tpu.memref_squeeze %dma_wait3A_274 : memref<1x128x64xf32, #tpu.memory_space<vmem>> -> memref<128x64xf32, #tpu.memory_space<vmem>>
        %dma_wait3A_276 = arith.constant 0 : i32
        %dma_wait3A_277 = arith.constant 0 : i32
        %dma_wait3A_278 = tpu.memref_slice %dma_wait3A_275[%dma_wait3A_276, %dma_wait3A_277] : memref<128x64xf32, #tpu.memory_space<vmem>> -> memref<8x64xf32, #tpu.memory_space<vmem>>
        tpu.wait_dma2 semaphore(%run_scoped3A : memref<!tpu.dma_semaphore, #tpu.memory_space<semaphore_mem>>) src(%dma_wait3A_278 : memref<8x64xf32, #tpu.memory_space<vmem>>) dst(%dma_wait3A_271 : memref<8x64xf32, #tpu.memory_space<vmem_shared>>)
        tpu.yield
      }) : () -> ()
    }
    %broadcast_in_dim3A_60 = arith.constant 0.000000e+00 : f32
    %broadcast_in_dim3A_61 = vector.broadcast %broadcast_in_dim3A_60 : f32 to vector<16xf32>
    %while3A_62 = arith.constant 0 : i32
    %while3A_63 = arith.constant 0 : i32
    %while3A_64 = arith.constant 0 : i32
    %while3A_65 = arith.constant 8 : i32
    %while3A_66 = arith.subi %while3A_65, %while3A_64 : i32
    %while3A_67 = arith.addi %while3A_64, %while3A_66 : i32
    %while3A_68 = arith.constant 1 : i32
    %while3A_69 = arith.divsi %while3A_66, %while3A_68 : i32
    %while3A_70 = arith.muli %while3A_69, %while3A_68 : i32
    %while3A_71 = arith.addi %while3A_64, %while3A_70 : i32
    %while3A_72 = arith.constant 1 : i32
    scf.for %while3A_239 = %while3A_64 to %while3A_71 step %while3A_72  : i32 {
      %swap3A = arith.constant 0 : i32
      %swap3A_240 = arith.constant 0 : i32
      %swap3A_241 = tpu.memref_slice %arg13[%while3A_63, %swap3A, %swap3A_240] : memref<2x128x16xf32, #tpu.memory_space<vmem>> -> memref<1x128x16xf32, #tpu.memory_space<vmem>>
      %swap3A_242 = tpu.memref_squeeze %swap3A_241 : memref<1x128x16xf32, #tpu.memory_space<vmem>> -> memref<128x16xf32, #tpu.memory_space<vmem>>
      %swap3A_243 = arith.index_cast %while3A_239 : i32 to index
      %swap3A_244 = arith.constant 0 : index
      %swap3A_245 = tpu.vector_load %swap3A_242[%swap3A_243, %swap3A_244] {strides = array<i32>} : memref<128x16xf32, #tpu.memory_space<vmem>>, vector<16xf32>,
      tpu.vector_store %swap3A_242[%swap3A_243, %swap3A_244], %broadcast_in_dim3A_61 {strides = array<i32>} : memref<128x16xf32, #tpu.memory_space<vmem>>, vector<16xf32>,
    }
    %while3A_73 = arith.constant 1 : i32
    scf.for %while3A_239 = %while3A_71 to %while3A_67 step %while3A_73  : i32 {
      %swap3A = arith.constant 0 : i32
      %swap3A_240 = arith.constant 0 : i32
      %swap3A_241 = tpu.memref_slice %arg13[%while3A_63, %swap3A, %swap3A_240] : memref<2x128x16xf32, #tpu.memory_space<vmem>> -> memref<1x128x16xf32, #tpu.memory_space<vmem>>
      %swap3A_242 = tpu.memref_squeeze %swap3A_241 : memref<1x128x16xf32, #tpu.memory_space<vmem>> -> memref<128x16xf32, #tpu.memory_space<vmem>>
      %swap3A_243 = arith.index_cast %while3A_239 : i32 to index
      %swap3A_244 = arith.constant 0 : index
      %swap3A_245 = tpu.vector_load %swap3A_242[%swap3A_243, %swap3A_244] {strides = array<i32>} : memref<128x16xf32, #tpu.memory_space<vmem>>, vector<16xf32>,
      tpu.vector_store %swap3A_242[%swap3A_243, %swap3A_244], %broadcast_in_dim3A_61 {strides = array<i32>} : memref<128x16xf32, #tpu.memory_space<vmem>>, vector<16xf32>,
    }
    %mul3A_74 = arith.constant 632 : i32
    %mul3A_75 = arith.muli %arg1, %mul3A_74 : i32
    %eq3A_76 = arith.constant 15 : i32
    %eq3A_77 = arith.cmpi eq, %arg1, %eq3A_76 : i32
    %jit3A_78 = arith.constant 65 : i32
    %jit3A_79 = arith.constant 79 : i32
    %select_n3A_80 = arith.select %eq3A_77, %jit3A_78, %jit3A_79 : i32
    %while3A_81 = arith.constant 0 : i32
    %while3A_82 = arith.constant 0 : i32
    %while3A_83 = arith.constant 0 : i32
    %while3A_84 = arith.subi %select_n3A_80, %while3A_83 : i32
    %while3A_85 = arith.addi %while3A_83, %while3A_84 : i32
    %while3A_86 = arith.constant 1 : i32
    %while3A_87 = arith.divsi %while3A_84, %while3A_86 : i32
    %while3A_88 = arith.muli %while3A_87, %while3A_86 : i32
    %while3A_89 = arith.addi %while3A_83, %while3A_88 : i32
    %while3A_90 = arith.constant 1 : i32
    scf.for %while3A_239 = %while3A_83 to %while3A_89 step %while3A_90  : i32 {
      %mul3A_240 = arith.constant 8 : i32
      %mul3A_241 = arith.muli %mul3A_240, %while3A_239 : i32
      %add3A_242 = arith.addi %mul3A_75, %mul3A_241 : i32
      "tpu.region"() ({
        %run_scoped3A = tpu.sem_alloc : memref<!tpu.dma_semaphore, #tpu.memory_space<semaphore_mem>>
        %dma_start3A_243 = arith.constant 0 : i32
        %dma_start3A_244 = arith.constant 0 : i32
        %dma_start3A_245 = tpu.memref_slice %arg13[%while3A_82, %dma_start3A_243, %dma_start3A_244] : memref<2x128x16xf32, #tpu.memory_space<vmem>> -> memref<1x128x16xf32, #tpu.memory_space<vmem>>
        %dma_start3A_246 = tpu.memref_squeeze %dma_start3A_245 : memref<1x128x16xf32, #tpu.memory_space<vmem>> -> memref<128x16xf32, #tpu.memory_space<vmem>>
        %dma_start3A_247 = arith.constant 0 : i32
        %dma_start3A_248 = arith.constant 0 : i32
        %dma_start3A_249 = tpu.memref_slice %dma_start3A_246[%dma_start3A_247, %dma_start3A_248] : memref<128x16xf32, #tpu.memory_space<vmem>> -> memref<8x16xf32, #tpu.memory_space<vmem>>
        %dma_start3A_250 = arith.constant 0 : i32
        %dma_start3A_251 = tpu.memref_slice %arg16[%add3A_242, %dma_start3A_250] : memref<10128x16xf32, #tpu.memory_space<vmem_shared>> -> memref<8x16xf32, #tpu.memory_space<vmem_shared>>
        %dma_start3A_252 = arith.constant 0 : i32
        %dma_start3A_253 = tpu.memref_slice %arg16[%add3A_242, %dma_start3A_252] : memref<10128x16xf32, #tpu.memory_space<vmem_shared>> -> memref<8x16xf32, #tpu.memory_space<vmem_shared>>
        %dma_start3A_254 = arith.constant 0 : i32
        %dma_start3A_255 = arith.constant 0 : i32
        %dma_start3A_256 = tpu.memref_slice %arg13[%while3A_82, %dma_start3A_254, %dma_start3A_255] : memref<2x128x16xf32, #tpu.memory_space<vmem>> -> memref<1x128x16xf32, #tpu.memory_space<vmem>>
        %dma_start3A_257 = tpu.memref_squeeze %dma_start3A_256 : memref<1x128x16xf32, #tpu.memory_space<vmem>> -> memref<128x16xf32, #tpu.memory_space<vmem>>
        %dma_start3A_258 = arith.constant 0 : i32
        %dma_start3A_259 = arith.constant 0 : i32
        %dma_start3A_260 = tpu.memref_slice %dma_start3A_257[%dma_start3A_258, %dma_start3A_259] : memref<128x16xf32, #tpu.memory_space<vmem>> -> memref<8x16xf32, #tpu.memory_space<vmem>>
        tpu.enqueue_dma source(%dma_start3A_260 : memref<8x16xf32, #tpu.memory_space<vmem>>) target(%dma_start3A_253 : memref<8x16xf32, #tpu.memory_space<vmem_shared>>) target_semaphore(%run_scoped3A : memref<!tpu.dma_semaphore, #tpu.memory_space<semaphore_mem>>)
        %dma_wait3A_261 = arith.constant 0 : i32
        %dma_wait3A_262 = arith.constant 0 : i32
        %dma_wait3A_263 = tpu.memref_slice %arg13[%while3A_82, %dma_wait3A_261, %dma_wait3A_262] : memref<2x128x16xf32, #tpu.memory_space<vmem>> -> memref<1x128x16xf32, #tpu.memory_space<vmem>>
        %dma_wait3A_264 = tpu.memref_squeeze %dma_wait3A_263 : memref<1x128x16xf32, #tpu.memory_space<vmem>> -> memref<128x16xf32, #tpu.memory_space<vmem>>
        %dma_wait3A_265 = arith.constant 0 : i32
        %dma_wait3A_266 = arith.constant 0 : i32
        %dma_wait3A_267 = tpu.memref_slice %dma_wait3A_264[%dma_wait3A_265, %dma_wait3A_266] : memref<128x16xf32, #tpu.memory_space<vmem>> -> memref<8x16xf32, #tpu.memory_space<vmem>>
        %dma_wait3A_268 = arith.constant 0 : i32
        %dma_wait3A_269 = tpu.memref_slice %arg16[%add3A_242, %dma_wait3A_268] : memref<10128x16xf32, #tpu.memory_space<vmem_shared>> -> memref<8x16xf32, #tpu.memory_space<vmem_shared>>
        %dma_wait3A_270 = arith.constant 0 : i32
        %dma_wait3A_271 = tpu.memref_slice %arg16[%add3A_242, %dma_wait3A_270] : memref<10128x16xf32, #tpu.memory_space<vmem_shared>> -> memref<8x16xf32, #tpu.memory_space<vmem_shared>>
        %dma_wait3A_272 = arith.constant 0 : i32
        %dma_wait3A_273 = arith.constant 0 : i32
        %dma_wait3A_274 = tpu.memref_slice %arg13[%while3A_82, %dma_wait3A_272, %dma_wait3A_273] : memref<2x128x16xf32, #tpu.memory_space<vmem>> -> memref<1x128x16xf32, #tpu.memory_space<vmem>>
        %dma_wait3A_275 = tpu.memref_squeeze %dma_wait3A_274 : memref<1x128x16xf32, #tpu.memory_space<vmem>> -> memref<128x16xf32, #tpu.memory_space<vmem>>
        %dma_wait3A_276 = arith.constant 0 : i32
        %dma_wait3A_277 = arith.constant 0 : i32
        %dma_wait3A_278 = tpu.memref_slice %dma_wait3A_275[%dma_wait3A_276, %dma_wait3A_277] : memref<128x16xf32, #tpu.memory_space<vmem>> -> memref<8x16xf32, #tpu.memory_space<vmem>>
        tpu.wait_dma2 semaphore(%run_scoped3A : memref<!tpu.dma_semaphore, #tpu.memory_space<semaphore_mem>>) src(%dma_wait3A_278 : memref<8x16xf32, #tpu.memory_space<vmem>>) dst(%dma_wait3A_271 : memref<8x16xf32, #tpu.memory_space<vmem_shared>>)
        tpu.yield
      }) : () -> ()
    }
    %while3A_91 = arith.constant 1 : i32
    scf.for %while3A_239 = %while3A_89 to %while3A_85 step %while3A_91  : i32 {
      %mul3A_240 = arith.constant 8 : i32
      %mul3A_241 = arith.muli %mul3A_240, %while3A_239 : i32
      %add3A_242 = arith.addi %mul3A_75, %mul3A_241 : i32
      "tpu.region"() ({
        %run_scoped3A = tpu.sem_alloc : memref<!tpu.dma_semaphore, #tpu.memory_space<semaphore_mem>>
        %dma_start3A_243 = arith.constant 0 : i32
        %dma_start3A_244 = arith.constant 0 : i32
        %dma_start3A_245 = tpu.memref_slice %arg13[%while3A_82, %dma_start3A_243, %dma_start3A_244] : memref<2x128x16xf32, #tpu.memory_space<vmem>> -> memref<1x128x16xf32, #tpu.memory_space<vmem>>
        %dma_start3A_246 = tpu.memref_squeeze %dma_start3A_245 : memref<1x128x16xf32, #tpu.memory_space<vmem>> -> memref<128x16xf32, #tpu.memory_space<vmem>>
        %dma_start3A_247 = arith.constant 0 : i32
        %dma_start3A_248 = arith.constant 0 : i32
        %dma_start3A_249 = tpu.memref_slice %dma_start3A_246[%dma_start3A_247, %dma_start3A_248] : memref<128x16xf32, #tpu.memory_space<vmem>> -> memref<8x16xf32, #tpu.memory_space<vmem>>
        %dma_start3A_250 = arith.constant 0 : i32
        %dma_start3A_251 = tpu.memref_slice %arg16[%add3A_242, %dma_start3A_250] : memref<10128x16xf32, #tpu.memory_space<vmem_shared>> -> memref<8x16xf32, #tpu.memory_space<vmem_shared>>
        %dma_start3A_252 = arith.constant 0 : i32
        %dma_start3A_253 = tpu.memref_slice %arg16[%add3A_242, %dma_start3A_252] : memref<10128x16xf32, #tpu.memory_space<vmem_shared>> -> memref<8x16xf32, #tpu.memory_space<vmem_shared>>
        %dma_start3A_254 = arith.constant 0 : i32
        %dma_start3A_255 = arith.constant 0 : i32
        %dma_start3A_256 = tpu.memref_slice %arg13[%while3A_82, %dma_start3A_254, %dma_start3A_255] : memref<2x128x16xf32, #tpu.memory_space<vmem>> -> memref<1x128x16xf32, #tpu.memory_space<vmem>>
        %dma_start3A_257 = tpu.memref_squeeze %dma_start3A_256 : memref<1x128x16xf32, #tpu.memory_space<vmem>> -> memref<128x16xf32, #tpu.memory_space<vmem>>
        %dma_start3A_258 = arith.constant 0 : i32
        %dma_start3A_259 = arith.constant 0 : i32
        %dma_start3A_260 = tpu.memref_slice %dma_start3A_257[%dma_start3A_258, %dma_start3A_259] : memref<128x16xf32, #tpu.memory_space<vmem>> -> memref<8x16xf32, #tpu.memory_space<vmem>>
        tpu.enqueue_dma source(%dma_start3A_260 : memref<8x16xf32, #tpu.memory_space<vmem>>) target(%dma_start3A_253 : memref<8x16xf32, #tpu.memory_space<vmem_shared>>) target_semaphore(%run_scoped3A : memref<!tpu.dma_semaphore, #tpu.memory_space<semaphore_mem>>)
        %dma_wait3A_261 = arith.constant 0 : i32
        %dma_wait3A_262 = arith.constant 0 : i32
        %dma_wait3A_263 = tpu.memref_slice %arg13[%while3A_82, %dma_wait3A_261, %dma_wait3A_262] : memref<2x128x16xf32, #tpu.memory_space<vmem>> -> memref<1x128x16xf32, #tpu.memory_space<vmem>>
        %dma_wait3A_264 = tpu.memref_squeeze %dma_wait3A_263 : memref<1x128x16xf32, #tpu.memory_space<vmem>> -> memref<128x16xf32, #tpu.memory_space<vmem>>
        %dma_wait3A_265 = arith.constant 0 : i32
        %dma_wait3A_266 = arith.constant 0 : i32
        %dma_wait3A_267 = tpu.memref_slice %dma_wait3A_264[%dma_wait3A_265, %dma_wait3A_266] : memref<128x16xf32, #tpu.memory_space<vmem>> -> memref<8x16xf32, #tpu.memory_space<vmem>>
        %dma_wait3A_268 = arith.constant 0 : i32
        %dma_wait3A_269 = tpu.memref_slice %arg16[%add3A_242, %dma_wait3A_268] : memref<10128x16xf32, #tpu.memory_space<vmem_shared>> -> memref<8x16xf32, #tpu.memory_space<vmem_shared>>
        %dma_wait3A_270 = arith.constant 0 : i32
        %dma_wait3A_271 = tpu.memref_slice %arg16[%add3A_242, %dma_wait3A_270] : memref<10128x16xf32, #tpu.memory_space<vmem_shared>> -> memref<8x16xf32, #tpu.memory_space<vmem_shared>>
        %dma_wait3A_272 = arith.constant 0 : i32
        %dma_wait3A_273 = arith.constant 0 : i32
        %dma_wait3A_274 = tpu.memref_slice %arg13[%while3A_82, %dma_wait3A_272, %dma_wait3A_273] : memref<2x128x16xf32, #tpu.memory_space<vmem>> -> memref<1x128x16xf32, #tpu.memory_space<vmem>>
        %dma_wait3A_275 = tpu.memref_squeeze %dma_wait3A_274 : memref<1x128x16xf32, #tpu.memory_space<vmem>> -> memref<128x16xf32, #tpu.memory_space<vmem>>
        %dma_wait3A_276 = arith.constant 0 : i32
        %dma_wait3A_277 = arith.constant 0 : i32
        %dma_wait3A_278 = tpu.memref_slice %dma_wait3A_275[%dma_wait3A_276, %dma_wait3A_277] : memref<128x16xf32, #tpu.memory_space<vmem>> -> memref<8x16xf32, #tpu.memory_space<vmem>>
        tpu.wait_dma2 semaphore(%run_scoped3A : memref<!tpu.dma_semaphore, #tpu.memory_space<semaphore_mem>>) src(%dma_wait3A_278 : memref<8x16xf32, #tpu.memory_space<vmem>>) dst(%dma_wait3A_271 : memref<8x16xf32, #tpu.memory_space<vmem_shared>>)
        tpu.yield
      }) : () -> ()
    }
    %barrier3A = arith.constant 0 : index
    tpu.barrier barrier_id(%barrier3A)
    %dma_start3A = arith.constant 0 : i32
    %dma_start3A_92 = arith.constant 0 : i32
    %dma_start3A_93 = arith.constant 0 : i32
    %dma_start3A_94 = arith.constant 0 : i32
    %dma_start3A_95 = tpu.memref_slice %arg10[%dma_start3A_92, %dma_start3A_93, %dma_start3A_94] : memref<2x128x16xf32, #tpu.memory_space<vmem>> -> memref<1x128x16xf32, #tpu.memory_space<vmem>>
    %dma_start3A_96 = tpu.memref_squeeze %dma_start3A_95 : memref<1x128x16xf32, #tpu.memory_space<vmem>> -> memref<128x16xf32, #tpu.memory_space<vmem>>
    %dma_start3A_97 = arith.constant 0 : i32
    %dma_start3A_98 = tpu.memref_slice %arg8[%dma_start3A, %dma_start3A_97] : memref<80x128xi32, #tpu.memory_space<vmem>> -> memref<1x128xi32, #tpu.memory_space<vmem>>
    %dma_start3A_99 = tpu.memref_squeeze %dma_start3A_98 : memref<1x128xi32, #tpu.memory_space<vmem>> -> memref<128xi32, #tpu.memory_space<vmem>>
    %dma_start3A_100 = arith.constant 0 : i32
    %dma_start3A_101 = arith.constant 0 : i32
    %dma_start3A_102 = tpu.memref_slice %arg4[%dma_start3A_100, %dma_start3A_101] : memref<10000x16xf32, #tpu.memory_space<hbm>> -> memref<10000x16xf32, #tpu.memory_space<hbm>>
    tpu.enqueue_indirect_dma source(%dma_start3A_102 : memref<10000x16xf32, #tpu.memory_space<hbm>>) target(%dma_start3A_96 : memref<128x16xf32, #tpu.memory_space<vmem>>) offsets(%dma_start3A_99 : memref<128xi32, #tpu.memory_space<vmem>>) semaphore(%arg17 : memref<!tpu.dma_semaphore, #tpu.memory_space<semaphore_mem>>)
    %dma_start3A_103 = arith.constant 0 : i32
    %dma_start3A_104 = arith.constant 0 : i32
    %dma_start3A_105 = arith.constant 0 : i32
    %dma_start3A_106 = arith.constant 0 : i32
    %dma_start3A_107 = tpu.memref_slice %arg11[%dma_start3A_104, %dma_start3A_105, %dma_start3A_106] : memref<2x128x16xf32, #tpu.memory_space<vmem>> -> memref<1x128x16xf32, #tpu.memory_space<vmem>>
    %dma_start3A_108 = tpu.memref_squeeze %dma_start3A_107 : memref<1x128x16xf32, #tpu.memory_space<vmem>> -> memref<128x16xf32, #tpu.memory_space<vmem>>
    %dma_start3A_109 = arith.constant 0 : i32
    %dma_start3A_110 = tpu.memref_slice %arg9[%dma_start3A_103, %dma_start3A_109] : memref<80x128xi32, #tpu.memory_space<vmem>> -> memref<1x128xi32, #tpu.memory_space<vmem>>
    %dma_start3A_111 = tpu.memref_squeeze %dma_start3A_110 : memref<1x128xi32, #tpu.memory_space<vmem>> -> memref<128xi32, #tpu.memory_space<vmem>>
    %dma_start3A_112 = arith.constant 0 : i32
    %dma_start3A_113 = arith.constant 0 : i32
    %dma_start3A_114 = tpu.memref_slice %arg4[%dma_start3A_112, %dma_start3A_113] : memref<10000x16xf32, #tpu.memory_space<hbm>> -> memref<10000x16xf32, #tpu.memory_space<hbm>>
    tpu.enqueue_indirect_dma source(%dma_start3A_114 : memref<10000x16xf32, #tpu.memory_space<hbm>>) target(%dma_start3A_108 : memref<128x16xf32, #tpu.memory_space<vmem>>) offsets(%dma_start3A_111 : memref<128xi32, #tpu.memory_space<vmem>>) semaphore(%arg17 : memref<!tpu.dma_semaphore, #tpu.memory_space<semaphore_mem>>)
    %dma_start3A_115 = arith.constant 0 : i32
    %dma_start3A_116 = arith.constant 0 : i32
    %dma_start3A_117 = arith.constant 0 : i32
    %dma_start3A_118 = arith.constant 0 : i32
    %dma_start3A_119 = tpu.memref_slice %arg12[%dma_start3A_116, %dma_start3A_117, %dma_start3A_118] : memref<2x128x64xbf16, #tpu.memory_space<vmem>> -> memref<1x128x64xbf16, #tpu.memory_space<vmem>>
    %dma_start3A_120 = tpu.memref_squeeze %dma_start3A_119 : memref<1x128x64xbf16, #tpu.memory_space<vmem>> -> memref<128x64xbf16, #tpu.memory_space<vmem>>
    %dma_start3A_121 = arith.constant 0 : i32
    %dma_start3A_122 = tpu.memref_slice %arg8[%dma_start3A_115, %dma_start3A_121] : memref<80x128xi32, #tpu.memory_space<vmem>> -> memref<1x128xi32, #tpu.memory_space<vmem>>
    %dma_start3A_123 = tpu.memref_squeeze %dma_start3A_122 : memref<1x128xi32, #tpu.memory_space<vmem>> -> memref<128xi32, #tpu.memory_space<vmem>>
    %dma_start3A_124 = arith.constant 0 : i32
    %dma_start3A_125 = arith.constant 0 : i32
    %dma_start3A_126 = tpu.memref_slice %arg5[%dma_start3A_124, %dma_start3A_125] : memref<10000x64xbf16, #tpu.memory_space<hbm>> -> memref<10000x64xbf16, #tpu.memory_space<hbm>>
    tpu.enqueue_indirect_dma source(%dma_start3A_126 : memref<10000x64xbf16, #tpu.memory_space<hbm>>) target(%dma_start3A_120 : memref<128x64xbf16, #tpu.memory_space<vmem>>) offsets(%dma_start3A_123 : memref<128xi32, #tpu.memory_space<vmem>>) semaphore(%arg17 : memref<!tpu.dma_semaphore, #tpu.memory_space<semaphore_mem>>)
    %dma_start3A_127 = arith.constant 1 : i32
    %dma_start3A_128 = arith.constant 1 : i32
    %dma_start3A_129 = arith.constant 0 : i32
    %dma_start3A_130 = arith.constant 0 : i32
    %dma_start3A_131 = tpu.memref_slice %arg10[%dma_start3A_128, %dma_start3A_129, %dma_start3A_130] : memref<2x128x16xf32, #tpu.memory_space<vmem>> -> memref<1x128x16xf32, #tpu.memory_space<vmem>>
    %dma_start3A_132 = tpu.memref_squeeze %dma_start3A_131 : memref<1x128x16xf32, #tpu.memory_space<vmem>> -> memref<128x16xf32, #tpu.memory_space<vmem>>
    %dma_start3A_133 = arith.constant 0 : i32
    %dma_start3A_134 = tpu.memref_slice %arg8[%dma_start3A_127, %dma_start3A_133] : memref<80x128xi32, #tpu.memory_space<vmem>> -> memref<1x128xi32, #tpu.memory_space<vmem>>
    %dma_start3A_135 = tpu.memref_squeeze %dma_start3A_134 : memref<1x128xi32, #tpu.memory_space<vmem>> -> memref<128xi32, #tpu.memory_space<vmem>>
    %dma_start3A_136 = arith.constant 0 : i32
    %dma_start3A_137 = arith.constant 0 : i32
    %dma_start3A_138 = tpu.memref_slice %arg4[%dma_start3A_136, %dma_start3A_137] : memref<10000x16xf32, #tpu.memory_space<hbm>> -> memref<10000x16xf32, #tpu.memory_space<hbm>>
    tpu.enqueue_indirect_dma source(%dma_start3A_138 : memref<10000x16xf32, #tpu.memory_space<hbm>>) target(%dma_start3A_132 : memref<128x16xf32, #tpu.memory_space<vmem>>) offsets(%dma_start3A_135 : memref<128xi32, #tpu.memory_space<vmem>>) semaphore(%arg18 : memref<!tpu.dma_semaphore, #tpu.memory_space<semaphore_mem>>)
    %dma_start3A_139 = arith.constant 1 : i32
    %dma_start3A_140 = arith.constant 1 : i32
    %dma_start3A_141 = arith.constant 0 : i32
    %dma_start3A_142 = arith.constant 0 : i32
    %dma_start3A_143 = tpu.memref_slice %arg11[%dma_start3A_140, %dma_start3A_141, %dma_start3A_142] : memref<2x128x16xf32, #tpu.memory_space<vmem>> -> memref<1x128x16xf32, #tpu.memory_space<vmem>>
    %dma_start3A_144 = tpu.memref_squeeze %dma_start3A_143 : memref<1x128x16xf32, #tpu.memory_space<vmem>> -> memref<128x16xf32, #tpu.memory_space<vmem>>
    %dma_start3A_145 = arith.constant 0 : i32
    %dma_start3A_146 = tpu.memref_slice %arg9[%dma_start3A_139, %dma_start3A_145] : memref<80x128xi32, #tpu.memory_space<vmem>> -> memref<1x128xi32, #tpu.memory_space<vmem>>
    %dma_start3A_147 = tpu.memref_squeeze %dma_start3A_146 : memref<1x128xi32, #tpu.memory_space<vmem>> -> memref<128xi32, #tpu.memory_space<vmem>>
    %dma_start3A_148 = arith.constant 0 : i32
    %dma_start3A_149 = arith.constant 0 : i32
    %dma_start3A_150 = tpu.memref_slice %arg4[%dma_start3A_148, %dma_start3A_149] : memref<10000x16xf32, #tpu.memory_space<hbm>> -> memref<10000x16xf32, #tpu.memory_space<hbm>>
    tpu.enqueue_indirect_dma source(%dma_start3A_150 : memref<10000x16xf32, #tpu.memory_space<hbm>>) target(%dma_start3A_144 : memref<128x16xf32, #tpu.memory_space<vmem>>) offsets(%dma_start3A_147 : memref<128xi32, #tpu.memory_space<vmem>>) semaphore(%arg18 : memref<!tpu.dma_semaphore, #tpu.memory_space<semaphore_mem>>)
    %dma_start3A_151 = arith.constant 1 : i32
    %dma_start3A_152 = arith.constant 1 : i32
    %dma_start3A_153 = arith.constant 0 : i32
    %dma_start3A_154 = arith.constant 0 : i32
    %dma_start3A_155 = tpu.memref_slice %arg12[%dma_start3A_152, %dma_start3A_153, %dma_start3A_154] : memref<2x128x64xbf16, #tpu.memory_space<vmem>> -> memref<1x128x64xbf16, #tpu.memory_space<vmem>>
    %dma_start3A_156 = tpu.memref_squeeze %dma_start3A_155 : memref<1x128x64xbf16, #tpu.memory_space<vmem>> -> memref<128x64xbf16, #tpu.memory_space<vmem>>
    %dma_start3A_157 = arith.constant 0 : i32
    %dma_start3A_158 = tpu.memref_slice %arg8[%dma_start3A_151, %dma_start3A_157] : memref<80x128xi32, #tpu.memory_space<vmem>> -> memref<1x128xi32, #tpu.memory_space<vmem>>
    %dma_start3A_159 = tpu.memref_squeeze %dma_start3A_158 : memref<1x128xi32, #tpu.memory_space<vmem>> -> memref<128xi32, #tpu.memory_space<vmem>>
    %dma_start3A_160 = arith.constant 0 : i32
    %dma_start3A_161 = arith.constant 0 : i32
    %dma_start3A_162 = tpu.memref_slice %arg5[%dma_start3A_160, %dma_start3A_161] : memref<10000x64xbf16, #tpu.memory_space<hbm>> -> memref<10000x64xbf16, #tpu.memory_space<hbm>>
    tpu.enqueue_indirect_dma source(%dma_start3A_162 : memref<10000x64xbf16, #tpu.memory_space<hbm>>) target(%dma_start3A_156 : memref<128x64xbf16, #tpu.memory_space<vmem>>) offsets(%dma_start3A_159 : memref<128xi32, #tpu.memory_space<vmem>>) semaphore(%arg18 : memref<!tpu.dma_semaphore, #tpu.memory_space<semaphore_mem>>)
    %while3A_163 = arith.constant 0 : i32
    %while3A_164 = arith.constant 0 : i32
    %while3A_165 = arith.constant 40 : i32
    %while3A_166 = arith.subi %while3A_165, %while3A_164 : i32
    %while3A_167 = arith.addi %while3A_164, %while3A_166 : i32
    %while3A_168 = arith.constant 1 : i32
    %while3A_169 = arith.divsi %while3A_166, %while3A_168 : i32
    %while3A_170 = arith.muli %while3A_169, %while3A_168 : i32
    %while3A_171 = arith.addi %while3A_164, %while3A_170 : i32
    %while3A_172 = arith.constant 1 : i32
    scf.for %while3A_239 = %while3A_164 to %while3A_171 step %while3A_172  : i32 {
      %mul3A_240 = arith.constant 2 : i32
      %mul3A_241 = arith.muli %mul3A_240, %while3A_239 : i32
      %add3A_242 = arith.constant 0 : i32
      %add3A_243 = arith.addi %mul3A_241, %add3A_242 : i32
      %dma_wait3A_244 = arith.constant 0 : i32
      %dma_wait3A_245 = arith.constant 0 : i32
      %dma_wait3A_246 = arith.constant 0 : i32
      %dma_wait3A_247 = tpu.memref_slice %arg10[%dma_wait3A_244, %dma_wait3A_245, %dma_wait3A_246] : memref<2x128x16xf32, #tpu.memory_space<vmem>> -> memref<1x128x16xf32, #tpu.memory_space<vmem>>
      %dma_wait3A_248 = tpu.memref_squeeze %dma_wait3A_247 : memref<1x128x16xf32, #tpu.memory_space<vmem>> -> memref<128x16xf32, #tpu.memory_space<vmem>>
      %dma_wait3A_249 = arith.constant 0 : i32
      %dma_wait3A_250 = tpu.memref_slice %arg8[%add3A_243, %dma_wait3A_249] : memref<80x128xi32, #tpu.memory_space<vmem>> -> memref<1x128xi32, #tpu.memory_space<vmem>>
      %dma_wait3A_251 = tpu.memref_squeeze %dma_wait3A_250 : memref<1x128xi32, #tpu.memory_space<vmem>> -> memref<128xi32, #tpu.memory_space<vmem>>
      %dma_wait3A_252 = arith.constant 0 : i32
      %dma_wait3A_253 = arith.constant 0 : i32
      %dma_wait3A_254 = tpu.memref_slice %arg4[%dma_wait3A_252, %dma_wait3A_253] : memref<10000x16xf32, #tpu.memory_space<hbm>> -> memref<10000x16xf32, #tpu.memory_space<hbm>>
      tpu.wait_indirect_dma semaphore(%arg17 : memref<!tpu.dma_semaphore, #tpu.memory_space<semaphore_mem>>) src(%dma_wait3A_254 : memref<10000x16xf32, #tpu.memory_space<hbm>>) dst(%dma_wait3A_248 : memref<128x16xf32, #tpu.memory_space<vmem>>)
      %dma_wait3A_255 = arith.constant 0 : i32
      %dma_wait3A_256 = arith.constant 0 : i32
      %dma_wait3A_257 = arith.constant 0 : i32
      %dma_wait3A_258 = tpu.memref_slice %arg11[%dma_wait3A_255, %dma_wait3A_256, %dma_wait3A_257] : memref<2x128x16xf32, #tpu.memory_space<vmem>> -> memref<1x128x16xf32, #tpu.memory_space<vmem>>
      %dma_wait3A_259 = tpu.memref_squeeze %dma_wait3A_258 : memref<1x128x16xf32, #tpu.memory_space<vmem>> -> memref<128x16xf32, #tpu.memory_space<vmem>>
      %dma_wait3A_260 = arith.constant 0 : i32
      %dma_wait3A_261 = tpu.memref_slice %arg9[%add3A_243, %dma_wait3A_260] : memref<80x128xi32, #tpu.memory_space<vmem>> -> memref<1x128xi32, #tpu.memory_space<vmem>>
      %dma_wait3A_262 = tpu.memref_squeeze %dma_wait3A_261 : memref<1x128xi32, #tpu.memory_space<vmem>> -> memref<128xi32, #tpu.memory_space<vmem>>
      %dma_wait3A_263 = arith.constant 0 : i32
      %dma_wait3A_264 = arith.constant 0 : i32
      %dma_wait3A_265 = tpu.memref_slice %arg4[%dma_wait3A_263, %dma_wait3A_264] : memref<10000x16xf32, #tpu.memory_space<hbm>> -> memref<10000x16xf32, #tpu.memory_space<hbm>>
      tpu.wait_indirect_dma semaphore(%arg17 : memref<!tpu.dma_semaphore, #tpu.memory_space<semaphore_mem>>) src(%dma_wait3A_265 : memref<10000x16xf32, #tpu.memory_space<hbm>>) dst(%dma_wait3A_259 : memref<128x16xf32, #tpu.memory_space<vmem>>)
      %dma_wait3A_266 = arith.constant 0 : i32
      %dma_wait3A_267 = arith.constant 0 : i32
      %dma_wait3A_268 = arith.constant 0 : i32
      %dma_wait3A_269 = tpu.memref_slice %arg12[%dma_wait3A_266, %dma_wait3A_267, %dma_wait3A_268] : memref<2x128x64xbf16, #tpu.memory_space<vmem>> -> memref<1x128x64xbf16, #tpu.memory_space<vmem>>
      %dma_wait3A_270 = tpu.memref_squeeze %dma_wait3A_269 : memref<1x128x64xbf16, #tpu.memory_space<vmem>> -> memref<128x64xbf16, #tpu.memory_space<vmem>>
      %dma_wait3A_271 = arith.constant 0 : i32
      %dma_wait3A_272 = tpu.memref_slice %arg8[%add3A_243, %dma_wait3A_271] : memref<80x128xi32, #tpu.memory_space<vmem>> -> memref<1x128xi32, #tpu.memory_space<vmem>>
      %dma_wait3A_273 = tpu.memref_squeeze %dma_wait3A_272 : memref<1x128xi32, #tpu.memory_space<vmem>> -> memref<128xi32, #tpu.memory_space<vmem>>
      %dma_wait3A_274 = arith.constant 0 : i32
      %dma_wait3A_275 = arith.constant 0 : i32
      %dma_wait3A_276 = tpu.memref_slice %arg5[%dma_wait3A_274, %dma_wait3A_275] : memref<10000x64xbf16, #tpu.memory_space<hbm>> -> memref<10000x64xbf16, #tpu.memory_space<hbm>>
      tpu.wait_indirect_dma semaphore(%arg17 : memref<!tpu.dma_semaphore, #tpu.memory_space<semaphore_mem>>) src(%dma_wait3A_276 : memref<10000x64xbf16, #tpu.memory_space<hbm>>) dst(%dma_wait3A_270 : memref<128x64xbf16, #tpu.memory_space<vmem>>)
      %gt3A = arith.constant 0 : i32
      %gt3A_277 = arith.cmpi sgt, %while3A_239, %gt3A : i32
      %convert_element_type3A_278 = arith.extui %gt3A_277 : i1 to i32
      %cond3A_279 = arith.constant 0 : i32
      %cond3A_280 = arith.cmpi ne, %convert_element_type3A_278, %cond3A_279 : i32
      scf.if %cond3A_280 {
        %sub3A = arith.constant 2 : i32
        %sub3A_384 = arith.subi %add3A_243, %sub3A : i32
        %dma_wait3A_385 = arith.constant 0 : i32
        %dma_wait3A_386 = arith.constant 0 : i32
        %dma_wait3A_387 = arith.constant 0 : i32
        %dma_wait3A_388 = tpu.memref_slice %arg14[%dma_wait3A_385, %dma_wait3A_386, %dma_wait3A_387] : memref<2x128x64xf32, #tpu.memory_space<vmem>> -> memref<1x128x64xf32, #tpu.memory_space<vmem>>
        %dma_wait3A_389 = tpu.memref_squeeze %dma_wait3A_388 : memref<1x128x64xf32, #tpu.memory_space<vmem>> -> memref<128x64xf32, #tpu.memory_space<vmem>>
        %dma_wait3A_390 = arith.constant 0 : i32
        %dma_wait3A_391 = tpu.memref_slice %arg9[%sub3A_384, %dma_wait3A_390] : memref<80x128xi32, #tpu.memory_space<vmem>> -> memref<1x128xi32, #tpu.memory_space<vmem>>
        %dma_wait3A_392 = tpu.memref_squeeze %dma_wait3A_391 : memref<1x128xi32, #tpu.memory_space<vmem>> -> memref<128xi32, #tpu.memory_space<vmem>>
        %dma_wait3A_393 = arith.constant 0 : i32
        %dma_wait3A_394 = arith.constant 0 : i32
        %dma_wait3A_395 = tpu.memref_slice %arg15[%dma_wait3A_393, %dma_wait3A_394] : memref<10128x64xf32, #tpu.memory_space<vmem_shared>> -> memref<10128x64xf32, #tpu.memory_space<vmem_shared>>
        tpu.wait_indirect_dma semaphore(%arg19 : memref<!tpu.dma_semaphore, #tpu.memory_space<semaphore_mem>>) src(%dma_wait3A_389 : memref<128x64xf32, #tpu.memory_space<vmem>>) dst(%dma_wait3A_395 : memref<10128x64xf32, #tpu.memory_space<vmem_shared>>)
        %dma_wait3A_396 = arith.constant 0 : i32
        %dma_wait3A_397 = arith.constant 0 : i32
        %dma_wait3A_398 = arith.constant 0 : i32
        %dma_wait3A_399 = tpu.memref_slice %arg13[%dma_wait3A_396, %dma_wait3A_397, %dma_wait3A_398] : memref<2x128x16xf32, #tpu.memory_space<vmem>> -> memref<1x128x16xf32, #tpu.memory_space<vmem>>
        %dma_wait3A_400 = tpu.memref_squeeze %dma_wait3A_399 : memref<1x128x16xf32, #tpu.memory_space<vmem>> -> memref<128x16xf32, #tpu.memory_space<vmem>>
        %dma_wait3A_401 = arith.constant 0 : i32
        %dma_wait3A_402 = tpu.memref_slice %arg9[%sub3A_384, %dma_wait3A_401] : memref<80x128xi32, #tpu.memory_space<vmem>> -> memref<1x128xi32, #tpu.memory_space<vmem>>
        %dma_wait3A_403 = tpu.memref_squeeze %dma_wait3A_402 : memref<1x128xi32, #tpu.memory_space<vmem>> -> memref<128xi32, #tpu.memory_space<vmem>>
        %dma_wait3A_404 = arith.constant 0 : i32
        %dma_wait3A_405 = arith.constant 0 : i32
        %dma_wait3A_406 = tpu.memref_slice %arg16[%dma_wait3A_404, %dma_wait3A_405] : memref<10128x16xf32, #tpu.memory_space<vmem_shared>> -> memref<10128x16xf32, #tpu.memory_space<vmem_shared>>
        tpu.wait_indirect_dma semaphore(%arg19 : memref<!tpu.dma_semaphore, #tpu.memory_space<semaphore_mem>>) src(%dma_wait3A_400 : memref<128x16xf32, #tpu.memory_space<vmem>>) dst(%dma_wait3A_406 : memref<10128x16xf32, #tpu.memory_space<vmem_shared>>)
      } else {
      }
      %parallel_loop3A = arith.constant 0 : i32
      %parallel_loop3A_281 = arith.constant 128 : i32
      %parallel_loop3A_282 = arith.constant 1 : i32
      %parallel_loop3A_283 = arith.constant 0 : i32
      scf.for %parallel_loop3A_384 = %parallel_loop3A to %parallel_loop3A_281 step %parallel_loop3A_282  : i32 {
        %parallel_loop3A_385 = vector.broadcast %parallel_loop3A_384 : i32 to vector<16xi32>
        %parallel_loop3A_386 = arith.constant 0 : i32
        %parallel_loop3A_387 = arith.constant 0 : i32
        %parallel_loop3A_388 = tpu.memref_slice %arg10[%parallel_loop3A_283, %parallel_loop3A_386, %parallel_loop3A_387] : memref<2x128x16xf32, #tpu.memory_space<vmem>> -> memref<1x128x16xf32, #tpu.memory_space<vmem>>
        %parallel_loop3A_389 = tpu.memref_squeeze %parallel_loop3A_388 : memref<1x128x16xf32, #tpu.memory_space<vmem>> -> memref<128x16xf32, #tpu.memory_space<vmem>>
        %parallel_loop3A_390 = arith.index_cast %parallel_loop3A_384 : i32 to index
        %parallel_loop3A_391 = arith.constant 0 : index
        %parallel_loop3A_392 = tpu.vector_load %parallel_loop3A_389[%parallel_loop3A_390, %parallel_loop3A_391] {strides = array<i32>} : memref<128x16xf32, #tpu.memory_space<vmem>>, vector<16xf32>,
        %parallel_loop3A_393 = arith.constant 0 : i32
        %parallel_loop3A_394 = arith.constant 0 : i32
        %parallel_loop3A_395 = tpu.memref_slice %arg11[%parallel_loop3A_283, %parallel_loop3A_393, %parallel_loop3A_394] : memref<2x128x16xf32, #tpu.memory_space<vmem>> -> memref<1x128x16xf32, #tpu.memory_space<vmem>>
        %parallel_loop3A_396 = tpu.memref_squeeze %parallel_loop3A_395 : memref<1x128x16xf32, #tpu.memory_space<vmem>> -> memref<128x16xf32, #tpu.memory_space<vmem>>
        %parallel_loop3A_397 = tpu.vector_load_idx %parallel_loop3A_396[%parallel_loop3A_385, %add3A_5] : memref<128x16xf32, #tpu.memory_space<vmem>>[vector<16xi32>, vector<16xi32>], vector<16xf32>,
        %parallel_loop3A_398 = arith.addf %parallel_loop3A_392, %parallel_loop3A_397 : vector<16xf32>
        %parallel_loop3A_399 = arith.constant 0.000000e+00 : f32
        %parallel_loop3A_400 = vector.broadcast %parallel_loop3A_399 : f32 to vector<16xf32>
        %parallel_loop3A_401 = arith.cmpf ogt, %parallel_loop3A_398, %parallel_loop3A_400 : vector<16xf32>
        %parallel_loop3A_402 = arith.constant 2.000000e-01 : f32
        %parallel_loop3A_403 = vector.broadcast %parallel_loop3A_402 : f32 to vector<16xf32>
        %parallel_loop3A_404 = arith.mulf %parallel_loop3A_403, %parallel_loop3A_398 : vector<16xf32>
        %parallel_loop3A_405 = arith.select %parallel_loop3A_401, %parallel_loop3A_398, %parallel_loop3A_404 : vector<16xi1>, vector<16xf32>
        %parallel_loop3A_406 = math.exp %parallel_loop3A_405 : vector<16xf32>
        %parallel_loop3A_407 = arith.constant 0 : i32
        %parallel_loop3A_408 = arith.constant 0 : i32
        %parallel_loop3A_409 = tpu.memref_slice %arg13[%parallel_loop3A_283, %parallel_loop3A_407, %parallel_loop3A_408] : memref<2x128x16xf32, #tpu.memory_space<vmem>> -> memref<1x128x16xf32, #tpu.memory_space<vmem>>
        %parallel_loop3A_410 = tpu.memref_squeeze %parallel_loop3A_409 : memref<1x128x16xf32, #tpu.memory_space<vmem>> -> memref<128x16xf32, #tpu.memory_space<vmem>>
        %parallel_loop3A_411 = arith.index_cast %parallel_loop3A_384 : i32 to index
        %parallel_loop3A_412 = arith.constant 0 : index
        %parallel_loop3A_413 = tpu.vector_load %parallel_loop3A_410[%parallel_loop3A_411, %parallel_loop3A_412] {strides = array<i32>} : memref<128x16xf32, #tpu.memory_space<vmem>>, vector<16xf32>,
        tpu.vector_store %parallel_loop3A_410[%parallel_loop3A_411, %parallel_loop3A_412], %parallel_loop3A_406 {strides = array<i32>} : memref<128x16xf32, #tpu.memory_space<vmem>>, vector<16xf32>,
        %parallel_loop3A_414 = arith.constant 0 : i32
        %parallel_loop3A_415 = arith.constant 0 : i32
        %parallel_loop3A_416 = tpu.memref_slice %arg12[%parallel_loop3A_283, %parallel_loop3A_414, %parallel_loop3A_415] : memref<2x128x64xbf16, #tpu.memory_space<vmem>> -> memref<1x128x64xbf16, #tpu.memory_space<vmem>>
        %parallel_loop3A_417 = tpu.memref_squeeze %parallel_loop3A_416 : memref<1x128x64xbf16, #tpu.memory_space<vmem>> -> memref<128x64xbf16, #tpu.memory_space<vmem>>
        %parallel_loop3A_418 = arith.index_cast %parallel_loop3A_384 : i32 to index
        %parallel_loop3A_419 = arith.constant 0 : index
        %parallel_loop3A_420 = tpu.vector_load %parallel_loop3A_417[%parallel_loop3A_418, %parallel_loop3A_419] {strides = array<i32>} : memref<128x64xbf16, #tpu.memory_space<vmem>>, vector<32xbf16>,
        %parallel_loop3A_421 = tpu.unpack_subelements %parallel_loop3A_420, 0 {pack_format = #tpu.pack_format<interleaved>} : vector<32xbf16> -> vector<16xf32>
        %parallel_loop3A_422 = tpu.unpack_subelements %parallel_loop3A_420, 1 {pack_format = #tpu.pack_format<interleaved>} : vector<32xbf16> -> vector<16xf32>
        %parallel_loop3A_423 = arith.constant 0 : i32
        %parallel_loop3A_424 = vector.broadcast %parallel_loop3A_423 : i32 to vector<16xi32>
        %parallel_loop3A_425 = arith.cmpi slt, %add3A_10, %parallel_loop3A_424 : vector<16xi32>
        %parallel_loop3A_426 = arith.constant 16 : i32
        %parallel_loop3A_427 = vector.broadcast %parallel_loop3A_426 : i32 to vector<16xi32>
        %parallel_loop3A_428 = arith.addi %add3A_10, %parallel_loop3A_427 : vector<16xi32>
        %parallel_loop3A_429 = arith.select %parallel_loop3A_425, %parallel_loop3A_428, %add3A_10 : vector<16xi1>, vector<16xi32>
        %parallel_loop3A_430 = vector.shape_cast %parallel_loop3A_429 : vector<16xi32> to vector<16x1xi32>
        %parallel_loop3A_431 = vector.shape_cast %parallel_loop3A_430 : vector<16x1xi32> to vector<16xi32>
        %parallel_loop3A_432 = tpu.dynamic_gather %parallel_loop3A_406[%parallel_loop3A_431] in [0] : vector<16xf32>, vector<16xi32> -> vector<16xf32>
        %parallel_loop3A_433 = arith.mulf %parallel_loop3A_432, %parallel_loop3A_421 : vector<16xf32>
        %parallel_loop3A_434 = arith.constant 0 : i32
        %parallel_loop3A_435 = arith.constant 0 : i32
        %parallel_loop3A_436 = tpu.memref_slice %arg14[%parallel_loop3A_283, %parallel_loop3A_434, %parallel_loop3A_435] : memref<2x128x64xf32, #tpu.memory_space<vmem>> -> memref<1x128x64xf32, #tpu.memory_space<vmem>>
        %parallel_loop3A_437 = tpu.memref_squeeze %parallel_loop3A_436 : memref<1x128x64xf32, #tpu.memory_space<vmem>> -> memref<128x64xf32, #tpu.memory_space<vmem>>
        %parallel_loop3A_438 = arith.index_cast %parallel_loop3A_384 : i32 to index
        %parallel_loop3A_439 = arith.constant 0 : index
        %parallel_loop3A_440 = tpu.vector_load %parallel_loop3A_437[%parallel_loop3A_438, %parallel_loop3A_439] {strides = array<i32>} : memref<128x64xf32, #tpu.memory_space<vmem>>, vector<16xf32>,
        tpu.vector_store %parallel_loop3A_437[%parallel_loop3A_438, %parallel_loop3A_439], %parallel_loop3A_433 {strides = array<i32>} : memref<128x64xf32, #tpu.memory_space<vmem>>, vector<16xf32>,
        %parallel_loop3A_441 = arith.constant 0 : i32
        %parallel_loop3A_442 = vector.broadcast %parallel_loop3A_441 : i32 to vector<16xi32>
        %parallel_loop3A_443 = arith.cmpi slt, %add3A_16, %parallel_loop3A_442 : vector<16xi32>
        %parallel_loop3A_444 = arith.constant 16 : i32
        %parallel_loop3A_445 = vector.broadcast %parallel_loop3A_444 : i32 to vector<16xi32>
        %parallel_loop3A_446 = arith.addi %add3A_16, %parallel_loop3A_445 : vector<16xi32>
        %parallel_loop3A_447 = arith.select %parallel_loop3A_443, %parallel_loop3A_446, %add3A_16 : vector<16xi1>, vector<16xi32>
        %parallel_loop3A_448 = vector.shape_cast %parallel_loop3A_447 : vector<16xi32> to vector<16x1xi32>
        %parallel_loop3A_449 = vector.shape_cast %parallel_loop3A_448 : vector<16x1xi32> to vector<16xi32>
        %parallel_loop3A_450 = tpu.dynamic_gather %parallel_loop3A_406[%parallel_loop3A_449] in [0] : vector<16xf32>, vector<16xi32> -> vector<16xf32>
        %parallel_loop3A_451 = arith.mulf %parallel_loop3A_450, %parallel_loop3A_422 : vector<16xf32>
        %parallel_loop3A_452 = arith.constant 0 : i32
        %parallel_loop3A_453 = arith.constant 0 : i32
        %parallel_loop3A_454 = tpu.memref_slice %arg14[%parallel_loop3A_283, %parallel_loop3A_452, %parallel_loop3A_453] : memref<2x128x64xf32, #tpu.memory_space<vmem>> -> memref<1x128x64xf32, #tpu.memory_space<vmem>>
        %parallel_loop3A_455 = tpu.memref_squeeze %parallel_loop3A_454 : memref<1x128x64xf32, #tpu.memory_space<vmem>> -> memref<128x64xf32, #tpu.memory_space<vmem>>
        %parallel_loop3A_456 = arith.index_cast %parallel_loop3A_384 : i32 to index
        %parallel_loop3A_457 = arith.constant 16 : index
        %parallel_loop3A_458 = tpu.vector_load %parallel_loop3A_455[%parallel_loop3A_456, %parallel_loop3A_457] {strides = array<i32>} : memref<128x64xf32, #tpu.memory_space<vmem>>, vector<16xf32>,
        tpu.vector_store %parallel_loop3A_455[%parallel_loop3A_456, %parallel_loop3A_457], %parallel_loop3A_451 {strides = array<i32>} : memref<128x64xf32, #tpu.memory_space<vmem>>, vector<16xf32>,
        %parallel_loop3A_459 = arith.constant 0 : i32
        %parallel_loop3A_460 = arith.constant 0 : i32
        %parallel_loop3A_461 = tpu.memref_slice %arg12[%parallel_loop3A_283, %parallel_loop3A_459, %parallel_loop3A_460] : memref<2x128x64xbf16, #tpu.memory_space<vmem>> -> memref<1x128x64xbf16, #tpu.memory_space<vmem>>
        %parallel_loop3A_462 = tpu.memref_squeeze %parallel_loop3A_461 : memref<1x128x64xbf16, #tpu.memory_space<vmem>> -> memref<128x64xbf16, #tpu.memory_space<vmem>>
        %parallel_loop3A_463 = arith.index_cast %parallel_loop3A_384 : i32 to index
        %parallel_loop3A_464 = arith.constant 32 : index
        %parallel_loop3A_465 = tpu.vector_load %parallel_loop3A_462[%parallel_loop3A_463, %parallel_loop3A_464] {strides = array<i32>} : memref<128x64xbf16, #tpu.memory_space<vmem>>, vector<32xbf16>,
        %parallel_loop3A_466 = tpu.unpack_subelements %parallel_loop3A_465, 0 {pack_format = #tpu.pack_format<interleaved>} : vector<32xbf16> -> vector<16xf32>
        %parallel_loop3A_467 = tpu.unpack_subelements %parallel_loop3A_465, 1 {pack_format = #tpu.pack_format<interleaved>} : vector<32xbf16> -> vector<16xf32>
        %parallel_loop3A_468 = arith.constant 0 : i32
        %parallel_loop3A_469 = vector.broadcast %parallel_loop3A_468 : i32 to vector<16xi32>
        %parallel_loop3A_470 = arith.cmpi slt, %add3A_22, %parallel_loop3A_469 : vector<16xi32>
        %parallel_loop3A_471 = arith.constant 16 : i32
        %parallel_loop3A_472 = vector.broadcast %parallel_loop3A_471 : i32 to vector<16xi32>
        %parallel_loop3A_473 = arith.addi %add3A_22, %parallel_loop3A_472 : vector<16xi32>
        %parallel_loop3A_474 = arith.select %parallel_loop3A_470, %parallel_loop3A_473, %add3A_22 : vector<16xi1>, vector<16xi32>
        %parallel_loop3A_475 = vector.shape_cast %parallel_loop3A_474 : vector<16xi32> to vector<16x1xi32>
        %parallel_loop3A_476 = vector.shape_cast %parallel_loop3A_475 : vector<16x1xi32> to vector<16xi32>
        %parallel_loop3A_477 = tpu.dynamic_gather %parallel_loop3A_406[%parallel_loop3A_476] in [0] : vector<16xf32>, vector<16xi32> -> vector<16xf32>
        %parallel_loop3A_478 = arith.mulf %parallel_loop3A_477, %parallel_loop3A_466 : vector<16xf32>
        %parallel_loop3A_479 = arith.constant 0 : i32
        %parallel_loop3A_480 = arith.constant 0 : i32
        %parallel_loop3A_481 = tpu.memref_slice %arg14[%parallel_loop3A_283, %parallel_loop3A_479, %parallel_loop3A_480] : memref<2x128x64xf32, #tpu.memory_space<vmem>> -> memref<1x128x64xf32, #tpu.memory_space<vmem>>
        %parallel_loop3A_482 = tpu.memref_squeeze %parallel_loop3A_481 : memref<1x128x64xf32, #tpu.memory_space<vmem>> -> memref<128x64xf32, #tpu.memory_space<vmem>>
        %parallel_loop3A_483 = arith.index_cast %parallel_loop3A_384 : i32 to index
        %parallel_loop3A_484 = arith.constant 32 : index
        %parallel_loop3A_485 = tpu.vector_load %parallel_loop3A_482[%parallel_loop3A_483, %parallel_loop3A_484] {strides = array<i32>} : memref<128x64xf32, #tpu.memory_space<vmem>>, vector<16xf32>,
        tpu.vector_store %parallel_loop3A_482[%parallel_loop3A_483, %parallel_loop3A_484], %parallel_loop3A_478 {strides = array<i32>} : memref<128x64xf32, #tpu.memory_space<vmem>>, vector<16xf32>,
        %parallel_loop3A_486 = arith.constant 0 : i32
        %parallel_loop3A_487 = vector.broadcast %parallel_loop3A_486 : i32 to vector<16xi32>
        %parallel_loop3A_488 = arith.cmpi slt, %add3A_28, %parallel_loop3A_487 : vector<16xi32>
        %parallel_loop3A_489 = arith.constant 16 : i32
        %parallel_loop3A_490 = vector.broadcast %parallel_loop3A_489 : i32 to vector<16xi32>
        %parallel_loop3A_491 = arith.addi %add3A_28, %parallel_loop3A_490 : vector<16xi32>
        %parallel_loop3A_492 = arith.select %parallel_loop3A_488, %parallel_loop3A_491, %add3A_28 : vector<16xi1>, vector<16xi32>
        %parallel_loop3A_493 = vector.shape_cast %parallel_loop3A_492 : vector<16xi32> to vector<16x1xi32>
        %parallel_loop3A_494 = vector.shape_cast %parallel_loop3A_493 : vector<16x1xi32> to vector<16xi32>
        %parallel_loop3A_495 = tpu.dynamic_gather %parallel_loop3A_406[%parallel_loop3A_494] in [0] : vector<16xf32>, vector<16xi32> -> vector<16xf32>
        %parallel_loop3A_496 = arith.mulf %parallel_loop3A_495, %parallel_loop3A_467 : vector<16xf32>
        %parallel_loop3A_497 = arith.constant 0 : i32
        %parallel_loop3A_498 = arith.constant 0 : i32
        %parallel_loop3A_499 = tpu.memref_slice %arg14[%parallel_loop3A_283, %parallel_loop3A_497, %parallel_loop3A_498] : memref<2x128x64xf32, #tpu.memory_space<vmem>> -> memref<1x128x64xf32, #tpu.memory_space<vmem>>
        %parallel_loop3A_500 = tpu.memref_squeeze %parallel_loop3A_499 : memref<1x128x64xf32, #tpu.memory_space<vmem>> -> memref<128x64xf32, #tpu.memory_space<vmem>>
        %parallel_loop3A_501 = arith.index_cast %parallel_loop3A_384 : i32 to index
        %parallel_loop3A_502 = arith.constant 48 : index
        %parallel_loop3A_503 = tpu.vector_load %parallel_loop3A_500[%parallel_loop3A_501, %parallel_loop3A_502] {strides = array<i32>} : memref<128x64xf32, #tpu.memory_space<vmem>>, vector<16xf32>,
        tpu.vector_store %parallel_loop3A_500[%parallel_loop3A_501, %parallel_loop3A_502], %parallel_loop3A_496 {strides = array<i32>} : memref<128x64xf32, #tpu.memory_space<vmem>>, vector<16xf32>,
      } {sc.loop_unroll_factor = 4 : i64, sc.parallel_access}
      %dma_start3A_284 = arith.constant 0 : i32
      %dma_start3A_285 = arith.constant 0 : i32
      %dma_start3A_286 = arith.constant 0 : i32
      %dma_start3A_287 = tpu.memref_slice %arg14[%dma_start3A_284, %dma_start3A_285, %dma_start3A_286] : memref<2x128x64xf32, #tpu.memory_space<vmem>> -> memref<1x128x64xf32, #tpu.memory_space<vmem>>
      %dma_start3A_288 = tpu.memref_squeeze %dma_start3A_287 : memref<1x128x64xf32, #tpu.memory_space<vmem>> -> memref<128x64xf32, #tpu.memory_space<vmem>>
      %dma_start3A_289 = arith.constant 0 : i32
      %dma_start3A_290 = tpu.memref_slice %arg9[%add3A_243, %dma_start3A_289] : memref<80x128xi32, #tpu.memory_space<vmem>> -> memref<1x128xi32, #tpu.memory_space<vmem>>
      %dma_start3A_291 = tpu.memref_squeeze %dma_start3A_290 : memref<1x128xi32, #tpu.memory_space<vmem>> -> memref<128xi32, #tpu.memory_space<vmem>>
      %dma_start3A_292 = arith.constant 0 : i32
      %dma_start3A_293 = arith.constant 0 : i32
      %dma_start3A_294 = tpu.memref_slice %arg15[%dma_start3A_292, %dma_start3A_293] : memref<10128x64xf32, #tpu.memory_space<vmem_shared>> -> memref<10128x64xf32, #tpu.memory_space<vmem_shared>>
      tpu.enqueue_indirect_dma source(%dma_start3A_288 : memref<128x64xf32, #tpu.memory_space<vmem>>) target(%dma_start3A_294 : memref<10128x64xf32, #tpu.memory_space<vmem_shared>>) offsets(%dma_start3A_291 : memref<128xi32, #tpu.memory_space<vmem>>) semaphore(%arg19 : memref<!tpu.dma_semaphore, #tpu.memory_space<semaphore_mem>>) {add = true}
      %dma_start3A_295 = arith.constant 0 : i32
      %dma_start3A_296 = arith.constant 0 : i32
      %dma_start3A_297 = arith.constant 0 : i32
      %dma_start3A_298 = tpu.memref_slice %arg13[%dma_start3A_295, %dma_start3A_296, %dma_start3A_297] : memref<2x128x16xf32, #tpu.memory_space<vmem>> -> memref<1x128x16xf32, #tpu.memory_space<vmem>>
      %dma_start3A_299 = tpu.memref_squeeze %dma_start3A_298 : memref<1x128x16xf32, #tpu.memory_space<vmem>> -> memref<128x16xf32, #tpu.memory_space<vmem>>
      %dma_start3A_300 = arith.constant 0 : i32
      %dma_start3A_301 = tpu.memref_slice %arg9[%add3A_243, %dma_start3A_300] : memref<80x128xi32, #tpu.memory_space<vmem>> -> memref<1x128xi32, #tpu.memory_space<vmem>>
      %dma_start3A_302 = tpu.memref_squeeze %dma_start3A_301 : memref<1x128xi32, #tpu.memory_space<vmem>> -> memref<128xi32, #tpu.memory_space<vmem>>
      %dma_start3A_303 = arith.constant 0 : i32
      %dma_start3A_304 = arith.constant 0 : i32
      %dma_start3A_305 = tpu.memref_slice %arg16[%dma_start3A_303, %dma_start3A_304] : memref<10128x16xf32, #tpu.memory_space<vmem_shared>> -> memref<10128x16xf32, #tpu.memory_space<vmem_shared>>
      tpu.enqueue_indirect_dma source(%dma_start3A_299 : memref<128x16xf32, #tpu.memory_space<vmem>>) target(%dma_start3A_305 : memref<10128x16xf32, #tpu.memory_space<vmem_shared>>) offsets(%dma_start3A_302 : memref<128xi32, #tpu.memory_space<vmem>>) semaphore(%arg19 : memref<!tpu.dma_semaphore, #tpu.memory_space<semaphore_mem>>) {add = true}
      %lt3A_306 = arith.constant 39 : i32
      %lt3A_307 = arith.cmpi slt, %while3A_239, %lt3A_306 : i32
      %convert_element_type3A_308 = arith.extui %lt3A_307 : i1 to i32
      %cond3A_309 = arith.constant 0 : i32
      %cond3A_310 = arith.cmpi ne, %convert_element_type3A_308, %cond3A_309 : i32
      scf.if %cond3A_310 {
        %add3A_384 = arith.constant 2 : i32
        %add3A_385 = arith.addi %add3A_243, %add3A_384 : i32
        %dma_start3A_386 = arith.constant 0 : i32
        %dma_start3A_387 = arith.constant 0 : i32
        %dma_start3A_388 = arith.constant 0 : i32
        %dma_start3A_389 = tpu.memref_slice %arg10[%dma_start3A_386, %dma_start3A_387, %dma_start3A_388] : memref<2x128x16xf32, #tpu.memory_space<vmem>> -> memref<1x128x16xf32, #tpu.memory_space<vmem>>
        %dma_start3A_390 = tpu.memref_squeeze %dma_start3A_389 : memref<1x128x16xf32, #tpu.memory_space<vmem>> -> memref<128x16xf32, #tpu.memory_space<vmem>>
        %dma_start3A_391 = arith.constant 0 : i32
        %dma_start3A_392 = tpu.memref_slice %arg8[%add3A_385, %dma_start3A_391] : memref<80x128xi32, #tpu.memory_space<vmem>> -> memref<1x128xi32, #tpu.memory_space<vmem>>
        %dma_start3A_393 = tpu.memref_squeeze %dma_start3A_392 : memref<1x128xi32, #tpu.memory_space<vmem>> -> memref<128xi32, #tpu.memory_space<vmem>>
        %dma_start3A_394 = arith.constant 0 : i32
        %dma_start3A_395 = arith.constant 0 : i32
        %dma_start3A_396 = tpu.memref_slice %arg4[%dma_start3A_394, %dma_start3A_395] : memref<10000x16xf32, #tpu.memory_space<hbm>> -> memref<10000x16xf32, #tpu.memory_space<hbm>>
        tpu.enqueue_indirect_dma source(%dma_start3A_396 : memref<10000x16xf32, #tpu.memory_space<hbm>>) target(%dma_start3A_390 : memref<128x16xf32, #tpu.memory_space<vmem>>) offsets(%dma_start3A_393 : memref<128xi32, #tpu.memory_space<vmem>>) semaphore(%arg17 : memref<!tpu.dma_semaphore, #tpu.memory_space<semaphore_mem>>)
        %dma_start3A_397 = arith.constant 0 : i32
        %dma_start3A_398 = arith.constant 0 : i32
        %dma_start3A_399 = arith.constant 0 : i32
        %dma_start3A_400 = tpu.memref_slice %arg11[%dma_start3A_397, %dma_start3A_398, %dma_start3A_399] : memref<2x128x16xf32, #tpu.memory_space<vmem>> -> memref<1x128x16xf32, #tpu.memory_space<vmem>>
        %dma_start3A_401 = tpu.memref_squeeze %dma_start3A_400 : memref<1x128x16xf32, #tpu.memory_space<vmem>> -> memref<128x16xf32, #tpu.memory_space<vmem>>
        %dma_start3A_402 = arith.constant 0 : i32
        %dma_start3A_403 = tpu.memref_slice %arg9[%add3A_385, %dma_start3A_402] : memref<80x128xi32, #tpu.memory_space<vmem>> -> memref<1x128xi32, #tpu.memory_space<vmem>>
        %dma_start3A_404 = tpu.memref_squeeze %dma_start3A_403 : memref<1x128xi32, #tpu.memory_space<vmem>> -> memref<128xi32, #tpu.memory_space<vmem>>
        %dma_start3A_405 = arith.constant 0 : i32
        %dma_start3A_406 = arith.constant 0 : i32
        %dma_start3A_407 = tpu.memref_slice %arg4[%dma_start3A_405, %dma_start3A_406] : memref<10000x16xf32, #tpu.memory_space<hbm>> -> memref<10000x16xf32, #tpu.memory_space<hbm>>
        tpu.enqueue_indirect_dma source(%dma_start3A_407 : memref<10000x16xf32, #tpu.memory_space<hbm>>) target(%dma_start3A_401 : memref<128x16xf32, #tpu.memory_space<vmem>>) offsets(%dma_start3A_404 : memref<128xi32, #tpu.memory_space<vmem>>) semaphore(%arg17 : memref<!tpu.dma_semaphore, #tpu.memory_space<semaphore_mem>>)
        %dma_start3A_408 = arith.constant 0 : i32
        %dma_start3A_409 = arith.constant 0 : i32
        %dma_start3A_410 = arith.constant 0 : i32
        %dma_start3A_411 = tpu.memref_slice %arg12[%dma_start3A_408, %dma_start3A_409, %dma_start3A_410] : memref<2x128x64xbf16, #tpu.memory_space<vmem>> -> memref<1x128x64xbf16, #tpu.memory_space<vmem>>
        %dma_start3A_412 = tpu.memref_squeeze %dma_start3A_411 : memref<1x128x64xbf16, #tpu.memory_space<vmem>> -> memref<128x64xbf16, #tpu.memory_space<vmem>>
        %dma_start3A_413 = arith.constant 0 : i32
        %dma_start3A_414 = tpu.memref_slice %arg8[%add3A_385, %dma_start3A_413] : memref<80x128xi32, #tpu.memory_space<vmem>> -> memref<1x128xi32, #tpu.memory_space<vmem>>
        %dma_start3A_415 = tpu.memref_squeeze %dma_start3A_414 : memref<1x128xi32, #tpu.memory_space<vmem>> -> memref<128xi32, #tpu.memory_space<vmem>>
        %dma_start3A_416 = arith.constant 0 : i32
        %dma_start3A_417 = arith.constant 0 : i32
        %dma_start3A_418 = tpu.memref_slice %arg5[%dma_start3A_416, %dma_start3A_417] : memref<10000x64xbf16, #tpu.memory_space<hbm>> -> memref<10000x64xbf16, #tpu.memory_space<hbm>>
        tpu.enqueue_indirect_dma source(%dma_start3A_418 : memref<10000x64xbf16, #tpu.memory_space<hbm>>) target(%dma_start3A_412 : memref<128x64xbf16, #tpu.memory_space<vmem>>) offsets(%dma_start3A_415 : memref<128xi32, #tpu.memory_space<vmem>>) semaphore(%arg17 : memref<!tpu.dma_semaphore, #tpu.memory_space<semaphore_mem>>)
      } else {
      }
      %mul3A_311 = arith.constant 2 : i32
      %mul3A_312 = arith.muli %mul3A_311, %while3A_239 : i32
      %add3A_313 = arith.constant 1 : i32
      %add3A_314 = arith.addi %mul3A_312, %add3A_313 : i32
      %dma_wait3A_315 = arith.constant 1 : i32
      %dma_wait3A_316 = arith.constant 0 : i32
      %dma_wait3A_317 = arith.constant 0 : i32
      %dma_wait3A_318 = tpu.memref_slice %arg10[%dma_wait3A_315, %dma_wait3A_316, %dma_wait3A_317] : memref<2x128x16xf32, #tpu.memory_space<vmem>> -> memref<1x128x16xf32, #tpu.memory_space<vmem>>
      %dma_wait3A_319 = tpu.memref_squeeze %dma_wait3A_318 : memref<1x128x16xf32, #tpu.memory_space<vmem>> -> memref<128x16xf32, #tpu.memory_space<vmem>>
      %dma_wait3A_320 = arith.constant 0 : i32
      %dma_wait3A_321 = tpu.memref_slice %arg8[%add3A_314, %dma_wait3A_320] : memref<80x128xi32, #tpu.memory_space<vmem>> -> memref<1x128xi32, #tpu.memory_space<vmem>>
      %dma_wait3A_322 = tpu.memref_squeeze %dma_wait3A_321 : memref<1x128xi32, #tpu.memory_space<vmem>> -> memref<128xi32, #tpu.memory_space<vmem>>
      %dma_wait3A_323 = arith.constant 0 : i32
      %dma_wait3A_324 = arith.constant 0 : i32
      %dma_wait3A_325 = tpu.memref_slice %arg4[%dma_wait3A_323, %dma_wait3A_324] : memref<10000x16xf32, #tpu.memory_space<hbm>> -> memref<10000x16xf32, #tpu.memory_space<hbm>>
      tpu.wait_indirect_dma semaphore(%arg18 : memref<!tpu.dma_semaphore, #tpu.memory_space<semaphore_mem>>) src(%dma_wait3A_325 : memref<10000x16xf32, #tpu.memory_space<hbm>>) dst(%dma_wait3A_319 : memref<128x16xf32, #tpu.memory_space<vmem>>)
      %dma_wait3A_326 = arith.constant 1 : i32
      %dma_wait3A_327 = arith.constant 0 : i32
      %dma_wait3A_328 = arith.constant 0 : i32
      %dma_wait3A_329 = tpu.memref_slice %arg11[%dma_wait3A_326, %dma_wait3A_327, %dma_wait3A_328] : memref<2x128x16xf32, #tpu.memory_space<vmem>> -> memref<1x128x16xf32, #tpu.memory_space<vmem>>
      %dma_wait3A_330 = tpu.memref_squeeze %dma_wait3A_329 : memref<1x128x16xf32, #tpu.memory_space<vmem>> -> memref<128x16xf32, #tpu.memory_space<vmem>>
      %dma_wait3A_331 = arith.constant 0 : i32
      %dma_wait3A_332 = tpu.memref_slice %arg9[%add3A_314, %dma_wait3A_331] : memref<80x128xi32, #tpu.memory_space<vmem>> -> memref<1x128xi32, #tpu.memory_space<vmem>>
      %dma_wait3A_333 = tpu.memref_squeeze %dma_wait3A_332 : memref<1x128xi32, #tpu.memory_space<vmem>> -> memref<128xi32, #tpu.memory_space<vmem>>
      %dma_wait3A_334 = arith.constant 0 : i32
      %dma_wait3A_335 = arith.constant 0 : i32
      %dma_wait3A_336 = tpu.memref_slice %arg4[%dma_wait3A_334, %dma_wait3A_335] : memref<10000x16xf32, #tpu.memory_space<hbm>> -> memref<10000x16xf32, #tpu.memory_space<hbm>>
      tpu.wait_indirect_dma semaphore(%arg18 : memref<!tpu.dma_semaphore, #tpu.memory_space<semaphore_mem>>) src(%dma_wait3A_336 : memref<10000x16xf32, #tpu.memory_space<hbm>>) dst(%dma_wait3A_330 : memref<128x16xf32, #tpu.memory_space<vmem>>)
      %dma_wait3A_337 = arith.constant 1 : i32
      %dma_wait3A_338 = arith.constant 0 : i32
      %dma_wait3A_339 = arith.constant 0 : i32
      %dma_wait3A_340 = tpu.memref_slice %arg12[%dma_wait3A_337, %dma_wait3A_338, %dma_wait3A_339] : memref<2x128x64xbf16, #tpu.memory_space<vmem>> -> memref<1x128x64xbf16, #tpu.memory_space<vmem>>
      %dma_wait3A_341 = tpu.memref_squeeze %dma_wait3A_340 : memref<1x128x64xbf16, #tpu.memory_space<vmem>> -> memref<128x64xbf16, #tpu.memory_space<vmem>>
      %dma_wait3A_342 = arith.constant 0 : i32
      %dma_wait3A_343 = tpu.memref_slice %arg8[%add3A_314, %dma_wait3A_342] : memref<80x128xi32, #tpu.memory_space<vmem>> -> memref<1x128xi32, #tpu.memory_space<vmem>>
      %dma_wait3A_344 = tpu.memref_squeeze %dma_wait3A_343 : memref<1x128xi32, #tpu.memory_space<vmem>> -> memref<128xi32, #tpu.memory_space<vmem>>
      %dma_wait3A_345 = arith.constant 0 : i32
      %dma_wait3A_346 = arith.constant 0 : i32
      %dma_wait3A_347 = tpu.memref_slice %arg5[%dma_wait3A_345, %dma_wait3A_346] : memref<10000x64xbf16, #tpu.memory_space<hbm>> -> memref<10000x64xbf16, #tpu.memory_space<hbm>>
      tpu.wait_indirect_dma semaphore(%arg18 : memref<!tpu.dma_semaphore, #tpu.memory_space<semaphore_mem>>) src(%dma_wait3A_347 : memref<10000x64xbf16, #tpu.memory_space<hbm>>) dst(%dma_wait3A_341 : memref<128x64xbf16, #tpu.memory_space<vmem>>)
      %gt3A_348 = arith.constant 0 : i32
      %gt3A_349 = arith.cmpi sgt, %while3A_239, %gt3A_348 : i32
      %convert_element_type3A_350 = arith.extui %gt3A_349 : i1 to i32
      %cond3A_351 = arith.constant 0 : i32
      %cond3A_352 = arith.cmpi ne, %convert_element_type3A_350, %cond3A_351 : i32
      scf.if %cond3A_352 {
        %sub3A = arith.constant 2 : i32
        %sub3A_384 = arith.subi %add3A_314, %sub3A : i32
        %dma_wait3A_385 = arith.constant 1 : i32
        %dma_wait3A_386 = arith.constant 0 : i32
        %dma_wait3A_387 = arith.constant 0 : i32
        %dma_wait3A_388 = tpu.memref_slice %arg14[%dma_wait3A_385, %dma_wait3A_386, %dma_wait3A_387] : memref<2x128x64xf32, #tpu.memory_space<vmem>> -> memref<1x128x64xf32, #tpu.memory_space<vmem>>
        %dma_wait3A_389 = tpu.memref_squeeze %dma_wait3A_388 : memref<1x128x64xf32, #tpu.memory_space<vmem>> -> memref<128x64xf32, #tpu.memory_space<vmem>>
        %dma_wait3A_390 = arith.constant 0 : i32
        %dma_wait3A_391 = tpu.memref_slice %arg9[%sub3A_384, %dma_wait3A_390] : memref<80x128xi32, #tpu.memory_space<vmem>> -> memref<1x128xi32, #tpu.memory_space<vmem>>
        %dma_wait3A_392 = tpu.memref_squeeze %dma_wait3A_391 : memref<1x128xi32, #tpu.memory_space<vmem>> -> memref<128xi32, #tpu.memory_space<vmem>>
        %dma_wait3A_393 = arith.constant 0 : i32
        %dma_wait3A_394 = arith.constant 0 : i32
        %dma_wait3A_395 = tpu.memref_slice %arg15[%dma_wait3A_393, %dma_wait3A_394] : memref<10128x64xf32, #tpu.memory_space<vmem_shared>> -> memref<10128x64xf32, #tpu.memory_space<vmem_shared>>
        tpu.wait_indirect_dma semaphore(%arg20 : memref<!tpu.dma_semaphore, #tpu.memory_space<semaphore_mem>>) src(%dma_wait3A_389 : memref<128x64xf32, #tpu.memory_space<vmem>>) dst(%dma_wait3A_395 : memref<10128x64xf32, #tpu.memory_space<vmem_shared>>)
        %dma_wait3A_396 = arith.constant 1 : i32
        %dma_wait3A_397 = arith.constant 0 : i32
        %dma_wait3A_398 = arith.constant 0 : i32
        %dma_wait3A_399 = tpu.memref_slice %arg13[%dma_wait3A_396, %dma_wait3A_397, %dma_wait3A_398] : memref<2x128x16xf32, #tpu.memory_space<vmem>> -> memref<1x128x16xf32, #tpu.memory_space<vmem>>
        %dma_wait3A_400 = tpu.memref_squeeze %dma_wait3A_399 : memref<1x128x16xf32, #tpu.memory_space<vmem>> -> memref<128x16xf32, #tpu.memory_space<vmem>>
        %dma_wait3A_401 = arith.constant 0 : i32
        %dma_wait3A_402 = tpu.memref_slice %arg9[%sub3A_384, %dma_wait3A_401] : memref<80x128xi32, #tpu.memory_space<vmem>> -> memref<1x128xi32, #tpu.memory_space<vmem>>
        %dma_wait3A_403 = tpu.memref_squeeze %dma_wait3A_402 : memref<1x128xi32, #tpu.memory_space<vmem>> -> memref<128xi32, #tpu.memory_space<vmem>>
        %dma_wait3A_404 = arith.constant 0 : i32
        %dma_wait3A_405 = arith.constant 0 : i32
        %dma_wait3A_406 = tpu.memref_slice %arg16[%dma_wait3A_404, %dma_wait3A_405] : memref<10128x16xf32, #tpu.memory_space<vmem_shared>> -> memref<10128x16xf32, #tpu.memory_space<vmem_shared>>
        tpu.wait_indirect_dma semaphore(%arg20 : memref<!tpu.dma_semaphore, #tpu.memory_space<semaphore_mem>>) src(%dma_wait3A_400 : memref<128x16xf32, #tpu.memory_space<vmem>>) dst(%dma_wait3A_406 : memref<10128x16xf32, #tpu.memory_space<vmem_shared>>)
      } else {
      }
      %parallel_loop3A_353 = arith.constant 0 : i32
      %parallel_loop3A_354 = arith.constant 128 : i32
      %parallel_loop3A_355 = arith.constant 1 : i32
      %parallel_loop3A_356 = arith.constant 1 : i32
      scf.for %parallel_loop3A_384 = %parallel_loop3A_353 to %parallel_loop3A_354 step %parallel_loop3A_355  : i32 {
        %parallel_loop3A_385 = vector.broadcast %parallel_loop3A_384 : i32 to vector<16xi32>
        %parallel_loop3A_386 = arith.constant 0 : i32
        %parallel_loop3A_387 = arith.constant 0 : i32
        %parallel_loop3A_388 = tpu.memref_slice %arg10[%parallel_loop3A_356, %parallel_loop3A_386, %parallel_loop3A_387] : memref<2x128x16xf32, #tpu.memory_space<vmem>> -> memref<1x128x16xf32, #tpu.memory_space<vmem>>
        %parallel_loop3A_389 = tpu.memref_squeeze %parallel_loop3A_388 : memref<1x128x16xf32, #tpu.memory_space<vmem>> -> memref<128x16xf32, #tpu.memory_space<vmem>>
        %parallel_loop3A_390 = arith.index_cast %parallel_loop3A_384 : i32 to index
        %parallel_loop3A_391 = arith.constant 0 : index
        %parallel_loop3A_392 = tpu.vector_load %parallel_loop3A_389[%parallel_loop3A_390, %parallel_loop3A_391] {strides = array<i32>} : memref<128x16xf32, #tpu.memory_space<vmem>>, vector<16xf32>,
        %parallel_loop3A_393 = arith.constant 0 : i32
        %parallel_loop3A_394 = arith.constant 0 : i32
        %parallel_loop3A_395 = tpu.memref_slice %arg11[%parallel_loop3A_356, %parallel_loop3A_393, %parallel_loop3A_394] : memref<2x128x16xf32, #tpu.memory_space<vmem>> -> memref<1x128x16xf32, #tpu.memory_space<vmem>>
        %parallel_loop3A_396 = tpu.memref_squeeze %parallel_loop3A_395 : memref<1x128x16xf32, #tpu.memory_space<vmem>> -> memref<128x16xf32, #tpu.memory_space<vmem>>
        %parallel_loop3A_397 = tpu.vector_load_idx %parallel_loop3A_396[%parallel_loop3A_385, %add3A_5] : memref<128x16xf32, #tpu.memory_space<vmem>>[vector<16xi32>, vector<16xi32>], vector<16xf32>,
        %parallel_loop3A_398 = arith.addf %parallel_loop3A_392, %parallel_loop3A_397 : vector<16xf32>
        %parallel_loop3A_399 = arith.constant 0.000000e+00 : f32
        %parallel_loop3A_400 = vector.broadcast %parallel_loop3A_399 : f32 to vector<16xf32>
        %parallel_loop3A_401 = arith.cmpf ogt, %parallel_loop3A_398, %parallel_loop3A_400 : vector<16xf32>
        %parallel_loop3A_402 = arith.constant 2.000000e-01 : f32
        %parallel_loop3A_403 = vector.broadcast %parallel_loop3A_402 : f32 to vector<16xf32>
        %parallel_loop3A_404 = arith.mulf %parallel_loop3A_403, %parallel_loop3A_398 : vector<16xf32>
        %parallel_loop3A_405 = arith.select %parallel_loop3A_401, %parallel_loop3A_398, %parallel_loop3A_404 : vector<16xi1>, vector<16xf32>
        %parallel_loop3A_406 = math.exp %parallel_loop3A_405 : vector<16xf32>
        %parallel_loop3A_407 = arith.constant 0 : i32
        %parallel_loop3A_408 = arith.constant 0 : i32
        %parallel_loop3A_409 = tpu.memref_slice %arg13[%parallel_loop3A_356, %parallel_loop3A_407, %parallel_loop3A_408] : memref<2x128x16xf32, #tpu.memory_space<vmem>> -> memref<1x128x16xf32, #tpu.memory_space<vmem>>
        %parallel_loop3A_410 = tpu.memref_squeeze %parallel_loop3A_409 : memref<1x128x16xf32, #tpu.memory_space<vmem>> -> memref<128x16xf32, #tpu.memory_space<vmem>>
        %parallel_loop3A_411 = arith.index_cast %parallel_loop3A_384 : i32 to index
        %parallel_loop3A_412 = arith.constant 0 : index
        %parallel_loop3A_413 = tpu.vector_load %parallel_loop3A_410[%parallel_loop3A_411, %parallel_loop3A_412] {strides = array<i32>} : memref<128x16xf32, #tpu.memory_space<vmem>>, vector<16xf32>,
        tpu.vector_store %parallel_loop3A_410[%parallel_loop3A_411, %parallel_loop3A_412], %parallel_loop3A_406 {strides = array<i32>} : memref<128x16xf32, #tpu.memory_space<vmem>>, vector<16xf32>,
        %parallel_loop3A_414 = arith.constant 0 : i32
        %parallel_loop3A_415 = arith.constant 0 : i32
        %parallel_loop3A_416 = tpu.memref_slice %arg12[%parallel_loop3A_356, %parallel_loop3A_414, %parallel_loop3A_415] : memref<2x128x64xbf16, #tpu.memory_space<vmem>> -> memref<1x128x64xbf16, #tpu.memory_space<vmem>>
        %parallel_loop3A_417 = tpu.memref_squeeze %parallel_loop3A_416 : memref<1x128x64xbf16, #tpu.memory_space<vmem>> -> memref<128x64xbf16, #tpu.memory_space<vmem>>
        %parallel_loop3A_418 = arith.index_cast %parallel_loop3A_384 : i32 to index
        %parallel_loop3A_419 = arith.constant 0 : index
        %parallel_loop3A_420 = tpu.vector_load %parallel_loop3A_417[%parallel_loop3A_418, %parallel_loop3A_419] {strides = array<i32>} : memref<128x64xbf16, #tpu.memory_space<vmem>>, vector<32xbf16>,
        %parallel_loop3A_421 = tpu.unpack_subelements %parallel_loop3A_420, 0 {pack_format = #tpu.pack_format<interleaved>} : vector<32xbf16> -> vector<16xf32>
        %parallel_loop3A_422 = tpu.unpack_subelements %parallel_loop3A_420, 1 {pack_format = #tpu.pack_format<interleaved>} : vector<32xbf16> -> vector<16xf32>
        %parallel_loop3A_423 = arith.constant 0 : i32
        %parallel_loop3A_424 = vector.broadcast %parallel_loop3A_423 : i32 to vector<16xi32>
        %parallel_loop3A_425 = arith.cmpi slt, %add3A_10, %parallel_loop3A_424 : vector<16xi32>
        %parallel_loop3A_426 = arith.constant 16 : i32
        %parallel_loop3A_427 = vector.broadcast %parallel_loop3A_426 : i32 to vector<16xi32>
        %parallel_loop3A_428 = arith.addi %add3A_10, %parallel_loop3A_427 : vector<16xi32>
        %parallel_loop3A_429 = arith.select %parallel_loop3A_425, %parallel_loop3A_428, %add3A_10 : vector<16xi1>, vector<16xi32>
        %parallel_loop3A_430 = vector.shape_cast %parallel_loop3A_429 : vector<16xi32> to vector<16x1xi32>
        %parallel_loop3A_431 = vector.shape_cast %parallel_loop3A_430 : vector<16x1xi32> to vector<16xi32>
        %parallel_loop3A_432 = tpu.dynamic_gather %parallel_loop3A_406[%parallel_loop3A_431] in [0] : vector<16xf32>, vector<16xi32> -> vector<16xf32>
        %parallel_loop3A_433 = arith.mulf %parallel_loop3A_432, %parallel_loop3A_421 : vector<16xf32>
        %parallel_loop3A_434 = arith.constant 0 : i32
        %parallel_loop3A_435 = arith.constant 0 : i32
        %parallel_loop3A_436 = tpu.memref_slice %arg14[%parallel_loop3A_356, %parallel_loop3A_434, %parallel_loop3A_435] : memref<2x128x64xf32, #tpu.memory_space<vmem>> -> memref<1x128x64xf32, #tpu.memory_space<vmem>>
        %parallel_loop3A_437 = tpu.memref_squeeze %parallel_loop3A_436 : memref<1x128x64xf32, #tpu.memory_space<vmem>> -> memref<128x64xf32, #tpu.memory_space<vmem>>
        %parallel_loop3A_438 = arith.index_cast %parallel_loop3A_384 : i32 to index
        %parallel_loop3A_439 = arith.constant 0 : index
        %parallel_loop3A_440 = tpu.vector_load %parallel_loop3A_437[%parallel_loop3A_438, %parallel_loop3A_439] {strides = array<i32>} : memref<128x64xf32, #tpu.memory_space<vmem>>, vector<16xf32>,
        tpu.vector_store %parallel_loop3A_437[%parallel_loop3A_438, %parallel_loop3A_439], %parallel_loop3A_433 {strides = array<i32>} : memref<128x64xf32, #tpu.memory_space<vmem>>, vector<16xf32>,
        %parallel_loop3A_441 = arith.constant 0 : i32
        %parallel_loop3A_442 = vector.broadcast %parallel_loop3A_441 : i32 to vector<16xi32>
        %parallel_loop3A_443 = arith.cmpi slt, %add3A_16, %parallel_loop3A_442 : vector<16xi32>
        %parallel_loop3A_444 = arith.constant 16 : i32
        %parallel_loop3A_445 = vector.broadcast %parallel_loop3A_444 : i32 to vector<16xi32>
        %parallel_loop3A_446 = arith.addi %add3A_16, %parallel_loop3A_445 : vector<16xi32>
        %parallel_loop3A_447 = arith.select %parallel_loop3A_443, %parallel_loop3A_446, %add3A_16 : vector<16xi1>, vector<16xi32>
        %parallel_loop3A_448 = vector.shape_cast %parallel_loop3A_447 : vector<16xi32> to vector<16x1xi32>
        %parallel_loop3A_449 = vector.shape_cast %parallel_loop3A_448 : vector<16x1xi32> to vector<16xi32>
        %parallel_loop3A_450 = tpu.dynamic_gather %parallel_loop3A_406[%parallel_loop3A_449] in [0] : vector<16xf32>, vector<16xi32> -> vector<16xf32>
        %parallel_loop3A_451 = arith.mulf %parallel_loop3A_450, %parallel_loop3A_422 : vector<16xf32>
        %parallel_loop3A_452 = arith.constant 0 : i32
        %parallel_loop3A_453 = arith.constant 0 : i32
        %parallel_loop3A_454 = tpu.memref_slice %arg14[%parallel_loop3A_356, %parallel_loop3A_452, %parallel_loop3A_453] : memref<2x128x64xf32, #tpu.memory_space<vmem>> -> memref<1x128x64xf32, #tpu.memory_space<vmem>>
        %parallel_loop3A_455 = tpu.memref_squeeze %parallel_loop3A_454 : memref<1x128x64xf32, #tpu.memory_space<vmem>> -> memref<128x64xf32, #tpu.memory_space<vmem>>
        %parallel_loop3A_456 = arith.index_cast %parallel_loop3A_384 : i32 to index
        %parallel_loop3A_457 = arith.constant 16 : index
        %parallel_loop3A_458 = tpu.vector_load %parallel_loop3A_455[%parallel_loop3A_456, %parallel_loop3A_457] {strides = array<i32>} : memref<128x64xf32, #tpu.memory_space<vmem>>, vector<16xf32>,
        tpu.vector_store %parallel_loop3A_455[%parallel_loop3A_456, %parallel_loop3A_457], %parallel_loop3A_451 {strides = array<i32>} : memref<128x64xf32, #tpu.memory_space<vmem>>, vector<16xf32>,
        %parallel_loop3A_459 = arith.constant 0 : i32
        %parallel_loop3A_460 = arith.constant 0 : i32
        %parallel_loop3A_461 = tpu.memref_slice %arg12[%parallel_loop3A_356, %parallel_loop3A_459, %parallel_loop3A_460] : memref<2x128x64xbf16, #tpu.memory_space<vmem>> -> memref<1x128x64xbf16, #tpu.memory_space<vmem>>
        %parallel_loop3A_462 = tpu.memref_squeeze %parallel_loop3A_461 : memref<1x128x64xbf16, #tpu.memory_space<vmem>> -> memref<128x64xbf16, #tpu.memory_space<vmem>>
        %parallel_loop3A_463 = arith.index_cast %parallel_loop3A_384 : i32 to index
        %parallel_loop3A_464 = arith.constant 32 : index
        %parallel_loop3A_465 = tpu.vector_load %parallel_loop3A_462[%parallel_loop3A_463, %parallel_loop3A_464] {strides = array<i32>} : memref<128x64xbf16, #tpu.memory_space<vmem>>, vector<32xbf16>,
        %parallel_loop3A_466 = tpu.unpack_subelements %parallel_loop3A_465, 0 {pack_format = #tpu.pack_format<interleaved>} : vector<32xbf16> -> vector<16xf32>
        %parallel_loop3A_467 = tpu.unpack_subelements %parallel_loop3A_465, 1 {pack_format = #tpu.pack_format<interleaved>} : vector<32xbf16> -> vector<16xf32>
        %parallel_loop3A_468 = arith.constant 0 : i32
        %parallel_loop3A_469 = vector.broadcast %parallel_loop3A_468 : i32 to vector<16xi32>
        %parallel_loop3A_470 = arith.cmpi slt, %add3A_22, %parallel_loop3A_469 : vector<16xi32>
        %parallel_loop3A_471 = arith.constant 16 : i32
        %parallel_loop3A_472 = vector.broadcast %parallel_loop3A_471 : i32 to vector<16xi32>
        %parallel_loop3A_473 = arith.addi %add3A_22, %parallel_loop3A_472 : vector<16xi32>
        %parallel_loop3A_474 = arith.select %parallel_loop3A_470, %parallel_loop3A_473, %add3A_22 : vector<16xi1>, vector<16xi32>
        %parallel_loop3A_475 = vector.shape_cast %parallel_loop3A_474 : vector<16xi32> to vector<16x1xi32>
        %parallel_loop3A_476 = vector.shape_cast %parallel_loop3A_475 : vector<16x1xi32> to vector<16xi32>
        %parallel_loop3A_477 = tpu.dynamic_gather %parallel_loop3A_406[%parallel_loop3A_476] in [0] : vector<16xf32>, vector<16xi32> -> vector<16xf32>
        %parallel_loop3A_478 = arith.mulf %parallel_loop3A_477, %parallel_loop3A_466 : vector<16xf32>
        %parallel_loop3A_479 = arith.constant 0 : i32
        %parallel_loop3A_480 = arith.constant 0 : i32
        %parallel_loop3A_481 = tpu.memref_slice %arg14[%parallel_loop3A_356, %parallel_loop3A_479, %parallel_loop3A_480] : memref<2x128x64xf32, #tpu.memory_space<vmem>> -> memref<1x128x64xf32, #tpu.memory_space<vmem>>
        %parallel_loop3A_482 = tpu.memref_squeeze %parallel_loop3A_481 : memref<1x128x64xf32, #tpu.memory_space<vmem>> -> memref<128x64xf32, #tpu.memory_space<vmem>>
        %parallel_loop3A_483 = arith.index_cast %parallel_loop3A_384 : i32 to index
        %parallel_loop3A_484 = arith.constant 32 : index
        %parallel_loop3A_485 = tpu.vector_load %parallel_loop3A_482[%parallel_loop3A_483, %parallel_loop3A_484] {strides = array<i32>} : memref<128x64xf32, #tpu.memory_space<vmem>>, vector<16xf32>,
        tpu.vector_store %parallel_loop3A_482[%parallel_loop3A_483, %parallel_loop3A_484], %parallel_loop3A_478 {strides = array<i32>} : memref<128x64xf32, #tpu.memory_space<vmem>>, vector<16xf32>,
        %parallel_loop3A_486 = arith.constant 0 : i32
        %parallel_loop3A_487 = vector.broadcast %parallel_loop3A_486 : i32 to vector<16xi32>
        %parallel_loop3A_488 = arith.cmpi slt, %add3A_28, %parallel_loop3A_487 : vector<16xi32>
        %parallel_loop3A_489 = arith.constant 16 : i32
        %parallel_loop3A_490 = vector.broadcast %parallel_loop3A_489 : i32 to vector<16xi32>
        %parallel_loop3A_491 = arith.addi %add3A_28, %parallel_loop3A_490 : vector<16xi32>
        %parallel_loop3A_492 = arith.select %parallel_loop3A_488, %parallel_loop3A_491, %add3A_28 : vector<16xi1>, vector<16xi32>
        %parallel_loop3A_493 = vector.shape_cast %parallel_loop3A_492 : vector<16xi32> to vector<16x1xi32>
        %parallel_loop3A_494 = vector.shape_cast %parallel_loop3A_493 : vector<16x1xi32> to vector<16xi32>
        %parallel_loop3A_495 = tpu.dynamic_gather %parallel_loop3A_406[%parallel_loop3A_494] in [0] : vector<16xf32>, vector<16xi32> -> vector<16xf32>
        %parallel_loop3A_496 = arith.mulf %parallel_loop3A_495, %parallel_loop3A_467 : vector<16xf32>
        %parallel_loop3A_497 = arith.constant 0 : i32
        %parallel_loop3A_498 = arith.constant 0 : i32
        %parallel_loop3A_499 = tpu.memref_slice %arg14[%parallel_loop3A_356, %parallel_loop3A_497, %parallel_loop3A_498] : memref<2x128x64xf32, #tpu.memory_space<vmem>> -> memref<1x128x64xf32, #tpu.memory_space<vmem>>
        %parallel_loop3A_500 = tpu.memref_squeeze %parallel_loop3A_499 : memref<1x128x64xf32, #tpu.memory_space<vmem>> -> memref<128x64xf32, #tpu.memory_space<vmem>>
        %parallel_loop3A_501 = arith.index_cast %parallel_loop3A_384 : i32 to index
        %parallel_loop3A_502 = arith.constant 48 : index
        %parallel_loop3A_503 = tpu.vector_load %parallel_loop3A_500[%parallel_loop3A_501, %parallel_loop3A_502] {strides = array<i32>} : memref<128x64xf32, #tpu.memory_space<vmem>>, vector<16xf32>,
        tpu.vector_store %parallel_loop3A_500[%parallel_loop3A_501, %parallel_loop3A_502], %parallel_loop3A_496 {strides = array<i32>} : memref<128x64xf32, #tpu.memory_space<vmem>>, vector<16xf32>,
      } {sc.loop_unroll_factor = 4 : i64, sc.parallel_access}
      %dma_start3A_357 = arith.constant 1 : i32
      %dma_start3A_358 = arith.constant 0 : i32
      %dma_start3A_359 = arith.constant 0 : i32
      %dma_start3A_360 = tpu.memref_slice %arg14[%dma_start3A_357, %dma_start3A_358, %dma_start3A_359] : memref<2x128x64xf32, #tpu.memory_space<vmem>> -> memref<1x128x64xf32, #tpu.memory_space<vmem>>
      %dma_start3A_361 = tpu.memref_squeeze %dma_start3A_360 : memref<1x128x64xf32, #tpu.memory_space<vmem>> -> memref<128x64xf32, #tpu.memory_space<vmem>>
      %dma_start3A_362 = arith.constant 0 : i32
      %dma_start3A_363 = tpu.memref_slice %arg9[%add3A_314, %dma_start3A_362] : memref<80x128xi32, #tpu.memory_space<vmem>> -> memref<1x128xi32, #tpu.memory_space<vmem>>
      %dma_start3A_364 = tpu.memref_squeeze %dma_start3A_363 : memref<1x128xi32, #tpu.memory_space<vmem>> -> memref<128xi32, #tpu.memory_space<vmem>>
      %dma_start3A_365 = arith.constant 0 : i32
      %dma_start3A_366 = arith.constant 0 : i32
      %dma_start3A_367 = tpu.memref_slice %arg15[%dma_start3A_365, %dma_start3A_366] : memref<10128x64xf32, #tpu.memory_space<vmem_shared>> -> memref<10128x64xf32, #tpu.memory_space<vmem_shared>>
      tpu.enqueue_indirect_dma source(%dma_start3A_361 : memref<128x64xf32, #tpu.memory_space<vmem>>) target(%dma_start3A_367 : memref<10128x64xf32, #tpu.memory_space<vmem_shared>>) offsets(%dma_start3A_364 : memref<128xi32, #tpu.memory_space<vmem>>) semaphore(%arg20 : memref<!tpu.dma_semaphore, #tpu.memory_space<semaphore_mem>>) {add = true}
      %dma_start3A_368 = arith.constant 1 : i32
      %dma_start3A_369 = arith.constant 0 : i32
      %dma_start3A_370 = arith.constant 0 : i32
      %dma_start3A_371 = tpu.memref_slice %arg13[%dma_start3A_368, %dma_start3A_369, %dma_start3A_370] : memref<2x128x16xf32, #tpu.memory_space<vmem>> -> memref<1x128x16xf32, #tpu.memory_space<vmem>>
      %dma_start3A_372 = tpu.memref_squeeze %dma_start3A_371 : memref<1x128x16xf32, #tpu.memory_space<vmem>> -> memref<128x16xf32, #tpu.memory_space<vmem>>
      %dma_start3A_373 = arith.constant 0 : i32
      %dma_start3A_374 = tpu.memref_slice %arg9[%add3A_314, %dma_start3A_373] : memref<80x128xi32, #tpu.memory_space<vmem>> -> memref<1x128xi32, #tpu.memory_space<vmem>>
      %dma_start3A_375 = tpu.memref_squeeze %dma_start3A_374 : memref<1x128xi32, #tpu.memory_space<vmem>> -> memref<128xi32, #tpu.memory_space<vmem>>
      %dma_start3A_376 = arith.constant 0 : i32
      %dma_start3A_377 = arith.constant 0 : i32
      %dma_start3A_378 = tpu.memref_slice %arg16[%dma_start3A_376, %dma_start3A_377] : memref<10128x16xf32, #tpu.memory_space<vmem_shared>> -> memref<10128x16xf32, #tpu.memory_space<vmem_shared>>
      tpu.enqueue_indirect_dma source(%dma_start3A_372 : memref<128x16xf32, #tpu.memory_space<vmem>>) target(%dma_start3A_378 : memref<10128x16xf32, #tpu.memory_space<vmem_shared>>) offsets(%dma_start3A_375 : memref<128xi32, #tpu.memory_space<vmem>>) semaphore(%arg20 : memref<!tpu.dma_semaphore, #tpu.memory_space<semaphore_mem>>) {add = true}
      %lt3A_379 = arith.constant 39 : i32
      %lt3A_380 = arith.cmpi slt, %while3A_239, %lt3A_379 : i32
      %convert_element_type3A_381 = arith.extui %lt3A_380 : i1 to i32
      %cond3A_382 = arith.constant 0 : i32
      %cond3A_383 = arith.cmpi ne, %convert_element_type3A_381, %cond3A_382 : i32
      scf.if %cond3A_383 {
        %add3A_384 = arith.constant 2 : i32
        %add3A_385 = arith.addi %add3A_314, %add3A_384 : i32
        %dma_start3A_386 = arith.constant 1 : i32
        %dma_start3A_387 = arith.constant 0 : i32
        %dma_start3A_388 = arith.constant 0 : i32
        %dma_start3A_389 = tpu.memref_slice %arg10[%dma_start3A_386, %dma_start3A_387, %dma_start3A_388] : memref<2x128x16xf32, #tpu.memory_space<vmem>> -> memref<1x128x16xf32, #tpu.memory_space<vmem>>
        %dma_start3A_390 = tpu.memref_squeeze %dma_start3A_389 : memref<1x128x16xf32, #tpu.memory_space<vmem>> -> memref<128x16xf32, #tpu.memory_space<vmem>>
        %dma_start3A_391 = arith.constant 0 : i32
        %dma_start3A_392 = tpu.memref_slice %arg8[%add3A_385, %dma_start3A_391] : memref<80x128xi32, #tpu.memory_space<vmem>> -> memref<1x128xi32, #tpu.memory_space<vmem>>
        %dma_start3A_393 = tpu.memref_squeeze %dma_start3A_392 : memref<1x128xi32, #tpu.memory_space<vmem>> -> memref<128xi32, #tpu.memory_space<vmem>>
        %dma_start3A_394 = arith.constant 0 : i32
        %dma_start3A_395 = arith.constant 0 : i32
        %dma_start3A_396 = tpu.memref_slice %arg4[%dma_start3A_394, %dma_start3A_395] : memref<10000x16xf32, #tpu.memory_space<hbm>> -> memref<10000x16xf32, #tpu.memory_space<hbm>>
        tpu.enqueue_indirect_dma source(%dma_start3A_396 : memref<10000x16xf32, #tpu.memory_space<hbm>>) target(%dma_start3A_390 : memref<128x16xf32, #tpu.memory_space<vmem>>) offsets(%dma_start3A_393 : memref<128xi32, #tpu.memory_space<vmem>>) semaphore(%arg18 : memref<!tpu.dma_semaphore, #tpu.memory_space<semaphore_mem>>)
        %dma_start3A_397 = arith.constant 1 : i32
        %dma_start3A_398 = arith.constant 0 : i32
        %dma_start3A_399 = arith.constant 0 : i32
        %dma_start3A_400 = tpu.memref_slice %arg11[%dma_start3A_397, %dma_start3A_398, %dma_start3A_399] : memref<2x128x16xf32, #tpu.memory_space<vmem>> -> memref<1x128x16xf32, #tpu.memory_space<vmem>>
        %dma_start3A_401 = tpu.memref_squeeze %dma_start3A_400 : memref<1x128x16xf32, #tpu.memory_space<vmem>> -> memref<128x16xf32, #tpu.memory_space<vmem>>
        %dma_start3A_402 = arith.constant 0 : i32
        %dma_start3A_403 = tpu.memref_slice %arg9[%add3A_385, %dma_start3A_402] : memref<80x128xi32, #tpu.memory_space<vmem>> -> memref<1x128xi32, #tpu.memory_space<vmem>>
        %dma_start3A_404 = tpu.memref_squeeze %dma_start3A_403 : memref<1x128xi32, #tpu.memory_space<vmem>> -> memref<128xi32, #tpu.memory_space<vmem>>
        %dma_start3A_405 = arith.constant 0 : i32
        %dma_start3A_406 = arith.constant 0 : i32
        %dma_start3A_407 = tpu.memref_slice %arg4[%dma_start3A_405, %dma_start3A_406] : memref<10000x16xf32, #tpu.memory_space<hbm>> -> memref<10000x16xf32, #tpu.memory_space<hbm>>
        tpu.enqueue_indirect_dma source(%dma_start3A_407 : memref<10000x16xf32, #tpu.memory_space<hbm>>) target(%dma_start3A_401 : memref<128x16xf32, #tpu.memory_space<vmem>>) offsets(%dma_start3A_404 : memref<128xi32, #tpu.memory_space<vmem>>) semaphore(%arg18 : memref<!tpu.dma_semaphore, #tpu.memory_space<semaphore_mem>>)
        %dma_start3A_408 = arith.constant 1 : i32
        %dma_start3A_409 = arith.constant 0 : i32
        %dma_start3A_410 = arith.constant 0 : i32
        %dma_start3A_411 = tpu.memref_slice %arg12[%dma_start3A_408, %dma_start3A_409, %dma_start3A_410] : memref<2x128x64xbf16, #tpu.memory_space<vmem>> -> memref<1x128x64xbf16, #tpu.memory_space<vmem>>
        %dma_start3A_412 = tpu.memref_squeeze %dma_start3A_411 : memref<1x128x64xbf16, #tpu.memory_space<vmem>> -> memref<128x64xbf16, #tpu.memory_space<vmem>>
        %dma_start3A_413 = arith.constant 0 : i32
        %dma_start3A_414 = tpu.memref_slice %arg8[%add3A_385, %dma_start3A_413] : memref<80x128xi32, #tpu.memory_space<vmem>> -> memref<1x128xi32, #tpu.memory_space<vmem>>
        %dma_start3A_415 = tpu.memref_squeeze %dma_start3A_414 : memref<1x128xi32, #tpu.memory_space<vmem>> -> memref<128xi32, #tpu.memory_space<vmem>>
        %dma_start3A_416 = arith.constant 0 : i32
        %dma_start3A_417 = arith.constant 0 : i32
        %dma_start3A_418 = tpu.memref_slice %arg5[%dma_start3A_416, %dma_start3A_417] : memref<10000x64xbf16, #tpu.memory_space<hbm>> -> memref<10000x64xbf16, #tpu.memory_space<hbm>>
        tpu.enqueue_indirect_dma source(%dma_start3A_418 : memref<10000x64xbf16, #tpu.memory_space<hbm>>) target(%dma_start3A_412 : memref<128x64xbf16, #tpu.memory_space<vmem>>) offsets(%dma_start3A_415 : memref<128xi32, #tpu.memory_space<vmem>>) semaphore(%arg18 : memref<!tpu.dma_semaphore, #tpu.memory_space<semaphore_mem>>)
      } else {
      }
    }
    %while3A_173 = arith.constant 1 : i32
    scf.for %while3A_239 = %while3A_171 to %while3A_167 step %while3A_173  : i32 {
      %mul3A_240 = arith.constant 2 : i32
      %mul3A_241 = arith.muli %mul3A_240, %while3A_239 : i32
      %add3A_242 = arith.constant 0 : i32
      %add3A_243 = arith.addi %mul3A_241, %add3A_242 : i32
      %dma_wait3A_244 = arith.constant 0 : i32
      %dma_wait3A_245 = arith.constant 0 : i32
      %dma_wait3A_246 = arith.constant 0 : i32
      %dma_wait3A_247 = tpu.memref_slice %arg10[%dma_wait3A_244, %dma_wait3A_245, %dma_wait3A_246] : memref<2x128x16xf32, #tpu.memory_space<vmem>> -> memref<1x128x16xf32, #tpu.memory_space<vmem>>
      %dma_wait3A_248 = tpu.memref_squeeze %dma_wait3A_247 : memref<1x128x16xf32, #tpu.memory_space<vmem>> -> memref<128x16xf32, #tpu.memory_space<vmem>>
      %dma_wait3A_249 = arith.constant 0 : i32
      %dma_wait3A_250 = tpu.memref_slice %arg8[%add3A_243, %dma_wait3A_249] : memref<80x128xi32, #tpu.memory_space<vmem>> -> memref<1x128xi32, #tpu.memory_space<vmem>>
      %dma_wait3A_251 = tpu.memref_squeeze %dma_wait3A_250 : memref<1x128xi32, #tpu.memory_space<vmem>> -> memref<128xi32, #tpu.memory_space<vmem>>
      %dma_wait3A_252 = arith.constant 0 : i32
      %dma_wait3A_253 = arith.constant 0 : i32
      %dma_wait3A_254 = tpu.memref_slice %arg4[%dma_wait3A_252, %dma_wait3A_253] : memref<10000x16xf32, #tpu.memory_space<hbm>> -> memref<10000x16xf32, #tpu.memory_space<hbm>>
      tpu.wait_indirect_dma semaphore(%arg17 : memref<!tpu.dma_semaphore, #tpu.memory_space<semaphore_mem>>) src(%dma_wait3A_254 : memref<10000x16xf32, #tpu.memory_space<hbm>>) dst(%dma_wait3A_248 : memref<128x16xf32, #tpu.memory_space<vmem>>)
      %dma_wait3A_255 = arith.constant 0 : i32
      %dma_wait3A_256 = arith.constant 0 : i32
      %dma_wait3A_257 = arith.constant 0 : i32
      %dma_wait3A_258 = tpu.memref_slice %arg11[%dma_wait3A_255, %dma_wait3A_256, %dma_wait3A_257] : memref<2x128x16xf32, #tpu.memory_space<vmem>> -> memref<1x128x16xf32, #tpu.memory_space<vmem>>
      %dma_wait3A_259 = tpu.memref_squeeze %dma_wait3A_258 : memref<1x128x16xf32, #tpu.memory_space<vmem>> -> memref<128x16xf32, #tpu.memory_space<vmem>>
      %dma_wait3A_260 = arith.constant 0 : i32
      %dma_wait3A_261 = tpu.memref_slice %arg9[%add3A_243, %dma_wait3A_260] : memref<80x128xi32, #tpu.memory_space<vmem>> -> memref<1x128xi32, #tpu.memory_space<vmem>>
      %dma_wait3A_262 = tpu.memref_squeeze %dma_wait3A_261 : memref<1x128xi32, #tpu.memory_space<vmem>> -> memref<128xi32, #tpu.memory_space<vmem>>
      %dma_wait3A_263 = arith.constant 0 : i32
      %dma_wait3A_264 = arith.constant 0 : i32
      %dma_wait3A_265 = tpu.memref_slice %arg4[%dma_wait3A_263, %dma_wait3A_264] : memref<10000x16xf32, #tpu.memory_space<hbm>> -> memref<10000x16xf32, #tpu.memory_space<hbm>>
      tpu.wait_indirect_dma semaphore(%arg17 : memref<!tpu.dma_semaphore, #tpu.memory_space<semaphore_mem>>) src(%dma_wait3A_265 : memref<10000x16xf32, #tpu.memory_space<hbm>>) dst(%dma_wait3A_259 : memref<128x16xf32, #tpu.memory_space<vmem>>)
      %dma_wait3A_266 = arith.constant 0 : i32
      %dma_wait3A_267 = arith.constant 0 : i32
      %dma_wait3A_268 = arith.constant 0 : i32
      %dma_wait3A_269 = tpu.memref_slice %arg12[%dma_wait3A_266, %dma_wait3A_267, %dma_wait3A_268] : memref<2x128x64xbf16, #tpu.memory_space<vmem>> -> memref<1x128x64xbf16, #tpu.memory_space<vmem>>
      %dma_wait3A_270 = tpu.memref_squeeze %dma_wait3A_269 : memref<1x128x64xbf16, #tpu.memory_space<vmem>> -> memref<128x64xbf16, #tpu.memory_space<vmem>>
      %dma_wait3A_271 = arith.constant 0 : i32
      %dma_wait3A_272 = tpu.memref_slice %arg8[%add3A_243, %dma_wait3A_271] : memref<80x128xi32, #tpu.memory_space<vmem>> -> memref<1x128xi32, #tpu.memory_space<vmem>>
      %dma_wait3A_273 = tpu.memref_squeeze %dma_wait3A_272 : memref<1x128xi32, #tpu.memory_space<vmem>> -> memref<128xi32, #tpu.memory_space<vmem>>
      %dma_wait3A_274 = arith.constant 0 : i32
      %dma_wait3A_275 = arith.constant 0 : i32
      %dma_wait3A_276 = tpu.memref_slice %arg5[%dma_wait3A_274, %dma_wait3A_275] : memref<10000x64xbf16, #tpu.memory_space<hbm>> -> memref<10000x64xbf16, #tpu.memory_space<hbm>>
      tpu.wait_indirect_dma semaphore(%arg17 : memref<!tpu.dma_semaphore, #tpu.memory_space<semaphore_mem>>) src(%dma_wait3A_276 : memref<10000x64xbf16, #tpu.memory_space<hbm>>) dst(%dma_wait3A_270 : memref<128x64xbf16, #tpu.memory_space<vmem>>)
      %gt3A = arith.constant 0 : i32
      %gt3A_277 = arith.cmpi sgt, %while3A_239, %gt3A : i32
      %convert_element_type3A_278 = arith.extui %gt3A_277 : i1 to i32
      %cond3A_279 = arith.constant 0 : i32
      %cond3A_280 = arith.cmpi ne, %convert_element_type3A_278, %cond3A_279 : i32
      scf.if %cond3A_280 {
        %sub3A = arith.constant 2 : i32
        %sub3A_384 = arith.subi %add3A_243, %sub3A : i32
        %dma_wait3A_385 = arith.constant 0 : i32
        %dma_wait3A_386 = arith.constant 0 : i32
        %dma_wait3A_387 = arith.constant 0 : i32
        %dma_wait3A_388 = tpu.memref_slice %arg14[%dma_wait3A_385, %dma_wait3A_386, %dma_wait3A_387] : memref<2x128x64xf32, #tpu.memory_space<vmem>> -> memref<1x128x64xf32, #tpu.memory_space<vmem>>
        %dma_wait3A_389 = tpu.memref_squeeze %dma_wait3A_388 : memref<1x128x64xf32, #tpu.memory_space<vmem>> -> memref<128x64xf32, #tpu.memory_space<vmem>>
        %dma_wait3A_390 = arith.constant 0 : i32
        %dma_wait3A_391 = tpu.memref_slice %arg9[%sub3A_384, %dma_wait3A_390] : memref<80x128xi32, #tpu.memory_space<vmem>> -> memref<1x128xi32, #tpu.memory_space<vmem>>
        %dma_wait3A_392 = tpu.memref_squeeze %dma_wait3A_391 : memref<1x128xi32, #tpu.memory_space<vmem>> -> memref<128xi32, #tpu.memory_space<vmem>>
        %dma_wait3A_393 = arith.constant 0 : i32
        %dma_wait3A_394 = arith.constant 0 : i32
        %dma_wait3A_395 = tpu.memref_slice %arg15[%dma_wait3A_393, %dma_wait3A_394] : memref<10128x64xf32, #tpu.memory_space<vmem_shared>> -> memref<10128x64xf32, #tpu.memory_space<vmem_shared>>
        tpu.wait_indirect_dma semaphore(%arg19 : memref<!tpu.dma_semaphore, #tpu.memory_space<semaphore_mem>>) src(%dma_wait3A_389 : memref<128x64xf32, #tpu.memory_space<vmem>>) dst(%dma_wait3A_395 : memref<10128x64xf32, #tpu.memory_space<vmem_shared>>)
        %dma_wait3A_396 = arith.constant 0 : i32
        %dma_wait3A_397 = arith.constant 0 : i32
        %dma_wait3A_398 = arith.constant 0 : i32
        %dma_wait3A_399 = tpu.memref_slice %arg13[%dma_wait3A_396, %dma_wait3A_397, %dma_wait3A_398] : memref<2x128x16xf32, #tpu.memory_space<vmem>> -> memref<1x128x16xf32, #tpu.memory_space<vmem>>
        %dma_wait3A_400 = tpu.memref_squeeze %dma_wait3A_399 : memref<1x128x16xf32, #tpu.memory_space<vmem>> -> memref<128x16xf32, #tpu.memory_space<vmem>>
        %dma_wait3A_401 = arith.constant 0 : i32
        %dma_wait3A_402 = tpu.memref_slice %arg9[%sub3A_384, %dma_wait3A_401] : memref<80x128xi32, #tpu.memory_space<vmem>> -> memref<1x128xi32, #tpu.memory_space<vmem>>
        %dma_wait3A_403 = tpu.memref_squeeze %dma_wait3A_402 : memref<1x128xi32, #tpu.memory_space<vmem>> -> memref<128xi32, #tpu.memory_space<vmem>>
        %dma_wait3A_404 = arith.constant 0 : i32
        %dma_wait3A_405 = arith.constant 0 : i32
        %dma_wait3A_406 = tpu.memref_slice %arg16[%dma_wait3A_404, %dma_wait3A_405] : memref<10128x16xf32, #tpu.memory_space<vmem_shared>> -> memref<10128x16xf32, #tpu.memory_space<vmem_shared>>
        tpu.wait_indirect_dma semaphore(%arg19 : memref<!tpu.dma_semaphore, #tpu.memory_space<semaphore_mem>>) src(%dma_wait3A_400 : memref<128x16xf32, #tpu.memory_space<vmem>>) dst(%dma_wait3A_406 : memref<10128x16xf32, #tpu.memory_space<vmem_shared>>)
      } else {
      }
      %parallel_loop3A = arith.constant 0 : i32
      %parallel_loop3A_281 = arith.constant 128 : i32
      %parallel_loop3A_282 = arith.constant 1 : i32
      %parallel_loop3A_283 = arith.constant 0 : i32
      scf.for %parallel_loop3A_384 = %parallel_loop3A to %parallel_loop3A_281 step %parallel_loop3A_282  : i32 {
        %parallel_loop3A_385 = vector.broadcast %parallel_loop3A_384 : i32 to vector<16xi32>
        %parallel_loop3A_386 = arith.constant 0 : i32
        %parallel_loop3A_387 = arith.constant 0 : i32
        %parallel_loop3A_388 = tpu.memref_slice %arg10[%parallel_loop3A_283, %parallel_loop3A_386, %parallel_loop3A_387] : memref<2x128x16xf32, #tpu.memory_space<vmem>> -> memref<1x128x16xf32, #tpu.memory_space<vmem>>
        %parallel_loop3A_389 = tpu.memref_squeeze %parallel_loop3A_388 : memref<1x128x16xf32, #tpu.memory_space<vmem>> -> memref<128x16xf32, #tpu.memory_space<vmem>>
        %parallel_loop3A_390 = arith.index_cast %parallel_loop3A_384 : i32 to index
        %parallel_loop3A_391 = arith.constant 0 : index
        %parallel_loop3A_392 = tpu.vector_load %parallel_loop3A_389[%parallel_loop3A_390, %parallel_loop3A_391] {strides = array<i32>} : memref<128x16xf32, #tpu.memory_space<vmem>>, vector<16xf32>,
        %parallel_loop3A_393 = arith.constant 0 : i32
        %parallel_loop3A_394 = arith.constant 0 : i32
        %parallel_loop3A_395 = tpu.memref_slice %arg11[%parallel_loop3A_283, %parallel_loop3A_393, %parallel_loop3A_394] : memref<2x128x16xf32, #tpu.memory_space<vmem>> -> memref<1x128x16xf32, #tpu.memory_space<vmem>>
        %parallel_loop3A_396 = tpu.memref_squeeze %parallel_loop3A_395 : memref<1x128x16xf32, #tpu.memory_space<vmem>> -> memref<128x16xf32, #tpu.memory_space<vmem>>
        %parallel_loop3A_397 = tpu.vector_load_idx %parallel_loop3A_396[%parallel_loop3A_385, %add3A_5] : memref<128x16xf32, #tpu.memory_space<vmem>>[vector<16xi32>, vector<16xi32>], vector<16xf32>,
        %parallel_loop3A_398 = arith.addf %parallel_loop3A_392, %parallel_loop3A_397 : vector<16xf32>
        %parallel_loop3A_399 = arith.constant 0.000000e+00 : f32
        %parallel_loop3A_400 = vector.broadcast %parallel_loop3A_399 : f32 to vector<16xf32>
        %parallel_loop3A_401 = arith.cmpf ogt, %parallel_loop3A_398, %parallel_loop3A_400 : vector<16xf32>
        %parallel_loop3A_402 = arith.constant 2.000000e-01 : f32
        %parallel_loop3A_403 = vector.broadcast %parallel_loop3A_402 : f32 to vector<16xf32>
        %parallel_loop3A_404 = arith.mulf %parallel_loop3A_403, %parallel_loop3A_398 : vector<16xf32>
        %parallel_loop3A_405 = arith.select %parallel_loop3A_401, %parallel_loop3A_398, %parallel_loop3A_404 : vector<16xi1>, vector<16xf32>
        %parallel_loop3A_406 = math.exp %parallel_loop3A_405 : vector<16xf32>
        %parallel_loop3A_407 = arith.constant 0 : i32
        %parallel_loop3A_408 = arith.constant 0 : i32
        %parallel_loop3A_409 = tpu.memref_slice %arg13[%parallel_loop3A_283, %parallel_loop3A_407, %parallel_loop3A_408] : memref<2x128x16xf32, #tpu.memory_space<vmem>> -> memref<1x128x16xf32, #tpu.memory_space<vmem>>
        %parallel_loop3A_410 = tpu.memref_squeeze %parallel_loop3A_409 : memref<1x128x16xf32, #tpu.memory_space<vmem>> -> memref<128x16xf32, #tpu.memory_space<vmem>>
        %parallel_loop3A_411 = arith.index_cast %parallel_loop3A_384 : i32 to index
        %parallel_loop3A_412 = arith.constant 0 : index
        %parallel_loop3A_413 = tpu.vector_load %parallel_loop3A_410[%parallel_loop3A_411, %parallel_loop3A_412] {strides = array<i32>} : memref<128x16xf32, #tpu.memory_space<vmem>>, vector<16xf32>,
        tpu.vector_store %parallel_loop3A_410[%parallel_loop3A_411, %parallel_loop3A_412], %parallel_loop3A_406 {strides = array<i32>} : memref<128x16xf32, #tpu.memory_space<vmem>>, vector<16xf32>,
        %parallel_loop3A_414 = arith.constant 0 : i32
        %parallel_loop3A_415 = arith.constant 0 : i32
        %parallel_loop3A_416 = tpu.memref_slice %arg12[%parallel_loop3A_283, %parallel_loop3A_414, %parallel_loop3A_415] : memref<2x128x64xbf16, #tpu.memory_space<vmem>> -> memref<1x128x64xbf16, #tpu.memory_space<vmem>>
        %parallel_loop3A_417 = tpu.memref_squeeze %parallel_loop3A_416 : memref<1x128x64xbf16, #tpu.memory_space<vmem>> -> memref<128x64xbf16, #tpu.memory_space<vmem>>
        %parallel_loop3A_418 = arith.index_cast %parallel_loop3A_384 : i32 to index
        %parallel_loop3A_419 = arith.constant 0 : index
        %parallel_loop3A_420 = tpu.vector_load %parallel_loop3A_417[%parallel_loop3A_418, %parallel_loop3A_419] {strides = array<i32>} : memref<128x64xbf16, #tpu.memory_space<vmem>>, vector<32xbf16>,
        %parallel_loop3A_421 = tpu.unpack_subelements %parallel_loop3A_420, 0 {pack_format = #tpu.pack_format<interleaved>} : vector<32xbf16> -> vector<16xf32>
        %parallel_loop3A_422 = tpu.unpack_subelements %parallel_loop3A_420, 1 {pack_format = #tpu.pack_format<interleaved>} : vector<32xbf16> -> vector<16xf32>
        %parallel_loop3A_423 = arith.constant 0 : i32
        %parallel_loop3A_424 = vector.broadcast %parallel_loop3A_423 : i32 to vector<16xi32>
        %parallel_loop3A_425 = arith.cmpi slt, %add3A_10, %parallel_loop3A_424 : vector<16xi32>
        %parallel_loop3A_426 = arith.constant 16 : i32
        %parallel_loop3A_427 = vector.broadcast %parallel_loop3A_426 : i32 to vector<16xi32>
        %parallel_loop3A_428 = arith.addi %add3A_10, %parallel_loop3A_427 : vector<16xi32>
        %parallel_loop3A_429 = arith.select %parallel_loop3A_425, %parallel_loop3A_428, %add3A_10 : vector<16xi1>, vector<16xi32>
        %parallel_loop3A_430 = vector.shape_cast %parallel_loop3A_429 : vector<16xi32> to vector<16x1xi32>
        %parallel_loop3A_431 = vector.shape_cast %parallel_loop3A_430 : vector<16x1xi32> to vector<16xi32>
        %parallel_loop3A_432 = tpu.dynamic_gather %parallel_loop3A_406[%parallel_loop3A_431] in [0] : vector<16xf32>, vector<16xi32> -> vector<16xf32>
        %parallel_loop3A_433 = arith.mulf %parallel_loop3A_432, %parallel_loop3A_421 : vector<16xf32>
        %parallel_loop3A_434 = arith.constant 0 : i32
        %parallel_loop3A_435 = arith.constant 0 : i32
        %parallel_loop3A_436 = tpu.memref_slice %arg14[%parallel_loop3A_283, %parallel_loop3A_434, %parallel_loop3A_435] : memref<2x128x64xf32, #tpu.memory_space<vmem>> -> memref<1x128x64xf32, #tpu.memory_space<vmem>>
        %parallel_loop3A_437 = tpu.memref_squeeze %parallel_loop3A_436 : memref<1x128x64xf32, #tpu.memory_space<vmem>> -> memref<128x64xf32, #tpu.memory_space<vmem>>
        %parallel_loop3A_438 = arith.index_cast %parallel_loop3A_384 : i32 to index
        %parallel_loop3A_439 = arith.constant 0 : index
        %parallel_loop3A_440 = tpu.vector_load %parallel_loop3A_437[%parallel_loop3A_438, %parallel_loop3A_439] {strides = array<i32>} : memref<128x64xf32, #tpu.memory_space<vmem>>, vector<16xf32>,
        tpu.vector_store %parallel_loop3A_437[%parallel_loop3A_438, %parallel_loop3A_439], %parallel_loop3A_433 {strides = array<i32>} : memref<128x64xf32, #tpu.memory_space<vmem>>, vector<16xf32>,
        %parallel_loop3A_441 = arith.constant 0 : i32
        %parallel_loop3A_442 = vector.broadcast %parallel_loop3A_441 : i32 to vector<16xi32>
        %parallel_loop3A_443 = arith.cmpi slt, %add3A_16, %parallel_loop3A_442 : vector<16xi32>
        %parallel_loop3A_444 = arith.constant 16 : i32
        %parallel_loop3A_445 = vector.broadcast %parallel_loop3A_444 : i32 to vector<16xi32>
        %parallel_loop3A_446 = arith.addi %add3A_16, %parallel_loop3A_445 : vector<16xi32>
        %parallel_loop3A_447 = arith.select %parallel_loop3A_443, %parallel_loop3A_446, %add3A_16 : vector<16xi1>, vector<16xi32>
        %parallel_loop3A_448 = vector.shape_cast %parallel_loop3A_447 : vector<16xi32> to vector<16x1xi32>
        %parallel_loop3A_449 = vector.shape_cast %parallel_loop3A_448 : vector<16x1xi32> to vector<16xi32>
        %parallel_loop3A_450 = tpu.dynamic_gather %parallel_loop3A_406[%parallel_loop3A_449] in [0] : vector<16xf32>, vector<16xi32> -> vector<16xf32>
        %parallel_loop3A_451 = arith.mulf %parallel_loop3A_450, %parallel_loop3A_422 : vector<16xf32>
        %parallel_loop3A_452 = arith.constant 0 : i32
        %parallel_loop3A_453 = arith.constant 0 : i32
        %parallel_loop3A_454 = tpu.memref_slice %arg14[%parallel_loop3A_283, %parallel_loop3A_452, %parallel_loop3A_453] : memref<2x128x64xf32, #tpu.memory_space<vmem>> -> memref<1x128x64xf32, #tpu.memory_space<vmem>>
        %parallel_loop3A_455 = tpu.memref_squeeze %parallel_loop3A_454 : memref<1x128x64xf32, #tpu.memory_space<vmem>> -> memref<128x64xf32, #tpu.memory_space<vmem>>
        %parallel_loop3A_456 = arith.index_cast %parallel_loop3A_384 : i32 to index
        %parallel_loop3A_457 = arith.constant 16 : index
        %parallel_loop3A_458 = tpu.vector_load %parallel_loop3A_455[%parallel_loop3A_456, %parallel_loop3A_457] {strides = array<i32>} : memref<128x64xf32, #tpu.memory_space<vmem>>, vector<16xf32>,
        tpu.vector_store %parallel_loop3A_455[%parallel_loop3A_456, %parallel_loop3A_457], %parallel_loop3A_451 {strides = array<i32>} : memref<128x64xf32, #tpu.memory_space<vmem>>, vector<16xf32>,
        %parallel_loop3A_459 = arith.constant 0 : i32
        %parallel_loop3A_460 = arith.constant 0 : i32
        %parallel_loop3A_461 = tpu.memref_slice %arg12[%parallel_loop3A_283, %parallel_loop3A_459, %parallel_loop3A_460] : memref<2x128x64xbf16, #tpu.memory_space<vmem>> -> memref<1x128x64xbf16, #tpu.memory_space<vmem>>
        %parallel_loop3A_462 = tpu.memref_squeeze %parallel_loop3A_461 : memref<1x128x64xbf16, #tpu.memory_space<vmem>> -> memref<128x64xbf16, #tpu.memory_space<vmem>>
        %parallel_loop3A_463 = arith.index_cast %parallel_loop3A_384 : i32 to index
        %parallel_loop3A_464 = arith.constant 32 : index
        %parallel_loop3A_465 = tpu.vector_load %parallel_loop3A_462[%parallel_loop3A_463, %parallel_loop3A_464] {strides = array<i32>} : memref<128x64xbf16, #tpu.memory_space<vmem>>, vector<32xbf16>,
        %parallel_loop3A_466 = tpu.unpack_subelements %parallel_loop3A_465, 0 {pack_format = #tpu.pack_format<interleaved>} : vector<32xbf16> -> vector<16xf32>
        %parallel_loop3A_467 = tpu.unpack_subelements %parallel_loop3A_465, 1 {pack_format = #tpu.pack_format<interleaved>} : vector<32xbf16> -> vector<16xf32>
        %parallel_loop3A_468 = arith.constant 0 : i32
        %parallel_loop3A_469 = vector.broadcast %parallel_loop3A_468 : i32 to vector<16xi32>
        %parallel_loop3A_470 = arith.cmpi slt, %add3A_22, %parallel_loop3A_469 : vector<16xi32>
        %parallel_loop3A_471 = arith.constant 16 : i32
        %parallel_loop3A_472 = vector.broadcast %parallel_loop3A_471 : i32 to vector<16xi32>
        %parallel_loop3A_473 = arith.addi %add3A_22, %parallel_loop3A_472 : vector<16xi32>
        %parallel_loop3A_474 = arith.select %parallel_loop3A_470, %parallel_loop3A_473, %add3A_22 : vector<16xi1>, vector<16xi32>
        %parallel_loop3A_475 = vector.shape_cast %parallel_loop3A_474 : vector<16xi32> to vector<16x1xi32>
        %parallel_loop3A_476 = vector.shape_cast %parallel_loop3A_475 : vector<16x1xi32> to vector<16xi32>
        %parallel_loop3A_477 = tpu.dynamic_gather %parallel_loop3A_406[%parallel_loop3A_476] in [0] : vector<16xf32>, vector<16xi32> -> vector<16xf32>
        %parallel_loop3A_478 = arith.mulf %parallel_loop3A_477, %parallel_loop3A_466 : vector<16xf32>
        %parallel_loop3A_479 = arith.constant 0 : i32
        %parallel_loop3A_480 = arith.constant 0 : i32
        %parallel_loop3A_481 = tpu.memref_slice %arg14[%parallel_loop3A_283, %parallel_loop3A_479, %parallel_loop3A_480] : memref<2x128x64xf32, #tpu.memory_space<vmem>> -> memref<1x128x64xf32, #tpu.memory_space<vmem>>
        %parallel_loop3A_482 = tpu.memref_squeeze %parallel_loop3A_481 : memref<1x128x64xf32, #tpu.memory_space<vmem>> -> memref<128x64xf32, #tpu.memory_space<vmem>>
        %parallel_loop3A_483 = arith.index_cast %parallel_loop3A_384 : i32 to index
        %parallel_loop3A_484 = arith.constant 32 : index
        %parallel_loop3A_485 = tpu.vector_load %parallel_loop3A_482[%parallel_loop3A_483, %parallel_loop3A_484] {strides = array<i32>} : memref<128x64xf32, #tpu.memory_space<vmem>>, vector<16xf32>,
        tpu.vector_store %parallel_loop3A_482[%parallel_loop3A_483, %parallel_loop3A_484], %parallel_loop3A_478 {strides = array<i32>} : memref<128x64xf32, #tpu.memory_space<vmem>>, vector<16xf32>,
        %parallel_loop3A_486 = arith.constant 0 : i32
        %parallel_loop3A_487 = vector.broadcast %parallel_loop3A_486 : i32 to vector<16xi32>
        %parallel_loop3A_488 = arith.cmpi slt, %add3A_28, %parallel_loop3A_487 : vector<16xi32>
        %parallel_loop3A_489 = arith.constant 16 : i32
        %parallel_loop3A_490 = vector.broadcast %parallel_loop3A_489 : i32 to vector<16xi32>
        %parallel_loop3A_491 = arith.addi %add3A_28, %parallel_loop3A_490 : vector<16xi32>
        %parallel_loop3A_492 = arith.select %parallel_loop3A_488, %parallel_loop3A_491, %add3A_28 : vector<16xi1>, vector<16xi32>
        %parallel_loop3A_493 = vector.shape_cast %parallel_loop3A_492 : vector<16xi32> to vector<16x1xi32>
        %parallel_loop3A_494 = vector.shape_cast %parallel_loop3A_493 : vector<16x1xi32> to vector<16xi32>
        %parallel_loop3A_495 = tpu.dynamic_gather %parallel_loop3A_406[%parallel_loop3A_494] in [0] : vector<16xf32>, vector<16xi32> -> vector<16xf32>
        %parallel_loop3A_496 = arith.mulf %parallel_loop3A_495, %parallel_loop3A_467 : vector<16xf32>
        %parallel_loop3A_497 = arith.constant 0 : i32
        %parallel_loop3A_498 = arith.constant 0 : i32
        %parallel_loop3A_499 = tpu.memref_slice %arg14[%parallel_loop3A_283, %parallel_loop3A_497, %parallel_loop3A_498] : memref<2x128x64xf32, #tpu.memory_space<vmem>> -> memref<1x128x64xf32, #tpu.memory_space<vmem>>
        %parallel_loop3A_500 = tpu.memref_squeeze %parallel_loop3A_499 : memref<1x128x64xf32, #tpu.memory_space<vmem>> -> memref<128x64xf32, #tpu.memory_space<vmem>>
        %parallel_loop3A_501 = arith.index_cast %parallel_loop3A_384 : i32 to index
        %parallel_loop3A_502 = arith.constant 48 : index
        %parallel_loop3A_503 = tpu.vector_load %parallel_loop3A_500[%parallel_loop3A_501, %parallel_loop3A_502] {strides = array<i32>} : memref<128x64xf32, #tpu.memory_space<vmem>>, vector<16xf32>,
        tpu.vector_store %parallel_loop3A_500[%parallel_loop3A_501, %parallel_loop3A_502], %parallel_loop3A_496 {strides = array<i32>} : memref<128x64xf32, #tpu.memory_space<vmem>>, vector<16xf32>,
      } {sc.loop_unroll_factor = 4 : i64, sc.parallel_access}
      %dma_start3A_284 = arith.constant 0 : i32
      %dma_start3A_285 = arith.constant 0 : i32
      %dma_start3A_286 = arith.constant 0 : i32
      %dma_start3A_287 = tpu.memref_slice %arg14[%dma_start3A_284, %dma_start3A_285, %dma_start3A_286] : memref<2x128x64xf32, #tpu.memory_space<vmem>> -> memref<1x128x64xf32, #tpu.memory_space<vmem>>
      %dma_start3A_288 = tpu.memref_squeeze %dma_start3A_287 : memref<1x128x64xf32, #tpu.memory_space<vmem>> -> memref<128x64xf32, #tpu.memory_space<vmem>>
      %dma_start3A_289 = arith.constant 0 : i32
      %dma_start3A_290 = tpu.memref_slice %arg9[%add3A_243, %dma_start3A_289] : memref<80x128xi32, #tpu.memory_space<vmem>> -> memref<1x128xi32, #tpu.memory_space<vmem>>
      %dma_start3A_291 = tpu.memref_squeeze %dma_start3A_290 : memref<1x128xi32, #tpu.memory_space<vmem>> -> memref<128xi32, #tpu.memory_space<vmem>>
      %dma_start3A_292 = arith.constant 0 : i32
      %dma_start3A_293 = arith.constant 0 : i32
      %dma_start3A_294 = tpu.memref_slice %arg15[%dma_start3A_292, %dma_start3A_293] : memref<10128x64xf32, #tpu.memory_space<vmem_shared>> -> memref<10128x64xf32, #tpu.memory_space<vmem_shared>>
      tpu.enqueue_indirect_dma source(%dma_start3A_288 : memref<128x64xf32, #tpu.memory_space<vmem>>) target(%dma_start3A_294 : memref<10128x64xf32, #tpu.memory_space<vmem_shared>>) offsets(%dma_start3A_291 : memref<128xi32, #tpu.memory_space<vmem>>) semaphore(%arg19 : memref<!tpu.dma_semaphore, #tpu.memory_space<semaphore_mem>>) {add = true}
      %dma_start3A_295 = arith.constant 0 : i32
      %dma_start3A_296 = arith.constant 0 : i32
      %dma_start3A_297 = arith.constant 0 : i32
      %dma_start3A_298 = tpu.memref_slice %arg13[%dma_start3A_295, %dma_start3A_296, %dma_start3A_297] : memref<2x128x16xf32, #tpu.memory_space<vmem>> -> memref<1x128x16xf32, #tpu.memory_space<vmem>>
      %dma_start3A_299 = tpu.memref_squeeze %dma_start3A_298 : memref<1x128x16xf32, #tpu.memory_space<vmem>> -> memref<128x16xf32, #tpu.memory_space<vmem>>
      %dma_start3A_300 = arith.constant 0 : i32
      %dma_start3A_301 = tpu.memref_slice %arg9[%add3A_243, %dma_start3A_300] : memref<80x128xi32, #tpu.memory_space<vmem>> -> memref<1x128xi32, #tpu.memory_space<vmem>>
      %dma_start3A_302 = tpu.memref_squeeze %dma_start3A_301 : memref<1x128xi32, #tpu.memory_space<vmem>> -> memref<128xi32, #tpu.memory_space<vmem>>
      %dma_start3A_303 = arith.constant 0 : i32
      %dma_start3A_304 = arith.constant 0 : i32
      %dma_start3A_305 = tpu.memref_slice %arg16[%dma_start3A_303, %dma_start3A_304] : memref<10128x16xf32, #tpu.memory_space<vmem_shared>> -> memref<10128x16xf32, #tpu.memory_space<vmem_shared>>
      tpu.enqueue_indirect_dma source(%dma_start3A_299 : memref<128x16xf32, #tpu.memory_space<vmem>>) target(%dma_start3A_305 : memref<10128x16xf32, #tpu.memory_space<vmem_shared>>) offsets(%dma_start3A_302 : memref<128xi32, #tpu.memory_space<vmem>>) semaphore(%arg19 : memref<!tpu.dma_semaphore, #tpu.memory_space<semaphore_mem>>) {add = true}
      %lt3A_306 = arith.constant 39 : i32
      %lt3A_307 = arith.cmpi slt, %while3A_239, %lt3A_306 : i32
      %convert_element_type3A_308 = arith.extui %lt3A_307 : i1 to i32
      %cond3A_309 = arith.constant 0 : i32
      %cond3A_310 = arith.cmpi ne, %convert_element_type3A_308, %cond3A_309 : i32
      scf.if %cond3A_310 {
        %add3A_384 = arith.constant 2 : i32
        %add3A_385 = arith.addi %add3A_243, %add3A_384 : i32
        %dma_start3A_386 = arith.constant 0 : i32
        %dma_start3A_387 = arith.constant 0 : i32
        %dma_start3A_388 = arith.constant 0 : i32
        %dma_start3A_389 = tpu.memref_slice %arg10[%dma_start3A_386, %dma_start3A_387, %dma_start3A_388] : memref<2x128x16xf32, #tpu.memory_space<vmem>> -> memref<1x128x16xf32, #tpu.memory_space<vmem>>
        %dma_start3A_390 = tpu.memref_squeeze %dma_start3A_389 : memref<1x128x16xf32, #tpu.memory_space<vmem>> -> memref<128x16xf32, #tpu.memory_space<vmem>>
        %dma_start3A_391 = arith.constant 0 : i32
        %dma_start3A_392 = tpu.memref_slice %arg8[%add3A_385, %dma_start3A_391] : memref<80x128xi32, #tpu.memory_space<vmem>> -> memref<1x128xi32, #tpu.memory_space<vmem>>
        %dma_start3A_393 = tpu.memref_squeeze %dma_start3A_392 : memref<1x128xi32, #tpu.memory_space<vmem>> -> memref<128xi32, #tpu.memory_space<vmem>>
        %dma_start3A_394 = arith.constant 0 : i32
        %dma_start3A_395 = arith.constant 0 : i32
        %dma_start3A_396 = tpu.memref_slice %arg4[%dma_start3A_394, %dma_start3A_395] : memref<10000x16xf32, #tpu.memory_space<hbm>> -> memref<10000x16xf32, #tpu.memory_space<hbm>>
        tpu.enqueue_indirect_dma source(%dma_start3A_396 : memref<10000x16xf32, #tpu.memory_space<hbm>>) target(%dma_start3A_390 : memref<128x16xf32, #tpu.memory_space<vmem>>) offsets(%dma_start3A_393 : memref<128xi32, #tpu.memory_space<vmem>>) semaphore(%arg17 : memref<!tpu.dma_semaphore, #tpu.memory_space<semaphore_mem>>)
        %dma_start3A_397 = arith.constant 0 : i32
        %dma_start3A_398 = arith.constant 0 : i32
        %dma_start3A_399 = arith.constant 0 : i32
        %dma_start3A_400 = tpu.memref_slice %arg11[%dma_start3A_397, %dma_start3A_398, %dma_start3A_399] : memref<2x128x16xf32, #tpu.memory_space<vmem>> -> memref<1x128x16xf32, #tpu.memory_space<vmem>>
        %dma_start3A_401 = tpu.memref_squeeze %dma_start3A_400 : memref<1x128x16xf32, #tpu.memory_space<vmem>> -> memref<128x16xf32, #tpu.memory_space<vmem>>
        %dma_start3A_402 = arith.constant 0 : i32
        %dma_start3A_403 = tpu.memref_slice %arg9[%add3A_385, %dma_start3A_402] : memref<80x128xi32, #tpu.memory_space<vmem>> -> memref<1x128xi32, #tpu.memory_space<vmem>>
        %dma_start3A_404 = tpu.memref_squeeze %dma_start3A_403 : memref<1x128xi32, #tpu.memory_space<vmem>> -> memref<128xi32, #tpu.memory_space<vmem>>
        %dma_start3A_405 = arith.constant 0 : i32
        %dma_start3A_406 = arith.constant 0 : i32
        %dma_start3A_407 = tpu.memref_slice %arg4[%dma_start3A_405, %dma_start3A_406] : memref<10000x16xf32, #tpu.memory_space<hbm>> -> memref<10000x16xf32, #tpu.memory_space<hbm>>
        tpu.enqueue_indirect_dma source(%dma_start3A_407 : memref<10000x16xf32, #tpu.memory_space<hbm>>) target(%dma_start3A_401 : memref<128x16xf32, #tpu.memory_space<vmem>>) offsets(%dma_start3A_404 : memref<128xi32, #tpu.memory_space<vmem>>) semaphore(%arg17 : memref<!tpu.dma_semaphore, #tpu.memory_space<semaphore_mem>>)
        %dma_start3A_408 = arith.constant 0 : i32
        %dma_start3A_409 = arith.constant 0 : i32
        %dma_start3A_410 = arith.constant 0 : i32
        %dma_start3A_411 = tpu.memref_slice %arg12[%dma_start3A_408, %dma_start3A_409, %dma_start3A_410] : memref<2x128x64xbf16, #tpu.memory_space<vmem>> -> memref<1x128x64xbf16, #tpu.memory_space<vmem>>
        %dma_start3A_412 = tpu.memref_squeeze %dma_start3A_411 : memref<1x128x64xbf16, #tpu.memory_space<vmem>> -> memref<128x64xbf16, #tpu.memory_space<vmem>>
        %dma_start3A_413 = arith.constant 0 : i32
        %dma_start3A_414 = tpu.memref_slice %arg8[%add3A_385, %dma_start3A_413] : memref<80x128xi32, #tpu.memory_space<vmem>> -> memref<1x128xi32, #tpu.memory_space<vmem>>
        %dma_start3A_415 = tpu.memref_squeeze %dma_start3A_414 : memref<1x128xi32, #tpu.memory_space<vmem>> -> memref<128xi32, #tpu.memory_space<vmem>>
        %dma_start3A_416 = arith.constant 0 : i32
        %dma_start3A_417 = arith.constant 0 : i32
        %dma_start3A_418 = tpu.memref_slice %arg5[%dma_start3A_416, %dma_start3A_417] : memref<10000x64xbf16, #tpu.memory_space<hbm>> -> memref<10000x64xbf16, #tpu.memory_space<hbm>>
        tpu.enqueue_indirect_dma source(%dma_start3A_418 : memref<10000x64xbf16, #tpu.memory_space<hbm>>) target(%dma_start3A_412 : memref<128x64xbf16, #tpu.memory_space<vmem>>) offsets(%dma_start3A_415 : memref<128xi32, #tpu.memory_space<vmem>>) semaphore(%arg17 : memref<!tpu.dma_semaphore, #tpu.memory_space<semaphore_mem>>)
      } else {
      }
      %mul3A_311 = arith.constant 2 : i32
      %mul3A_312 = arith.muli %mul3A_311, %while3A_239 : i32
      %add3A_313 = arith.constant 1 : i32
      %add3A_314 = arith.addi %mul3A_312, %add3A_313 : i32
      %dma_wait3A_315 = arith.constant 1 : i32
      %dma_wait3A_316 = arith.constant 0 : i32
      %dma_wait3A_317 = arith.constant 0 : i32
      %dma_wait3A_318 = tpu.memref_slice %arg10[%dma_wait3A_315, %dma_wait3A_316, %dma_wait3A_317] : memref<2x128x16xf32, #tpu.memory_space<vmem>> -> memref<1x128x16xf32, #tpu.memory_space<vmem>>
      %dma_wait3A_319 = tpu.memref_squeeze %dma_wait3A_318 : memref<1x128x16xf32, #tpu.memory_space<vmem>> -> memref<128x16xf32, #tpu.memory_space<vmem>>
      %dma_wait3A_320 = arith.constant 0 : i32
      %dma_wait3A_321 = tpu.memref_slice %arg8[%add3A_314, %dma_wait3A_320] : memref<80x128xi32, #tpu.memory_space<vmem>> -> memref<1x128xi32, #tpu.memory_space<vmem>>
      %dma_wait3A_322 = tpu.memref_squeeze %dma_wait3A_321 : memref<1x128xi32, #tpu.memory_space<vmem>> -> memref<128xi32, #tpu.memory_space<vmem>>
      %dma_wait3A_323 = arith.constant 0 : i32
      %dma_wait3A_324 = arith.constant 0 : i32
      %dma_wait3A_325 = tpu.memref_slice %arg4[%dma_wait3A_323, %dma_wait3A_324] : memref<10000x16xf32, #tpu.memory_space<hbm>> -> memref<10000x16xf32, #tpu.memory_space<hbm>>
      tpu.wait_indirect_dma semaphore(%arg18 : memref<!tpu.dma_semaphore, #tpu.memory_space<semaphore_mem>>) src(%dma_wait3A_325 : memref<10000x16xf32, #tpu.memory_space<hbm>>) dst(%dma_wait3A_319 : memref<128x16xf32, #tpu.memory_space<vmem>>)
      %dma_wait3A_326 = arith.constant 1 : i32
      %dma_wait3A_327 = arith.constant 0 : i32
      %dma_wait3A_328 = arith.constant 0 : i32
      %dma_wait3A_329 = tpu.memref_slice %arg11[%dma_wait3A_326, %dma_wait3A_327, %dma_wait3A_328] : memref<2x128x16xf32, #tpu.memory_space<vmem>> -> memref<1x128x16xf32, #tpu.memory_space<vmem>>
      %dma_wait3A_330 = tpu.memref_squeeze %dma_wait3A_329 : memref<1x128x16xf32, #tpu.memory_space<vmem>> -> memref<128x16xf32, #tpu.memory_space<vmem>>
      %dma_wait3A_331 = arith.constant 0 : i32
      %dma_wait3A_332 = tpu.memref_slice %arg9[%add3A_314, %dma_wait3A_331] : memref<80x128xi32, #tpu.memory_space<vmem>> -> memref<1x128xi32, #tpu.memory_space<vmem>>
      %dma_wait3A_333 = tpu.memref_squeeze %dma_wait3A_332 : memref<1x128xi32, #tpu.memory_space<vmem>> -> memref<128xi32, #tpu.memory_space<vmem>>
      %dma_wait3A_334 = arith.constant 0 : i32
      %dma_wait3A_335 = arith.constant 0 : i32
      %dma_wait3A_336 = tpu.memref_slice %arg4[%dma_wait3A_334, %dma_wait3A_335] : memref<10000x16xf32, #tpu.memory_space<hbm>> -> memref<10000x16xf32, #tpu.memory_space<hbm>>
      tpu.wait_indirect_dma semaphore(%arg18 : memref<!tpu.dma_semaphore, #tpu.memory_space<semaphore_mem>>) src(%dma_wait3A_336 : memref<10000x16xf32, #tpu.memory_space<hbm>>) dst(%dma_wait3A_330 : memref<128x16xf32, #tpu.memory_space<vmem>>)
      %dma_wait3A_337 = arith.constant 1 : i32
      %dma_wait3A_338 = arith.constant 0 : i32
      %dma_wait3A_339 = arith.constant 0 : i32
      %dma_wait3A_340 = tpu.memref_slice %arg12[%dma_wait3A_337, %dma_wait3A_338, %dma_wait3A_339] : memref<2x128x64xbf16, #tpu.memory_space<vmem>> -> memref<1x128x64xbf16, #tpu.memory_space<vmem>>
      %dma_wait3A_341 = tpu.memref_squeeze %dma_wait3A_340 : memref<1x128x64xbf16, #tpu.memory_space<vmem>> -> memref<128x64xbf16, #tpu.memory_space<vmem>>
      %dma_wait3A_342 = arith.constant 0 : i32
      %dma_wait3A_343 = tpu.memref_slice %arg8[%add3A_314, %dma_wait3A_342] : memref<80x128xi32, #tpu.memory_space<vmem>> -> memref<1x128xi32, #tpu.memory_space<vmem>>
      %dma_wait3A_344 = tpu.memref_squeeze %dma_wait3A_343 : memref<1x128xi32, #tpu.memory_space<vmem>> -> memref<128xi32, #tpu.memory_space<vmem>>
      %dma_wait3A_345 = arith.constant 0 : i32
      %dma_wait3A_346 = arith.constant 0 : i32
      %dma_wait3A_347 = tpu.memref_slice %arg5[%dma_wait3A_345, %dma_wait3A_346] : memref<10000x64xbf16, #tpu.memory_space<hbm>> -> memref<10000x64xbf16, #tpu.memory_space<hbm>>
      tpu.wait_indirect_dma semaphore(%arg18 : memref<!tpu.dma_semaphore, #tpu.memory_space<semaphore_mem>>) src(%dma_wait3A_347 : memref<10000x64xbf16, #tpu.memory_space<hbm>>) dst(%dma_wait3A_341 : memref<128x64xbf16, #tpu.memory_space<vmem>>)
      %gt3A_348 = arith.constant 0 : i32
      %gt3A_349 = arith.cmpi sgt, %while3A_239, %gt3A_348 : i32
      %convert_element_type3A_350 = arith.extui %gt3A_349 : i1 to i32
      %cond3A_351 = arith.constant 0 : i32
      %cond3A_352 = arith.cmpi ne, %convert_element_type3A_350, %cond3A_351 : i32
      scf.if %cond3A_352 {
        %sub3A = arith.constant 2 : i32
        %sub3A_384 = arith.subi %add3A_314, %sub3A : i32
        %dma_wait3A_385 = arith.constant 1 : i32
        %dma_wait3A_386 = arith.constant 0 : i32
        %dma_wait3A_387 = arith.constant 0 : i32
        %dma_wait3A_388 = tpu.memref_slice %arg14[%dma_wait3A_385, %dma_wait3A_386, %dma_wait3A_387] : memref<2x128x64xf32, #tpu.memory_space<vmem>> -> memref<1x128x64xf32, #tpu.memory_space<vmem>>
        %dma_wait3A_389 = tpu.memref_squeeze %dma_wait3A_388 : memref<1x128x64xf32, #tpu.memory_space<vmem>> -> memref<128x64xf32, #tpu.memory_space<vmem>>
        %dma_wait3A_390 = arith.constant 0 : i32
        %dma_wait3A_391 = tpu.memref_slice %arg9[%sub3A_384, %dma_wait3A_390] : memref<80x128xi32, #tpu.memory_space<vmem>> -> memref<1x128xi32, #tpu.memory_space<vmem>>
        %dma_wait3A_392 = tpu.memref_squeeze %dma_wait3A_391 : memref<1x128xi32, #tpu.memory_space<vmem>> -> memref<128xi32, #tpu.memory_space<vmem>>
        %dma_wait3A_393 = arith.constant 0 : i32
        %dma_wait3A_394 = arith.constant 0 : i32
        %dma_wait3A_395 = tpu.memref_slice %arg15[%dma_wait3A_393, %dma_wait3A_394] : memref<10128x64xf32, #tpu.memory_space<vmem_shared>> -> memref<10128x64xf32, #tpu.memory_space<vmem_shared>>
        tpu.wait_indirect_dma semaphore(%arg20 : memref<!tpu.dma_semaphore, #tpu.memory_space<semaphore_mem>>) src(%dma_wait3A_389 : memref<128x64xf32, #tpu.memory_space<vmem>>) dst(%dma_wait3A_395 : memref<10128x64xf32, #tpu.memory_space<vmem_shared>>)
        %dma_wait3A_396 = arith.constant 1 : i32
        %dma_wait3A_397 = arith.constant 0 : i32
        %dma_wait3A_398 = arith.constant 0 : i32
        %dma_wait3A_399 = tpu.memref_slice %arg13[%dma_wait3A_396, %dma_wait3A_397, %dma_wait3A_398] : memref<2x128x16xf32, #tpu.memory_space<vmem>> -> memref<1x128x16xf32, #tpu.memory_space<vmem>>
        %dma_wait3A_400 = tpu.memref_squeeze %dma_wait3A_399 : memref<1x128x16xf32, #tpu.memory_space<vmem>> -> memref<128x16xf32, #tpu.memory_space<vmem>>
        %dma_wait3A_401 = arith.constant 0 : i32
        %dma_wait3A_402 = tpu.memref_slice %arg9[%sub3A_384, %dma_wait3A_401] : memref<80x128xi32, #tpu.memory_space<vmem>> -> memref<1x128xi32, #tpu.memory_space<vmem>>
        %dma_wait3A_403 = tpu.memref_squeeze %dma_wait3A_402 : memref<1x128xi32, #tpu.memory_space<vmem>> -> memref<128xi32, #tpu.memory_space<vmem>>
        %dma_wait3A_404 = arith.constant 0 : i32
        %dma_wait3A_405 = arith.constant 0 : i32
        %dma_wait3A_406 = tpu.memref_slice %arg16[%dma_wait3A_404, %dma_wait3A_405] : memref<10128x16xf32, #tpu.memory_space<vmem_shared>> -> memref<10128x16xf32, #tpu.memory_space<vmem_shared>>
        tpu.wait_indirect_dma semaphore(%arg20 : memref<!tpu.dma_semaphore, #tpu.memory_space<semaphore_mem>>) src(%dma_wait3A_400 : memref<128x16xf32, #tpu.memory_space<vmem>>) dst(%dma_wait3A_406 : memref<10128x16xf32, #tpu.memory_space<vmem_shared>>)
      } else {
      }
      %parallel_loop3A_353 = arith.constant 0 : i32
      %parallel_loop3A_354 = arith.constant 128 : i32
      %parallel_loop3A_355 = arith.constant 1 : i32
      %parallel_loop3A_356 = arith.constant 1 : i32
      scf.for %parallel_loop3A_384 = %parallel_loop3A_353 to %parallel_loop3A_354 step %parallel_loop3A_355  : i32 {
        %parallel_loop3A_385 = vector.broadcast %parallel_loop3A_384 : i32 to vector<16xi32>
        %parallel_loop3A_386 = arith.constant 0 : i32
        %parallel_loop3A_387 = arith.constant 0 : i32
        %parallel_loop3A_388 = tpu.memref_slice %arg10[%parallel_loop3A_356, %parallel_loop3A_386, %parallel_loop3A_387] : memref<2x128x16xf32, #tpu.memory_space<vmem>> -> memref<1x128x16xf32, #tpu.memory_space<vmem>>
        %parallel_loop3A_389 = tpu.memref_squeeze %parallel_loop3A_388 : memref<1x128x16xf32, #tpu.memory_space<vmem>> -> memref<128x16xf32, #tpu.memory_space<vmem>>
        %parallel_loop3A_390 = arith.index_cast %parallel_loop3A_384 : i32 to index
        %parallel_loop3A_391 = arith.constant 0 : index
        %parallel_loop3A_392 = tpu.vector_load %parallel_loop3A_389[%parallel_loop3A_390, %parallel_loop3A_391] {strides = array<i32>} : memref<128x16xf32, #tpu.memory_space<vmem>>, vector<16xf32>,
        %parallel_loop3A_393 = arith.constant 0 : i32
        %parallel_loop3A_394 = arith.constant 0 : i32
        %parallel_loop3A_395 = tpu.memref_slice %arg11[%parallel_loop3A_356, %parallel_loop3A_393, %parallel_loop3A_394] : memref<2x128x16xf32, #tpu.memory_space<vmem>> -> memref<1x128x16xf32, #tpu.memory_space<vmem>>
        %parallel_loop3A_396 = tpu.memref_squeeze %parallel_loop3A_395 : memref<1x128x16xf32, #tpu.memory_space<vmem>> -> memref<128x16xf32, #tpu.memory_space<vmem>>
        %parallel_loop3A_397 = tpu.vector_load_idx %parallel_loop3A_396[%parallel_loop3A_385, %add3A_5] : memref<128x16xf32, #tpu.memory_space<vmem>>[vector<16xi32>, vector<16xi32>], vector<16xf32>,
        %parallel_loop3A_398 = arith.addf %parallel_loop3A_392, %parallel_loop3A_397 : vector<16xf32>
        %parallel_loop3A_399 = arith.constant 0.000000e+00 : f32
        %parallel_loop3A_400 = vector.broadcast %parallel_loop3A_399 : f32 to vector<16xf32>
        %parallel_loop3A_401 = arith.cmpf ogt, %parallel_loop3A_398, %parallel_loop3A_400 : vector<16xf32>
        %parallel_loop3A_402 = arith.constant 2.000000e-01 : f32
        %parallel_loop3A_403 = vector.broadcast %parallel_loop3A_402 : f32 to vector<16xf32>
        %parallel_loop3A_404 = arith.mulf %parallel_loop3A_403, %parallel_loop3A_398 : vector<16xf32>
        %parallel_loop3A_405 = arith.select %parallel_loop3A_401, %parallel_loop3A_398, %parallel_loop3A_404 : vector<16xi1>, vector<16xf32>
        %parallel_loop3A_406 = math.exp %parallel_loop3A_405 : vector<16xf32>
        %parallel_loop3A_407 = arith.constant 0 : i32
        %parallel_loop3A_408 = arith.constant 0 : i32
        %parallel_loop3A_409 = tpu.memref_slice %arg13[%parallel_loop3A_356, %parallel_loop3A_407, %parallel_loop3A_408] : memref<2x128x16xf32, #tpu.memory_space<vmem>> -> memref<1x128x16xf32, #tpu.memory_space<vmem>>
        %parallel_loop3A_410 = tpu.memref_squeeze %parallel_loop3A_409 : memref<1x128x16xf32, #tpu.memory_space<vmem>> -> memref<128x16xf32, #tpu.memory_space<vmem>>
        %parallel_loop3A_411 = arith.index_cast %parallel_loop3A_384 : i32 to index
        %parallel_loop3A_412 = arith.constant 0 : index
        %parallel_loop3A_413 = tpu.vector_load %parallel_loop3A_410[%parallel_loop3A_411, %parallel_loop3A_412] {strides = array<i32>} : memref<128x16xf32, #tpu.memory_space<vmem>>, vector<16xf32>,
        tpu.vector_store %parallel_loop3A_410[%parallel_loop3A_411, %parallel_loop3A_412], %parallel_loop3A_406 {strides = array<i32>} : memref<128x16xf32, #tpu.memory_space<vmem>>, vector<16xf32>,
        %parallel_loop3A_414 = arith.constant 0 : i32
        %parallel_loop3A_415 = arith.constant 0 : i32
        %parallel_loop3A_416 = tpu.memref_slice %arg12[%parallel_loop3A_356, %parallel_loop3A_414, %parallel_loop3A_415] : memref<2x128x64xbf16, #tpu.memory_space<vmem>> -> memref<1x128x64xbf16, #tpu.memory_space<vmem>>
        %parallel_loop3A_417 = tpu.memref_squeeze %parallel_loop3A_416 : memref<1x128x64xbf16, #tpu.memory_space<vmem>> -> memref<128x64xbf16, #tpu.memory_space<vmem>>
        %parallel_loop3A_418 = arith.index_cast %parallel_loop3A_384 : i32 to index
        %parallel_loop3A_419 = arith.constant 0 : index
        %parallel_loop3A_420 = tpu.vector_load %parallel_loop3A_417[%parallel_loop3A_418, %parallel_loop3A_419] {strides = array<i32>} : memref<128x64xbf16, #tpu.memory_space<vmem>>, vector<32xbf16>,
        %parallel_loop3A_421 = tpu.unpack_subelements %parallel_loop3A_420, 0 {pack_format = #tpu.pack_format<interleaved>} : vector<32xbf16> -> vector<16xf32>
        %parallel_loop3A_422 = tpu.unpack_subelements %parallel_loop3A_420, 1 {pack_format = #tpu.pack_format<interleaved>} : vector<32xbf16> -> vector<16xf32>
        %parallel_loop3A_423 = arith.constant 0 : i32
        %parallel_loop3A_424 = vector.broadcast %parallel_loop3A_423 : i32 to vector<16xi32>
        %parallel_loop3A_425 = arith.cmpi slt, %add3A_10, %parallel_loop3A_424 : vector<16xi32>
        %parallel_loop3A_426 = arith.constant 16 : i32
        %parallel_loop3A_427 = vector.broadcast %parallel_loop3A_426 : i32 to vector<16xi32>
        %parallel_loop3A_428 = arith.addi %add3A_10, %parallel_loop3A_427 : vector<16xi32>
        %parallel_loop3A_429 = arith.select %parallel_loop3A_425, %parallel_loop3A_428, %add3A_10 : vector<16xi1>, vector<16xi32>
        %parallel_loop3A_430 = vector.shape_cast %parallel_loop3A_429 : vector<16xi32> to vector<16x1xi32>
        %parallel_loop3A_431 = vector.shape_cast %parallel_loop3A_430 : vector<16x1xi32> to vector<16xi32>
        %parallel_loop3A_432 = tpu.dynamic_gather %parallel_loop3A_406[%parallel_loop3A_431] in [0] : vector<16xf32>, vector<16xi32> -> vector<16xf32>
        %parallel_loop3A_433 = arith.mulf %parallel_loop3A_432, %parallel_loop3A_421 : vector<16xf32>
        %parallel_loop3A_434 = arith.constant 0 : i32
        %parallel_loop3A_435 = arith.constant 0 : i32
        %parallel_loop3A_436 = tpu.memref_slice %arg14[%parallel_loop3A_356, %parallel_loop3A_434, %parallel_loop3A_435] : memref<2x128x64xf32, #tpu.memory_space<vmem>> -> memref<1x128x64xf32, #tpu.memory_space<vmem>>
        %parallel_loop3A_437 = tpu.memref_squeeze %parallel_loop3A_436 : memref<1x128x64xf32, #tpu.memory_space<vmem>> -> memref<128x64xf32, #tpu.memory_space<vmem>>
        %parallel_loop3A_438 = arith.index_cast %parallel_loop3A_384 : i32 to index
        %parallel_loop3A_439 = arith.constant 0 : index
        %parallel_loop3A_440 = tpu.vector_load %parallel_loop3A_437[%parallel_loop3A_438, %parallel_loop3A_439] {strides = array<i32>} : memref<128x64xf32, #tpu.memory_space<vmem>>, vector<16xf32>,
        tpu.vector_store %parallel_loop3A_437[%parallel_loop3A_438, %parallel_loop3A_439], %parallel_loop3A_433 {strides = array<i32>} : memref<128x64xf32, #tpu.memory_space<vmem>>, vector<16xf32>,
        %parallel_loop3A_441 = arith.constant 0 : i32
        %parallel_loop3A_442 = vector.broadcast %parallel_loop3A_441 : i32 to vector<16xi32>
        %parallel_loop3A_443 = arith.cmpi slt, %add3A_16, %parallel_loop3A_442 : vector<16xi32>
        %parallel_loop3A_444 = arith.constant 16 : i32
        %parallel_loop3A_445 = vector.broadcast %parallel_loop3A_444 : i32 to vector<16xi32>
        %parallel_loop3A_446 = arith.addi %add3A_16, %parallel_loop3A_445 : vector<16xi32>
        %parallel_loop3A_447 = arith.select %parallel_loop3A_443, %parallel_loop3A_446, %add3A_16 : vector<16xi1>, vector<16xi32>
        %parallel_loop3A_448 = vector.shape_cast %parallel_loop3A_447 : vector<16xi32> to vector<16x1xi32>
        %parallel_loop3A_449 = vector.shape_cast %parallel_loop3A_448 : vector<16x1xi32> to vector<16xi32>
        %parallel_loop3A_450 = tpu.dynamic_gather %parallel_loop3A_406[%parallel_loop3A_449] in [0] : vector<16xf32>, vector<16xi32> -> vector<16xf32>
        %parallel_loop3A_451 = arith.mulf %parallel_loop3A_450, %parallel_loop3A_422 : vector<16xf32>
        %parallel_loop3A_452 = arith.constant 0 : i32
        %parallel_loop3A_453 = arith.constant 0 : i32
        %parallel_loop3A_454 = tpu.memref_slice %arg14[%parallel_loop3A_356, %parallel_loop3A_452, %parallel_loop3A_453] : memref<2x128x64xf32, #tpu.memory_space<vmem>> -> memref<1x128x64xf32, #tpu.memory_space<vmem>>
        %parallel_loop3A_455 = tpu.memref_squeeze %parallel_loop3A_454 : memref<1x128x64xf32, #tpu.memory_space<vmem>> -> memref<128x64xf32, #tpu.memory_space<vmem>>
        %parallel_loop3A_456 = arith.index_cast %parallel_loop3A_384 : i32 to index
        %parallel_loop3A_457 = arith.constant 16 : index
        %parallel_loop3A_458 = tpu.vector_load %parallel_loop3A_455[%parallel_loop3A_456, %parallel_loop3A_457] {strides = array<i32>} : memref<128x64xf32, #tpu.memory_space<vmem>>, vector<16xf32>,
        tpu.vector_store %parallel_loop3A_455[%parallel_loop3A_456, %parallel_loop3A_457], %parallel_loop3A_451 {strides = array<i32>} : memref<128x64xf32, #tpu.memory_space<vmem>>, vector<16xf32>,
        %parallel_loop3A_459 = arith.constant 0 : i32
        %parallel_loop3A_460 = arith.constant 0 : i32
        %parallel_loop3A_461 = tpu.memref_slice %arg12[%parallel_loop3A_356, %parallel_loop3A_459, %parallel_loop3A_460] : memref<2x128x64xbf16, #tpu.memory_space<vmem>> -> memref<1x128x64xbf16, #tpu.memory_space<vmem>>
        %parallel_loop3A_462 = tpu.memref_squeeze %parallel_loop3A_461 : memref<1x128x64xbf16, #tpu.memory_space<vmem>> -> memref<128x64xbf16, #tpu.memory_space<vmem>>
        %parallel_loop3A_463 = arith.index_cast %parallel_loop3A_384 : i32 to index
        %parallel_loop3A_464 = arith.constant 32 : index
        %parallel_loop3A_465 = tpu.vector_load %parallel_loop3A_462[%parallel_loop3A_463, %parallel_loop3A_464] {strides = array<i32>} : memref<128x64xbf16, #tpu.memory_space<vmem>>, vector<32xbf16>,
        %parallel_loop3A_466 = tpu.unpack_subelements %parallel_loop3A_465, 0 {pack_format = #tpu.pack_format<interleaved>} : vector<32xbf16> -> vector<16xf32>
        %parallel_loop3A_467 = tpu.unpack_subelements %parallel_loop3A_465, 1 {pack_format = #tpu.pack_format<interleaved>} : vector<32xbf16> -> vector<16xf32>
        %parallel_loop3A_468 = arith.constant 0 : i32
        %parallel_loop3A_469 = vector.broadcast %parallel_loop3A_468 : i32 to vector<16xi32>
        %parallel_loop3A_470 = arith.cmpi slt, %add3A_22, %parallel_loop3A_469 : vector<16xi32>
        %parallel_loop3A_471 = arith.constant 16 : i32
        %parallel_loop3A_472 = vector.broadcast %parallel_loop3A_471 : i32 to vector<16xi32>
        %parallel_loop3A_473 = arith.addi %add3A_22, %parallel_loop3A_472 : vector<16xi32>
        %parallel_loop3A_474 = arith.select %parallel_loop3A_470, %parallel_loop3A_473, %add3A_22 : vector<16xi1>, vector<16xi32>
        %parallel_loop3A_475 = vector.shape_cast %parallel_loop3A_474 : vector<16xi32> to vector<16x1xi32>
        %parallel_loop3A_476 = vector.shape_cast %parallel_loop3A_475 : vector<16x1xi32> to vector<16xi32>
        %parallel_loop3A_477 = tpu.dynamic_gather %parallel_loop3A_406[%parallel_loop3A_476] in [0] : vector<16xf32>, vector<16xi32> -> vector<16xf32>
        %parallel_loop3A_478 = arith.mulf %parallel_loop3A_477, %parallel_loop3A_466 : vector<16xf32>
        %parallel_loop3A_479 = arith.constant 0 : i32
        %parallel_loop3A_480 = arith.constant 0 : i32
        %parallel_loop3A_481 = tpu.memref_slice %arg14[%parallel_loop3A_356, %parallel_loop3A_479, %parallel_loop3A_480] : memref<2x128x64xf32, #tpu.memory_space<vmem>> -> memref<1x128x64xf32, #tpu.memory_space<vmem>>
        %parallel_loop3A_482 = tpu.memref_squeeze %parallel_loop3A_481 : memref<1x128x64xf32, #tpu.memory_space<vmem>> -> memref<128x64xf32, #tpu.memory_space<vmem>>
        %parallel_loop3A_483 = arith.index_cast %parallel_loop3A_384 : i32 to index
        %parallel_loop3A_484 = arith.constant 32 : index
        %parallel_loop3A_485 = tpu.vector_load %parallel_loop3A_482[%parallel_loop3A_483, %parallel_loop3A_484] {strides = array<i32>} : memref<128x64xf32, #tpu.memory_space<vmem>>, vector<16xf32>,
        tpu.vector_store %parallel_loop3A_482[%parallel_loop3A_483, %parallel_loop3A_484], %parallel_loop3A_478 {strides = array<i32>} : memref<128x64xf32, #tpu.memory_space<vmem>>, vector<16xf32>,
        %parallel_loop3A_486 = arith.constant 0 : i32
        %parallel_loop3A_487 = vector.broadcast %parallel_loop3A_486 : i32 to vector<16xi32>
        %parallel_loop3A_488 = arith.cmpi slt, %add3A_28, %parallel_loop3A_487 : vector<16xi32>
        %parallel_loop3A_489 = arith.constant 16 : i32
        %parallel_loop3A_490 = vector.broadcast %parallel_loop3A_489 : i32 to vector<16xi32>
        %parallel_loop3A_491 = arith.addi %add3A_28, %parallel_loop3A_490 : vector<16xi32>
        %parallel_loop3A_492 = arith.select %parallel_loop3A_488, %parallel_loop3A_491, %add3A_28 : vector<16xi1>, vector<16xi32>
        %parallel_loop3A_493 = vector.shape_cast %parallel_loop3A_492 : vector<16xi32> to vector<16x1xi32>
        %parallel_loop3A_494 = vector.shape_cast %parallel_loop3A_493 : vector<16x1xi32> to vector<16xi32>
        %parallel_loop3A_495 = tpu.dynamic_gather %parallel_loop3A_406[%parallel_loop3A_494] in [0] : vector<16xf32>, vector<16xi32> -> vector<16xf32>
        %parallel_loop3A_496 = arith.mulf %parallel_loop3A_495, %parallel_loop3A_467 : vector<16xf32>
        %parallel_loop3A_497 = arith.constant 0 : i32
        %parallel_loop3A_498 = arith.constant 0 : i32
        %parallel_loop3A_499 = tpu.memref_slice %arg14[%parallel_loop3A_356, %parallel_loop3A_497, %parallel_loop3A_498] : memref<2x128x64xf32, #tpu.memory_space<vmem>> -> memref<1x128x64xf32, #tpu.memory_space<vmem>>
        %parallel_loop3A_500 = tpu.memref_squeeze %parallel_loop3A_499 : memref<1x128x64xf32, #tpu.memory_space<vmem>> -> memref<128x64xf32, #tpu.memory_space<vmem>>
        %parallel_loop3A_501 = arith.index_cast %parallel_loop3A_384 : i32 to index
        %parallel_loop3A_502 = arith.constant 48 : index
        %parallel_loop3A_503 = tpu.vector_load %parallel_loop3A_500[%parallel_loop3A_501, %parallel_loop3A_502] {strides = array<i32>} : memref<128x64xf32, #tpu.memory_space<vmem>>, vector<16xf32>,
        tpu.vector_store %parallel_loop3A_500[%parallel_loop3A_501, %parallel_loop3A_502], %parallel_loop3A_496 {strides = array<i32>} : memref<128x64xf32, #tpu.memory_space<vmem>>, vector<16xf32>,
      } {sc.loop_unroll_factor = 4 : i64, sc.parallel_access}
      %dma_start3A_357 = arith.constant 1 : i32
      %dma_start3A_358 = arith.constant 0 : i32
      %dma_start3A_359 = arith.constant 0 : i32
      %dma_start3A_360 = tpu.memref_slice %arg14[%dma_start3A_357, %dma_start3A_358, %dma_start3A_359] : memref<2x128x64xf32, #tpu.memory_space<vmem>> -> memref<1x128x64xf32, #tpu.memory_space<vmem>>
      %dma_start3A_361 = tpu.memref_squeeze %dma_start3A_360 : memref<1x128x64xf32, #tpu.memory_space<vmem>> -> memref<128x64xf32, #tpu.memory_space<vmem>>
      %dma_start3A_362 = arith.constant 0 : i32
      %dma_start3A_363 = tpu.memref_slice %arg9[%add3A_314, %dma_start3A_362] : memref<80x128xi32, #tpu.memory_space<vmem>> -> memref<1x128xi32, #tpu.memory_space<vmem>>
      %dma_start3A_364 = tpu.memref_squeeze %dma_start3A_363 : memref<1x128xi32, #tpu.memory_space<vmem>> -> memref<128xi32, #tpu.memory_space<vmem>>
      %dma_start3A_365 = arith.constant 0 : i32
      %dma_start3A_366 = arith.constant 0 : i32
      %dma_start3A_367 = tpu.memref_slice %arg15[%dma_start3A_365, %dma_start3A_366] : memref<10128x64xf32, #tpu.memory_space<vmem_shared>> -> memref<10128x64xf32, #tpu.memory_space<vmem_shared>>
      tpu.enqueue_indirect_dma source(%dma_start3A_361 : memref<128x64xf32, #tpu.memory_space<vmem>>) target(%dma_start3A_367 : memref<10128x64xf32, #tpu.memory_space<vmem_shared>>) offsets(%dma_start3A_364 : memref<128xi32, #tpu.memory_space<vmem>>) semaphore(%arg20 : memref<!tpu.dma_semaphore, #tpu.memory_space<semaphore_mem>>) {add = true}
      %dma_start3A_368 = arith.constant 1 : i32
      %dma_start3A_369 = arith.constant 0 : i32
      %dma_start3A_370 = arith.constant 0 : i32
      %dma_start3A_371 = tpu.memref_slice %arg13[%dma_start3A_368, %dma_start3A_369, %dma_start3A_370] : memref<2x128x16xf32, #tpu.memory_space<vmem>> -> memref<1x128x16xf32, #tpu.memory_space<vmem>>
      %dma_start3A_372 = tpu.memref_squeeze %dma_start3A_371 : memref<1x128x16xf32, #tpu.memory_space<vmem>> -> memref<128x16xf32, #tpu.memory_space<vmem>>
      %dma_start3A_373 = arith.constant 0 : i32
      %dma_start3A_374 = tpu.memref_slice %arg9[%add3A_314, %dma_start3A_373] : memref<80x128xi32, #tpu.memory_space<vmem>> -> memref<1x128xi32, #tpu.memory_space<vmem>>
      %dma_start3A_375 = tpu.memref_squeeze %dma_start3A_374 : memref<1x128xi32, #tpu.memory_space<vmem>> -> memref<128xi32, #tpu.memory_space<vmem>>
      %dma_start3A_376 = arith.constant 0 : i32
      %dma_start3A_377 = arith.constant 0 : i32
      %dma_start3A_378 = tpu.memref_slice %arg16[%dma_start3A_376, %dma_start3A_377] : memref<10128x16xf32, #tpu.memory_space<vmem_shared>> -> memref<10128x16xf32, #tpu.memory_space<vmem_shared>>
      tpu.enqueue_indirect_dma source(%dma_start3A_372 : memref<128x16xf32, #tpu.memory_space<vmem>>) target(%dma_start3A_378 : memref<10128x16xf32, #tpu.memory_space<vmem_shared>>) offsets(%dma_start3A_375 : memref<128xi32, #tpu.memory_space<vmem>>) semaphore(%arg20 : memref<!tpu.dma_semaphore, #tpu.memory_space<semaphore_mem>>) {add = true}
      %lt3A_379 = arith.constant 39 : i32
      %lt3A_380 = arith.cmpi slt, %while3A_239, %lt3A_379 : i32
      %convert_element_type3A_381 = arith.extui %lt3A_380 : i1 to i32
      %cond3A_382 = arith.constant 0 : i32
      %cond3A_383 = arith.cmpi ne, %convert_element_type3A_381, %cond3A_382 : i32
      scf.if %cond3A_383 {
        %add3A_384 = arith.constant 2 : i32
        %add3A_385 = arith.addi %add3A_314, %add3A_384 : i32
        %dma_start3A_386 = arith.constant 1 : i32
        %dma_start3A_387 = arith.constant 0 : i32
        %dma_start3A_388 = arith.constant 0 : i32
        %dma_start3A_389 = tpu.memref_slice %arg10[%dma_start3A_386, %dma_start3A_387, %dma_start3A_388] : memref<2x128x16xf32, #tpu.memory_space<vmem>> -> memref<1x128x16xf32, #tpu.memory_space<vmem>>
        %dma_start3A_390 = tpu.memref_squeeze %dma_start3A_389 : memref<1x128x16xf32, #tpu.memory_space<vmem>> -> memref<128x16xf32, #tpu.memory_space<vmem>>
        %dma_start3A_391 = arith.constant 0 : i32
        %dma_start3A_392 = tpu.memref_slice %arg8[%add3A_385, %dma_start3A_391] : memref<80x128xi32, #tpu.memory_space<vmem>> -> memref<1x128xi32, #tpu.memory_space<vmem>>
        %dma_start3A_393 = tpu.memref_squeeze %dma_start3A_392 : memref<1x128xi32, #tpu.memory_space<vmem>> -> memref<128xi32, #tpu.memory_space<vmem>>
        %dma_start3A_394 = arith.constant 0 : i32
        %dma_start3A_395 = arith.constant 0 : i32
        %dma_start3A_396 = tpu.memref_slice %arg4[%dma_start3A_394, %dma_start3A_395] : memref<10000x16xf32, #tpu.memory_space<hbm>> -> memref<10000x16xf32, #tpu.memory_space<hbm>>
        tpu.enqueue_indirect_dma source(%dma_start3A_396 : memref<10000x16xf32, #tpu.memory_space<hbm>>) target(%dma_start3A_390 : memref<128x16xf32, #tpu.memory_space<vmem>>) offsets(%dma_start3A_393 : memref<128xi32, #tpu.memory_space<vmem>>) semaphore(%arg18 : memref<!tpu.dma_semaphore, #tpu.memory_space<semaphore_mem>>)
        %dma_start3A_397 = arith.constant 1 : i32
        %dma_start3A_398 = arith.constant 0 : i32
        %dma_start3A_399 = arith.constant 0 : i32
        %dma_start3A_400 = tpu.memref_slice %arg11[%dma_start3A_397, %dma_start3A_398, %dma_start3A_399] : memref<2x128x16xf32, #tpu.memory_space<vmem>> -> memref<1x128x16xf32, #tpu.memory_space<vmem>>
        %dma_start3A_401 = tpu.memref_squeeze %dma_start3A_400 : memref<1x128x16xf32, #tpu.memory_space<vmem>> -> memref<128x16xf32, #tpu.memory_space<vmem>>
        %dma_start3A_402 = arith.constant 0 : i32
        %dma_start3A_403 = tpu.memref_slice %arg9[%add3A_385, %dma_start3A_402] : memref<80x128xi32, #tpu.memory_space<vmem>> -> memref<1x128xi32, #tpu.memory_space<vmem>>
        %dma_start3A_404 = tpu.memref_squeeze %dma_start3A_403 : memref<1x128xi32, #tpu.memory_space<vmem>> -> memref<128xi32, #tpu.memory_space<vmem>>
        %dma_start3A_405 = arith.constant 0 : i32
        %dma_start3A_406 = arith.constant 0 : i32
        %dma_start3A_407 = tpu.memref_slice %arg4[%dma_start3A_405, %dma_start3A_406] : memref<10000x16xf32, #tpu.memory_space<hbm>> -> memref<10000x16xf32, #tpu.memory_space<hbm>>
        tpu.enqueue_indirect_dma source(%dma_start3A_407 : memref<10000x16xf32, #tpu.memory_space<hbm>>) target(%dma_start3A_401 : memref<128x16xf32, #tpu.memory_space<vmem>>) offsets(%dma_start3A_404 : memref<128xi32, #tpu.memory_space<vmem>>) semaphore(%arg18 : memref<!tpu.dma_semaphore, #tpu.memory_space<semaphore_mem>>)
        %dma_start3A_408 = arith.constant 1 : i32
        %dma_start3A_409 = arith.constant 0 : i32
        %dma_start3A_410 = arith.constant 0 : i32
        %dma_start3A_411 = tpu.memref_slice %arg12[%dma_start3A_408, %dma_start3A_409, %dma_start3A_410] : memref<2x128x64xbf16, #tpu.memory_space<vmem>> -> memref<1x128x64xbf16, #tpu.memory_space<vmem>>
        %dma_start3A_412 = tpu.memref_squeeze %dma_start3A_411 : memref<1x128x64xbf16, #tpu.memory_space<vmem>> -> memref<128x64xbf16, #tpu.memory_space<vmem>>
        %dma_start3A_413 = arith.constant 0 : i32
        %dma_start3A_414 = tpu.memref_slice %arg8[%add3A_385, %dma_start3A_413] : memref<80x128xi32, #tpu.memory_space<vmem>> -> memref<1x128xi32, #tpu.memory_space<vmem>>
        %dma_start3A_415 = tpu.memref_squeeze %dma_start3A_414 : memref<1x128xi32, #tpu.memory_space<vmem>> -> memref<128xi32, #tpu.memory_space<vmem>>
        %dma_start3A_416 = arith.constant 0 : i32
        %dma_start3A_417 = arith.constant 0 : i32
        %dma_start3A_418 = tpu.memref_slice %arg5[%dma_start3A_416, %dma_start3A_417] : memref<10000x64xbf16, #tpu.memory_space<hbm>> -> memref<10000x64xbf16, #tpu.memory_space<hbm>>
        tpu.enqueue_indirect_dma source(%dma_start3A_418 : memref<10000x64xbf16, #tpu.memory_space<hbm>>) target(%dma_start3A_412 : memref<128x64xbf16, #tpu.memory_space<vmem>>) offsets(%dma_start3A_415 : memref<128xi32, #tpu.memory_space<vmem>>) semaphore(%arg18 : memref<!tpu.dma_semaphore, #tpu.memory_space<semaphore_mem>>)
      } else {
      }
    }
    %dma_wait3A = arith.constant 0 : i32
    %dma_wait3A_174 = arith.constant 78 : i32
    %dma_wait3A_175 = arith.constant 0 : i32
    %dma_wait3A_176 = arith.constant 0 : i32
    %dma_wait3A_177 = tpu.memref_slice %arg14[%dma_wait3A, %dma_wait3A_175, %dma_wait3A_176] : memref<2x128x64xf32, #tpu.memory_space<vmem>> -> memref<1x128x64xf32, #tpu.memory_space<vmem>>
    %dma_wait3A_178 = tpu.memref_squeeze %dma_wait3A_177 : memref<1x128x64xf32, #tpu.memory_space<vmem>> -> memref<128x64xf32, #tpu.memory_space<vmem>>
    %dma_wait3A_179 = arith.constant 0 : i32
    %dma_wait3A_180 = tpu.memref_slice %arg9[%dma_wait3A_174, %dma_wait3A_179] : memref<80x128xi32, #tpu.memory_space<vmem>> -> memref<1x128xi32, #tpu.memory_space<vmem>>
    %dma_wait3A_181 = tpu.memref_squeeze %dma_wait3A_180 : memref<1x128xi32, #tpu.memory_space<vmem>> -> memref<128xi32, #tpu.memory_space<vmem>>
    %dma_wait3A_182 = arith.constant 0 : i32
    %dma_wait3A_183 = arith.constant 0 : i32
    %dma_wait3A_184 = tpu.memref_slice %arg15[%dma_wait3A_182, %dma_wait3A_183] : memref<10128x64xf32, #tpu.memory_space<vmem_shared>> -> memref<10128x64xf32, #tpu.memory_space<vmem_shared>>
    tpu.wait_indirect_dma semaphore(%arg19 : memref<!tpu.dma_semaphore, #tpu.memory_space<semaphore_mem>>) src(%dma_wait3A_178 : memref<128x64xf32, #tpu.memory_space<vmem>>) dst(%dma_wait3A_184 : memref<10128x64xf32, #tpu.memory_space<vmem_shared>>)
    %dma_wait3A_185 = arith.constant 0 : i32
    %dma_wait3A_186 = arith.constant 78 : i32
    %dma_wait3A_187 = arith.constant 0 : i32
    %dma_wait3A_188 = arith.constant 0 : i32
    %dma_wait3A_189 = tpu.memref_slice %arg13[%dma_wait3A_185, %dma_wait3A_187, %dma_wait3A_188] : memref<2x128x16xf32, #tpu.memory_space<vmem>> -> memref<1x128x16xf32, #tpu.memory_space<vmem>>
    %dma_wait3A_190 = tpu.memref_squeeze %dma_wait3A_189 : memref<1x128x16xf32, #tpu.memory_space<vmem>> -> memref<128x16xf32, #tpu.memory_space<vmem>>
    %dma_wait3A_191 = arith.constant 0 : i32
    %dma_wait3A_192 = tpu.memref_slice %arg9[%dma_wait3A_186, %dma_wait3A_191] : memref<80x128xi32, #tpu.memory_space<vmem>> -> memref<1x128xi32, #tpu.memory_space<vmem>>
    %dma_wait3A_193 = tpu.memref_squeeze %dma_wait3A_192 : memref<1x128xi32, #tpu.memory_space<vmem>> -> memref<128xi32, #tpu.memory_space<vmem>>
    %dma_wait3A_194 = arith.constant 0 : i32
    %dma_wait3A_195 = arith.constant 0 : i32
    %dma_wait3A_196 = tpu.memref_slice %arg16[%dma_wait3A_194, %dma_wait3A_195] : memref<10128x16xf32, #tpu.memory_space<vmem_shared>> -> memref<10128x16xf32, #tpu.memory_space<vmem_shared>>
    tpu.wait_indirect_dma semaphore(%arg19 : memref<!tpu.dma_semaphore, #tpu.memory_space<semaphore_mem>>) src(%dma_wait3A_190 : memref<128x16xf32, #tpu.memory_space<vmem>>) dst(%dma_wait3A_196 : memref<10128x16xf32, #tpu.memory_space<vmem_shared>>)
    %dma_wait3A_197 = arith.constant 1 : i32
    %dma_wait3A_198 = arith.constant 79 : i32
    %dma_wait3A_199 = arith.constant 0 : i32
    %dma_wait3A_200 = arith.constant 0 : i32
    %dma_wait3A_201 = tpu.memref_slice %arg14[%dma_wait3A_197, %dma_wait3A_199, %dma_wait3A_200] : memref<2x128x64xf32, #tpu.memory_space<vmem>> -> memref<1x128x64xf32, #tpu.memory_space<vmem>>
    %dma_wait3A_202 = tpu.memref_squeeze %dma_wait3A_201 : memref<1x128x64xf32, #tpu.memory_space<vmem>> -> memref<128x64xf32, #tpu.memory_space<vmem>>
    %dma_wait3A_203 = arith.constant 0 : i32
    %dma_wait3A_204 = tpu.memref_slice %arg9[%dma_wait3A_198, %dma_wait3A_203] : memref<80x128xi32, #tpu.memory_space<vmem>> -> memref<1x128xi32, #tpu.memory_space<vmem>>
    %dma_wait3A_205 = tpu.memref_squeeze %dma_wait3A_204 : memref<1x128xi32, #tpu.memory_space<vmem>> -> memref<128xi32, #tpu.memory_space<vmem>>
    %dma_wait3A_206 = arith.constant 0 : i32
    %dma_wait3A_207 = arith.constant 0 : i32
    %dma_wait3A_208 = tpu.memref_slice %arg15[%dma_wait3A_206, %dma_wait3A_207] : memref<10128x64xf32, #tpu.memory_space<vmem_shared>> -> memref<10128x64xf32, #tpu.memory_space<vmem_shared>>
    tpu.wait_indirect_dma semaphore(%arg20 : memref<!tpu.dma_semaphore, #tpu.memory_space<semaphore_mem>>) src(%dma_wait3A_202 : memref<128x64xf32, #tpu.memory_space<vmem>>) dst(%dma_wait3A_208 : memref<10128x64xf32, #tpu.memory_space<vmem_shared>>)
    %dma_wait3A_209 = arith.constant 1 : i32
    %dma_wait3A_210 = arith.constant 79 : i32
    %dma_wait3A_211 = arith.constant 0 : i32
    %dma_wait3A_212 = arith.constant 0 : i32
    %dma_wait3A_213 = tpu.memref_slice %arg13[%dma_wait3A_209, %dma_wait3A_211, %dma_wait3A_212] : memref<2x128x16xf32, #tpu.memory_space<vmem>> -> memref<1x128x16xf32, #tpu.memory_space<vmem>>
    %dma_wait3A_214 = tpu.memref_squeeze %dma_wait3A_213 : memref<1x128x16xf32, #tpu.memory_space<vmem>> -> memref<128x16xf32, #tpu.memory_space<vmem>>
    %dma_wait3A_215 = arith.constant 0 : i32
    %dma_wait3A_216 = tpu.memref_slice %arg9[%dma_wait3A_210, %dma_wait3A_215] : memref<80x128xi32, #tpu.memory_space<vmem>> -> memref<1x128xi32, #tpu.memory_space<vmem>>
    %dma_wait3A_217 = tpu.memref_squeeze %dma_wait3A_216 : memref<1x128xi32, #tpu.memory_space<vmem>> -> memref<128xi32, #tpu.memory_space<vmem>>
    %dma_wait3A_218 = arith.constant 0 : i32
    %dma_wait3A_219 = arith.constant 0 : i32
    %dma_wait3A_220 = tpu.memref_slice %arg16[%dma_wait3A_218, %dma_wait3A_219] : memref<10128x16xf32, #tpu.memory_space<vmem_shared>> -> memref<10128x16xf32, #tpu.memory_space<vmem_shared>>
    tpu.wait_indirect_dma semaphore(%arg20 : memref<!tpu.dma_semaphore, #tpu.memory_space<semaphore_mem>>) src(%dma_wait3A_214 : memref<128x16xf32, #tpu.memory_space<vmem>>) dst(%dma_wait3A_220 : memref<10128x16xf32, #tpu.memory_space<vmem_shared>>)
    %barrier3A_221 = arith.constant 0 : index
    tpu.barrier barrier_id(%barrier3A_221)
    %lt3A = arith.constant 15 : i32
    %lt3A_222 = arith.cmpi slt, %arg1, %lt3A : i32
    %convert_element_type3A = arith.extui %lt3A_222 : i1 to i32
    %cond3A = arith.constant 0 : i32
    %cond3A_223 = arith.cmpi ne, %convert_element_type3A, %cond3A : i32
    scf.if %cond3A_223 {
      %mul3A_239 = arith.constant 632 : i32
      %mul3A_240 = arith.muli %arg1, %mul3A_239 : i32
      "tpu.region"() ({
        %run_scoped3A = tpu.sem_alloc : memref<!tpu.dma_semaphore, #tpu.memory_space<semaphore_mem>>
        %dma_start3A_241 = arith.constant 0 : i32
        %dma_start3A_242 = tpu.memref_slice %arg6[%arg0, %mul3A_240, %dma_start3A_241] : memref<2x10000x64xf32, #tpu.memory_space<hbm>> -> memref<1x632x64xf32, #tpu.memory_space<hbm>>
        %dma_start3A_243 = tpu.memref_squeeze %dma_start3A_242 : memref<1x632x64xf32, #tpu.memory_space<hbm>> -> memref<632x64xf32, #tpu.memory_space<hbm>>
        %dma_start3A_244 = arith.constant 0 : i32
        %dma_start3A_245 = tpu.memref_slice %arg15[%mul3A_240, %dma_start3A_244] : memref<10128x64xf32, #tpu.memory_space<vmem_shared>> -> memref<632x64xf32, #tpu.memory_space<vmem_shared>>
        tpu.enqueue_dma source(%dma_start3A_245 : memref<632x64xf32, #tpu.memory_space<vmem_shared>>) target(%dma_start3A_243 : memref<632x64xf32, #tpu.memory_space<hbm>>) target_semaphore(%run_scoped3A : memref<!tpu.dma_semaphore, #tpu.memory_space<semaphore_mem>>)
        %dma_wait3A_246 = arith.constant 0 : i32
        %dma_wait3A_247 = tpu.memref_slice %arg6[%arg0, %mul3A_240, %dma_wait3A_246] : memref<2x10000x64xf32, #tpu.memory_space<hbm>> -> memref<1x632x64xf32, #tpu.memory_space<hbm>>
        %dma_wait3A_248 = tpu.memref_squeeze %dma_wait3A_247 : memref<1x632x64xf32, #tpu.memory_space<hbm>> -> memref<632x64xf32, #tpu.memory_space<hbm>>
        %dma_wait3A_249 = arith.constant 0 : i32
        %dma_wait3A_250 = tpu.memref_slice %arg15[%mul3A_240, %dma_wait3A_249] : memref<10128x64xf32, #tpu.memory_space<vmem_shared>> -> memref<632x64xf32, #tpu.memory_space<vmem_shared>>
        tpu.wait_dma2 semaphore(%run_scoped3A : memref<!tpu.dma_semaphore, #tpu.memory_space<semaphore_mem>>) src(%dma_wait3A_250 : memref<632x64xf32, #tpu.memory_space<vmem_shared>>) dst(%dma_wait3A_248 : memref<632x64xf32, #tpu.memory_space<hbm>>)
        tpu.yield
      }) : () -> ()
    } else {
    }
    %eq3A_224 = arith.constant 15 : i32
    %eq3A_225 = arith.cmpi eq, %arg1, %eq3A_224 : i32
    %convert_element_type3A_226 = arith.extui %eq3A_225 : i1 to i32
    %cond3A_227 = arith.constant 0 : i32
    %cond3A_228 = arith.cmpi ne, %convert_element_type3A_226, %cond3A_227 : i32
    scf.if %cond3A_228 {
      "tpu.region"() ({
        %run_scoped3A = tpu.sem_alloc : memref<!tpu.dma_semaphore, #tpu.memory_space<semaphore_mem>>
        %dma_start3A_239 = arith.constant 9480 : i32
        %dma_start3A_240 = arith.constant 0 : i32
        %dma_start3A_241 = tpu.memref_slice %arg6[%arg0, %dma_start3A_239, %dma_start3A_240] : memref<2x10000x64xf32, #tpu.memory_space<hbm>> -> memref<1x520x64xf32, #tpu.memory_space<hbm>>
        %dma_start3A_242 = tpu.memref_squeeze %dma_start3A_241 : memref<1x520x64xf32, #tpu.memory_space<hbm>> -> memref<520x64xf32, #tpu.memory_space<hbm>>
        %dma_start3A_243 = arith.constant 9480 : i32
        %dma_start3A_244 = arith.constant 0 : i32
        %dma_start3A_245 = tpu.memref_slice %arg15[%dma_start3A_243, %dma_start3A_244] : memref<10128x64xf32, #tpu.memory_space<vmem_shared>> -> memref<520x64xf32, #tpu.memory_space<vmem_shared>>
        tpu.enqueue_dma source(%dma_start3A_245 : memref<520x64xf32, #tpu.memory_space<vmem_shared>>) target(%dma_start3A_242 : memref<520x64xf32, #tpu.memory_space<hbm>>) target_semaphore(%run_scoped3A : memref<!tpu.dma_semaphore, #tpu.memory_space<semaphore_mem>>)
        %dma_wait3A_246 = arith.constant 9480 : i32
        %dma_wait3A_247 = arith.constant 0 : i32
        %dma_wait3A_248 = tpu.memref_slice %arg6[%arg0, %dma_wait3A_246, %dma_wait3A_247] : memref<2x10000x64xf32, #tpu.memory_space<hbm>> -> memref<1x520x64xf32, #tpu.memory_space<hbm>>
        %dma_wait3A_249 = tpu.memref_squeeze %dma_wait3A_248 : memref<1x520x64xf32, #tpu.memory_space<hbm>> -> memref<520x64xf32, #tpu.memory_space<hbm>>
        %dma_wait3A_250 = arith.constant 9480 : i32
        %dma_wait3A_251 = arith.constant 0 : i32
        %dma_wait3A_252 = tpu.memref_slice %arg15[%dma_wait3A_250, %dma_wait3A_251] : memref<10128x64xf32, #tpu.memory_space<vmem_shared>> -> memref<520x64xf32, #tpu.memory_space<vmem_shared>>
        tpu.wait_dma2 semaphore(%run_scoped3A : memref<!tpu.dma_semaphore, #tpu.memory_space<semaphore_mem>>) src(%dma_wait3A_252 : memref<520x64xf32, #tpu.memory_space<vmem_shared>>) dst(%dma_wait3A_249 : memref<520x64xf32, #tpu.memory_space<hbm>>)
        tpu.yield
      }) : () -> ()
    } else {
    }
    %lt3A_229 = arith.constant 15 : i32
    %lt3A_230 = arith.cmpi slt, %arg1, %lt3A_229 : i32
    %convert_element_type3A_231 = arith.extui %lt3A_230 : i1 to i32
    %cond3A_232 = arith.constant 0 : i32
    %cond3A_233 = arith.cmpi ne, %convert_element_type3A_231, %cond3A_232 : i32
    scf.if %cond3A_233 {
      %mul3A_239 = arith.constant 632 : i32
      %mul3A_240 = arith.muli %arg1, %mul3A_239 : i32
      "tpu.region"() ({
        %run_scoped3A = tpu.sem_alloc : memref<!tpu.dma_semaphore, #tpu.memory_space<semaphore_mem>>
        %dma_start3A_241 = arith.constant 0 : i32
        %dma_start3A_242 = tpu.memref_slice %arg7[%arg0, %mul3A_240, %dma_start3A_241] : memref<2x10000x16xf32, #tpu.memory_space<hbm>> -> memref<1x632x16xf32, #tpu.memory_space<hbm>>
        %dma_start3A_243 = tpu.memref_squeeze %dma_start3A_242 : memref<1x632x16xf32, #tpu.memory_space<hbm>> -> memref<632x16xf32, #tpu.memory_space<hbm>>
        %dma_start3A_244 = arith.constant 0 : i32
        %dma_start3A_245 = tpu.memref_slice %arg16[%mul3A_240, %dma_start3A_244] : memref<10128x16xf32, #tpu.memory_space<vmem_shared>> -> memref<632x16xf32, #tpu.memory_space<vmem_shared>>
        tpu.enqueue_dma source(%dma_start3A_245 : memref<632x16xf32, #tpu.memory_space<vmem_shared>>) target(%dma_start3A_243 : memref<632x16xf32, #tpu.memory_space<hbm>>) target_semaphore(%run_scoped3A : memref<!tpu.dma_semaphore, #tpu.memory_space<semaphore_mem>>)
        %dma_wait3A_246 = arith.constant 0 : i32
        %dma_wait3A_247 = tpu.memref_slice %arg7[%arg0, %mul3A_240, %dma_wait3A_246] : memref<2x10000x16xf32, #tpu.memory_space<hbm>> -> memref<1x632x16xf32, #tpu.memory_space<hbm>>
        %dma_wait3A_248 = tpu.memref_squeeze %dma_wait3A_247 : memref<1x632x16xf32, #tpu.memory_space<hbm>> -> memref<632x16xf32, #tpu.memory_space<hbm>>
        %dma_wait3A_249 = arith.constant 0 : i32
        %dma_wait3A_250 = tpu.memref_slice %arg16[%mul3A_240, %dma_wait3A_249] : memref<10128x16xf32, #tpu.memory_space<vmem_shared>> -> memref<632x16xf32, #tpu.memory_space<vmem_shared>>
        tpu.wait_dma2 semaphore(%run_scoped3A : memref<!tpu.dma_semaphore, #tpu.memory_space<semaphore_mem>>) src(%dma_wait3A_250 : memref<632x16xf32, #tpu.memory_space<vmem_shared>>) dst(%dma_wait3A_248 : memref<632x16xf32, #tpu.memory_space<hbm>>)
        tpu.yield
      }) : () -> ()
    } else {
    }
    %eq3A_234 = arith.constant 15 : i32
    %eq3A_235 = arith.cmpi eq, %arg1, %eq3A_234 : i32
    %convert_element_type3A_236 = arith.extui %eq3A_235 : i1 to i32
    %cond3A_237 = arith.constant 0 : i32
    %cond3A_238 = arith.cmpi ne, %convert_element_type3A_236, %cond3A_237 : i32
    scf.if %cond3A_238 {
      "tpu.region"() ({
        %run_scoped3A = tpu.sem_alloc : memref<!tpu.dma_semaphore, #tpu.memory_space<semaphore_mem>>
        %dma_start3A_239 = arith.constant 9480 : i32
        %dma_start3A_240 = arith.constant 0 : i32
        %dma_start3A_241 = tpu.memref_slice %arg7[%arg0, %dma_start3A_239, %dma_start3A_240] : memref<2x10000x16xf32, #tpu.memory_space<hbm>> -> memref<1x520x16xf32, #tpu.memory_space<hbm>>
        %dma_start3A_242 = tpu.memref_squeeze %dma_start3A_241 : memref<1x520x16xf32, #tpu.memory_space<hbm>> -> memref<520x16xf32, #tpu.memory_space<hbm>>
        %dma_start3A_243 = arith.constant 9480 : i32
        %dma_start3A_244 = arith.constant 0 : i32
        %dma_start3A_245 = tpu.memref_slice %arg16[%dma_start3A_243, %dma_start3A_244] : memref<10128x16xf32, #tpu.memory_space<vmem_shared>> -> memref<520x16xf32, #tpu.memory_space<vmem_shared>>
        tpu.enqueue_dma source(%dma_start3A_245 : memref<520x16xf32, #tpu.memory_space<vmem_shared>>) target(%dma_start3A_242 : memref<520x16xf32, #tpu.memory_space<hbm>>) target_semaphore(%run_scoped3A : memref<!tpu.dma_semaphore, #tpu.memory_space<semaphore_mem>>)
        %dma_wait3A_246 = arith.constant 9480 : i32
        %dma_wait3A_247 = arith.constant 0 : i32
        %dma_wait3A_248 = tpu.memref_slice %arg7[%arg0, %dma_wait3A_246, %dma_wait3A_247] : memref<2x10000x16xf32, #tpu.memory_space<hbm>> -> memref<1x520x16xf32, #tpu.memory_space<hbm>>
        %dma_wait3A_249 = tpu.memref_squeeze %dma_wait3A_248 : memref<1x520x16xf32, #tpu.memory_space<hbm>> -> memref<520x16xf32, #tpu.memory_space<hbm>>
        %dma_wait3A_250 = arith.constant 9480 : i32
        %dma_wait3A_251 = arith.constant 0 : i32
        %dma_wait3A_252 = tpu.memref_slice %arg16[%dma_wait3A_250, %dma_wait3A_251] : memref<10128x16xf32, #tpu.memory_space<vmem_shared>> -> memref<520x16xf32, #tpu.memory_space<vmem_shared>>
        tpu.wait_dma2 semaphore(%run_scoped3A : memref<!tpu.dma_semaphore, #tpu.memory_space<semaphore_mem>>) src(%dma_wait3A_252 : memref<520x16xf32, #tpu.memory_space<vmem_shared>>) dst(%dma_wait3A_249 : memref<520x16xf32, #tpu.memory_space<hbm>>)
        tpu.yield
      }) : () -> ()
    } else {
    }
    return
  }
}

#map = affine_map<(d0, d1) -> (0, 0)>
#map1 = affine_map<(d0, d1) -> (0)>
#map2 = affine_map<(d0, d1) -> (0, 0, 0)>
module attributes {stable_mosaic.version = 14 : i64} {
  func.func @_sc_l2_body(%arg0: i32, %arg1: i32, %arg2: memref<2560x128xi32, #tpu.memory_space<hbm>>, %arg3: memref<2560x128xi32, #tpu.memory_space<hbm>>, %arg4: memref<10000xf32, #tpu.memory_space<hbm>>, %arg5: memref<10000xf32, #tpu.memory_space<hbm>>, %arg6: memref<10000x48xf32, #tpu.memory_space<hbm>>, %arg7: memref<2x10000x48xf32, #tpu.memory_space<hbm>>, %arg8: memref<80x128xi32, #tpu.memory_space<vmem>>, %arg9: memref<80x128xi32, #tpu.memory_space<vmem>>, %arg10: memref<10000xf32, #tpu.memory_space<vmem>>, %arg11: memref<10000xf32, #tpu.memory_space<vmem>>, %arg12: memref<2x128x48xf32, #tpu.memory_space<vmem>>, %arg13: memref<2x128xf32, #tpu.memory_space<vmem>>, %arg14: memref<2x128x48xf32, #tpu.memory_space<vmem>>, %arg15: memref<10128x48xf32, #tpu.memory_space<vmem_shared>>, %arg16: memref<10000x48xf32, #tpu.memory_space<vmem_shared>>, %arg17: memref<!tpu.dma_semaphore, #tpu.memory_space<semaphore_mem>>, %arg18: memref<!tpu.dma_semaphore, #tpu.memory_space<semaphore_mem>>, %arg19: memref<!tpu.dma_semaphore, #tpu.memory_space<semaphore_mem>>, %arg20: memref<!tpu.dma_semaphore, #tpu.memory_space<semaphore_mem>>) attributes {dimension_semantics = [#tpu.dimension_semantics<core_parallel>, #tpu.dimension_semantics<subcore_parallel>], iteration_bounds = array<i64: 2, 16>, scalar_prefetch = 0 : i64, scratch_operands = 13 : i64, tpu.core_type = #tpu.core_type<sc_vector_subcore>, window_params = [{transform_indices = #map}, {transform_indices = #map}, {transform_indices = #map1}, {transform_indices = #map1}, {transform_indices = #map}, {transform_indices = #map2}]} {
    %mul3A = arith.constant 2 : i32
    %mul3A_0 = arith.muli %arg1, %mul3A : i32
    %add3A = arith.addi %mul3A_0, %arg0 : i32
    %mul3A_1 = arith.constant 80 : i32
    %mul3A_2 = arith.muli %add3A, %mul3A_1 : i32
    "tpu.region"() ({
      %run_scoped3A = tpu.sem_alloc : memref<!tpu.dma_semaphore, #tpu.memory_space<semaphore_mem>>
      %dma_start3A_107 = arith.constant 0 : i32
      %dma_start3A_108 = tpu.memref_slice %arg2[%mul3A_2, %dma_start3A_107] : memref<2560x128xi32, #tpu.memory_space<hbm>> -> memref<80x128xi32, #tpu.memory_space<hbm>>
      %dma_start3A_109 = arith.constant 0 : i32
      %dma_start3A_110 = tpu.memref_slice %arg2[%mul3A_2, %dma_start3A_109] : memref<2560x128xi32, #tpu.memory_space<hbm>> -> memref<80x128xi32, #tpu.memory_space<hbm>>
      tpu.enqueue_dma source(%dma_start3A_110 : memref<80x128xi32, #tpu.memory_space<hbm>>) target(%arg8 : memref<80x128xi32, #tpu.memory_space<vmem>>) target_semaphore(%run_scoped3A : memref<!tpu.dma_semaphore, #tpu.memory_space<semaphore_mem>>)
      %dma_wait3A_111 = arith.constant 0 : i32
      %dma_wait3A_112 = tpu.memref_slice %arg2[%mul3A_2, %dma_wait3A_111] : memref<2560x128xi32, #tpu.memory_space<hbm>> -> memref<80x128xi32, #tpu.memory_space<hbm>>
      %dma_wait3A_113 = arith.constant 0 : i32
      %dma_wait3A_114 = tpu.memref_slice %arg2[%mul3A_2, %dma_wait3A_113] : memref<2560x128xi32, #tpu.memory_space<hbm>> -> memref<80x128xi32, #tpu.memory_space<hbm>>
      tpu.wait_dma2 semaphore(%run_scoped3A : memref<!tpu.dma_semaphore, #tpu.memory_space<semaphore_mem>>) src(%dma_wait3A_114 : memref<80x128xi32, #tpu.memory_space<hbm>>) dst(%arg8 : memref<80x128xi32, #tpu.memory_space<vmem>>)
      tpu.yield
    }) : () -> ()
    %mul3A_3 = arith.constant 80 : i32
    %mul3A_4 = arith.muli %add3A, %mul3A_3 : i32
    "tpu.region"() ({
      %run_scoped3A = tpu.sem_alloc : memref<!tpu.dma_semaphore, #tpu.memory_space<semaphore_mem>>
      %dma_start3A_107 = arith.constant 0 : i32
      %dma_start3A_108 = tpu.memref_slice %arg3[%mul3A_4, %dma_start3A_107] : memref<2560x128xi32, #tpu.memory_space<hbm>> -> memref<80x128xi32, #tpu.memory_space<hbm>>
      %dma_start3A_109 = arith.constant 0 : i32
      %dma_start3A_110 = tpu.memref_slice %arg3[%mul3A_4, %dma_start3A_109] : memref<2560x128xi32, #tpu.memory_space<hbm>> -> memref<80x128xi32, #tpu.memory_space<hbm>>
      tpu.enqueue_dma source(%dma_start3A_110 : memref<80x128xi32, #tpu.memory_space<hbm>>) target(%arg9 : memref<80x128xi32, #tpu.memory_space<vmem>>) target_semaphore(%run_scoped3A : memref<!tpu.dma_semaphore, #tpu.memory_space<semaphore_mem>>)
      %dma_wait3A_111 = arith.constant 0 : i32
      %dma_wait3A_112 = tpu.memref_slice %arg3[%mul3A_4, %dma_wait3A_111] : memref<2560x128xi32, #tpu.memory_space<hbm>> -> memref<80x128xi32, #tpu.memory_space<hbm>>
      %dma_wait3A_113 = arith.constant 0 : i32
      %dma_wait3A_114 = tpu.memref_slice %arg3[%mul3A_4, %dma_wait3A_113] : memref<2560x128xi32, #tpu.memory_space<hbm>> -> memref<80x128xi32, #tpu.memory_space<hbm>>
      tpu.wait_dma2 semaphore(%run_scoped3A : memref<!tpu.dma_semaphore, #tpu.memory_space<semaphore_mem>>) src(%dma_wait3A_114 : memref<80x128xi32, #tpu.memory_space<hbm>>) dst(%arg9 : memref<80x128xi32, #tpu.memory_space<vmem>>)
      tpu.yield
    }) : () -> ()
    "tpu.region"() ({
      %run_scoped3A = tpu.sem_alloc : memref<!tpu.dma_semaphore, #tpu.memory_space<semaphore_mem>>
      tpu.enqueue_dma source(%arg4 : memref<10000xf32, #tpu.memory_space<hbm>>) target(%arg10 : memref<10000xf32, #tpu.memory_space<vmem>>) target_semaphore(%run_scoped3A : memref<!tpu.dma_semaphore, #tpu.memory_space<semaphore_mem>>)
      tpu.wait_dma2 semaphore(%run_scoped3A : memref<!tpu.dma_semaphore, #tpu.memory_space<semaphore_mem>>) src(%arg4 : memref<10000xf32, #tpu.memory_space<hbm>>) dst(%arg10 : memref<10000xf32, #tpu.memory_space<vmem>>)
      tpu.yield
    }) : () -> ()
    "tpu.region"() ({
      %run_scoped3A = tpu.sem_alloc : memref<!tpu.dma_semaphore, #tpu.memory_space<semaphore_mem>>
      tpu.enqueue_dma source(%arg5 : memref<10000xf32, #tpu.memory_space<hbm>>) target(%arg11 : memref<10000xf32, #tpu.memory_space<vmem>>) target_semaphore(%run_scoped3A : memref<!tpu.dma_semaphore, #tpu.memory_space<semaphore_mem>>)
      tpu.wait_dma2 semaphore(%run_scoped3A : memref<!tpu.dma_semaphore, #tpu.memory_space<semaphore_mem>>) src(%arg5 : memref<10000xf32, #tpu.memory_space<hbm>>) dst(%arg11 : memref<10000xf32, #tpu.memory_space<vmem>>)
      tpu.yield
    }) : () -> ()
    %lt3A = arith.constant 15 : i32
    %lt3A_5 = arith.cmpi slt, %arg1, %lt3A : i32
    %convert_element_type3A = arith.extui %lt3A_5 : i1 to i32
    %cond3A = arith.constant 0 : i32
    %cond3A_6 = arith.cmpi ne, %convert_element_type3A, %cond3A : i32
    scf.if %cond3A_6 {
      %mul3A_107 = arith.constant 632 : i32
      %mul3A_108 = arith.muli %arg1, %mul3A_107 : i32
      "tpu.region"() ({
        %run_scoped3A = tpu.sem_alloc : memref<!tpu.dma_semaphore, #tpu.memory_space<semaphore_mem>>
        %dma_start3A_109 = arith.constant 0 : i32
        %dma_start3A_110 = tpu.memref_slice %arg16[%mul3A_108, %dma_start3A_109] : memref<10000x48xf32, #tpu.memory_space<vmem_shared>> -> memref<632x48xf32, #tpu.memory_space<vmem_shared>>
        %dma_start3A_111 = arith.constant 0 : i32
        %dma_start3A_112 = tpu.memref_slice %arg6[%mul3A_108, %dma_start3A_111] : memref<10000x48xf32, #tpu.memory_space<hbm>> -> memref<632x48xf32, #tpu.memory_space<hbm>>
        tpu.enqueue_dma source(%dma_start3A_112 : memref<632x48xf32, #tpu.memory_space<hbm>>) target(%dma_start3A_110 : memref<632x48xf32, #tpu.memory_space<vmem_shared>>) target_semaphore(%run_scoped3A : memref<!tpu.dma_semaphore, #tpu.memory_space<semaphore_mem>>)
        %dma_wait3A_113 = arith.constant 0 : i32
        %dma_wait3A_114 = tpu.memref_slice %arg16[%mul3A_108, %dma_wait3A_113] : memref<10000x48xf32, #tpu.memory_space<vmem_shared>> -> memref<632x48xf32, #tpu.memory_space<vmem_shared>>
        %dma_wait3A_115 = arith.constant 0 : i32
        %dma_wait3A_116 = tpu.memref_slice %arg6[%mul3A_108, %dma_wait3A_115] : memref<10000x48xf32, #tpu.memory_space<hbm>> -> memref<632x48xf32, #tpu.memory_space<hbm>>
        tpu.wait_dma2 semaphore(%run_scoped3A : memref<!tpu.dma_semaphore, #tpu.memory_space<semaphore_mem>>) src(%dma_wait3A_116 : memref<632x48xf32, #tpu.memory_space<hbm>>) dst(%dma_wait3A_114 : memref<632x48xf32, #tpu.memory_space<vmem_shared>>)
        tpu.yield
      }) : () -> ()
    } else {
    }
    %eq3A = arith.constant 15 : i32
    %eq3A_7 = arith.cmpi eq, %arg1, %eq3A : i32
    %convert_element_type3A_8 = arith.extui %eq3A_7 : i1 to i32
    %cond3A_9 = arith.constant 0 : i32
    %cond3A_10 = arith.cmpi ne, %convert_element_type3A_8, %cond3A_9 : i32
    scf.if %cond3A_10 {
      "tpu.region"() ({
        %run_scoped3A = tpu.sem_alloc : memref<!tpu.dma_semaphore, #tpu.memory_space<semaphore_mem>>
        %dma_start3A_107 = arith.constant 9480 : i32
        %dma_start3A_108 = arith.constant 0 : i32
        %dma_start3A_109 = tpu.memref_slice %arg16[%dma_start3A_107, %dma_start3A_108] : memref<10000x48xf32, #tpu.memory_space<vmem_shared>> -> memref<520x48xf32, #tpu.memory_space<vmem_shared>>
        %dma_start3A_110 = arith.constant 9480 : i32
        %dma_start3A_111 = arith.constant 0 : i32
        %dma_start3A_112 = tpu.memref_slice %arg6[%dma_start3A_110, %dma_start3A_111] : memref<10000x48xf32, #tpu.memory_space<hbm>> -> memref<520x48xf32, #tpu.memory_space<hbm>>
        tpu.enqueue_dma source(%dma_start3A_112 : memref<520x48xf32, #tpu.memory_space<hbm>>) target(%dma_start3A_109 : memref<520x48xf32, #tpu.memory_space<vmem_shared>>) target_semaphore(%run_scoped3A : memref<!tpu.dma_semaphore, #tpu.memory_space<semaphore_mem>>)
        %dma_wait3A_113 = arith.constant 9480 : i32
        %dma_wait3A_114 = arith.constant 0 : i32
        %dma_wait3A_115 = tpu.memref_slice %arg16[%dma_wait3A_113, %dma_wait3A_114] : memref<10000x48xf32, #tpu.memory_space<vmem_shared>> -> memref<520x48xf32, #tpu.memory_space<vmem_shared>>
        %dma_wait3A_116 = arith.constant 9480 : i32
        %dma_wait3A_117 = arith.constant 0 : i32
        %dma_wait3A_118 = tpu.memref_slice %arg6[%dma_wait3A_116, %dma_wait3A_117] : memref<10000x48xf32, #tpu.memory_space<hbm>> -> memref<520x48xf32, #tpu.memory_space<hbm>>
        tpu.wait_dma2 semaphore(%run_scoped3A : memref<!tpu.dma_semaphore, #tpu.memory_space<semaphore_mem>>) src(%dma_wait3A_118 : memref<520x48xf32, #tpu.memory_space<hbm>>) dst(%dma_wait3A_115 : memref<520x48xf32, #tpu.memory_space<vmem_shared>>)
        tpu.yield
      }) : () -> ()
    } else {
    }
    %broadcast_in_dim3A = arith.constant 0.000000e+00 : f32
    %broadcast_in_dim3A_11 = vector.broadcast %broadcast_in_dim3A : f32 to vector<16xf32>
    %while3A = arith.constant 0 : i32
    %while3A_12 = arith.constant 0 : i32
    %while3A_13 = arith.constant 0 : i32
    %while3A_14 = arith.constant 8 : i32
    %while3A_15 = arith.subi %while3A_14, %while3A_13 : i32
    %while3A_16 = arith.addi %while3A_13, %while3A_15 : i32
    %while3A_17 = arith.constant 1 : i32
    %while3A_18 = arith.divsi %while3A_15, %while3A_17 : i32
    %while3A_19 = arith.muli %while3A_18, %while3A_17 : i32
    %while3A_20 = arith.addi %while3A_13, %while3A_19 : i32
    %while3A_21 = arith.constant 1 : i32
    scf.for %while3A_107 = %while3A_13 to %while3A_20 step %while3A_21  : i32 {
      %swap3A = arith.constant 0 : i32
      %swap3A_108 = arith.constant 0 : i32
      %swap3A_109 = tpu.memref_slice %arg14[%while3A_12, %swap3A, %swap3A_108] : memref<2x128x48xf32, #tpu.memory_space<vmem>> -> memref<1x128x48xf32, #tpu.memory_space<vmem>>
      %swap3A_110 = tpu.memref_squeeze %swap3A_109 : memref<1x128x48xf32, #tpu.memory_space<vmem>> -> memref<128x48xf32, #tpu.memory_space<vmem>>
      %swap3A_111 = arith.index_cast %while3A_107 : i32 to index
      %swap3A_112 = arith.constant 0 : index
      %swap3A_113 = tpu.vector_load %swap3A_110[%swap3A_111, %swap3A_112] {strides = array<i32>} : memref<128x48xf32, #tpu.memory_space<vmem>>, vector<16xf32>,
      tpu.vector_store %swap3A_110[%swap3A_111, %swap3A_112], %broadcast_in_dim3A_11 {strides = array<i32>} : memref<128x48xf32, #tpu.memory_space<vmem>>, vector<16xf32>,
      %swap3A_114 = arith.constant 0 : i32
      %swap3A_115 = arith.constant 0 : i32
      %swap3A_116 = tpu.memref_slice %arg14[%while3A_12, %swap3A_114, %swap3A_115] : memref<2x128x48xf32, #tpu.memory_space<vmem>> -> memref<1x128x48xf32, #tpu.memory_space<vmem>>
      %swap3A_117 = tpu.memref_squeeze %swap3A_116 : memref<1x128x48xf32, #tpu.memory_space<vmem>> -> memref<128x48xf32, #tpu.memory_space<vmem>>
      %swap3A_118 = arith.index_cast %while3A_107 : i32 to index
      %swap3A_119 = arith.constant 16 : index
      %swap3A_120 = tpu.vector_load %swap3A_117[%swap3A_118, %swap3A_119] {strides = array<i32>} : memref<128x48xf32, #tpu.memory_space<vmem>>, vector<16xf32>,
      tpu.vector_store %swap3A_117[%swap3A_118, %swap3A_119], %broadcast_in_dim3A_11 {strides = array<i32>} : memref<128x48xf32, #tpu.memory_space<vmem>>, vector<16xf32>,
      %swap3A_121 = arith.constant 0 : i32
      %swap3A_122 = arith.constant 0 : i32
      %swap3A_123 = tpu.memref_slice %arg14[%while3A_12, %swap3A_121, %swap3A_122] : memref<2x128x48xf32, #tpu.memory_space<vmem>> -> memref<1x128x48xf32, #tpu.memory_space<vmem>>
      %swap3A_124 = tpu.memref_squeeze %swap3A_123 : memref<1x128x48xf32, #tpu.memory_space<vmem>> -> memref<128x48xf32, #tpu.memory_space<vmem>>
      %swap3A_125 = arith.index_cast %while3A_107 : i32 to index
      %swap3A_126 = arith.constant 32 : index
      %swap3A_127 = tpu.vector_load %swap3A_124[%swap3A_125, %swap3A_126] {strides = array<i32>} : memref<128x48xf32, #tpu.memory_space<vmem>>, vector<16xf32>,
      tpu.vector_store %swap3A_124[%swap3A_125, %swap3A_126], %broadcast_in_dim3A_11 {strides = array<i32>} : memref<128x48xf32, #tpu.memory_space<vmem>>, vector<16xf32>,
    }
    %while3A_22 = arith.constant 1 : i32
    scf.for %while3A_107 = %while3A_20 to %while3A_16 step %while3A_22  : i32 {
      %swap3A = arith.constant 0 : i32
      %swap3A_108 = arith.constant 0 : i32
      %swap3A_109 = tpu.memref_slice %arg14[%while3A_12, %swap3A, %swap3A_108] : memref<2x128x48xf32, #tpu.memory_space<vmem>> -> memref<1x128x48xf32, #tpu.memory_space<vmem>>
      %swap3A_110 = tpu.memref_squeeze %swap3A_109 : memref<1x128x48xf32, #tpu.memory_space<vmem>> -> memref<128x48xf32, #tpu.memory_space<vmem>>
      %swap3A_111 = arith.index_cast %while3A_107 : i32 to index
      %swap3A_112 = arith.constant 0 : index
      %swap3A_113 = tpu.vector_load %swap3A_110[%swap3A_111, %swap3A_112] {strides = array<i32>} : memref<128x48xf32, #tpu.memory_space<vmem>>, vector<16xf32>,
      tpu.vector_store %swap3A_110[%swap3A_111, %swap3A_112], %broadcast_in_dim3A_11 {strides = array<i32>} : memref<128x48xf32, #tpu.memory_space<vmem>>, vector<16xf32>,
      %swap3A_114 = arith.constant 0 : i32
      %swap3A_115 = arith.constant 0 : i32
      %swap3A_116 = tpu.memref_slice %arg14[%while3A_12, %swap3A_114, %swap3A_115] : memref<2x128x48xf32, #tpu.memory_space<vmem>> -> memref<1x128x48xf32, #tpu.memory_space<vmem>>
      %swap3A_117 = tpu.memref_squeeze %swap3A_116 : memref<1x128x48xf32, #tpu.memory_space<vmem>> -> memref<128x48xf32, #tpu.memory_space<vmem>>
      %swap3A_118 = arith.index_cast %while3A_107 : i32 to index
      %swap3A_119 = arith.constant 16 : index
      %swap3A_120 = tpu.vector_load %swap3A_117[%swap3A_118, %swap3A_119] {strides = array<i32>} : memref<128x48xf32, #tpu.memory_space<vmem>>, vector<16xf32>,
      tpu.vector_store %swap3A_117[%swap3A_118, %swap3A_119], %broadcast_in_dim3A_11 {strides = array<i32>} : memref<128x48xf32, #tpu.memory_space<vmem>>, vector<16xf32>,
      %swap3A_121 = arith.constant 0 : i32
      %swap3A_122 = arith.constant 0 : i32
      %swap3A_123 = tpu.memref_slice %arg14[%while3A_12, %swap3A_121, %swap3A_122] : memref<2x128x48xf32, #tpu.memory_space<vmem>> -> memref<1x128x48xf32, #tpu.memory_space<vmem>>
      %swap3A_124 = tpu.memref_squeeze %swap3A_123 : memref<1x128x48xf32, #tpu.memory_space<vmem>> -> memref<128x48xf32, #tpu.memory_space<vmem>>
      %swap3A_125 = arith.index_cast %while3A_107 : i32 to index
      %swap3A_126 = arith.constant 32 : index
      %swap3A_127 = tpu.vector_load %swap3A_124[%swap3A_125, %swap3A_126] {strides = array<i32>} : memref<128x48xf32, #tpu.memory_space<vmem>>, vector<16xf32>,
      tpu.vector_store %swap3A_124[%swap3A_125, %swap3A_126], %broadcast_in_dim3A_11 {strides = array<i32>} : memref<128x48xf32, #tpu.memory_space<vmem>>, vector<16xf32>,
    }
    %mul3A_23 = arith.constant 632 : i32
    %mul3A_24 = arith.muli %arg1, %mul3A_23 : i32
    %eq3A_25 = arith.constant 15 : i32
    %eq3A_26 = arith.cmpi eq, %arg1, %eq3A_25 : i32
    %jit3A = arith.constant 65 : i32
    %jit3A_27 = arith.constant 79 : i32
    %select_n3A = arith.select %eq3A_26, %jit3A, %jit3A_27 : i32
    %while3A_28 = arith.constant 0 : i32
    %while3A_29 = arith.constant 0 : i32
    %while3A_30 = arith.constant 0 : i32
    %while3A_31 = arith.subi %select_n3A, %while3A_30 : i32
    %while3A_32 = arith.addi %while3A_30, %while3A_31 : i32
    %while3A_33 = arith.constant 1 : i32
    %while3A_34 = arith.divsi %while3A_31, %while3A_33 : i32
    %while3A_35 = arith.muli %while3A_34, %while3A_33 : i32
    %while3A_36 = arith.addi %while3A_30, %while3A_35 : i32
    %while3A_37 = arith.constant 1 : i32
    scf.for %while3A_107 = %while3A_30 to %while3A_36 step %while3A_37  : i32 {
      %mul3A_108 = arith.constant 8 : i32
      %mul3A_109 = arith.muli %mul3A_108, %while3A_107 : i32
      %add3A_110 = arith.addi %mul3A_24, %mul3A_109 : i32
      "tpu.region"() ({
        %run_scoped3A = tpu.sem_alloc : memref<!tpu.dma_semaphore, #tpu.memory_space<semaphore_mem>>
        %dma_start3A_111 = arith.constant 0 : i32
        %dma_start3A_112 = arith.constant 0 : i32
        %dma_start3A_113 = tpu.memref_slice %arg14[%while3A_29, %dma_start3A_111, %dma_start3A_112] : memref<2x128x48xf32, #tpu.memory_space<vmem>> -> memref<1x128x48xf32, #tpu.memory_space<vmem>>
        %dma_start3A_114 = tpu.memref_squeeze %dma_start3A_113 : memref<1x128x48xf32, #tpu.memory_space<vmem>> -> memref<128x48xf32, #tpu.memory_space<vmem>>
        %dma_start3A_115 = arith.constant 0 : i32
        %dma_start3A_116 = arith.constant 0 : i32
        %dma_start3A_117 = tpu.memref_slice %dma_start3A_114[%dma_start3A_115, %dma_start3A_116] : memref<128x48xf32, #tpu.memory_space<vmem>> -> memref<8x48xf32, #tpu.memory_space<vmem>>
        %dma_start3A_118 = arith.constant 0 : i32
        %dma_start3A_119 = tpu.memref_slice %arg15[%add3A_110, %dma_start3A_118] : memref<10128x48xf32, #tpu.memory_space<vmem_shared>> -> memref<8x48xf32, #tpu.memory_space<vmem_shared>>
        %dma_start3A_120 = arith.constant 0 : i32
        %dma_start3A_121 = tpu.memref_slice %arg15[%add3A_110, %dma_start3A_120] : memref<10128x48xf32, #tpu.memory_space<vmem_shared>> -> memref<8x48xf32, #tpu.memory_space<vmem_shared>>
        %dma_start3A_122 = arith.constant 0 : i32
        %dma_start3A_123 = arith.constant 0 : i32
        %dma_start3A_124 = tpu.memref_slice %arg14[%while3A_29, %dma_start3A_122, %dma_start3A_123] : memref<2x128x48xf32, #tpu.memory_space<vmem>> -> memref<1x128x48xf32, #tpu.memory_space<vmem>>
        %dma_start3A_125 = tpu.memref_squeeze %dma_start3A_124 : memref<1x128x48xf32, #tpu.memory_space<vmem>> -> memref<128x48xf32, #tpu.memory_space<vmem>>
        %dma_start3A_126 = arith.constant 0 : i32
        %dma_start3A_127 = arith.constant 0 : i32
        %dma_start3A_128 = tpu.memref_slice %dma_start3A_125[%dma_start3A_126, %dma_start3A_127] : memref<128x48xf32, #tpu.memory_space<vmem>> -> memref<8x48xf32, #tpu.memory_space<vmem>>
        tpu.enqueue_dma source(%dma_start3A_128 : memref<8x48xf32, #tpu.memory_space<vmem>>) target(%dma_start3A_121 : memref<8x48xf32, #tpu.memory_space<vmem_shared>>) target_semaphore(%run_scoped3A : memref<!tpu.dma_semaphore, #tpu.memory_space<semaphore_mem>>)
        %dma_wait3A_129 = arith.constant 0 : i32
        %dma_wait3A_130 = arith.constant 0 : i32
        %dma_wait3A_131 = tpu.memref_slice %arg14[%while3A_29, %dma_wait3A_129, %dma_wait3A_130] : memref<2x128x48xf32, #tpu.memory_space<vmem>> -> memref<1x128x48xf32, #tpu.memory_space<vmem>>
        %dma_wait3A_132 = tpu.memref_squeeze %dma_wait3A_131 : memref<1x128x48xf32, #tpu.memory_space<vmem>> -> memref<128x48xf32, #tpu.memory_space<vmem>>
        %dma_wait3A_133 = arith.constant 0 : i32
        %dma_wait3A_134 = arith.constant 0 : i32
        %dma_wait3A_135 = tpu.memref_slice %dma_wait3A_132[%dma_wait3A_133, %dma_wait3A_134] : memref<128x48xf32, #tpu.memory_space<vmem>> -> memref<8x48xf32, #tpu.memory_space<vmem>>
        %dma_wait3A_136 = arith.constant 0 : i32
        %dma_wait3A_137 = tpu.memref_slice %arg15[%add3A_110, %dma_wait3A_136] : memref<10128x48xf32, #tpu.memory_space<vmem_shared>> -> memref<8x48xf32, #tpu.memory_space<vmem_shared>>
        %dma_wait3A_138 = arith.constant 0 : i32
        %dma_wait3A_139 = tpu.memref_slice %arg15[%add3A_110, %dma_wait3A_138] : memref<10128x48xf32, #tpu.memory_space<vmem_shared>> -> memref<8x48xf32, #tpu.memory_space<vmem_shared>>
        %dma_wait3A_140 = arith.constant 0 : i32
        %dma_wait3A_141 = arith.constant 0 : i32
        %dma_wait3A_142 = tpu.memref_slice %arg14[%while3A_29, %dma_wait3A_140, %dma_wait3A_141] : memref<2x128x48xf32, #tpu.memory_space<vmem>> -> memref<1x128x48xf32, #tpu.memory_space<vmem>>
        %dma_wait3A_143 = tpu.memref_squeeze %dma_wait3A_142 : memref<1x128x48xf32, #tpu.memory_space<vmem>> -> memref<128x48xf32, #tpu.memory_space<vmem>>
        %dma_wait3A_144 = arith.constant 0 : i32
        %dma_wait3A_145 = arith.constant 0 : i32
        %dma_wait3A_146 = tpu.memref_slice %dma_wait3A_143[%dma_wait3A_144, %dma_wait3A_145] : memref<128x48xf32, #tpu.memory_space<vmem>> -> memref<8x48xf32, #tpu.memory_space<vmem>>
        tpu.wait_dma2 semaphore(%run_scoped3A : memref<!tpu.dma_semaphore, #tpu.memory_space<semaphore_mem>>) src(%dma_wait3A_146 : memref<8x48xf32, #tpu.memory_space<vmem>>) dst(%dma_wait3A_139 : memref<8x48xf32, #tpu.memory_space<vmem_shared>>)
        tpu.yield
      }) : () -> ()
    }
    %while3A_38 = arith.constant 1 : i32
    scf.for %while3A_107 = %while3A_36 to %while3A_32 step %while3A_38  : i32 {
      %mul3A_108 = arith.constant 8 : i32
      %mul3A_109 = arith.muli %mul3A_108, %while3A_107 : i32
      %add3A_110 = arith.addi %mul3A_24, %mul3A_109 : i32
      "tpu.region"() ({
        %run_scoped3A = tpu.sem_alloc : memref<!tpu.dma_semaphore, #tpu.memory_space<semaphore_mem>>
        %dma_start3A_111 = arith.constant 0 : i32
        %dma_start3A_112 = arith.constant 0 : i32
        %dma_start3A_113 = tpu.memref_slice %arg14[%while3A_29, %dma_start3A_111, %dma_start3A_112] : memref<2x128x48xf32, #tpu.memory_space<vmem>> -> memref<1x128x48xf32, #tpu.memory_space<vmem>>
        %dma_start3A_114 = tpu.memref_squeeze %dma_start3A_113 : memref<1x128x48xf32, #tpu.memory_space<vmem>> -> memref<128x48xf32, #tpu.memory_space<vmem>>
        %dma_start3A_115 = arith.constant 0 : i32
        %dma_start3A_116 = arith.constant 0 : i32
        %dma_start3A_117 = tpu.memref_slice %dma_start3A_114[%dma_start3A_115, %dma_start3A_116] : memref<128x48xf32, #tpu.memory_space<vmem>> -> memref<8x48xf32, #tpu.memory_space<vmem>>
        %dma_start3A_118 = arith.constant 0 : i32
        %dma_start3A_119 = tpu.memref_slice %arg15[%add3A_110, %dma_start3A_118] : memref<10128x48xf32, #tpu.memory_space<vmem_shared>> -> memref<8x48xf32, #tpu.memory_space<vmem_shared>>
        %dma_start3A_120 = arith.constant 0 : i32
        %dma_start3A_121 = tpu.memref_slice %arg15[%add3A_110, %dma_start3A_120] : memref<10128x48xf32, #tpu.memory_space<vmem_shared>> -> memref<8x48xf32, #tpu.memory_space<vmem_shared>>
        %dma_start3A_122 = arith.constant 0 : i32
        %dma_start3A_123 = arith.constant 0 : i32
        %dma_start3A_124 = tpu.memref_slice %arg14[%while3A_29, %dma_start3A_122, %dma_start3A_123] : memref<2x128x48xf32, #tpu.memory_space<vmem>> -> memref<1x128x48xf32, #tpu.memory_space<vmem>>
        %dma_start3A_125 = tpu.memref_squeeze %dma_start3A_124 : memref<1x128x48xf32, #tpu.memory_space<vmem>> -> memref<128x48xf32, #tpu.memory_space<vmem>>
        %dma_start3A_126 = arith.constant 0 : i32
        %dma_start3A_127 = arith.constant 0 : i32
        %dma_start3A_128 = tpu.memref_slice %dma_start3A_125[%dma_start3A_126, %dma_start3A_127] : memref<128x48xf32, #tpu.memory_space<vmem>> -> memref<8x48xf32, #tpu.memory_space<vmem>>
        tpu.enqueue_dma source(%dma_start3A_128 : memref<8x48xf32, #tpu.memory_space<vmem>>) target(%dma_start3A_121 : memref<8x48xf32, #tpu.memory_space<vmem_shared>>) target_semaphore(%run_scoped3A : memref<!tpu.dma_semaphore, #tpu.memory_space<semaphore_mem>>)
        %dma_wait3A_129 = arith.constant 0 : i32
        %dma_wait3A_130 = arith.constant 0 : i32
        %dma_wait3A_131 = tpu.memref_slice %arg14[%while3A_29, %dma_wait3A_129, %dma_wait3A_130] : memref<2x128x48xf32, #tpu.memory_space<vmem>> -> memref<1x128x48xf32, #tpu.memory_space<vmem>>
        %dma_wait3A_132 = tpu.memref_squeeze %dma_wait3A_131 : memref<1x128x48xf32, #tpu.memory_space<vmem>> -> memref<128x48xf32, #tpu.memory_space<vmem>>
        %dma_wait3A_133 = arith.constant 0 : i32
        %dma_wait3A_134 = arith.constant 0 : i32
        %dma_wait3A_135 = tpu.memref_slice %dma_wait3A_132[%dma_wait3A_133, %dma_wait3A_134] : memref<128x48xf32, #tpu.memory_space<vmem>> -> memref<8x48xf32, #tpu.memory_space<vmem>>
        %dma_wait3A_136 = arith.constant 0 : i32
        %dma_wait3A_137 = tpu.memref_slice %arg15[%add3A_110, %dma_wait3A_136] : memref<10128x48xf32, #tpu.memory_space<vmem_shared>> -> memref<8x48xf32, #tpu.memory_space<vmem_shared>>
        %dma_wait3A_138 = arith.constant 0 : i32
        %dma_wait3A_139 = tpu.memref_slice %arg15[%add3A_110, %dma_wait3A_138] : memref<10128x48xf32, #tpu.memory_space<vmem_shared>> -> memref<8x48xf32, #tpu.memory_space<vmem_shared>>
        %dma_wait3A_140 = arith.constant 0 : i32
        %dma_wait3A_141 = arith.constant 0 : i32
        %dma_wait3A_142 = tpu.memref_slice %arg14[%while3A_29, %dma_wait3A_140, %dma_wait3A_141] : memref<2x128x48xf32, #tpu.memory_space<vmem>> -> memref<1x128x48xf32, #tpu.memory_space<vmem>>
        %dma_wait3A_143 = tpu.memref_squeeze %dma_wait3A_142 : memref<1x128x48xf32, #tpu.memory_space<vmem>> -> memref<128x48xf32, #tpu.memory_space<vmem>>
        %dma_wait3A_144 = arith.constant 0 : i32
        %dma_wait3A_145 = arith.constant 0 : i32
        %dma_wait3A_146 = tpu.memref_slice %dma_wait3A_143[%dma_wait3A_144, %dma_wait3A_145] : memref<128x48xf32, #tpu.memory_space<vmem>> -> memref<8x48xf32, #tpu.memory_space<vmem>>
        tpu.wait_dma2 semaphore(%run_scoped3A : memref<!tpu.dma_semaphore, #tpu.memory_space<semaphore_mem>>) src(%dma_wait3A_146 : memref<8x48xf32, #tpu.memory_space<vmem>>) dst(%dma_wait3A_139 : memref<8x48xf32, #tpu.memory_space<vmem_shared>>)
        tpu.yield
      }) : () -> ()
    }
    %barrier3A = arith.constant 0 : index
    tpu.barrier barrier_id(%barrier3A)
    %dma_start3A = arith.constant 0 : i32
    %dma_start3A_39 = arith.constant 0 : i32
    %dma_start3A_40 = arith.constant 0 : i32
    %dma_start3A_41 = arith.constant 0 : i32
    %dma_start3A_42 = tpu.memref_slice %arg12[%dma_start3A_39, %dma_start3A_40, %dma_start3A_41] : memref<2x128x48xf32, #tpu.memory_space<vmem>> -> memref<1x128x48xf32, #tpu.memory_space<vmem>>
    %dma_start3A_43 = tpu.memref_squeeze %dma_start3A_42 : memref<1x128x48xf32, #tpu.memory_space<vmem>> -> memref<128x48xf32, #tpu.memory_space<vmem>>
    %dma_start3A_44 = arith.constant 0 : i32
    %dma_start3A_45 = tpu.memref_slice %arg8[%dma_start3A, %dma_start3A_44] : memref<80x128xi32, #tpu.memory_space<vmem>> -> memref<1x128xi32, #tpu.memory_space<vmem>>
    %dma_start3A_46 = tpu.memref_squeeze %dma_start3A_45 : memref<1x128xi32, #tpu.memory_space<vmem>> -> memref<128xi32, #tpu.memory_space<vmem>>
    %dma_start3A_47 = arith.constant 0 : i32
    %dma_start3A_48 = arith.constant 0 : i32
    %dma_start3A_49 = tpu.memref_slice %arg16[%dma_start3A_47, %dma_start3A_48] : memref<10000x48xf32, #tpu.memory_space<vmem_shared>> -> memref<10000x48xf32, #tpu.memory_space<vmem_shared>>
    tpu.enqueue_indirect_dma source(%dma_start3A_49 : memref<10000x48xf32, #tpu.memory_space<vmem_shared>>) target(%dma_start3A_43 : memref<128x48xf32, #tpu.memory_space<vmem>>) offsets(%dma_start3A_46 : memref<128xi32, #tpu.memory_space<vmem>>) semaphore(%arg17 : memref<!tpu.dma_semaphore, #tpu.memory_space<semaphore_mem>>)
    %dma_start3A_50 = arith.constant 1 : i32
    %dma_start3A_51 = arith.constant 1 : i32
    %dma_start3A_52 = arith.constant 0 : i32
    %dma_start3A_53 = arith.constant 0 : i32
    %dma_start3A_54 = tpu.memref_slice %arg12[%dma_start3A_51, %dma_start3A_52, %dma_start3A_53] : memref<2x128x48xf32, #tpu.memory_space<vmem>> -> memref<1x128x48xf32, #tpu.memory_space<vmem>>
    %dma_start3A_55 = tpu.memref_squeeze %dma_start3A_54 : memref<1x128x48xf32, #tpu.memory_space<vmem>> -> memref<128x48xf32, #tpu.memory_space<vmem>>
    %dma_start3A_56 = arith.constant 0 : i32
    %dma_start3A_57 = tpu.memref_slice %arg8[%dma_start3A_50, %dma_start3A_56] : memref<80x128xi32, #tpu.memory_space<vmem>> -> memref<1x128xi32, #tpu.memory_space<vmem>>
    %dma_start3A_58 = tpu.memref_squeeze %dma_start3A_57 : memref<1x128xi32, #tpu.memory_space<vmem>> -> memref<128xi32, #tpu.memory_space<vmem>>
    %dma_start3A_59 = arith.constant 0 : i32
    %dma_start3A_60 = arith.constant 0 : i32
    %dma_start3A_61 = tpu.memref_slice %arg16[%dma_start3A_59, %dma_start3A_60] : memref<10000x48xf32, #tpu.memory_space<vmem_shared>> -> memref<10000x48xf32, #tpu.memory_space<vmem_shared>>
    tpu.enqueue_indirect_dma source(%dma_start3A_61 : memref<10000x48xf32, #tpu.memory_space<vmem_shared>>) target(%dma_start3A_55 : memref<128x48xf32, #tpu.memory_space<vmem>>) offsets(%dma_start3A_58 : memref<128xi32, #tpu.memory_space<vmem>>) semaphore(%arg18 : memref<!tpu.dma_semaphore, #tpu.memory_space<semaphore_mem>>)
    %while3A_62 = arith.constant 0 : i32
    %while3A_63 = arith.constant 0 : i32
    %while3A_64 = arith.constant 40 : i32
    %while3A_65 = arith.subi %while3A_64, %while3A_63 : i32
    %while3A_66 = arith.addi %while3A_63, %while3A_65 : i32
    %while3A_67 = arith.constant 1 : i32
    %while3A_68 = arith.divsi %while3A_65, %while3A_67 : i32
    %while3A_69 = arith.muli %while3A_68, %while3A_67 : i32
    %while3A_70 = arith.addi %while3A_63, %while3A_69 : i32
    %while3A_71 = arith.constant 1 : i32
    scf.for %while3A_107 = %while3A_63 to %while3A_70 step %while3A_71  : i32 {
      %mul3A_108 = arith.constant 2 : i32
      %mul3A_109 = arith.muli %mul3A_108, %while3A_107 : i32
      %add3A_110 = arith.constant 0 : i32
      %add3A_111 = arith.addi %mul3A_109, %add3A_110 : i32
      %dma_wait3A_112 = arith.constant 0 : i32
      %dma_wait3A_113 = arith.constant 0 : i32
      %dma_wait3A_114 = arith.constant 0 : i32
      %dma_wait3A_115 = tpu.memref_slice %arg12[%dma_wait3A_112, %dma_wait3A_113, %dma_wait3A_114] : memref<2x128x48xf32, #tpu.memory_space<vmem>> -> memref<1x128x48xf32, #tpu.memory_space<vmem>>
      %dma_wait3A_116 = tpu.memref_squeeze %dma_wait3A_115 : memref<1x128x48xf32, #tpu.memory_space<vmem>> -> memref<128x48xf32, #tpu.memory_space<vmem>>
      %dma_wait3A_117 = arith.constant 0 : i32
      %dma_wait3A_118 = tpu.memref_slice %arg8[%add3A_111, %dma_wait3A_117] : memref<80x128xi32, #tpu.memory_space<vmem>> -> memref<1x128xi32, #tpu.memory_space<vmem>>
      %dma_wait3A_119 = tpu.memref_squeeze %dma_wait3A_118 : memref<1x128xi32, #tpu.memory_space<vmem>> -> memref<128xi32, #tpu.memory_space<vmem>>
      %dma_wait3A_120 = arith.constant 0 : i32
      %dma_wait3A_121 = arith.constant 0 : i32
      %dma_wait3A_122 = tpu.memref_slice %arg16[%dma_wait3A_120, %dma_wait3A_121] : memref<10000x48xf32, #tpu.memory_space<vmem_shared>> -> memref<10000x48xf32, #tpu.memory_space<vmem_shared>>
      tpu.wait_indirect_dma semaphore(%arg17 : memref<!tpu.dma_semaphore, #tpu.memory_space<semaphore_mem>>) src(%dma_wait3A_122 : memref<10000x48xf32, #tpu.memory_space<vmem_shared>>) dst(%dma_wait3A_116 : memref<128x48xf32, #tpu.memory_space<vmem>>)
      %gt3A = arith.constant 0 : i32
      %gt3A_123 = arith.cmpi sgt, %while3A_107, %gt3A : i32
      %convert_element_type3A_124 = arith.extui %gt3A_123 : i1 to i32
      %cond3A_125 = arith.constant 0 : i32
      %cond3A_126 = arith.cmpi ne, %convert_element_type3A_124, %cond3A_125 : i32
      scf.if %cond3A_126 {
        %sub3A = arith.constant 2 : i32
        %sub3A_194 = arith.subi %add3A_111, %sub3A : i32
        %dma_wait3A_195 = arith.constant 0 : i32
        %dma_wait3A_196 = arith.constant 0 : i32
        %dma_wait3A_197 = arith.constant 0 : i32
        %dma_wait3A_198 = tpu.memref_slice %arg14[%dma_wait3A_195, %dma_wait3A_196, %dma_wait3A_197] : memref<2x128x48xf32, #tpu.memory_space<vmem>> -> memref<1x128x48xf32, #tpu.memory_space<vmem>>
        %dma_wait3A_199 = tpu.memref_squeeze %dma_wait3A_198 : memref<1x128x48xf32, #tpu.memory_space<vmem>> -> memref<128x48xf32, #tpu.memory_space<vmem>>
        %dma_wait3A_200 = arith.constant 0 : i32
        %dma_wait3A_201 = tpu.memref_slice %arg9[%sub3A_194, %dma_wait3A_200] : memref<80x128xi32, #tpu.memory_space<vmem>> -> memref<1x128xi32, #tpu.memory_space<vmem>>
        %dma_wait3A_202 = tpu.memref_squeeze %dma_wait3A_201 : memref<1x128xi32, #tpu.memory_space<vmem>> -> memref<128xi32, #tpu.memory_space<vmem>>
        %dma_wait3A_203 = arith.constant 0 : i32
        %dma_wait3A_204 = arith.constant 0 : i32
        %dma_wait3A_205 = tpu.memref_slice %arg15[%dma_wait3A_203, %dma_wait3A_204] : memref<10128x48xf32, #tpu.memory_space<vmem_shared>> -> memref<10128x48xf32, #tpu.memory_space<vmem_shared>>
        tpu.wait_indirect_dma semaphore(%arg19 : memref<!tpu.dma_semaphore, #tpu.memory_space<semaphore_mem>>) src(%dma_wait3A_199 : memref<128x48xf32, #tpu.memory_space<vmem>>) dst(%dma_wait3A_205 : memref<10128x48xf32, #tpu.memory_space<vmem_shared>>)
      } else {
      }
      %parallel_loop3A = arith.constant 0 : i32
      %parallel_loop3A_127 = arith.constant 8 : i32
      %parallel_loop3A_128 = arith.constant 1 : i32
      %parallel_loop3A_129 = arith.constant 0 : i32
      scf.for %parallel_loop3A_194 = %parallel_loop3A to %parallel_loop3A_127 step %parallel_loop3A_128  : i32 {
        %parallel_loop3A_195 = arith.constant 16 : i32
        %parallel_loop3A_196 = arith.muli %parallel_loop3A_195, %parallel_loop3A_194 : i32
        %parallel_loop3A_197 = arith.index_cast %add3A_111 : i32 to index
        %parallel_loop3A_198 = arith.index_cast %parallel_loop3A_196 : i32 to index
        %parallel_loop3A_199 = tpu.vector_load %arg8[%parallel_loop3A_197, %parallel_loop3A_198] {strides = array<i32>} : memref<80x128xi32, #tpu.memory_space<vmem>>, vector<16xi32>,
        %parallel_loop3A_200 = arith.constant 16 : i32
        %parallel_loop3A_201 = arith.muli %parallel_loop3A_200, %parallel_loop3A_194 : i32
        %parallel_loop3A_202 = arith.index_cast %add3A_111 : i32 to index
        %parallel_loop3A_203 = arith.index_cast %parallel_loop3A_201 : i32 to index
        %parallel_loop3A_204 = tpu.vector_load %arg9[%parallel_loop3A_202, %parallel_loop3A_203] {strides = array<i32>} : memref<80x128xi32, #tpu.memory_space<vmem>>, vector<16xi32>,
        %parallel_loop3A_205 = tpu.vector_load_idx %arg10[%parallel_loop3A_199] : memref<10000xf32, #tpu.memory_space<vmem>>[vector<16xi32>], vector<16xf32>,
        %parallel_loop3A_206 = tpu.vector_load_idx %arg11[%parallel_loop3A_204] : memref<10000xf32, #tpu.memory_space<vmem>>[vector<16xi32>], vector<16xf32>,
        %parallel_loop3A_207 = arith.addf %parallel_loop3A_205, %parallel_loop3A_206 : vector<16xf32>
        %parallel_loop3A_208 = arith.constant 0.000000e+00 : f32
        %parallel_loop3A_209 = vector.broadcast %parallel_loop3A_208 : f32 to vector<16xf32>
        %parallel_loop3A_210 = arith.cmpf ogt, %parallel_loop3A_207, %parallel_loop3A_209 : vector<16xf32>
        %parallel_loop3A_211 = arith.constant 2.000000e-01 : f32
        %parallel_loop3A_212 = vector.broadcast %parallel_loop3A_211 : f32 to vector<16xf32>
        %parallel_loop3A_213 = arith.mulf %parallel_loop3A_212, %parallel_loop3A_207 : vector<16xf32>
        %parallel_loop3A_214 = arith.select %parallel_loop3A_210, %parallel_loop3A_207, %parallel_loop3A_213 : vector<16xi1>, vector<16xf32>
        %parallel_loop3A_215 = math.exp %parallel_loop3A_214 : vector<16xf32>
        %parallel_loop3A_216 = arith.constant 16 : i32
        %parallel_loop3A_217 = arith.muli %parallel_loop3A_216, %parallel_loop3A_194 : i32
        %parallel_loop3A_218 = arith.constant 0 : i32
        %parallel_loop3A_219 = tpu.memref_slice %arg13[%parallel_loop3A_129, %parallel_loop3A_218] : memref<2x128xf32, #tpu.memory_space<vmem>> -> memref<1x128xf32, #tpu.memory_space<vmem>>
        %parallel_loop3A_220 = tpu.memref_squeeze %parallel_loop3A_219 : memref<1x128xf32, #tpu.memory_space<vmem>> -> memref<128xf32, #tpu.memory_space<vmem>>
        %parallel_loop3A_221 = arith.index_cast %parallel_loop3A_217 : i32 to index
        %parallel_loop3A_222 = tpu.vector_load %parallel_loop3A_220[%parallel_loop3A_221] {strides = array<i32>} : memref<128xf32, #tpu.memory_space<vmem>>, vector<16xf32>,
        tpu.vector_store %parallel_loop3A_220[%parallel_loop3A_221], %parallel_loop3A_215 {strides = array<i32>} : memref<128xf32, #tpu.memory_space<vmem>>, vector<16xf32>,
      } {sc.loop_unroll_factor = 2 : i64, sc.parallel_access}
      %parallel_loop3A_130 = arith.constant 0 : i32
      %parallel_loop3A_131 = arith.constant 128 : i32
      %parallel_loop3A_132 = arith.constant 1 : i32
      %parallel_loop3A_133 = arith.constant 0 : i32
      scf.for %parallel_loop3A_194 = %parallel_loop3A_130 to %parallel_loop3A_131 step %parallel_loop3A_132  : i32 {
        %parallel_loop3A_195 = vector.broadcast %parallel_loop3A_194 : i32 to vector<16xi32>
        %parallel_loop3A_196 = arith.constant 0 : i32
        %parallel_loop3A_197 = tpu.memref_slice %arg13[%parallel_loop3A_133, %parallel_loop3A_196] : memref<2x128xf32, #tpu.memory_space<vmem>> -> memref<1x128xf32, #tpu.memory_space<vmem>>
        %parallel_loop3A_198 = tpu.memref_squeeze %parallel_loop3A_197 : memref<1x128xf32, #tpu.memory_space<vmem>> -> memref<128xf32, #tpu.memory_space<vmem>>
        %parallel_loop3A_199 = tpu.vector_load_idx %parallel_loop3A_198[%parallel_loop3A_195] : memref<128xf32, #tpu.memory_space<vmem>>[vector<16xi32>], vector<16xf32>,
        %parallel_loop3A_200 = arith.constant 0 : i32
        %parallel_loop3A_201 = arith.constant 0 : i32
        %parallel_loop3A_202 = tpu.memref_slice %arg12[%parallel_loop3A_133, %parallel_loop3A_200, %parallel_loop3A_201] : memref<2x128x48xf32, #tpu.memory_space<vmem>> -> memref<1x128x48xf32, #tpu.memory_space<vmem>>
        %parallel_loop3A_203 = tpu.memref_squeeze %parallel_loop3A_202 : memref<1x128x48xf32, #tpu.memory_space<vmem>> -> memref<128x48xf32, #tpu.memory_space<vmem>>
        %parallel_loop3A_204 = arith.index_cast %parallel_loop3A_194 : i32 to index
        %parallel_loop3A_205 = arith.constant 0 : index
        %parallel_loop3A_206 = tpu.vector_load %parallel_loop3A_203[%parallel_loop3A_204, %parallel_loop3A_205] {strides = array<i32>} : memref<128x48xf32, #tpu.memory_space<vmem>>, vector<16xf32>,
        %parallel_loop3A_207 = arith.mulf %parallel_loop3A_199, %parallel_loop3A_206 : vector<16xf32>
        %parallel_loop3A_208 = arith.constant 0 : i32
        %parallel_loop3A_209 = arith.constant 0 : i32
        %parallel_loop3A_210 = tpu.memref_slice %arg14[%parallel_loop3A_133, %parallel_loop3A_208, %parallel_loop3A_209] : memref<2x128x48xf32, #tpu.memory_space<vmem>> -> memref<1x128x48xf32, #tpu.memory_space<vmem>>
        %parallel_loop3A_211 = tpu.memref_squeeze %parallel_loop3A_210 : memref<1x128x48xf32, #tpu.memory_space<vmem>> -> memref<128x48xf32, #tpu.memory_space<vmem>>
        %parallel_loop3A_212 = arith.index_cast %parallel_loop3A_194 : i32 to index
        %parallel_loop3A_213 = arith.constant 0 : index
        %parallel_loop3A_214 = tpu.vector_load %parallel_loop3A_211[%parallel_loop3A_212, %parallel_loop3A_213] {strides = array<i32>} : memref<128x48xf32, #tpu.memory_space<vmem>>, vector<16xf32>,
        tpu.vector_store %parallel_loop3A_211[%parallel_loop3A_212, %parallel_loop3A_213], %parallel_loop3A_207 {strides = array<i32>} : memref<128x48xf32, #tpu.memory_space<vmem>>, vector<16xf32>,
        %parallel_loop3A_215 = arith.constant 0 : i32
        %parallel_loop3A_216 = arith.constant 0 : i32
        %parallel_loop3A_217 = tpu.memref_slice %arg12[%parallel_loop3A_133, %parallel_loop3A_215, %parallel_loop3A_216] : memref<2x128x48xf32, #tpu.memory_space<vmem>> -> memref<1x128x48xf32, #tpu.memory_space<vmem>>
        %parallel_loop3A_218 = tpu.memref_squeeze %parallel_loop3A_217 : memref<1x128x48xf32, #tpu.memory_space<vmem>> -> memref<128x48xf32, #tpu.memory_space<vmem>>
        %parallel_loop3A_219 = arith.index_cast %parallel_loop3A_194 : i32 to index
        %parallel_loop3A_220 = arith.constant 16 : index
        %parallel_loop3A_221 = tpu.vector_load %parallel_loop3A_218[%parallel_loop3A_219, %parallel_loop3A_220] {strides = array<i32>} : memref<128x48xf32, #tpu.memory_space<vmem>>, vector<16xf32>,
        %parallel_loop3A_222 = arith.mulf %parallel_loop3A_199, %parallel_loop3A_221 : vector<16xf32>
        %parallel_loop3A_223 = arith.constant 0 : i32
        %parallel_loop3A_224 = arith.constant 0 : i32
        %parallel_loop3A_225 = tpu.memref_slice %arg14[%parallel_loop3A_133, %parallel_loop3A_223, %parallel_loop3A_224] : memref<2x128x48xf32, #tpu.memory_space<vmem>> -> memref<1x128x48xf32, #tpu.memory_space<vmem>>
        %parallel_loop3A_226 = tpu.memref_squeeze %parallel_loop3A_225 : memref<1x128x48xf32, #tpu.memory_space<vmem>> -> memref<128x48xf32, #tpu.memory_space<vmem>>
        %parallel_loop3A_227 = arith.index_cast %parallel_loop3A_194 : i32 to index
        %parallel_loop3A_228 = arith.constant 16 : index
        %parallel_loop3A_229 = tpu.vector_load %parallel_loop3A_226[%parallel_loop3A_227, %parallel_loop3A_228] {strides = array<i32>} : memref<128x48xf32, #tpu.memory_space<vmem>>, vector<16xf32>,
        tpu.vector_store %parallel_loop3A_226[%parallel_loop3A_227, %parallel_loop3A_228], %parallel_loop3A_222 {strides = array<i32>} : memref<128x48xf32, #tpu.memory_space<vmem>>, vector<16xf32>,
        %parallel_loop3A_230 = arith.constant 0 : i32
        %parallel_loop3A_231 = arith.constant 0 : i32
        %parallel_loop3A_232 = tpu.memref_slice %arg12[%parallel_loop3A_133, %parallel_loop3A_230, %parallel_loop3A_231] : memref<2x128x48xf32, #tpu.memory_space<vmem>> -> memref<1x128x48xf32, #tpu.memory_space<vmem>>
        %parallel_loop3A_233 = tpu.memref_squeeze %parallel_loop3A_232 : memref<1x128x48xf32, #tpu.memory_space<vmem>> -> memref<128x48xf32, #tpu.memory_space<vmem>>
        %parallel_loop3A_234 = arith.index_cast %parallel_loop3A_194 : i32 to index
        %parallel_loop3A_235 = arith.constant 32 : index
        %parallel_loop3A_236 = tpu.vector_load %parallel_loop3A_233[%parallel_loop3A_234, %parallel_loop3A_235] {strides = array<i32>} : memref<128x48xf32, #tpu.memory_space<vmem>>, vector<16xf32>,
        %parallel_loop3A_237 = arith.mulf %parallel_loop3A_199, %parallel_loop3A_236 : vector<16xf32>
        %parallel_loop3A_238 = arith.constant 0 : i32
        %parallel_loop3A_239 = arith.constant 0 : i32
        %parallel_loop3A_240 = tpu.memref_slice %arg14[%parallel_loop3A_133, %parallel_loop3A_238, %parallel_loop3A_239] : memref<2x128x48xf32, #tpu.memory_space<vmem>> -> memref<1x128x48xf32, #tpu.memory_space<vmem>>
        %parallel_loop3A_241 = tpu.memref_squeeze %parallel_loop3A_240 : memref<1x128x48xf32, #tpu.memory_space<vmem>> -> memref<128x48xf32, #tpu.memory_space<vmem>>
        %parallel_loop3A_242 = arith.index_cast %parallel_loop3A_194 : i32 to index
        %parallel_loop3A_243 = arith.constant 32 : index
        %parallel_loop3A_244 = tpu.vector_load %parallel_loop3A_241[%parallel_loop3A_242, %parallel_loop3A_243] {strides = array<i32>} : memref<128x48xf32, #tpu.memory_space<vmem>>, vector<16xf32>,
        tpu.vector_store %parallel_loop3A_241[%parallel_loop3A_242, %parallel_loop3A_243], %parallel_loop3A_237 {strides = array<i32>} : memref<128x48xf32, #tpu.memory_space<vmem>>, vector<16xf32>,
      } {sc.loop_unroll_factor = 8 : i64, sc.parallel_access}
      %dma_start3A_134 = arith.constant 0 : i32
      %dma_start3A_135 = arith.constant 0 : i32
      %dma_start3A_136 = arith.constant 0 : i32
      %dma_start3A_137 = tpu.memref_slice %arg14[%dma_start3A_134, %dma_start3A_135, %dma_start3A_136] : memref<2x128x48xf32, #tpu.memory_space<vmem>> -> memref<1x128x48xf32, #tpu.memory_space<vmem>>
      %dma_start3A_138 = tpu.memref_squeeze %dma_start3A_137 : memref<1x128x48xf32, #tpu.memory_space<vmem>> -> memref<128x48xf32, #tpu.memory_space<vmem>>
      %dma_start3A_139 = arith.constant 0 : i32
      %dma_start3A_140 = tpu.memref_slice %arg9[%add3A_111, %dma_start3A_139] : memref<80x128xi32, #tpu.memory_space<vmem>> -> memref<1x128xi32, #tpu.memory_space<vmem>>
      %dma_start3A_141 = tpu.memref_squeeze %dma_start3A_140 : memref<1x128xi32, #tpu.memory_space<vmem>> -> memref<128xi32, #tpu.memory_space<vmem>>
      %dma_start3A_142 = arith.constant 0 : i32
      %dma_start3A_143 = arith.constant 0 : i32
      %dma_start3A_144 = tpu.memref_slice %arg15[%dma_start3A_142, %dma_start3A_143] : memref<10128x48xf32, #tpu.memory_space<vmem_shared>> -> memref<10128x48xf32, #tpu.memory_space<vmem_shared>>
      tpu.enqueue_indirect_dma source(%dma_start3A_138 : memref<128x48xf32, #tpu.memory_space<vmem>>) target(%dma_start3A_144 : memref<10128x48xf32, #tpu.memory_space<vmem_shared>>) offsets(%dma_start3A_141 : memref<128xi32, #tpu.memory_space<vmem>>) semaphore(%arg19 : memref<!tpu.dma_semaphore, #tpu.memory_space<semaphore_mem>>) {add = true}
      %lt3A_145 = arith.constant 39 : i32
      %lt3A_146 = arith.cmpi slt, %while3A_107, %lt3A_145 : i32
      %convert_element_type3A_147 = arith.extui %lt3A_146 : i1 to i32
      %cond3A_148 = arith.constant 0 : i32
      %cond3A_149 = arith.cmpi ne, %convert_element_type3A_147, %cond3A_148 : i32
      scf.if %cond3A_149 {
        %add3A_194 = arith.constant 2 : i32
        %add3A_195 = arith.addi %add3A_111, %add3A_194 : i32
        %dma_start3A_196 = arith.constant 0 : i32
        %dma_start3A_197 = arith.constant 0 : i32
        %dma_start3A_198 = arith.constant 0 : i32
        %dma_start3A_199 = tpu.memref_slice %arg12[%dma_start3A_196, %dma_start3A_197, %dma_start3A_198] : memref<2x128x48xf32, #tpu.memory_space<vmem>> -> memref<1x128x48xf32, #tpu.memory_space<vmem>>
        %dma_start3A_200 = tpu.memref_squeeze %dma_start3A_199 : memref<1x128x48xf32, #tpu.memory_space<vmem>> -> memref<128x48xf32, #tpu.memory_space<vmem>>
        %dma_start3A_201 = arith.constant 0 : i32
        %dma_start3A_202 = tpu.memref_slice %arg8[%add3A_195, %dma_start3A_201] : memref<80x128xi32, #tpu.memory_space<vmem>> -> memref<1x128xi32, #tpu.memory_space<vmem>>
        %dma_start3A_203 = tpu.memref_squeeze %dma_start3A_202 : memref<1x128xi32, #tpu.memory_space<vmem>> -> memref<128xi32, #tpu.memory_space<vmem>>
        %dma_start3A_204 = arith.constant 0 : i32
        %dma_start3A_205 = arith.constant 0 : i32
        %dma_start3A_206 = tpu.memref_slice %arg16[%dma_start3A_204, %dma_start3A_205] : memref<10000x48xf32, #tpu.memory_space<vmem_shared>> -> memref<10000x48xf32, #tpu.memory_space<vmem_shared>>
        tpu.enqueue_indirect_dma source(%dma_start3A_206 : memref<10000x48xf32, #tpu.memory_space<vmem_shared>>) target(%dma_start3A_200 : memref<128x48xf32, #tpu.memory_space<vmem>>) offsets(%dma_start3A_203 : memref<128xi32, #tpu.memory_space<vmem>>) semaphore(%arg17 : memref<!tpu.dma_semaphore, #tpu.memory_space<semaphore_mem>>)
      } else {
      }
      %mul3A_150 = arith.constant 2 : i32
      %mul3A_151 = arith.muli %mul3A_150, %while3A_107 : i32
      %add3A_152 = arith.constant 1 : i32
      %add3A_153 = arith.addi %mul3A_151, %add3A_152 : i32
      %dma_wait3A_154 = arith.constant 1 : i32
      %dma_wait3A_155 = arith.constant 0 : i32
      %dma_wait3A_156 = arith.constant 0 : i32
      %dma_wait3A_157 = tpu.memref_slice %arg12[%dma_wait3A_154, %dma_wait3A_155, %dma_wait3A_156] : memref<2x128x48xf32, #tpu.memory_space<vmem>> -> memref<1x128x48xf32, #tpu.memory_space<vmem>>
      %dma_wait3A_158 = tpu.memref_squeeze %dma_wait3A_157 : memref<1x128x48xf32, #tpu.memory_space<vmem>> -> memref<128x48xf32, #tpu.memory_space<vmem>>
      %dma_wait3A_159 = arith.constant 0 : i32
      %dma_wait3A_160 = tpu.memref_slice %arg8[%add3A_153, %dma_wait3A_159] : memref<80x128xi32, #tpu.memory_space<vmem>> -> memref<1x128xi32, #tpu.memory_space<vmem>>
      %dma_wait3A_161 = tpu.memref_squeeze %dma_wait3A_160 : memref<1x128xi32, #tpu.memory_space<vmem>> -> memref<128xi32, #tpu.memory_space<vmem>>
      %dma_wait3A_162 = arith.constant 0 : i32
      %dma_wait3A_163 = arith.constant 0 : i32
      %dma_wait3A_164 = tpu.memref_slice %arg16[%dma_wait3A_162, %dma_wait3A_163] : memref<10000x48xf32, #tpu.memory_space<vmem_shared>> -> memref<10000x48xf32, #tpu.memory_space<vmem_shared>>
      tpu.wait_indirect_dma semaphore(%arg18 : memref<!tpu.dma_semaphore, #tpu.memory_space<semaphore_mem>>) src(%dma_wait3A_164 : memref<10000x48xf32, #tpu.memory_space<vmem_shared>>) dst(%dma_wait3A_158 : memref<128x48xf32, #tpu.memory_space<vmem>>)
      %gt3A_165 = arith.constant 0 : i32
      %gt3A_166 = arith.cmpi sgt, %while3A_107, %gt3A_165 : i32
      %convert_element_type3A_167 = arith.extui %gt3A_166 : i1 to i32
      %cond3A_168 = arith.constant 0 : i32
      %cond3A_169 = arith.cmpi ne, %convert_element_type3A_167, %cond3A_168 : i32
      scf.if %cond3A_169 {
        %sub3A = arith.constant 2 : i32
        %sub3A_194 = arith.subi %add3A_153, %sub3A : i32
        %dma_wait3A_195 = arith.constant 1 : i32
        %dma_wait3A_196 = arith.constant 0 : i32
        %dma_wait3A_197 = arith.constant 0 : i32
        %dma_wait3A_198 = tpu.memref_slice %arg14[%dma_wait3A_195, %dma_wait3A_196, %dma_wait3A_197] : memref<2x128x48xf32, #tpu.memory_space<vmem>> -> memref<1x128x48xf32, #tpu.memory_space<vmem>>
        %dma_wait3A_199 = tpu.memref_squeeze %dma_wait3A_198 : memref<1x128x48xf32, #tpu.memory_space<vmem>> -> memref<128x48xf32, #tpu.memory_space<vmem>>
        %dma_wait3A_200 = arith.constant 0 : i32
        %dma_wait3A_201 = tpu.memref_slice %arg9[%sub3A_194, %dma_wait3A_200] : memref<80x128xi32, #tpu.memory_space<vmem>> -> memref<1x128xi32, #tpu.memory_space<vmem>>
        %dma_wait3A_202 = tpu.memref_squeeze %dma_wait3A_201 : memref<1x128xi32, #tpu.memory_space<vmem>> -> memref<128xi32, #tpu.memory_space<vmem>>
        %dma_wait3A_203 = arith.constant 0 : i32
        %dma_wait3A_204 = arith.constant 0 : i32
        %dma_wait3A_205 = tpu.memref_slice %arg15[%dma_wait3A_203, %dma_wait3A_204] : memref<10128x48xf32, #tpu.memory_space<vmem_shared>> -> memref<10128x48xf32, #tpu.memory_space<vmem_shared>>
        tpu.wait_indirect_dma semaphore(%arg20 : memref<!tpu.dma_semaphore, #tpu.memory_space<semaphore_mem>>) src(%dma_wait3A_199 : memref<128x48xf32, #tpu.memory_space<vmem>>) dst(%dma_wait3A_205 : memref<10128x48xf32, #tpu.memory_space<vmem_shared>>)
      } else {
      }
      %parallel_loop3A_170 = arith.constant 0 : i32
      %parallel_loop3A_171 = arith.constant 8 : i32
      %parallel_loop3A_172 = arith.constant 1 : i32
      %parallel_loop3A_173 = arith.constant 1 : i32
      scf.for %parallel_loop3A_194 = %parallel_loop3A_170 to %parallel_loop3A_171 step %parallel_loop3A_172  : i32 {
        %parallel_loop3A_195 = arith.constant 16 : i32
        %parallel_loop3A_196 = arith.muli %parallel_loop3A_195, %parallel_loop3A_194 : i32
        %parallel_loop3A_197 = arith.index_cast %add3A_153 : i32 to index
        %parallel_loop3A_198 = arith.index_cast %parallel_loop3A_196 : i32 to index
        %parallel_loop3A_199 = tpu.vector_load %arg8[%parallel_loop3A_197, %parallel_loop3A_198] {strides = array<i32>} : memref<80x128xi32, #tpu.memory_space<vmem>>, vector<16xi32>,
        %parallel_loop3A_200 = arith.constant 16 : i32
        %parallel_loop3A_201 = arith.muli %parallel_loop3A_200, %parallel_loop3A_194 : i32
        %parallel_loop3A_202 = arith.index_cast %add3A_153 : i32 to index
        %parallel_loop3A_203 = arith.index_cast %parallel_loop3A_201 : i32 to index
        %parallel_loop3A_204 = tpu.vector_load %arg9[%parallel_loop3A_202, %parallel_loop3A_203] {strides = array<i32>} : memref<80x128xi32, #tpu.memory_space<vmem>>, vector<16xi32>,
        %parallel_loop3A_205 = tpu.vector_load_idx %arg10[%parallel_loop3A_199] : memref<10000xf32, #tpu.memory_space<vmem>>[vector<16xi32>], vector<16xf32>,
        %parallel_loop3A_206 = tpu.vector_load_idx %arg11[%parallel_loop3A_204] : memref<10000xf32, #tpu.memory_space<vmem>>[vector<16xi32>], vector<16xf32>,
        %parallel_loop3A_207 = arith.addf %parallel_loop3A_205, %parallel_loop3A_206 : vector<16xf32>
        %parallel_loop3A_208 = arith.constant 0.000000e+00 : f32
        %parallel_loop3A_209 = vector.broadcast %parallel_loop3A_208 : f32 to vector<16xf32>
        %parallel_loop3A_210 = arith.cmpf ogt, %parallel_loop3A_207, %parallel_loop3A_209 : vector<16xf32>
        %parallel_loop3A_211 = arith.constant 2.000000e-01 : f32
        %parallel_loop3A_212 = vector.broadcast %parallel_loop3A_211 : f32 to vector<16xf32>
        %parallel_loop3A_213 = arith.mulf %parallel_loop3A_212, %parallel_loop3A_207 : vector<16xf32>
        %parallel_loop3A_214 = arith.select %parallel_loop3A_210, %parallel_loop3A_207, %parallel_loop3A_213 : vector<16xi1>, vector<16xf32>
        %parallel_loop3A_215 = math.exp %parallel_loop3A_214 : vector<16xf32>
        %parallel_loop3A_216 = arith.constant 16 : i32
        %parallel_loop3A_217 = arith.muli %parallel_loop3A_216, %parallel_loop3A_194 : i32
        %parallel_loop3A_218 = arith.constant 0 : i32
        %parallel_loop3A_219 = tpu.memref_slice %arg13[%parallel_loop3A_173, %parallel_loop3A_218] : memref<2x128xf32, #tpu.memory_space<vmem>> -> memref<1x128xf32, #tpu.memory_space<vmem>>
        %parallel_loop3A_220 = tpu.memref_squeeze %parallel_loop3A_219 : memref<1x128xf32, #tpu.memory_space<vmem>> -> memref<128xf32, #tpu.memory_space<vmem>>
        %parallel_loop3A_221 = arith.index_cast %parallel_loop3A_217 : i32 to index
        %parallel_loop3A_222 = tpu.vector_load %parallel_loop3A_220[%parallel_loop3A_221] {strides = array<i32>} : memref<128xf32, #tpu.memory_space<vmem>>, vector<16xf32>,
        tpu.vector_store %parallel_loop3A_220[%parallel_loop3A_221], %parallel_loop3A_215 {strides = array<i32>} : memref<128xf32, #tpu.memory_space<vmem>>, vector<16xf32>,
      } {sc.loop_unroll_factor = 2 : i64, sc.parallel_access}
      %parallel_loop3A_174 = arith.constant 0 : i32
      %parallel_loop3A_175 = arith.constant 128 : i32
      %parallel_loop3A_176 = arith.constant 1 : i32
      %parallel_loop3A_177 = arith.constant 1 : i32
      scf.for %parallel_loop3A_194 = %parallel_loop3A_174 to %parallel_loop3A_175 step %parallel_loop3A_176  : i32 {
        %parallel_loop3A_195 = vector.broadcast %parallel_loop3A_194 : i32 to vector<16xi32>
        %parallel_loop3A_196 = arith.constant 0 : i32
        %parallel_loop3A_197 = tpu.memref_slice %arg13[%parallel_loop3A_177, %parallel_loop3A_196] : memref<2x128xf32, #tpu.memory_space<vmem>> -> memref<1x128xf32, #tpu.memory_space<vmem>>
        %parallel_loop3A_198 = tpu.memref_squeeze %parallel_loop3A_197 : memref<1x128xf32, #tpu.memory_space<vmem>> -> memref<128xf32, #tpu.memory_space<vmem>>
        %parallel_loop3A_199 = tpu.vector_load_idx %parallel_loop3A_198[%parallel_loop3A_195] : memref<128xf32, #tpu.memory_space<vmem>>[vector<16xi32>], vector<16xf32>,
        %parallel_loop3A_200 = arith.constant 0 : i32
        %parallel_loop3A_201 = arith.constant 0 : i32
        %parallel_loop3A_202 = tpu.memref_slice %arg12[%parallel_loop3A_177, %parallel_loop3A_200, %parallel_loop3A_201] : memref<2x128x48xf32, #tpu.memory_space<vmem>> -> memref<1x128x48xf32, #tpu.memory_space<vmem>>
        %parallel_loop3A_203 = tpu.memref_squeeze %parallel_loop3A_202 : memref<1x128x48xf32, #tpu.memory_space<vmem>> -> memref<128x48xf32, #tpu.memory_space<vmem>>
        %parallel_loop3A_204 = arith.index_cast %parallel_loop3A_194 : i32 to index
        %parallel_loop3A_205 = arith.constant 0 : index
        %parallel_loop3A_206 = tpu.vector_load %parallel_loop3A_203[%parallel_loop3A_204, %parallel_loop3A_205] {strides = array<i32>} : memref<128x48xf32, #tpu.memory_space<vmem>>, vector<16xf32>,
        %parallel_loop3A_207 = arith.mulf %parallel_loop3A_199, %parallel_loop3A_206 : vector<16xf32>
        %parallel_loop3A_208 = arith.constant 0 : i32
        %parallel_loop3A_209 = arith.constant 0 : i32
        %parallel_loop3A_210 = tpu.memref_slice %arg14[%parallel_loop3A_177, %parallel_loop3A_208, %parallel_loop3A_209] : memref<2x128x48xf32, #tpu.memory_space<vmem>> -> memref<1x128x48xf32, #tpu.memory_space<vmem>>
        %parallel_loop3A_211 = tpu.memref_squeeze %parallel_loop3A_210 : memref<1x128x48xf32, #tpu.memory_space<vmem>> -> memref<128x48xf32, #tpu.memory_space<vmem>>
        %parallel_loop3A_212 = arith.index_cast %parallel_loop3A_194 : i32 to index
        %parallel_loop3A_213 = arith.constant 0 : index
        %parallel_loop3A_214 = tpu.vector_load %parallel_loop3A_211[%parallel_loop3A_212, %parallel_loop3A_213] {strides = array<i32>} : memref<128x48xf32, #tpu.memory_space<vmem>>, vector<16xf32>,
        tpu.vector_store %parallel_loop3A_211[%parallel_loop3A_212, %parallel_loop3A_213], %parallel_loop3A_207 {strides = array<i32>} : memref<128x48xf32, #tpu.memory_space<vmem>>, vector<16xf32>,
        %parallel_loop3A_215 = arith.constant 0 : i32
        %parallel_loop3A_216 = arith.constant 0 : i32
        %parallel_loop3A_217 = tpu.memref_slice %arg12[%parallel_loop3A_177, %parallel_loop3A_215, %parallel_loop3A_216] : memref<2x128x48xf32, #tpu.memory_space<vmem>> -> memref<1x128x48xf32, #tpu.memory_space<vmem>>
        %parallel_loop3A_218 = tpu.memref_squeeze %parallel_loop3A_217 : memref<1x128x48xf32, #tpu.memory_space<vmem>> -> memref<128x48xf32, #tpu.memory_space<vmem>>
        %parallel_loop3A_219 = arith.index_cast %parallel_loop3A_194 : i32 to index
        %parallel_loop3A_220 = arith.constant 16 : index
        %parallel_loop3A_221 = tpu.vector_load %parallel_loop3A_218[%parallel_loop3A_219, %parallel_loop3A_220] {strides = array<i32>} : memref<128x48xf32, #tpu.memory_space<vmem>>, vector<16xf32>,
        %parallel_loop3A_222 = arith.mulf %parallel_loop3A_199, %parallel_loop3A_221 : vector<16xf32>
        %parallel_loop3A_223 = arith.constant 0 : i32
        %parallel_loop3A_224 = arith.constant 0 : i32
        %parallel_loop3A_225 = tpu.memref_slice %arg14[%parallel_loop3A_177, %parallel_loop3A_223, %parallel_loop3A_224] : memref<2x128x48xf32, #tpu.memory_space<vmem>> -> memref<1x128x48xf32, #tpu.memory_space<vmem>>
        %parallel_loop3A_226 = tpu.memref_squeeze %parallel_loop3A_225 : memref<1x128x48xf32, #tpu.memory_space<vmem>> -> memref<128x48xf32, #tpu.memory_space<vmem>>
        %parallel_loop3A_227 = arith.index_cast %parallel_loop3A_194 : i32 to index
        %parallel_loop3A_228 = arith.constant 16 : index
        %parallel_loop3A_229 = tpu.vector_load %parallel_loop3A_226[%parallel_loop3A_227, %parallel_loop3A_228] {strides = array<i32>} : memref<128x48xf32, #tpu.memory_space<vmem>>, vector<16xf32>,
        tpu.vector_store %parallel_loop3A_226[%parallel_loop3A_227, %parallel_loop3A_228], %parallel_loop3A_222 {strides = array<i32>} : memref<128x48xf32, #tpu.memory_space<vmem>>, vector<16xf32>,
        %parallel_loop3A_230 = arith.constant 0 : i32
        %parallel_loop3A_231 = arith.constant 0 : i32
        %parallel_loop3A_232 = tpu.memref_slice %arg12[%parallel_loop3A_177, %parallel_loop3A_230, %parallel_loop3A_231] : memref<2x128x48xf32, #tpu.memory_space<vmem>> -> memref<1x128x48xf32, #tpu.memory_space<vmem>>
        %parallel_loop3A_233 = tpu.memref_squeeze %parallel_loop3A_232 : memref<1x128x48xf32, #tpu.memory_space<vmem>> -> memref<128x48xf32, #tpu.memory_space<vmem>>
        %parallel_loop3A_234 = arith.index_cast %parallel_loop3A_194 : i32 to index
        %parallel_loop3A_235 = arith.constant 32 : index
        %parallel_loop3A_236 = tpu.vector_load %parallel_loop3A_233[%parallel_loop3A_234, %parallel_loop3A_235] {strides = array<i32>} : memref<128x48xf32, #tpu.memory_space<vmem>>, vector<16xf32>,
        %parallel_loop3A_237 = arith.mulf %parallel_loop3A_199, %parallel_loop3A_236 : vector<16xf32>
        %parallel_loop3A_238 = arith.constant 0 : i32
        %parallel_loop3A_239 = arith.constant 0 : i32
        %parallel_loop3A_240 = tpu.memref_slice %arg14[%parallel_loop3A_177, %parallel_loop3A_238, %parallel_loop3A_239] : memref<2x128x48xf32, #tpu.memory_space<vmem>> -> memref<1x128x48xf32, #tpu.memory_space<vmem>>
        %parallel_loop3A_241 = tpu.memref_squeeze %parallel_loop3A_240 : memref<1x128x48xf32, #tpu.memory_space<vmem>> -> memref<128x48xf32, #tpu.memory_space<vmem>>
        %parallel_loop3A_242 = arith.index_cast %parallel_loop3A_194 : i32 to index
        %parallel_loop3A_243 = arith.constant 32 : index
        %parallel_loop3A_244 = tpu.vector_load %parallel_loop3A_241[%parallel_loop3A_242, %parallel_loop3A_243] {strides = array<i32>} : memref<128x48xf32, #tpu.memory_space<vmem>>, vector<16xf32>,
        tpu.vector_store %parallel_loop3A_241[%parallel_loop3A_242, %parallel_loop3A_243], %parallel_loop3A_237 {strides = array<i32>} : memref<128x48xf32, #tpu.memory_space<vmem>>, vector<16xf32>,
      } {sc.loop_unroll_factor = 8 : i64, sc.parallel_access}
      %dma_start3A_178 = arith.constant 1 : i32
      %dma_start3A_179 = arith.constant 0 : i32
      %dma_start3A_180 = arith.constant 0 : i32
      %dma_start3A_181 = tpu.memref_slice %arg14[%dma_start3A_178, %dma_start3A_179, %dma_start3A_180] : memref<2x128x48xf32, #tpu.memory_space<vmem>> -> memref<1x128x48xf32, #tpu.memory_space<vmem>>
      %dma_start3A_182 = tpu.memref_squeeze %dma_start3A_181 : memref<1x128x48xf32, #tpu.memory_space<vmem>> -> memref<128x48xf32, #tpu.memory_space<vmem>>
      %dma_start3A_183 = arith.constant 0 : i32
      %dma_start3A_184 = tpu.memref_slice %arg9[%add3A_153, %dma_start3A_183] : memref<80x128xi32, #tpu.memory_space<vmem>> -> memref<1x128xi32, #tpu.memory_space<vmem>>
      %dma_start3A_185 = tpu.memref_squeeze %dma_start3A_184 : memref<1x128xi32, #tpu.memory_space<vmem>> -> memref<128xi32, #tpu.memory_space<vmem>>
      %dma_start3A_186 = arith.constant 0 : i32
      %dma_start3A_187 = arith.constant 0 : i32
      %dma_start3A_188 = tpu.memref_slice %arg15[%dma_start3A_186, %dma_start3A_187] : memref<10128x48xf32, #tpu.memory_space<vmem_shared>> -> memref<10128x48xf32, #tpu.memory_space<vmem_shared>>
      tpu.enqueue_indirect_dma source(%dma_start3A_182 : memref<128x48xf32, #tpu.memory_space<vmem>>) target(%dma_start3A_188 : memref<10128x48xf32, #tpu.memory_space<vmem_shared>>) offsets(%dma_start3A_185 : memref<128xi32, #tpu.memory_space<vmem>>) semaphore(%arg20 : memref<!tpu.dma_semaphore, #tpu.memory_space<semaphore_mem>>) {add = true}
      %lt3A_189 = arith.constant 39 : i32
      %lt3A_190 = arith.cmpi slt, %while3A_107, %lt3A_189 : i32
      %convert_element_type3A_191 = arith.extui %lt3A_190 : i1 to i32
      %cond3A_192 = arith.constant 0 : i32
      %cond3A_193 = arith.cmpi ne, %convert_element_type3A_191, %cond3A_192 : i32
      scf.if %cond3A_193 {
        %add3A_194 = arith.constant 2 : i32
        %add3A_195 = arith.addi %add3A_153, %add3A_194 : i32
        %dma_start3A_196 = arith.constant 1 : i32
        %dma_start3A_197 = arith.constant 0 : i32
        %dma_start3A_198 = arith.constant 0 : i32
        %dma_start3A_199 = tpu.memref_slice %arg12[%dma_start3A_196, %dma_start3A_197, %dma_start3A_198] : memref<2x128x48xf32, #tpu.memory_space<vmem>> -> memref<1x128x48xf32, #tpu.memory_space<vmem>>
        %dma_start3A_200 = tpu.memref_squeeze %dma_start3A_199 : memref<1x128x48xf32, #tpu.memory_space<vmem>> -> memref<128x48xf32, #tpu.memory_space<vmem>>
        %dma_start3A_201 = arith.constant 0 : i32
        %dma_start3A_202 = tpu.memref_slice %arg8[%add3A_195, %dma_start3A_201] : memref<80x128xi32, #tpu.memory_space<vmem>> -> memref<1x128xi32, #tpu.memory_space<vmem>>
        %dma_start3A_203 = tpu.memref_squeeze %dma_start3A_202 : memref<1x128xi32, #tpu.memory_space<vmem>> -> memref<128xi32, #tpu.memory_space<vmem>>
        %dma_start3A_204 = arith.constant 0 : i32
        %dma_start3A_205 = arith.constant 0 : i32
        %dma_start3A_206 = tpu.memref_slice %arg16[%dma_start3A_204, %dma_start3A_205] : memref<10000x48xf32, #tpu.memory_space<vmem_shared>> -> memref<10000x48xf32, #tpu.memory_space<vmem_shared>>
        tpu.enqueue_indirect_dma source(%dma_start3A_206 : memref<10000x48xf32, #tpu.memory_space<vmem_shared>>) target(%dma_start3A_200 : memref<128x48xf32, #tpu.memory_space<vmem>>) offsets(%dma_start3A_203 : memref<128xi32, #tpu.memory_space<vmem>>) semaphore(%arg18 : memref<!tpu.dma_semaphore, #tpu.memory_space<semaphore_mem>>)
      } else {
      }
    }
    %while3A_72 = arith.constant 1 : i32
    scf.for %while3A_107 = %while3A_70 to %while3A_66 step %while3A_72  : i32 {
      %mul3A_108 = arith.constant 2 : i32
      %mul3A_109 = arith.muli %mul3A_108, %while3A_107 : i32
      %add3A_110 = arith.constant 0 : i32
      %add3A_111 = arith.addi %mul3A_109, %add3A_110 : i32
      %dma_wait3A_112 = arith.constant 0 : i32
      %dma_wait3A_113 = arith.constant 0 : i32
      %dma_wait3A_114 = arith.constant 0 : i32
      %dma_wait3A_115 = tpu.memref_slice %arg12[%dma_wait3A_112, %dma_wait3A_113, %dma_wait3A_114] : memref<2x128x48xf32, #tpu.memory_space<vmem>> -> memref<1x128x48xf32, #tpu.memory_space<vmem>>
      %dma_wait3A_116 = tpu.memref_squeeze %dma_wait3A_115 : memref<1x128x48xf32, #tpu.memory_space<vmem>> -> memref<128x48xf32, #tpu.memory_space<vmem>>
      %dma_wait3A_117 = arith.constant 0 : i32
      %dma_wait3A_118 = tpu.memref_slice %arg8[%add3A_111, %dma_wait3A_117] : memref<80x128xi32, #tpu.memory_space<vmem>> -> memref<1x128xi32, #tpu.memory_space<vmem>>
      %dma_wait3A_119 = tpu.memref_squeeze %dma_wait3A_118 : memref<1x128xi32, #tpu.memory_space<vmem>> -> memref<128xi32, #tpu.memory_space<vmem>>
      %dma_wait3A_120 = arith.constant 0 : i32
      %dma_wait3A_121 = arith.constant 0 : i32
      %dma_wait3A_122 = tpu.memref_slice %arg16[%dma_wait3A_120, %dma_wait3A_121] : memref<10000x48xf32, #tpu.memory_space<vmem_shared>> -> memref<10000x48xf32, #tpu.memory_space<vmem_shared>>
      tpu.wait_indirect_dma semaphore(%arg17 : memref<!tpu.dma_semaphore, #tpu.memory_space<semaphore_mem>>) src(%dma_wait3A_122 : memref<10000x48xf32, #tpu.memory_space<vmem_shared>>) dst(%dma_wait3A_116 : memref<128x48xf32, #tpu.memory_space<vmem>>)
      %gt3A = arith.constant 0 : i32
      %gt3A_123 = arith.cmpi sgt, %while3A_107, %gt3A : i32
      %convert_element_type3A_124 = arith.extui %gt3A_123 : i1 to i32
      %cond3A_125 = arith.constant 0 : i32
      %cond3A_126 = arith.cmpi ne, %convert_element_type3A_124, %cond3A_125 : i32
      scf.if %cond3A_126 {
        %sub3A = arith.constant 2 : i32
        %sub3A_194 = arith.subi %add3A_111, %sub3A : i32
        %dma_wait3A_195 = arith.constant 0 : i32
        %dma_wait3A_196 = arith.constant 0 : i32
        %dma_wait3A_197 = arith.constant 0 : i32
        %dma_wait3A_198 = tpu.memref_slice %arg14[%dma_wait3A_195, %dma_wait3A_196, %dma_wait3A_197] : memref<2x128x48xf32, #tpu.memory_space<vmem>> -> memref<1x128x48xf32, #tpu.memory_space<vmem>>
        %dma_wait3A_199 = tpu.memref_squeeze %dma_wait3A_198 : memref<1x128x48xf32, #tpu.memory_space<vmem>> -> memref<128x48xf32, #tpu.memory_space<vmem>>
        %dma_wait3A_200 = arith.constant 0 : i32
        %dma_wait3A_201 = tpu.memref_slice %arg9[%sub3A_194, %dma_wait3A_200] : memref<80x128xi32, #tpu.memory_space<vmem>> -> memref<1x128xi32, #tpu.memory_space<vmem>>
        %dma_wait3A_202 = tpu.memref_squeeze %dma_wait3A_201 : memref<1x128xi32, #tpu.memory_space<vmem>> -> memref<128xi32, #tpu.memory_space<vmem>>
        %dma_wait3A_203 = arith.constant 0 : i32
        %dma_wait3A_204 = arith.constant 0 : i32
        %dma_wait3A_205 = tpu.memref_slice %arg15[%dma_wait3A_203, %dma_wait3A_204] : memref<10128x48xf32, #tpu.memory_space<vmem_shared>> -> memref<10128x48xf32, #tpu.memory_space<vmem_shared>>
        tpu.wait_indirect_dma semaphore(%arg19 : memref<!tpu.dma_semaphore, #tpu.memory_space<semaphore_mem>>) src(%dma_wait3A_199 : memref<128x48xf32, #tpu.memory_space<vmem>>) dst(%dma_wait3A_205 : memref<10128x48xf32, #tpu.memory_space<vmem_shared>>)
      } else {
      }
      %parallel_loop3A = arith.constant 0 : i32
      %parallel_loop3A_127 = arith.constant 8 : i32
      %parallel_loop3A_128 = arith.constant 1 : i32
      %parallel_loop3A_129 = arith.constant 0 : i32
      scf.for %parallel_loop3A_194 = %parallel_loop3A to %parallel_loop3A_127 step %parallel_loop3A_128  : i32 {
        %parallel_loop3A_195 = arith.constant 16 : i32
        %parallel_loop3A_196 = arith.muli %parallel_loop3A_195, %parallel_loop3A_194 : i32
        %parallel_loop3A_197 = arith.index_cast %add3A_111 : i32 to index
        %parallel_loop3A_198 = arith.index_cast %parallel_loop3A_196 : i32 to index
        %parallel_loop3A_199 = tpu.vector_load %arg8[%parallel_loop3A_197, %parallel_loop3A_198] {strides = array<i32>} : memref<80x128xi32, #tpu.memory_space<vmem>>, vector<16xi32>,
        %parallel_loop3A_200 = arith.constant 16 : i32
        %parallel_loop3A_201 = arith.muli %parallel_loop3A_200, %parallel_loop3A_194 : i32
        %parallel_loop3A_202 = arith.index_cast %add3A_111 : i32 to index
        %parallel_loop3A_203 = arith.index_cast %parallel_loop3A_201 : i32 to index
        %parallel_loop3A_204 = tpu.vector_load %arg9[%parallel_loop3A_202, %parallel_loop3A_203] {strides = array<i32>} : memref<80x128xi32, #tpu.memory_space<vmem>>, vector<16xi32>,
        %parallel_loop3A_205 = tpu.vector_load_idx %arg10[%parallel_loop3A_199] : memref<10000xf32, #tpu.memory_space<vmem>>[vector<16xi32>], vector<16xf32>,
        %parallel_loop3A_206 = tpu.vector_load_idx %arg11[%parallel_loop3A_204] : memref<10000xf32, #tpu.memory_space<vmem>>[vector<16xi32>], vector<16xf32>,
        %parallel_loop3A_207 = arith.addf %parallel_loop3A_205, %parallel_loop3A_206 : vector<16xf32>
        %parallel_loop3A_208 = arith.constant 0.000000e+00 : f32
        %parallel_loop3A_209 = vector.broadcast %parallel_loop3A_208 : f32 to vector<16xf32>
        %parallel_loop3A_210 = arith.cmpf ogt, %parallel_loop3A_207, %parallel_loop3A_209 : vector<16xf32>
        %parallel_loop3A_211 = arith.constant 2.000000e-01 : f32
        %parallel_loop3A_212 = vector.broadcast %parallel_loop3A_211 : f32 to vector<16xf32>
        %parallel_loop3A_213 = arith.mulf %parallel_loop3A_212, %parallel_loop3A_207 : vector<16xf32>
        %parallel_loop3A_214 = arith.select %parallel_loop3A_210, %parallel_loop3A_207, %parallel_loop3A_213 : vector<16xi1>, vector<16xf32>
        %parallel_loop3A_215 = math.exp %parallel_loop3A_214 : vector<16xf32>
        %parallel_loop3A_216 = arith.constant 16 : i32
        %parallel_loop3A_217 = arith.muli %parallel_loop3A_216, %parallel_loop3A_194 : i32
        %parallel_loop3A_218 = arith.constant 0 : i32
        %parallel_loop3A_219 = tpu.memref_slice %arg13[%parallel_loop3A_129, %parallel_loop3A_218] : memref<2x128xf32, #tpu.memory_space<vmem>> -> memref<1x128xf32, #tpu.memory_space<vmem>>
        %parallel_loop3A_220 = tpu.memref_squeeze %parallel_loop3A_219 : memref<1x128xf32, #tpu.memory_space<vmem>> -> memref<128xf32, #tpu.memory_space<vmem>>
        %parallel_loop3A_221 = arith.index_cast %parallel_loop3A_217 : i32 to index
        %parallel_loop3A_222 = tpu.vector_load %parallel_loop3A_220[%parallel_loop3A_221] {strides = array<i32>} : memref<128xf32, #tpu.memory_space<vmem>>, vector<16xf32>,
        tpu.vector_store %parallel_loop3A_220[%parallel_loop3A_221], %parallel_loop3A_215 {strides = array<i32>} : memref<128xf32, #tpu.memory_space<vmem>>, vector<16xf32>,
      } {sc.loop_unroll_factor = 2 : i64, sc.parallel_access}
      %parallel_loop3A_130 = arith.constant 0 : i32
      %parallel_loop3A_131 = arith.constant 128 : i32
      %parallel_loop3A_132 = arith.constant 1 : i32
      %parallel_loop3A_133 = arith.constant 0 : i32
      scf.for %parallel_loop3A_194 = %parallel_loop3A_130 to %parallel_loop3A_131 step %parallel_loop3A_132  : i32 {
        %parallel_loop3A_195 = vector.broadcast %parallel_loop3A_194 : i32 to vector<16xi32>
        %parallel_loop3A_196 = arith.constant 0 : i32
        %parallel_loop3A_197 = tpu.memref_slice %arg13[%parallel_loop3A_133, %parallel_loop3A_196] : memref<2x128xf32, #tpu.memory_space<vmem>> -> memref<1x128xf32, #tpu.memory_space<vmem>>
        %parallel_loop3A_198 = tpu.memref_squeeze %parallel_loop3A_197 : memref<1x128xf32, #tpu.memory_space<vmem>> -> memref<128xf32, #tpu.memory_space<vmem>>
        %parallel_loop3A_199 = tpu.vector_load_idx %parallel_loop3A_198[%parallel_loop3A_195] : memref<128xf32, #tpu.memory_space<vmem>>[vector<16xi32>], vector<16xf32>,
        %parallel_loop3A_200 = arith.constant 0 : i32
        %parallel_loop3A_201 = arith.constant 0 : i32
        %parallel_loop3A_202 = tpu.memref_slice %arg12[%parallel_loop3A_133, %parallel_loop3A_200, %parallel_loop3A_201] : memref<2x128x48xf32, #tpu.memory_space<vmem>> -> memref<1x128x48xf32, #tpu.memory_space<vmem>>
        %parallel_loop3A_203 = tpu.memref_squeeze %parallel_loop3A_202 : memref<1x128x48xf32, #tpu.memory_space<vmem>> -> memref<128x48xf32, #tpu.memory_space<vmem>>
        %parallel_loop3A_204 = arith.index_cast %parallel_loop3A_194 : i32 to index
        %parallel_loop3A_205 = arith.constant 0 : index
        %parallel_loop3A_206 = tpu.vector_load %parallel_loop3A_203[%parallel_loop3A_204, %parallel_loop3A_205] {strides = array<i32>} : memref<128x48xf32, #tpu.memory_space<vmem>>, vector<16xf32>,
        %parallel_loop3A_207 = arith.mulf %parallel_loop3A_199, %parallel_loop3A_206 : vector<16xf32>
        %parallel_loop3A_208 = arith.constant 0 : i32
        %parallel_loop3A_209 = arith.constant 0 : i32
        %parallel_loop3A_210 = tpu.memref_slice %arg14[%parallel_loop3A_133, %parallel_loop3A_208, %parallel_loop3A_209] : memref<2x128x48xf32, #tpu.memory_space<vmem>> -> memref<1x128x48xf32, #tpu.memory_space<vmem>>
        %parallel_loop3A_211 = tpu.memref_squeeze %parallel_loop3A_210 : memref<1x128x48xf32, #tpu.memory_space<vmem>> -> memref<128x48xf32, #tpu.memory_space<vmem>>
        %parallel_loop3A_212 = arith.index_cast %parallel_loop3A_194 : i32 to index
        %parallel_loop3A_213 = arith.constant 0 : index
        %parallel_loop3A_214 = tpu.vector_load %parallel_loop3A_211[%parallel_loop3A_212, %parallel_loop3A_213] {strides = array<i32>} : memref<128x48xf32, #tpu.memory_space<vmem>>, vector<16xf32>,
        tpu.vector_store %parallel_loop3A_211[%parallel_loop3A_212, %parallel_loop3A_213], %parallel_loop3A_207 {strides = array<i32>} : memref<128x48xf32, #tpu.memory_space<vmem>>, vector<16xf32>,
        %parallel_loop3A_215 = arith.constant 0 : i32
        %parallel_loop3A_216 = arith.constant 0 : i32
        %parallel_loop3A_217 = tpu.memref_slice %arg12[%parallel_loop3A_133, %parallel_loop3A_215, %parallel_loop3A_216] : memref<2x128x48xf32, #tpu.memory_space<vmem>> -> memref<1x128x48xf32, #tpu.memory_space<vmem>>
        %parallel_loop3A_218 = tpu.memref_squeeze %parallel_loop3A_217 : memref<1x128x48xf32, #tpu.memory_space<vmem>> -> memref<128x48xf32, #tpu.memory_space<vmem>>
        %parallel_loop3A_219 = arith.index_cast %parallel_loop3A_194 : i32 to index
        %parallel_loop3A_220 = arith.constant 16 : index
        %parallel_loop3A_221 = tpu.vector_load %parallel_loop3A_218[%parallel_loop3A_219, %parallel_loop3A_220] {strides = array<i32>} : memref<128x48xf32, #tpu.memory_space<vmem>>, vector<16xf32>,
        %parallel_loop3A_222 = arith.mulf %parallel_loop3A_199, %parallel_loop3A_221 : vector<16xf32>
        %parallel_loop3A_223 = arith.constant 0 : i32
        %parallel_loop3A_224 = arith.constant 0 : i32
        %parallel_loop3A_225 = tpu.memref_slice %arg14[%parallel_loop3A_133, %parallel_loop3A_223, %parallel_loop3A_224] : memref<2x128x48xf32, #tpu.memory_space<vmem>> -> memref<1x128x48xf32, #tpu.memory_space<vmem>>
        %parallel_loop3A_226 = tpu.memref_squeeze %parallel_loop3A_225 : memref<1x128x48xf32, #tpu.memory_space<vmem>> -> memref<128x48xf32, #tpu.memory_space<vmem>>
        %parallel_loop3A_227 = arith.index_cast %parallel_loop3A_194 : i32 to index
        %parallel_loop3A_228 = arith.constant 16 : index
        %parallel_loop3A_229 = tpu.vector_load %parallel_loop3A_226[%parallel_loop3A_227, %parallel_loop3A_228] {strides = array<i32>} : memref<128x48xf32, #tpu.memory_space<vmem>>, vector<16xf32>,
        tpu.vector_store %parallel_loop3A_226[%parallel_loop3A_227, %parallel_loop3A_228], %parallel_loop3A_222 {strides = array<i32>} : memref<128x48xf32, #tpu.memory_space<vmem>>, vector<16xf32>,
        %parallel_loop3A_230 = arith.constant 0 : i32
        %parallel_loop3A_231 = arith.constant 0 : i32
        %parallel_loop3A_232 = tpu.memref_slice %arg12[%parallel_loop3A_133, %parallel_loop3A_230, %parallel_loop3A_231] : memref<2x128x48xf32, #tpu.memory_space<vmem>> -> memref<1x128x48xf32, #tpu.memory_space<vmem>>
        %parallel_loop3A_233 = tpu.memref_squeeze %parallel_loop3A_232 : memref<1x128x48xf32, #tpu.memory_space<vmem>> -> memref<128x48xf32, #tpu.memory_space<vmem>>
        %parallel_loop3A_234 = arith.index_cast %parallel_loop3A_194 : i32 to index
        %parallel_loop3A_235 = arith.constant 32 : index
        %parallel_loop3A_236 = tpu.vector_load %parallel_loop3A_233[%parallel_loop3A_234, %parallel_loop3A_235] {strides = array<i32>} : memref<128x48xf32, #tpu.memory_space<vmem>>, vector<16xf32>,
        %parallel_loop3A_237 = arith.mulf %parallel_loop3A_199, %parallel_loop3A_236 : vector<16xf32>
        %parallel_loop3A_238 = arith.constant 0 : i32
        %parallel_loop3A_239 = arith.constant 0 : i32
        %parallel_loop3A_240 = tpu.memref_slice %arg14[%parallel_loop3A_133, %parallel_loop3A_238, %parallel_loop3A_239] : memref<2x128x48xf32, #tpu.memory_space<vmem>> -> memref<1x128x48xf32, #tpu.memory_space<vmem>>
        %parallel_loop3A_241 = tpu.memref_squeeze %parallel_loop3A_240 : memref<1x128x48xf32, #tpu.memory_space<vmem>> -> memref<128x48xf32, #tpu.memory_space<vmem>>
        %parallel_loop3A_242 = arith.index_cast %parallel_loop3A_194 : i32 to index
        %parallel_loop3A_243 = arith.constant 32 : index
        %parallel_loop3A_244 = tpu.vector_load %parallel_loop3A_241[%parallel_loop3A_242, %parallel_loop3A_243] {strides = array<i32>} : memref<128x48xf32, #tpu.memory_space<vmem>>, vector<16xf32>,
        tpu.vector_store %parallel_loop3A_241[%parallel_loop3A_242, %parallel_loop3A_243], %parallel_loop3A_237 {strides = array<i32>} : memref<128x48xf32, #tpu.memory_space<vmem>>, vector<16xf32>,
      } {sc.loop_unroll_factor = 8 : i64, sc.parallel_access}
      %dma_start3A_134 = arith.constant 0 : i32
      %dma_start3A_135 = arith.constant 0 : i32
      %dma_start3A_136 = arith.constant 0 : i32
      %dma_start3A_137 = tpu.memref_slice %arg14[%dma_start3A_134, %dma_start3A_135, %dma_start3A_136] : memref<2x128x48xf32, #tpu.memory_space<vmem>> -> memref<1x128x48xf32, #tpu.memory_space<vmem>>
      %dma_start3A_138 = tpu.memref_squeeze %dma_start3A_137 : memref<1x128x48xf32, #tpu.memory_space<vmem>> -> memref<128x48xf32, #tpu.memory_space<vmem>>
      %dma_start3A_139 = arith.constant 0 : i32
      %dma_start3A_140 = tpu.memref_slice %arg9[%add3A_111, %dma_start3A_139] : memref<80x128xi32, #tpu.memory_space<vmem>> -> memref<1x128xi32, #tpu.memory_space<vmem>>
      %dma_start3A_141 = tpu.memref_squeeze %dma_start3A_140 : memref<1x128xi32, #tpu.memory_space<vmem>> -> memref<128xi32, #tpu.memory_space<vmem>>
      %dma_start3A_142 = arith.constant 0 : i32
      %dma_start3A_143 = arith.constant 0 : i32
      %dma_start3A_144 = tpu.memref_slice %arg15[%dma_start3A_142, %dma_start3A_143] : memref<10128x48xf32, #tpu.memory_space<vmem_shared>> -> memref<10128x48xf32, #tpu.memory_space<vmem_shared>>
      tpu.enqueue_indirect_dma source(%dma_start3A_138 : memref<128x48xf32, #tpu.memory_space<vmem>>) target(%dma_start3A_144 : memref<10128x48xf32, #tpu.memory_space<vmem_shared>>) offsets(%dma_start3A_141 : memref<128xi32, #tpu.memory_space<vmem>>) semaphore(%arg19 : memref<!tpu.dma_semaphore, #tpu.memory_space<semaphore_mem>>) {add = true}
      %lt3A_145 = arith.constant 39 : i32
      %lt3A_146 = arith.cmpi slt, %while3A_107, %lt3A_145 : i32
      %convert_element_type3A_147 = arith.extui %lt3A_146 : i1 to i32
      %cond3A_148 = arith.constant 0 : i32
      %cond3A_149 = arith.cmpi ne, %convert_element_type3A_147, %cond3A_148 : i32
      scf.if %cond3A_149 {
        %add3A_194 = arith.constant 2 : i32
        %add3A_195 = arith.addi %add3A_111, %add3A_194 : i32
        %dma_start3A_196 = arith.constant 0 : i32
        %dma_start3A_197 = arith.constant 0 : i32
        %dma_start3A_198 = arith.constant 0 : i32
        %dma_start3A_199 = tpu.memref_slice %arg12[%dma_start3A_196, %dma_start3A_197, %dma_start3A_198] : memref<2x128x48xf32, #tpu.memory_space<vmem>> -> memref<1x128x48xf32, #tpu.memory_space<vmem>>
        %dma_start3A_200 = tpu.memref_squeeze %dma_start3A_199 : memref<1x128x48xf32, #tpu.memory_space<vmem>> -> memref<128x48xf32, #tpu.memory_space<vmem>>
        %dma_start3A_201 = arith.constant 0 : i32
        %dma_start3A_202 = tpu.memref_slice %arg8[%add3A_195, %dma_start3A_201] : memref<80x128xi32, #tpu.memory_space<vmem>> -> memref<1x128xi32, #tpu.memory_space<vmem>>
        %dma_start3A_203 = tpu.memref_squeeze %dma_start3A_202 : memref<1x128xi32, #tpu.memory_space<vmem>> -> memref<128xi32, #tpu.memory_space<vmem>>
        %dma_start3A_204 = arith.constant 0 : i32
        %dma_start3A_205 = arith.constant 0 : i32
        %dma_start3A_206 = tpu.memref_slice %arg16[%dma_start3A_204, %dma_start3A_205] : memref<10000x48xf32, #tpu.memory_space<vmem_shared>> -> memref<10000x48xf32, #tpu.memory_space<vmem_shared>>
        tpu.enqueue_indirect_dma source(%dma_start3A_206 : memref<10000x48xf32, #tpu.memory_space<vmem_shared>>) target(%dma_start3A_200 : memref<128x48xf32, #tpu.memory_space<vmem>>) offsets(%dma_start3A_203 : memref<128xi32, #tpu.memory_space<vmem>>) semaphore(%arg17 : memref<!tpu.dma_semaphore, #tpu.memory_space<semaphore_mem>>)
      } else {
      }
      %mul3A_150 = arith.constant 2 : i32
      %mul3A_151 = arith.muli %mul3A_150, %while3A_107 : i32
      %add3A_152 = arith.constant 1 : i32
      %add3A_153 = arith.addi %mul3A_151, %add3A_152 : i32
      %dma_wait3A_154 = arith.constant 1 : i32
      %dma_wait3A_155 = arith.constant 0 : i32
      %dma_wait3A_156 = arith.constant 0 : i32
      %dma_wait3A_157 = tpu.memref_slice %arg12[%dma_wait3A_154, %dma_wait3A_155, %dma_wait3A_156] : memref<2x128x48xf32, #tpu.memory_space<vmem>> -> memref<1x128x48xf32, #tpu.memory_space<vmem>>
      %dma_wait3A_158 = tpu.memref_squeeze %dma_wait3A_157 : memref<1x128x48xf32, #tpu.memory_space<vmem>> -> memref<128x48xf32, #tpu.memory_space<vmem>>
      %dma_wait3A_159 = arith.constant 0 : i32
      %dma_wait3A_160 = tpu.memref_slice %arg8[%add3A_153, %dma_wait3A_159] : memref<80x128xi32, #tpu.memory_space<vmem>> -> memref<1x128xi32, #tpu.memory_space<vmem>>
      %dma_wait3A_161 = tpu.memref_squeeze %dma_wait3A_160 : memref<1x128xi32, #tpu.memory_space<vmem>> -> memref<128xi32, #tpu.memory_space<vmem>>
      %dma_wait3A_162 = arith.constant 0 : i32
      %dma_wait3A_163 = arith.constant 0 : i32
      %dma_wait3A_164 = tpu.memref_slice %arg16[%dma_wait3A_162, %dma_wait3A_163] : memref<10000x48xf32, #tpu.memory_space<vmem_shared>> -> memref<10000x48xf32, #tpu.memory_space<vmem_shared>>
      tpu.wait_indirect_dma semaphore(%arg18 : memref<!tpu.dma_semaphore, #tpu.memory_space<semaphore_mem>>) src(%dma_wait3A_164 : memref<10000x48xf32, #tpu.memory_space<vmem_shared>>) dst(%dma_wait3A_158 : memref<128x48xf32, #tpu.memory_space<vmem>>)
      %gt3A_165 = arith.constant 0 : i32
      %gt3A_166 = arith.cmpi sgt, %while3A_107, %gt3A_165 : i32
      %convert_element_type3A_167 = arith.extui %gt3A_166 : i1 to i32
      %cond3A_168 = arith.constant 0 : i32
      %cond3A_169 = arith.cmpi ne, %convert_element_type3A_167, %cond3A_168 : i32
      scf.if %cond3A_169 {
        %sub3A = arith.constant 2 : i32
        %sub3A_194 = arith.subi %add3A_153, %sub3A : i32
        %dma_wait3A_195 = arith.constant 1 : i32
        %dma_wait3A_196 = arith.constant 0 : i32
        %dma_wait3A_197 = arith.constant 0 : i32
        %dma_wait3A_198 = tpu.memref_slice %arg14[%dma_wait3A_195, %dma_wait3A_196, %dma_wait3A_197] : memref<2x128x48xf32, #tpu.memory_space<vmem>> -> memref<1x128x48xf32, #tpu.memory_space<vmem>>
        %dma_wait3A_199 = tpu.memref_squeeze %dma_wait3A_198 : memref<1x128x48xf32, #tpu.memory_space<vmem>> -> memref<128x48xf32, #tpu.memory_space<vmem>>
        %dma_wait3A_200 = arith.constant 0 : i32
        %dma_wait3A_201 = tpu.memref_slice %arg9[%sub3A_194, %dma_wait3A_200] : memref<80x128xi32, #tpu.memory_space<vmem>> -> memref<1x128xi32, #tpu.memory_space<vmem>>
        %dma_wait3A_202 = tpu.memref_squeeze %dma_wait3A_201 : memref<1x128xi32, #tpu.memory_space<vmem>> -> memref<128xi32, #tpu.memory_space<vmem>>
        %dma_wait3A_203 = arith.constant 0 : i32
        %dma_wait3A_204 = arith.constant 0 : i32
        %dma_wait3A_205 = tpu.memref_slice %arg15[%dma_wait3A_203, %dma_wait3A_204] : memref<10128x48xf32, #tpu.memory_space<vmem_shared>> -> memref<10128x48xf32, #tpu.memory_space<vmem_shared>>
        tpu.wait_indirect_dma semaphore(%arg20 : memref<!tpu.dma_semaphore, #tpu.memory_space<semaphore_mem>>) src(%dma_wait3A_199 : memref<128x48xf32, #tpu.memory_space<vmem>>) dst(%dma_wait3A_205 : memref<10128x48xf32, #tpu.memory_space<vmem_shared>>)
      } else {
      }
      %parallel_loop3A_170 = arith.constant 0 : i32
      %parallel_loop3A_171 = arith.constant 8 : i32
      %parallel_loop3A_172 = arith.constant 1 : i32
      %parallel_loop3A_173 = arith.constant 1 : i32
      scf.for %parallel_loop3A_194 = %parallel_loop3A_170 to %parallel_loop3A_171 step %parallel_loop3A_172  : i32 {
        %parallel_loop3A_195 = arith.constant 16 : i32
        %parallel_loop3A_196 = arith.muli %parallel_loop3A_195, %parallel_loop3A_194 : i32
        %parallel_loop3A_197 = arith.index_cast %add3A_153 : i32 to index
        %parallel_loop3A_198 = arith.index_cast %parallel_loop3A_196 : i32 to index
        %parallel_loop3A_199 = tpu.vector_load %arg8[%parallel_loop3A_197, %parallel_loop3A_198] {strides = array<i32>} : memref<80x128xi32, #tpu.memory_space<vmem>>, vector<16xi32>,
        %parallel_loop3A_200 = arith.constant 16 : i32
        %parallel_loop3A_201 = arith.muli %parallel_loop3A_200, %parallel_loop3A_194 : i32
        %parallel_loop3A_202 = arith.index_cast %add3A_153 : i32 to index
        %parallel_loop3A_203 = arith.index_cast %parallel_loop3A_201 : i32 to index
        %parallel_loop3A_204 = tpu.vector_load %arg9[%parallel_loop3A_202, %parallel_loop3A_203] {strides = array<i32>} : memref<80x128xi32, #tpu.memory_space<vmem>>, vector<16xi32>,
        %parallel_loop3A_205 = tpu.vector_load_idx %arg10[%parallel_loop3A_199] : memref<10000xf32, #tpu.memory_space<vmem>>[vector<16xi32>], vector<16xf32>,
        %parallel_loop3A_206 = tpu.vector_load_idx %arg11[%parallel_loop3A_204] : memref<10000xf32, #tpu.memory_space<vmem>>[vector<16xi32>], vector<16xf32>,
        %parallel_loop3A_207 = arith.addf %parallel_loop3A_205, %parallel_loop3A_206 : vector<16xf32>
        %parallel_loop3A_208 = arith.constant 0.000000e+00 : f32
        %parallel_loop3A_209 = vector.broadcast %parallel_loop3A_208 : f32 to vector<16xf32>
        %parallel_loop3A_210 = arith.cmpf ogt, %parallel_loop3A_207, %parallel_loop3A_209 : vector<16xf32>
        %parallel_loop3A_211 = arith.constant 2.000000e-01 : f32
        %parallel_loop3A_212 = vector.broadcast %parallel_loop3A_211 : f32 to vector<16xf32>
        %parallel_loop3A_213 = arith.mulf %parallel_loop3A_212, %parallel_loop3A_207 : vector<16xf32>
        %parallel_loop3A_214 = arith.select %parallel_loop3A_210, %parallel_loop3A_207, %parallel_loop3A_213 : vector<16xi1>, vector<16xf32>
        %parallel_loop3A_215 = math.exp %parallel_loop3A_214 : vector<16xf32>
        %parallel_loop3A_216 = arith.constant 16 : i32
        %parallel_loop3A_217 = arith.muli %parallel_loop3A_216, %parallel_loop3A_194 : i32
        %parallel_loop3A_218 = arith.constant 0 : i32
        %parallel_loop3A_219 = tpu.memref_slice %arg13[%parallel_loop3A_173, %parallel_loop3A_218] : memref<2x128xf32, #tpu.memory_space<vmem>> -> memref<1x128xf32, #tpu.memory_space<vmem>>
        %parallel_loop3A_220 = tpu.memref_squeeze %parallel_loop3A_219 : memref<1x128xf32, #tpu.memory_space<vmem>> -> memref<128xf32, #tpu.memory_space<vmem>>
        %parallel_loop3A_221 = arith.index_cast %parallel_loop3A_217 : i32 to index
        %parallel_loop3A_222 = tpu.vector_load %parallel_loop3A_220[%parallel_loop3A_221] {strides = array<i32>} : memref<128xf32, #tpu.memory_space<vmem>>, vector<16xf32>,
        tpu.vector_store %parallel_loop3A_220[%parallel_loop3A_221], %parallel_loop3A_215 {strides = array<i32>} : memref<128xf32, #tpu.memory_space<vmem>>, vector<16xf32>,
      } {sc.loop_unroll_factor = 2 : i64, sc.parallel_access}
      %parallel_loop3A_174 = arith.constant 0 : i32
      %parallel_loop3A_175 = arith.constant 128 : i32
      %parallel_loop3A_176 = arith.constant 1 : i32
      %parallel_loop3A_177 = arith.constant 1 : i32
      scf.for %parallel_loop3A_194 = %parallel_loop3A_174 to %parallel_loop3A_175 step %parallel_loop3A_176  : i32 {
        %parallel_loop3A_195 = vector.broadcast %parallel_loop3A_194 : i32 to vector<16xi32>
        %parallel_loop3A_196 = arith.constant 0 : i32
        %parallel_loop3A_197 = tpu.memref_slice %arg13[%parallel_loop3A_177, %parallel_loop3A_196] : memref<2x128xf32, #tpu.memory_space<vmem>> -> memref<1x128xf32, #tpu.memory_space<vmem>>
        %parallel_loop3A_198 = tpu.memref_squeeze %parallel_loop3A_197 : memref<1x128xf32, #tpu.memory_space<vmem>> -> memref<128xf32, #tpu.memory_space<vmem>>
        %parallel_loop3A_199 = tpu.vector_load_idx %parallel_loop3A_198[%parallel_loop3A_195] : memref<128xf32, #tpu.memory_space<vmem>>[vector<16xi32>], vector<16xf32>,
        %parallel_loop3A_200 = arith.constant 0 : i32
        %parallel_loop3A_201 = arith.constant 0 : i32
        %parallel_loop3A_202 = tpu.memref_slice %arg12[%parallel_loop3A_177, %parallel_loop3A_200, %parallel_loop3A_201] : memref<2x128x48xf32, #tpu.memory_space<vmem>> -> memref<1x128x48xf32, #tpu.memory_space<vmem>>
        %parallel_loop3A_203 = tpu.memref_squeeze %parallel_loop3A_202 : memref<1x128x48xf32, #tpu.memory_space<vmem>> -> memref<128x48xf32, #tpu.memory_space<vmem>>
        %parallel_loop3A_204 = arith.index_cast %parallel_loop3A_194 : i32 to index
        %parallel_loop3A_205 = arith.constant 0 : index
        %parallel_loop3A_206 = tpu.vector_load %parallel_loop3A_203[%parallel_loop3A_204, %parallel_loop3A_205] {strides = array<i32>} : memref<128x48xf32, #tpu.memory_space<vmem>>, vector<16xf32>,
        %parallel_loop3A_207 = arith.mulf %parallel_loop3A_199, %parallel_loop3A_206 : vector<16xf32>
        %parallel_loop3A_208 = arith.constant 0 : i32
        %parallel_loop3A_209 = arith.constant 0 : i32
        %parallel_loop3A_210 = tpu.memref_slice %arg14[%parallel_loop3A_177, %parallel_loop3A_208, %parallel_loop3A_209] : memref<2x128x48xf32, #tpu.memory_space<vmem>> -> memref<1x128x48xf32, #tpu.memory_space<vmem>>
        %parallel_loop3A_211 = tpu.memref_squeeze %parallel_loop3A_210 : memref<1x128x48xf32, #tpu.memory_space<vmem>> -> memref<128x48xf32, #tpu.memory_space<vmem>>
        %parallel_loop3A_212 = arith.index_cast %parallel_loop3A_194 : i32 to index
        %parallel_loop3A_213 = arith.constant 0 : index
        %parallel_loop3A_214 = tpu.vector_load %parallel_loop3A_211[%parallel_loop3A_212, %parallel_loop3A_213] {strides = array<i32>} : memref<128x48xf32, #tpu.memory_space<vmem>>, vector<16xf32>,
        tpu.vector_store %parallel_loop3A_211[%parallel_loop3A_212, %parallel_loop3A_213], %parallel_loop3A_207 {strides = array<i32>} : memref<128x48xf32, #tpu.memory_space<vmem>>, vector<16xf32>,
        %parallel_loop3A_215 = arith.constant 0 : i32
        %parallel_loop3A_216 = arith.constant 0 : i32
        %parallel_loop3A_217 = tpu.memref_slice %arg12[%parallel_loop3A_177, %parallel_loop3A_215, %parallel_loop3A_216] : memref<2x128x48xf32, #tpu.memory_space<vmem>> -> memref<1x128x48xf32, #tpu.memory_space<vmem>>
        %parallel_loop3A_218 = tpu.memref_squeeze %parallel_loop3A_217 : memref<1x128x48xf32, #tpu.memory_space<vmem>> -> memref<128x48xf32, #tpu.memory_space<vmem>>
        %parallel_loop3A_219 = arith.index_cast %parallel_loop3A_194 : i32 to index
        %parallel_loop3A_220 = arith.constant 16 : index
        %parallel_loop3A_221 = tpu.vector_load %parallel_loop3A_218[%parallel_loop3A_219, %parallel_loop3A_220] {strides = array<i32>} : memref<128x48xf32, #tpu.memory_space<vmem>>, vector<16xf32>,
        %parallel_loop3A_222 = arith.mulf %parallel_loop3A_199, %parallel_loop3A_221 : vector<16xf32>
        %parallel_loop3A_223 = arith.constant 0 : i32
        %parallel_loop3A_224 = arith.constant 0 : i32
        %parallel_loop3A_225 = tpu.memref_slice %arg14[%parallel_loop3A_177, %parallel_loop3A_223, %parallel_loop3A_224] : memref<2x128x48xf32, #tpu.memory_space<vmem>> -> memref<1x128x48xf32, #tpu.memory_space<vmem>>
        %parallel_loop3A_226 = tpu.memref_squeeze %parallel_loop3A_225 : memref<1x128x48xf32, #tpu.memory_space<vmem>> -> memref<128x48xf32, #tpu.memory_space<vmem>>
        %parallel_loop3A_227 = arith.index_cast %parallel_loop3A_194 : i32 to index
        %parallel_loop3A_228 = arith.constant 16 : index
        %parallel_loop3A_229 = tpu.vector_load %parallel_loop3A_226[%parallel_loop3A_227, %parallel_loop3A_228] {strides = array<i32>} : memref<128x48xf32, #tpu.memory_space<vmem>>, vector<16xf32>,
        tpu.vector_store %parallel_loop3A_226[%parallel_loop3A_227, %parallel_loop3A_228], %parallel_loop3A_222 {strides = array<i32>} : memref<128x48xf32, #tpu.memory_space<vmem>>, vector<16xf32>,
        %parallel_loop3A_230 = arith.constant 0 : i32
        %parallel_loop3A_231 = arith.constant 0 : i32
        %parallel_loop3A_232 = tpu.memref_slice %arg12[%parallel_loop3A_177, %parallel_loop3A_230, %parallel_loop3A_231] : memref<2x128x48xf32, #tpu.memory_space<vmem>> -> memref<1x128x48xf32, #tpu.memory_space<vmem>>
        %parallel_loop3A_233 = tpu.memref_squeeze %parallel_loop3A_232 : memref<1x128x48xf32, #tpu.memory_space<vmem>> -> memref<128x48xf32, #tpu.memory_space<vmem>>
        %parallel_loop3A_234 = arith.index_cast %parallel_loop3A_194 : i32 to index
        %parallel_loop3A_235 = arith.constant 32 : index
        %parallel_loop3A_236 = tpu.vector_load %parallel_loop3A_233[%parallel_loop3A_234, %parallel_loop3A_235] {strides = array<i32>} : memref<128x48xf32, #tpu.memory_space<vmem>>, vector<16xf32>,
        %parallel_loop3A_237 = arith.mulf %parallel_loop3A_199, %parallel_loop3A_236 : vector<16xf32>
        %parallel_loop3A_238 = arith.constant 0 : i32
        %parallel_loop3A_239 = arith.constant 0 : i32
        %parallel_loop3A_240 = tpu.memref_slice %arg14[%parallel_loop3A_177, %parallel_loop3A_238, %parallel_loop3A_239] : memref<2x128x48xf32, #tpu.memory_space<vmem>> -> memref<1x128x48xf32, #tpu.memory_space<vmem>>
        %parallel_loop3A_241 = tpu.memref_squeeze %parallel_loop3A_240 : memref<1x128x48xf32, #tpu.memory_space<vmem>> -> memref<128x48xf32, #tpu.memory_space<vmem>>
        %parallel_loop3A_242 = arith.index_cast %parallel_loop3A_194 : i32 to index
        %parallel_loop3A_243 = arith.constant 32 : index
        %parallel_loop3A_244 = tpu.vector_load %parallel_loop3A_241[%parallel_loop3A_242, %parallel_loop3A_243] {strides = array<i32>} : memref<128x48xf32, #tpu.memory_space<vmem>>, vector<16xf32>,
        tpu.vector_store %parallel_loop3A_241[%parallel_loop3A_242, %parallel_loop3A_243], %parallel_loop3A_237 {strides = array<i32>} : memref<128x48xf32, #tpu.memory_space<vmem>>, vector<16xf32>,
      } {sc.loop_unroll_factor = 8 : i64, sc.parallel_access}
      %dma_start3A_178 = arith.constant 1 : i32
      %dma_start3A_179 = arith.constant 0 : i32
      %dma_start3A_180 = arith.constant 0 : i32
      %dma_start3A_181 = tpu.memref_slice %arg14[%dma_start3A_178, %dma_start3A_179, %dma_start3A_180] : memref<2x128x48xf32, #tpu.memory_space<vmem>> -> memref<1x128x48xf32, #tpu.memory_space<vmem>>
      %dma_start3A_182 = tpu.memref_squeeze %dma_start3A_181 : memref<1x128x48xf32, #tpu.memory_space<vmem>> -> memref<128x48xf32, #tpu.memory_space<vmem>>
      %dma_start3A_183 = arith.constant 0 : i32
      %dma_start3A_184 = tpu.memref_slice %arg9[%add3A_153, %dma_start3A_183] : memref<80x128xi32, #tpu.memory_space<vmem>> -> memref<1x128xi32, #tpu.memory_space<vmem>>
      %dma_start3A_185 = tpu.memref_squeeze %dma_start3A_184 : memref<1x128xi32, #tpu.memory_space<vmem>> -> memref<128xi32, #tpu.memory_space<vmem>>
      %dma_start3A_186 = arith.constant 0 : i32
      %dma_start3A_187 = arith.constant 0 : i32
      %dma_start3A_188 = tpu.memref_slice %arg15[%dma_start3A_186, %dma_start3A_187] : memref<10128x48xf32, #tpu.memory_space<vmem_shared>> -> memref<10128x48xf32, #tpu.memory_space<vmem_shared>>
      tpu.enqueue_indirect_dma source(%dma_start3A_182 : memref<128x48xf32, #tpu.memory_space<vmem>>) target(%dma_start3A_188 : memref<10128x48xf32, #tpu.memory_space<vmem_shared>>) offsets(%dma_start3A_185 : memref<128xi32, #tpu.memory_space<vmem>>) semaphore(%arg20 : memref<!tpu.dma_semaphore, #tpu.memory_space<semaphore_mem>>) {add = true}
      %lt3A_189 = arith.constant 39 : i32
      %lt3A_190 = arith.cmpi slt, %while3A_107, %lt3A_189 : i32
      %convert_element_type3A_191 = arith.extui %lt3A_190 : i1 to i32
      %cond3A_192 = arith.constant 0 : i32
      %cond3A_193 = arith.cmpi ne, %convert_element_type3A_191, %cond3A_192 : i32
      scf.if %cond3A_193 {
        %add3A_194 = arith.constant 2 : i32
        %add3A_195 = arith.addi %add3A_153, %add3A_194 : i32
        %dma_start3A_196 = arith.constant 1 : i32
        %dma_start3A_197 = arith.constant 0 : i32
        %dma_start3A_198 = arith.constant 0 : i32
        %dma_start3A_199 = tpu.memref_slice %arg12[%dma_start3A_196, %dma_start3A_197, %dma_start3A_198] : memref<2x128x48xf32, #tpu.memory_space<vmem>> -> memref<1x128x48xf32, #tpu.memory_space<vmem>>
        %dma_start3A_200 = tpu.memref_squeeze %dma_start3A_199 : memref<1x128x48xf32, #tpu.memory_space<vmem>> -> memref<128x48xf32, #tpu.memory_space<vmem>>
        %dma_start3A_201 = arith.constant 0 : i32
        %dma_start3A_202 = tpu.memref_slice %arg8[%add3A_195, %dma_start3A_201] : memref<80x128xi32, #tpu.memory_space<vmem>> -> memref<1x128xi32, #tpu.memory_space<vmem>>
        %dma_start3A_203 = tpu.memref_squeeze %dma_start3A_202 : memref<1x128xi32, #tpu.memory_space<vmem>> -> memref<128xi32, #tpu.memory_space<vmem>>
        %dma_start3A_204 = arith.constant 0 : i32
        %dma_start3A_205 = arith.constant 0 : i32
        %dma_start3A_206 = tpu.memref_slice %arg16[%dma_start3A_204, %dma_start3A_205] : memref<10000x48xf32, #tpu.memory_space<vmem_shared>> -> memref<10000x48xf32, #tpu.memory_space<vmem_shared>>
        tpu.enqueue_indirect_dma source(%dma_start3A_206 : memref<10000x48xf32, #tpu.memory_space<vmem_shared>>) target(%dma_start3A_200 : memref<128x48xf32, #tpu.memory_space<vmem>>) offsets(%dma_start3A_203 : memref<128xi32, #tpu.memory_space<vmem>>) semaphore(%arg18 : memref<!tpu.dma_semaphore, #tpu.memory_space<semaphore_mem>>)
      } else {
      }
    }
    %dma_wait3A = arith.constant 0 : i32
    %dma_wait3A_73 = arith.constant 78 : i32
    %dma_wait3A_74 = arith.constant 0 : i32
    %dma_wait3A_75 = arith.constant 0 : i32
    %dma_wait3A_76 = tpu.memref_slice %arg14[%dma_wait3A, %dma_wait3A_74, %dma_wait3A_75] : memref<2x128x48xf32, #tpu.memory_space<vmem>> -> memref<1x128x48xf32, #tpu.memory_space<vmem>>
    %dma_wait3A_77 = tpu.memref_squeeze %dma_wait3A_76 : memref<1x128x48xf32, #tpu.memory_space<vmem>> -> memref<128x48xf32, #tpu.memory_space<vmem>>
    %dma_wait3A_78 = arith.constant 0 : i32
    %dma_wait3A_79 = tpu.memref_slice %arg9[%dma_wait3A_73, %dma_wait3A_78] : memref<80x128xi32, #tpu.memory_space<vmem>> -> memref<1x128xi32, #tpu.memory_space<vmem>>
    %dma_wait3A_80 = tpu.memref_squeeze %dma_wait3A_79 : memref<1x128xi32, #tpu.memory_space<vmem>> -> memref<128xi32, #tpu.memory_space<vmem>>
    %dma_wait3A_81 = arith.constant 0 : i32
    %dma_wait3A_82 = arith.constant 0 : i32
    %dma_wait3A_83 = tpu.memref_slice %arg15[%dma_wait3A_81, %dma_wait3A_82] : memref<10128x48xf32, #tpu.memory_space<vmem_shared>> -> memref<10128x48xf32, #tpu.memory_space<vmem_shared>>
    tpu.wait_indirect_dma semaphore(%arg19 : memref<!tpu.dma_semaphore, #tpu.memory_space<semaphore_mem>>) src(%dma_wait3A_77 : memref<128x48xf32, #tpu.memory_space<vmem>>) dst(%dma_wait3A_83 : memref<10128x48xf32, #tpu.memory_space<vmem_shared>>)
    %dma_wait3A_84 = arith.constant 1 : i32
    %dma_wait3A_85 = arith.constant 79 : i32
    %dma_wait3A_86 = arith.constant 0 : i32
    %dma_wait3A_87 = arith.constant 0 : i32
    %dma_wait3A_88 = tpu.memref_slice %arg14[%dma_wait3A_84, %dma_wait3A_86, %dma_wait3A_87] : memref<2x128x48xf32, #tpu.memory_space<vmem>> -> memref<1x128x48xf32, #tpu.memory_space<vmem>>
    %dma_wait3A_89 = tpu.memref_squeeze %dma_wait3A_88 : memref<1x128x48xf32, #tpu.memory_space<vmem>> -> memref<128x48xf32, #tpu.memory_space<vmem>>
    %dma_wait3A_90 = arith.constant 0 : i32
    %dma_wait3A_91 = tpu.memref_slice %arg9[%dma_wait3A_85, %dma_wait3A_90] : memref<80x128xi32, #tpu.memory_space<vmem>> -> memref<1x128xi32, #tpu.memory_space<vmem>>
    %dma_wait3A_92 = tpu.memref_squeeze %dma_wait3A_91 : memref<1x128xi32, #tpu.memory_space<vmem>> -> memref<128xi32, #tpu.memory_space<vmem>>
    %dma_wait3A_93 = arith.constant 0 : i32
    %dma_wait3A_94 = arith.constant 0 : i32
    %dma_wait3A_95 = tpu.memref_slice %arg15[%dma_wait3A_93, %dma_wait3A_94] : memref<10128x48xf32, #tpu.memory_space<vmem_shared>> -> memref<10128x48xf32, #tpu.memory_space<vmem_shared>>
    tpu.wait_indirect_dma semaphore(%arg20 : memref<!tpu.dma_semaphore, #tpu.memory_space<semaphore_mem>>) src(%dma_wait3A_89 : memref<128x48xf32, #tpu.memory_space<vmem>>) dst(%dma_wait3A_95 : memref<10128x48xf32, #tpu.memory_space<vmem_shared>>)
    %barrier3A_96 = arith.constant 0 : index
    tpu.barrier barrier_id(%barrier3A_96)
    %lt3A_97 = arith.constant 15 : i32
    %lt3A_98 = arith.cmpi slt, %arg1, %lt3A_97 : i32
    %convert_element_type3A_99 = arith.extui %lt3A_98 : i1 to i32
    %cond3A_100 = arith.constant 0 : i32
    %cond3A_101 = arith.cmpi ne, %convert_element_type3A_99, %cond3A_100 : i32
    scf.if %cond3A_101 {
      %mul3A_107 = arith.constant 632 : i32
      %mul3A_108 = arith.muli %arg1, %mul3A_107 : i32
      "tpu.region"() ({
        %run_scoped3A = tpu.sem_alloc : memref<!tpu.dma_semaphore, #tpu.memory_space<semaphore_mem>>
        %dma_start3A_109 = arith.constant 0 : i32
        %dma_start3A_110 = tpu.memref_slice %arg7[%arg0, %mul3A_108, %dma_start3A_109] : memref<2x10000x48xf32, #tpu.memory_space<hbm>> -> memref<1x632x48xf32, #tpu.memory_space<hbm>>
        %dma_start3A_111 = tpu.memref_squeeze %dma_start3A_110 : memref<1x632x48xf32, #tpu.memory_space<hbm>> -> memref<632x48xf32, #tpu.memory_space<hbm>>
        %dma_start3A_112 = arith.constant 0 : i32
        %dma_start3A_113 = tpu.memref_slice %arg15[%mul3A_108, %dma_start3A_112] : memref<10128x48xf32, #tpu.memory_space<vmem_shared>> -> memref<632x48xf32, #tpu.memory_space<vmem_shared>>
        tpu.enqueue_dma source(%dma_start3A_113 : memref<632x48xf32, #tpu.memory_space<vmem_shared>>) target(%dma_start3A_111 : memref<632x48xf32, #tpu.memory_space<hbm>>) target_semaphore(%run_scoped3A : memref<!tpu.dma_semaphore, #tpu.memory_space<semaphore_mem>>)
        %dma_wait3A_114 = arith.constant 0 : i32
        %dma_wait3A_115 = tpu.memref_slice %arg7[%arg0, %mul3A_108, %dma_wait3A_114] : memref<2x10000x48xf32, #tpu.memory_space<hbm>> -> memref<1x632x48xf32, #tpu.memory_space<hbm>>
        %dma_wait3A_116 = tpu.memref_squeeze %dma_wait3A_115 : memref<1x632x48xf32, #tpu.memory_space<hbm>> -> memref<632x48xf32, #tpu.memory_space<hbm>>
        %dma_wait3A_117 = arith.constant 0 : i32
        %dma_wait3A_118 = tpu.memref_slice %arg15[%mul3A_108, %dma_wait3A_117] : memref<10128x48xf32, #tpu.memory_space<vmem_shared>> -> memref<632x48xf32, #tpu.memory_space<vmem_shared>>
        tpu.wait_dma2 semaphore(%run_scoped3A : memref<!tpu.dma_semaphore, #tpu.memory_space<semaphore_mem>>) src(%dma_wait3A_118 : memref<632x48xf32, #tpu.memory_space<vmem_shared>>) dst(%dma_wait3A_116 : memref<632x48xf32, #tpu.memory_space<hbm>>)
        tpu.yield
      }) : () -> ()
    } else {
    }
    %eq3A_102 = arith.constant 15 : i32
    %eq3A_103 = arith.cmpi eq, %arg1, %eq3A_102 : i32
    %convert_element_type3A_104 = arith.extui %eq3A_103 : i1 to i32
    %cond3A_105 = arith.constant 0 : i32
    %cond3A_106 = arith.cmpi ne, %convert_element_type3A_104, %cond3A_105 : i32
    scf.if %cond3A_106 {
      "tpu.region"() ({
        %run_scoped3A = tpu.sem_alloc : memref<!tpu.dma_semaphore, #tpu.memory_space<semaphore_mem>>
        %dma_start3A_107 = arith.constant 9480 : i32
        %dma_start3A_108 = arith.constant 0 : i32
        %dma_start3A_109 = tpu.memref_slice %arg7[%arg0, %dma_start3A_107, %dma_start3A_108] : memref<2x10000x48xf32, #tpu.memory_space<hbm>> -> memref<1x520x48xf32, #tpu.memory_space<hbm>>
        %dma_start3A_110 = tpu.memref_squeeze %dma_start3A_109 : memref<1x520x48xf32, #tpu.memory_space<hbm>> -> memref<520x48xf32, #tpu.memory_space<hbm>>
        %dma_start3A_111 = arith.constant 9480 : i32
        %dma_start3A_112 = arith.constant 0 : i32
        %dma_start3A_113 = tpu.memref_slice %arg15[%dma_start3A_111, %dma_start3A_112] : memref<10128x48xf32, #tpu.memory_space<vmem_shared>> -> memref<520x48xf32, #tpu.memory_space<vmem_shared>>
        tpu.enqueue_dma source(%dma_start3A_113 : memref<520x48xf32, #tpu.memory_space<vmem_shared>>) target(%dma_start3A_110 : memref<520x48xf32, #tpu.memory_space<hbm>>) target_semaphore(%run_scoped3A : memref<!tpu.dma_semaphore, #tpu.memory_space<semaphore_mem>>)
        %dma_wait3A_114 = arith.constant 9480 : i32
        %dma_wait3A_115 = arith.constant 0 : i32
        %dma_wait3A_116 = tpu.memref_slice %arg7[%arg0, %dma_wait3A_114, %dma_wait3A_115] : memref<2x10000x48xf32, #tpu.memory_space<hbm>> -> memref<1x520x48xf32, #tpu.memory_space<hbm>>
        %dma_wait3A_117 = tpu.memref_squeeze %dma_wait3A_116 : memref<1x520x48xf32, #tpu.memory_space<hbm>> -> memref<520x48xf32, #tpu.memory_space<hbm>>
        %dma_wait3A_118 = arith.constant 9480 : i32
        %dma_wait3A_119 = arith.constant 0 : i32
        %dma_wait3A_120 = tpu.memref_slice %arg15[%dma_wait3A_118, %dma_wait3A_119] : memref<10128x48xf32, #tpu.memory_space<vmem_shared>> -> memref<520x48xf32, #tpu.memory_space<vmem_shared>>
        tpu.wait_dma2 semaphore(%run_scoped3A : memref<!tpu.dma_semaphore, #tpu.memory_space<semaphore_mem>>) src(%dma_wait3A_120 : memref<520x48xf32, #tpu.memory_space<vmem_shared>>) dst(%dma_wait3A_117 : memref<520x48xf32, #tpu.memory_space<hbm>>)
        tpu.yield
      }) : () -> ()
    } else {
    }
    return
  }
}

module attributes {stable_mosaic.version = 14 : i64} {
  func.func @_tc1_body(%arg0: memref<10000x128xf32, #tpu.memory_space<vmem>>, %arg1: memref<128x64xf32, #tpu.memory_space<vmem>>, %arg2: memref<64x8xf32, #tpu.memory_space<vmem>>, %arg3: memref<64x8xf32, #tpu.memory_space<vmem>>, %arg4: memref<64x64xf32, #tpu.memory_space<vmem>>, %arg5: memref<10000x64xbf16, #tpu.memory_space<vmem>>, %arg6: memref<10000x16xf32, #tpu.memory_space<vmem>>) attributes {dimension_semantics = [], scalar_prefetch = 0 : i64, scratch_operands = 0 : i64, tpu.core_type = #tpu.core_type<tc>} {
    %get3A = arith.constant 0 : index
    %get3A_0 = arith.constant 0 : index
    %get3A_1 = vector.load %arg0[%get3A, %get3A_0] : memref<10000x128xf32, #tpu.memory_space<vmem>>, vector<10000x128xf32>
    %get3A_2 = arith.constant 0 : index
    %get3A_3 = arith.constant 0 : index
    %get3A_4 = vector.load %arg1[%get3A_2, %get3A_3] : memref<128x64xf32, #tpu.memory_space<vmem>>, vector<128x64xf32>
    %dot_general3A = arith.constant dense<0.000000e+00> : vector<10000x64xf32>
    %dot_general3A_5 = tpu.matmul %get3A_1, %get3A_4, %dot_general3A {dimension_numbers = #tpu.dot_dimension_numbers<[1], [0], [0], [1], [0, 0, 1, 1], [], []>, transpose_lhs_hint = false} : vector<10000x128xf32>, vector<128x64xf32>, vector<10000x64xf32> -> vector<10000x64xf32>
    %get3A_6 = arith.constant 0 : index
    %get3A_7 = arith.constant 0 : index
    %get3A_8 = vector.load %arg2[%get3A_6, %get3A_7] : memref<64x8xf32, #tpu.memory_space<vmem>>, vector<64x8xf32>
    %dot_general3A_9 = arith.constant dense<0.000000e+00> : vector<10000x8xf32>
    %dot_general3A_10 = tpu.matmul %dot_general3A_5, %get3A_8, %dot_general3A_9 {dimension_numbers = #tpu.dot_dimension_numbers<[1], [0], [0], [1], [0, 0, 1, 1], [], []>, transpose_lhs_hint = false} : vector<10000x64xf32>, vector<64x8xf32>, vector<10000x8xf32> -> vector<10000x8xf32>
    %get3A_11 = arith.constant 0 : index
    %get3A_12 = arith.constant 0 : index
    %get3A_13 = vector.load %arg3[%get3A_11, %get3A_12] : memref<64x8xf32, #tpu.memory_space<vmem>>, vector<64x8xf32>
    %dot_general3A_14 = arith.constant dense<0.000000e+00> : vector<10000x8xf32>
    %dot_general3A_15 = tpu.matmul %dot_general3A_5, %get3A_13, %dot_general3A_14 {dimension_numbers = #tpu.dot_dimension_numbers<[1], [0], [0], [1], [0, 0, 1, 1], [], []>, transpose_lhs_hint = false} : vector<10000x64xf32>, vector<64x8xf32>, vector<10000x8xf32> -> vector<10000x8xf32>
    %get3A_16 = arith.constant 0 : index
    %get3A_17 = arith.constant 0 : index
    %get3A_18 = vector.load %arg4[%get3A_16, %get3A_17] : memref<64x64xf32, #tpu.memory_space<vmem>>, vector<64x64xf32>
    %dot_general3A_19 = arith.constant dense<0.000000e+00> : vector<10000x64xf32>
    %dot_general3A_20 = tpu.matmul %dot_general3A_5, %get3A_18, %dot_general3A_19 {dimension_numbers = #tpu.dot_dimension_numbers<[1], [0], [0], [1], [0, 0, 1, 1], [], []>, transpose_lhs_hint = false} : vector<10000x64xf32>, vector<64x64xf32>, vector<10000x64xf32> -> vector<10000x64xf32>
    %convert_element_type3A = arith.truncf %dot_general3A_20 : vector<10000x64xf32> to vector<10000x64xbf16>
    %swap3A = arith.constant 0 : index
    %swap3A_21 = arith.constant 0 : index
    %swap3A_22 = vector.load %arg5[%swap3A, %swap3A_21] : memref<10000x64xbf16, #tpu.memory_space<vmem>>, vector<10000x64xbf16>
    tpu.vector_store %arg5[%swap3A, %swap3A_21], %convert_element_type3A {strides = array<i32>} : memref<10000x64xbf16, #tpu.memory_space<vmem>>, vector<10000x64xbf16>,
    %concatenate3A = tpu.concatenate %dot_general3A_10, %dot_general3A_15 in 1 : vector<10000x8xf32>, vector<10000x8xf32> -> vector<10000x16xf32>
    %swap3A_23 = arith.constant 0 : index
    %swap3A_24 = arith.constant 0 : index
    %swap3A_25 = vector.load %arg6[%swap3A_23, %swap3A_24] : memref<10000x16xf32, #tpu.memory_space<vmem>>, vector<10000x16xf32>
    tpu.vector_store %arg6[%swap3A_23, %swap3A_24], %concatenate3A {strides = array<i32>} : memref<10000x16xf32, #tpu.memory_space<vmem>>, vector<10000x16xf32>,
    return
  }
}

module attributes {stable_mosaic.version = 14 : i64} {
  func.func @_tc2_body(%arg0: memref<2x10000x64xf32, #tpu.memory_space<vmem>>, %arg1: memref<2x10000x16xf32, #tpu.memory_space<vmem>>, %arg2: memref<1x64xf32, #tpu.memory_space<vmem>>, %arg3: memref<64x40xf32, #tpu.memory_space<vmem>>, %arg4: memref<40x1xf32, #tpu.memory_space<vmem>>, %arg5: memref<40x1xf32, #tpu.memory_space<vmem>>, %arg6: memref<8x64xf32, #tpu.memory_space<vmem>>, %arg7: memref<10000x48xf32, #tpu.memory_space<vmem>>, %arg8: memref<10000x2xf32, #tpu.memory_space<vmem>>) attributes {dimension_semantics = [], scalar_prefetch = 0 : i64, scratch_operands = 0 : i64, tpu.core_type = #tpu.core_type<tc>} {
    %get3A = arith.constant 0 : index
    %get3A_0 = arith.constant 0 : index
    %get3A_1 = arith.constant 0 : index
    %get3A_2 = vector.load %arg0[%get3A, %get3A_0, %get3A_1] : memref<2x10000x64xf32, #tpu.memory_space<vmem>>, vector<1x10000x64xf32>
    %get3A_3 = vector.shape_cast %get3A_2 : vector<1x10000x64xf32> to vector<10000x64xf32>
    %get3A_4 = arith.constant 1 : index
    %get3A_5 = arith.constant 0 : index
    %get3A_6 = arith.constant 0 : index
    %get3A_7 = vector.load %arg0[%get3A_4, %get3A_5, %get3A_6] : memref<2x10000x64xf32, #tpu.memory_space<vmem>>, vector<1x10000x64xf32>
    %get3A_8 = vector.shape_cast %get3A_7 : vector<1x10000x64xf32> to vector<10000x64xf32>
    %add3A = arith.addf %get3A_3, %get3A_8 : vector<10000x64xf32>
    %get3A_9 = arith.constant 0 : index
    %get3A_10 = arith.constant 0 : index
    %get3A_11 = arith.constant 0 : index
    %get3A_12 = vector.load %arg1[%get3A_9, %get3A_10, %get3A_11] : memref<2x10000x16xf32, #tpu.memory_space<vmem>>, vector<1x10000x16xf32>
    %get3A_13 = vector.shape_cast %get3A_12 : vector<1x10000x16xf32> to vector<10000x16xf32>
    %slice3A = vector.extract_strided_slice %get3A_13 {offsets = [0, 0], sizes = [10000, 8], strides = [1, 1]} : vector<10000x16xf32> to vector<10000x8xf32>
    %get3A_14 = arith.constant 1 : index
    %get3A_15 = arith.constant 0 : index
    %get3A_16 = arith.constant 0 : index
    %get3A_17 = vector.load %arg1[%get3A_14, %get3A_15, %get3A_16] : memref<2x10000x16xf32, #tpu.memory_space<vmem>>, vector<1x10000x16xf32>
    %get3A_18 = vector.shape_cast %get3A_17 : vector<1x10000x16xf32> to vector<10000x16xf32>
    %slice3A_19 = vector.extract_strided_slice %get3A_18 {offsets = [0, 0], sizes = [10000, 8], strides = [1, 1]} : vector<10000x16xf32> to vector<10000x8xf32>
    %add3A_20 = arith.addf %slice3A, %slice3A_19 : vector<10000x8xf32>
    %get3A_21 = arith.constant 0 : index
    %get3A_22 = arith.constant 0 : index
    %get3A_23 = vector.load %arg6[%get3A_21, %get3A_22] : memref<8x64xf32, #tpu.memory_space<vmem>>, vector<8x64xf32>
    %dot_general3A = arith.constant dense<0.000000e+00> : vector<10000x64xf32>
    %dot_general3A_24 = tpu.matmul %add3A_20, %get3A_23, %dot_general3A {dimension_numbers = #tpu.dot_dimension_numbers<[1], [0], [0], [1], [0, 0, 1, 1], [], []>, transpose_lhs_hint = false} : vector<10000x8xf32>, vector<8x64xf32>, vector<10000x64xf32> -> vector<10000x64xf32>
    %max3A = arith.constant 1.000000e-30 : f32
    %max3A_25 = vector.broadcast %max3A : f32 to vector<10000x64xf32>
    %max3A_26 = arith.maximumf %dot_general3A_24, %max3A_25 : vector<10000x64xf32>
    %div3A = arith.divf %add3A, %max3A_26 : vector<10000x64xf32>
    %get3A_27 = arith.constant 0 : index
    %get3A_28 = arith.constant 0 : index
    %get3A_29 = vector.load %arg2[%get3A_27, %get3A_28] : memref<1x64xf32, #tpu.memory_space<vmem>>, vector<1x64xf32>
    %add3A_30 = vector.broadcast %get3A_29 : vector<1x64xf32> to vector<10000x64xf32>
    %add3A_31 = arith.addf %div3A, %add3A_30 : vector<10000x64xf32>
    %gt3A = arith.constant 0.000000e+00 : f32
    %gt3A_32 = vector.broadcast %gt3A : f32 to vector<10000x64xf32>
    %gt3A_33 = arith.cmpf ogt, %add3A_31, %gt3A_32 : vector<10000x64xf32>
    %min3A = arith.constant 0.000000e+00 : f32
    %min3A_34 = vector.broadcast %min3A : f32 to vector<10000x64xf32>
    %min3A_35 = arith.minimumf %add3A_31, %min3A_34 : vector<10000x64xf32>
    %exp3A = math.exp %min3A_35 : vector<10000x64xf32>
    %sub3A = arith.constant 1.000000e+00 : f32
    %sub3A_36 = vector.broadcast %sub3A : f32 to vector<10000x64xf32>
    %sub3A_37 = arith.subf %exp3A, %sub3A_36 : vector<10000x64xf32>
    %select_n3A = arith.select %gt3A_33, %add3A_31, %sub3A_37 : vector<10000x64xi1>, vector<10000x64xf32>
    %get3A_38 = arith.constant 0 : index
    %get3A_39 = arith.constant 0 : index
    %get3A_40 = vector.load %arg3[%get3A_38, %get3A_39] : memref<64x40xf32, #tpu.memory_space<vmem>>, vector<64x40xf32>
    %dot_general3A_41 = arith.constant dense<0.000000e+00> : vector<10000x40xf32>
    %dot_general3A_42 = tpu.matmul %select_n3A, %get3A_40, %dot_general3A_41 {dimension_numbers = #tpu.dot_dimension_numbers<[1], [0], [0], [1], [0, 0, 1, 1], [], []>, transpose_lhs_hint = false} : vector<10000x64xf32>, vector<64x40xf32>, vector<10000x40xf32> -> vector<10000x40xf32>
    %get3A_43 = arith.constant 0 : index
    %get3A_44 = arith.constant 0 : index
    %get3A_45 = vector.load %arg4[%get3A_43, %get3A_44] : memref<40x1xf32, #tpu.memory_space<vmem>>, vector<40x1xf32>
    %dot_general3A_46 = arith.constant dense<0.000000e+00> : vector<10000x1xf32>
    %dot_general3A_47 = tpu.matmul %dot_general3A_42, %get3A_45, %dot_general3A_46 {dimension_numbers = #tpu.dot_dimension_numbers<[1], [0], [0], [1], [0, 0, 1, 1], [], []>, transpose_lhs_hint = false} : vector<10000x40xf32>, vector<40x1xf32>, vector<10000x1xf32> -> vector<10000x1xf32>
    %get3A_48 = arith.constant 0 : index
    %get3A_49 = arith.constant 0 : index
    %get3A_50 = vector.load %arg5[%get3A_48, %get3A_49] : memref<40x1xf32, #tpu.memory_space<vmem>>, vector<40x1xf32>
    %dot_general3A_51 = arith.constant dense<0.000000e+00> : vector<10000x1xf32>
    %dot_general3A_52 = tpu.matmul %dot_general3A_42, %get3A_50, %dot_general3A_51 {dimension_numbers = #tpu.dot_dimension_numbers<[1], [0], [0], [1], [0, 0, 1, 1], [], []>, transpose_lhs_hint = false} : vector<10000x40xf32>, vector<40x1xf32>, vector<10000x1xf32> -> vector<10000x1xf32>
    %broadcast_in_dim3A = arith.constant 1.000000e+00 : f32
    %broadcast_in_dim3A_53 = vector.broadcast %broadcast_in_dim3A : f32 to vector<10000x1xf32>
    %broadcast_in_dim3A_54 = arith.constant 0.000000e+00 : f32
    %broadcast_in_dim3A_55 = vector.broadcast %broadcast_in_dim3A_54 : f32 to vector<10000x7xf32>
    %concatenate3A = tpu.concatenate %dot_general3A_42, %broadcast_in_dim3A_53, %broadcast_in_dim3A_55 in 1 : vector<10000x40xf32>, vector<10000x1xf32>, vector<10000x7xf32> -> vector<10000x48xf32>
    %swap3A = arith.constant 0 : index
    %swap3A_56 = arith.constant 0 : index
    %swap3A_57 = vector.load %arg7[%swap3A, %swap3A_56] : memref<10000x48xf32, #tpu.memory_space<vmem>>, vector<10000x48xf32>
    tpu.vector_store %arg7[%swap3A, %swap3A_56], %concatenate3A {strides = array<i32>} : memref<10000x48xf32, #tpu.memory_space<vmem>>, vector<10000x48xf32>,
    %concatenate3A_58 = tpu.concatenate %dot_general3A_47, %dot_general3A_52 in 1 : vector<10000x1xf32>, vector<10000x1xf32> -> vector<10000x2xf32>
    %swap3A_59 = arith.constant 0 : index
    %swap3A_60 = arith.constant 0 : index
    %swap3A_61 = vector.load %arg8[%swap3A_59, %swap3A_60] : memref<10000x2xf32, #tpu.memory_space<vmem>>, vector<10000x2xf32>
    tpu.vector_store %arg8[%swap3A_59, %swap3A_60], %concatenate3A_58 {strides = array<i32>} : memref<10000x2xf32, #tpu.memory_space<vmem>>, vector<10000x2xf32>,
    return
  }
}

module attributes {stable_mosaic.version = 14 : i64} {
  func.func @_tc3_body(%arg0: memref<2x10000x48xf32, #tpu.memory_space<vmem>>, %arg1: memref<1x40xf32, #tpu.memory_space<vmem>>, %arg2: memref<10000x40xf32, #tpu.memory_space<vmem>>) attributes {dimension_semantics = [], scalar_prefetch = 0 : i64, scratch_operands = 0 : i64, tpu.core_type = #tpu.core_type<tc>} {
    %get3A = arith.constant 0 : index
    %get3A_0 = arith.constant 0 : index
    %get3A_1 = arith.constant 0 : index
    %get3A_2 = vector.load %arg0[%get3A, %get3A_0, %get3A_1] : memref<2x10000x48xf32, #tpu.memory_space<vmem>>, vector<1x10000x48xf32>
    %get3A_3 = vector.shape_cast %get3A_2 : vector<1x10000x48xf32> to vector<10000x48xf32>
    %get3A_4 = arith.constant 1 : index
    %get3A_5 = arith.constant 0 : index
    %get3A_6 = arith.constant 0 : index
    %get3A_7 = vector.load %arg0[%get3A_4, %get3A_5, %get3A_6] : memref<2x10000x48xf32, #tpu.memory_space<vmem>>, vector<1x10000x48xf32>
    %get3A_8 = vector.shape_cast %get3A_7 : vector<1x10000x48xf32> to vector<10000x48xf32>
    %add3A = arith.addf %get3A_3, %get3A_8 : vector<10000x48xf32>
    %slice3A = vector.extract_strided_slice %add3A {offsets = [0, 40], sizes = [10000, 1], strides = [1, 1]} : vector<10000x48xf32> to vector<10000x1xf32>
    %max3A = arith.constant 1.000000e-30 : f32
    %max3A_9 = vector.broadcast %max3A : f32 to vector<10000x1xf32>
    %max3A_10 = arith.maximumf %slice3A, %max3A_9 : vector<10000x1xf32>
    %slice3A_11 = vector.extract_strided_slice %add3A {offsets = [0, 0], sizes = [10000, 40], strides = [1, 1]} : vector<10000x48xf32> to vector<10000x40xf32>
    %div3A = vector.broadcast %max3A_10 : vector<10000x1xf32> to vector<10000x40xf32>
    %div3A_12 = arith.divf %slice3A_11, %div3A : vector<10000x40xf32>
    %get3A_13 = arith.constant 0 : index
    %get3A_14 = arith.constant 0 : index
    %get3A_15 = vector.load %arg1[%get3A_13, %get3A_14] : memref<1x40xf32, #tpu.memory_space<vmem>>, vector<1x40xf32>
    %add3A_16 = vector.broadcast %get3A_15 : vector<1x40xf32> to vector<10000x40xf32>
    %add3A_17 = arith.addf %div3A_12, %add3A_16 : vector<10000x40xf32>
    %reduce_max3A = arith.constant dense<0xFF800000> : vector<10000xf32>
    %reduce_max3A_18 = vector.multi_reduction <maximumf>, %add3A_17, %reduce_max3A [1] : vector<10000x40xf32> to vector<10000xf32>
    %broadcast_in_dim3A = vector.shape_cast %reduce_max3A_18 : vector<10000xf32> to vector<10000x1xf32>
    %sub3A = vector.broadcast %broadcast_in_dim3A : vector<10000x1xf32> to vector<10000x40xf32>
    %sub3A_19 = arith.subf %add3A_17, %sub3A : vector<10000x40xf32>
    %exp3A = math.exp %sub3A_19 : vector<10000x40xf32>
    %reduce_sum3A = arith.constant dense<0.000000e+00> : vector<10000xf32>
    %reduce_sum3A_20 = vector.multi_reduction <add>, %exp3A, %reduce_sum3A [1] : vector<10000x40xf32> to vector<10000xf32>
    %broadcast_in_dim3A_21 = vector.shape_cast %reduce_sum3A_20 : vector<10000xf32> to vector<10000x1xf32>
    %log3A = math.log %broadcast_in_dim3A_21 : vector<10000x1xf32>
    %sub3A_22 = vector.broadcast %log3A : vector<10000x1xf32> to vector<10000x40xf32>
    %sub3A_23 = arith.subf %sub3A_19, %sub3A_22 : vector<10000x40xf32>
    %swap3A = arith.constant 0 : index
    %swap3A_24 = arith.constant 0 : index
    %swap3A_25 = vector.load %arg2[%swap3A, %swap3A_24] : memref<10000x40xf32, #tpu.memory_space<vmem>>, vector<10000x40xf32>
    tpu.vector_store %arg2[%swap3A, %swap3A_24], %sub3A_23 {strides = array<i32>} : memref<10000x40xf32, #tpu.memory_space<vmem>>, vector<10000x40xf32>,
    return
  }
}

</mosaic_0001>

<sc_bundles>
// kernel: kernel.10.cloned.1.call-start
scs
__scs_entry_jumppad:
0x0: {  	(pc) =	sbr.rel $0x88, $3  }
0x1: {  	(tag) =	ssettag $0x0;
	lr =	simm.s32 $0x1  }
0x2: {  	[smem:$0x3F97] =	sst lr;
	_ =	strace $0xD0000000  }
0x3: {  	_ = 	snop  }
0x4: {  	_ = 	snop  }
0x5: {  	_ = 	snop  }
0x6: {  	_ = 	snop  }
0x7: {  	_ = 	snop  }
__scs_overlays_trampoline_lowered:
0x8: {  	[smem:$0x3FA6] =	sst s0  }
0x9: {  	[smem:$0x3FA7] =	sst s1  }
0xa: {  	[smem:$0x3FA8] =	sst s2  }
0xb: {  	[smem:$0x3FA9] =	sst s3  }
0xc: {  	[smem:$0x3FAA] =	sst s4  }
0xd: {  	[smem:$0x3FAB] =	sst s5  }
0xe: {  	[smem:$0x3FAC] =	sst s6  }
0xf: {  	[smem:$0x3FAD] =	sst s7  }
0x10: {  	[smem:$0x3FAE] =	sst s8  }
0x11: {  	[smem:$0x3FAF] =	sst s9;
	s0 =	simm.s32 @!p0 $0x0  }
0x12: {  	s1 =	sld [smem:$0x3F95];
	s0 =	simm.s32 @p0 $0x1  }
0x13: {  	[smem:$0x3FB0] =	sst s0;
	s0 =	simm.s32 @!p1 $0x0  }
0x14: {  	s2 =	sld [smem:$0x3F94];
	s0 =	simm.s32 @p1 $0x1  }
0x15: {  	[smem:$0x3FB1] =	sst s0;
	s0 =	simm.s32 @!p2 $0x0  }
0x16: {  	s3 =	sld [smem:$0x3FDB];
	s0 =	simm.s32 @p2 $0x1  }
0x17: {  	s4 =	simm.s32 $0x1BF5;
	[smem:$0x3FB3] =	sst s0  }
0x18: {  	s0 =	sld [smem:$0x3F96];
	_ =	swait.ge [sflag:s4], $0x0  }
0x19: {  	s7 =	sld [smem:$0x3F97]  }
0x1a: {  	s8 =	sadd.s32 $0xFFFFE003, lr  }
0x1b: {  	s9 =	sadd.s32 $0xFFFFFEF7, lr;
	s5 =	simm.s32 $0xFFFFFFFF;
	p2 =	slt.u32 s8, $0xFFFFF086  }
0x1c: {  	p1 =	slt.u32 s9, $0xF7A;
	s5 =	simm.s32 @!p2 $0x0  }
0x1d: {  	s5 =	simm.s32 @p1 $0x1;
	p0 =	seq.s32 s7, s2  }
0x1e: {  	s7 =	smul.u32 @!p0 $0xF7A, s2;
	p2 =	seq.s32 @!p0 s5, $0x0  }
0x1f: {  	s9 =	smul.u32 $0xF7A, s1;
	s8 =	simm.s32 @!p0 $0x1BF5;
	p2 =	por !p2, p0  }
0x20: {  	[sflag:s8] =	ssyncset.s32 @!p0 $0xFFFFF086;
	s6 =	sadd.s32 @!p0 s3, s7;
	s7 =	simm.s32 @!p0 $0x108  }
0x21: {  	s3 =	sadd.s32 s3, s9;
	s6 =	sadd.s32 @!p0 $0x88, s6;
	s7 =	simm.s32 @p2 $0x1082  }
0x22: {  	[simem:s7], [sflag:s8] =	dma.local @!p0 [hbm:s6], $0xF7A  }
0x23: {  	s9 =	sor.u32 $0xD0000000, s2;
	s6 =	simm.s32 $0x108;
	_ =	swait.ge @!p0 [sflag:s8], $0x0  }
0x24: {  	s3 =	sadd.s32 $0x88, s3;
	s6 =	simm.s32 @!p1 $0x1082;
	[sflag:s4] =	ssyncset.s32 $0xFFFFF086  }
0x25: {  	[simem:s6], [sflag:s4] =	dma.local [hbm:s3], $0xF7A  }
0x26: {  	[smem:$0x3F97] =	sst s1;
	(tag) =	ssettag s2;
	_ =	strace s9  }
0x27: {  	s1 =	sld [smem:$0x3FA7]  }
0x28: {  	s2 =	sld [smem:$0x3FA8]  }
0x29: {  	s4 =	sld [smem:$0x3FAA]  }
0x2a: {  	p0 =	seq.s32 s5, $0x0;
	s5 =	sld [smem:$0x3FAB]  }
0x2b: {  	s6 =	sld [smem:$0x3FAC]  }
0x2c: {  	s7 =	sld [smem:$0x3FAD]  }
0x2d: {  	s3 =	simm.s32 $0x108;
	s8 =	sld [smem:$0x3FAE]  }
0x2e: {  	s3 =	simm.s32 @!p0 $0x1082;
	s9 =	sld [smem:$0x3FAF]  }
0x2f: {  	lr =	sadd.s32 s0, s3;
	s0 =	sld [smem:$0x3FA6]  }
0x30: {  	s3 =	sld [smem:$0x3FA9]  }
0x31: {  	[smem:$0x3FB2] =	sst s10  }
0x32: {  	s10 =	sld [smem:$0x3FB0];
	_ =	sdelay $0x3  }
0x33: {  	p0 =	seq.s32 s10, $0x1;
	s10 =	sld [smem:$0x3FB2];
	_ =	sdelay $0x3  }
0x34: {  	[smem:$0x3FB2] =	sst s10  }
0x35: {  	s10 =	sld [smem:$0x3FB1];
	_ =	sdelay $0x3  }
0x36: {  	p1 =	seq.s32 s10, $0x1;
	s10 =	sld [smem:$0x3FB2];
	_ =	sdelay $0x3  }
0x37: {  	[smem:$0x3FB2] =	sst s10  }
0x38: {  	s10 =	sld [smem:$0x3FB3]  }
0x39: {  	_ = 	snop;
	(pc) =	sbr.ind lr, $3  }
0x3a: {  	_ = 	snop  }
0x3b: {  	_ = 	snop  }
0x3c: {  	p2 =	seq.s32 s10, $0x1;
	s10 =	sld [smem:$0x3FB2]  }
0x3d: {  	_ =	shalt  }
0x3e: {  	_ =	shalt  }
0x3f: {  	_ =	shalt  }
0x40: {  	_ =	shalt  }
0x41: {  	_ =	shalt  }
0x42: {  	_ =	shalt  }
0x43: {  	_ =	shalt  }
0x44: {  	_ =	shalt  }
0x45: {  	_ =	shalt  }
0x46: {  	_ =	shalt  }
0x47: {  	_ =	shalt  }
0x48: {  	_ =	shalt  }
0x49: {  	_ =	shalt  }
0x4a: {  	_ =	shalt  }
0x4b: {  	_ =	shalt  }
0x4c: {  	_ =	shalt  }
0x4d: {  	_ =	shalt  }
0x4e: {  	_ =	shalt  }
0x4f: {  	_ =	shalt  }
0x50: {  	_ =	shalt  }
0x51: {  	_ =	shalt  }
0x52: {  	_ =	shalt  }
0x53: {  	_ =	shalt  }
0x54: {  	_ =	shalt  }
0x55: {  	_ =	shalt  }
0x56: {  	_ =	shalt  }
0x57: {  	_ =	shalt  }
0x58: {  	_ =	shalt  }
0x59: {  	_ =	shalt  }
0x5a: {  	_ =	shalt  }
0x5b: {  	_ =	shalt  }
0x5c: {  	_ =	shalt  }
0x5d: {  	_ =	shalt  }
0x5e: {  	_ =	shalt  }
0x5f: {  	_ =	shalt  }
0x60: {  	_ =	shalt  }
0x61: {  	_ =	shalt  }
0x62: {  	_ =	shalt  }
0x63: {  	_ =	shalt  }
0x64: {  	_ =	shalt  }
0x65: {  	_ =	shalt  }
0x66: {  	_ =	shalt  }
0x67: {  	_ =	shalt  }
0x68: {  	_ =	shalt  }
0x69: {  	_ =	shalt  }
0x6a: {  	_ =	shalt  }
0x6b: {  	_ =	shalt  }
0x6c: {  	_ =	shalt  }
0x6d: {  	_ =	shalt  }
0x6e: {  	_ =	shalt  }
0x6f: {  	_ =	shalt  }
0x70: {  	_ =	shalt  }
0x71: {  	_ =	shalt  }
0x72: {  	_ =	shalt  }
0x73: {  	_ =	shalt  }
0x74: {  	_ =	shalt  }
0x75: {  	_ =	shalt  }
0x76: {  	_ =	shalt  }
0x77: {  	_ =	shalt  }
0x78: {  	_ =	shalt  }
0x79: {  	_ =	shalt  }
0x7a: {  	_ =	shalt  }
0x7b: {  	_ =	shalt  }
0x7c: {  	_ =	shalt  }
0x7d: {  	_ =	shalt  }
0x7e: {  	_ =	shalt  }
0x7f: {  	_ =	shalt  }
0x80: {  	_ =	shalt  }
0x81: {  	_ =	shalt  }
0x82: {  	_ =	shalt  }
0x83: {  	_ =	shalt  }
0x84: {  	_ =	shalt  }
0x85: {  	_ =	shalt  }
0x86: {  	_ =	shalt  }
0x87: {  	_ =	shalt  }
.Lfunc_end0:
.L_simem_size_0:
called_computation.1_lowered:
.L_overlay_start_0:
0x88: {  	s2 =	sld [smem:$0x3FD9]  }
0x89: {  	s3 =	sld [smem:$0x3FFE];
	_ =	sdelay $0x1  }
0x8a: {  	s1 =	srdreg.scid  }
0x8b: {  	s0 =	sand.u32 $0x1, s1  }
0x8c: {  	s17 =	sshll.u32 s0, $0xA;
	s2 =	sadd.s32 s3, s2  }
0x8d: {  	s2 =	sadd.s32 s2, s17  }
0x8e: {  	[smem:$0x3FBE] =	sst s2  }
0x8f: {  	_ = 	snop  }
0x90: {  	s2 =	sld [smem:$0x3FD0];
	(tm) =	ssettm $0x1  }
0x91: {  	s18 =	sld [smem:$0x3FFB];
	_ =	sdelay $0x3  }
0x92: {  	_ =	strace s18  }
0x93: {  	s3 =	sld [smem:$0x3FFC];
	_ =	sdelay $0x3  }
0x94: {  	_ =	strace s3  }
0x95: {  	s3 =	sld [smem:$0x3FFD];
	_ =	sdelay $0x3  }
0x96: {  	_ =	strace s3  }
0x97: {  	_ =	strace $0x8FFFFFFF  }
0x98: {  	s19 =	sld [smem:$0x3FDB];
	_ =	sdelay $0x1  }
0x99: {  	s4 =	simm.s32 $_scs_section_size  }
0x9a: {  	s5 =	simm.s32 $_size__tile_overlayer_lowered;
	s6 =	simm.s32 $_tile_overlayer_lowered  }
0x9b: {  	s22 =	simm.s32 $0x1BFF;
	s21 =	sshll.u32 s6, $0x1;
	s3 =	sadd.s32 s4, s19  }
0x9c: {  	s7 =	simm.s32 $0x0;
	s20 =	sshll.u32 s5, $0x1;
	s5 =	sadd.s32 s21, s3  }
0x9d: {  	[timem:s7], [sflag:s22] =	dma.local [hbm:s5], s20  }
0x9e: {  	_ =	swait.ge [sflag:s22], s20  }
0x9f: {  	s4 =	ssub.s32 $0x0, s20;
	[sflag:s22] =	ssyncset.done $0x0  }
0xa0: {  	[sflag:s22] =	ssyncadd.s32 s4;
	_ =	sdelay $0x1  }
0xa1: {  	s23 =	simm.s32 $0x1B8B  }
0xa2: {  	_ =	swait.ge [sflag:s23], $0x1  }
0xa3: {  	[sflag:s23] =	ssyncset.done $0x0  }
0xa4: {  	s25 =	simm.s32 $0x1B8E;
	s24 =	sld [smem:$0x3FFE];
	[sflag:s23] =	ssyncadd.s32 $0xFFFFFFFF  }
0xa5: {  	s26 =	simm.s32 $execute0_lowered;
	[smem:$0x3FD2] =	sst s25  }
0xa6: {  	s5 =	sshll.u32 s26, $0x1;
	_ =	strace $0x80000049;
	[dreg:$0x1] =	wrdreg $0xFFFFFFFF  }
0xa7: {  	s28 =	simm.s32 $_size_execute0_lowered;
	s3 =	sadd.s32 s3, s5;
	[dreg:$0x0] =	wrdreg $0x0  }
0xa8: {  	s5 =	sshll.u32 s28, $0x1;
	[dreg:$0x2] =	wrdreg s3  }
0xa9: {  	[dreg:$0x3] =	wrdreg s5  }
0xaa: {  	[dreg:$0x4] =	wrdreg $0xC0  }
0xab: {  	_ =	task [dreg:s7], $0x5FFFF  }
0xac: {  	[dreg:$0x1] =	wrdreg $0xFFFFFFFF  }
0xad: {  	[dreg:$0x0] =	wrdreg $0x60  }
0xae: {  	[dreg:$0x2] =	wrdreg s2  }
0xaf: {  	[dreg:$0x3] =	wrdreg s24  }
0xb0: {  	[dreg:$0x4] =	wrdreg $0x175D00  }
0xb1: {  	[dreg:$0x5] =	wrdreg $0xFF200  }
0xb2: {  	[dreg:$0x6] =	wrdreg $0x9  }
0xb3: {  	_ =	task.clear_ibuf [dreg:s7], $0x7FFFF;
	_ =	strace $0x90000049  }
0xb4: {  	s29 =	simm.s32 $0x9;
	_ =	strace $0x8000004B  }
0xb5: {  	_ =	swait.ge [sflag:s29], $0x1  }
0xb6: {  	[sflag:s29] =	ssyncadd.s32 $0xFFFFFFFF  }
0xb7: {  	_ =	strace $0x9000004B  }
0xb8: {  	_ =	sfence  }
0xb9: {  	s30 =	sld [smem:$0x0];
	_ =	sdelay $0x2  }
0xba: {  	s31 =	sshll.u32 s1, $0xD;
	s1 =	sshrl.u32 s1, $0x2  }
0xbb: {  	s3 =	sand.u32 $0x4000, s31;
	s1 =	sadd.s32 s1, s30  }
0xbc: {  	s0 =	sor.u32 s3, s0;
	s1 =	sshll.u32 s1, $0x11  }
0xbd: {  	s0 =	sor.u32 s1, s0  }
0xbe: {  	s0 =	sadd.s32 $0x8F2B, s0  }
0xbf: {  	[sflag:s0] =	ssyncadd.remote.s32 $0x1  }
0xc0: {  	_ =	sfence.sel $0xFFFF  }
0xc1: {  	[dreg:$0x0] =	wrdreg $0xFFFFFFFF;
	(pc) =	sbr.abs _section_cstart, $3  }
0xc2: {  	[dreg:$0x1] =	wrdreg $0xFFFFFFFF  }
0xc3: {  	_ =	task.clear_ibuf [dreg:s7], $0x2FFFF;
	_ =	strace $0x9FFFFFFF  }
0xc4: {  	(tm) =	ssettm $0x7FFFFFFF  }
0xc5: {  	_ =	shalt  }
tec
execute0_lowered:
.L_overlay_start_1:
0x0: {  	(tag) =	ssettag $0x1  }
0x1: {  	s0 =	rddreg [dreg:$0x0]  }
0x2: {  	s1 =	rddreg [dreg:$0x1]  }
0x3: {  	s2 =	rddreg [dreg:$0x2];
	s4 =	srdreg.scid  }
0x4: {  	s13 =	stileid.u32;
	s3 =	rddreg [dreg:$0x3]  }
0x5: {  	s17 =	simm.s32 $0x0;
	s16 =	simm.s32 $0x5;
	s28 =	simm.s32 $0xB620  }
0x6: {  	s29 =	simm.s32 $0x1;
	s30 =	simm.s32 $0xCE20;
	s31 =	simm.s32 $0x2  }
0x7: {  	s5 =	sand.u32 $0x1, s4;
	s6 =	sshll.u32 s13, $0x1;
	[smem:$0x7FF] =	sst s17  }
0x8: {  	s7 =	smul.u32 $0x7680, s13;
	s18 =	sadd.s32 $0x1400, s1;
	s19 =	sadd.s32 $0xE00, s1  }
0x9: {  	s12 =	sadd.s32 $0x28800, s1;
	p0 =	seq.s32 s13, $0xF;
	s23 =	smul.u32 $0x1DA00, s13  }
0xa: {  	s17 =	simm.s32 $0xE720;
	_ =	strace $0x8000004A;
	[dreg:$0x5] =	wrdreg s18  }
0xb: {  	s6 =	sor.u32 s5, s6;
	s9 =	ssub.s32 $0x2, s5;
	[dreg:$0x6] =	wrdreg s19  }
0xc: {  	s5 =	smul.u32 $0x75300, s5;
	s18 =	simm.s32 $0x5000;
	s19 =	simm.s32 $0x7710  }
0xd: {  	s6 =	smul.u32 $0x500, s6;
	s10 =	sshrl.u32 s7, $0x3;
	s11 =	sshrl.u32 s9, $0x1  }
0xe: {  	s26 =	sshrl.u32 s23, $0x2;
	s23 =	simm.s32 $0x80;
	s10 =	sadd.s32 s10, s1  }
0xf: {  	s9 =	ssub.s32 s9, s11;
	s11 =	simm.s32 $0x41;
	s22 =	sadd.s32 s7, s5  }
0x10: {  	s5 =	sshrl.u32 s5, $0x3;
	s15 =	sadd.s32 s26, s3;
	s0 =	sadd.s32 s0, s6  }
0x11: {  	s8 =	sadd.s32 s6, s1;
	s21 =	sadd.s32 $0x19C00, s10;
	[dreg:$0x7] =	wrdreg s0  }
0x12: {  	s6 =	sadd.s32 $0x6F180, s2;
	s1 =	sadd.s32 $0x27A30, s1;
	[dreg:$0x9] =	wrdreg s21  }
0x13: {  	s11 =	simm.s32 @!p0 $0x4F;
	s25 =	smax.u32 s9, $0x1;
	[dreg:$0xa] =	wrdreg s1  }
0x14: {  	s5 =	sadd.s32 s12, s5;
	s20 =	sadd.s32 $0xFC00, s8;
	[dreg:$0xd] =	wrdreg s25  }
0x15: {  	s0 =	sadd.s32 s7, s2;
	s24 =	sadd.s32 $0xDE30, s5;
	[dreg:$0x8] =	wrdreg s20  }
0x16: {  	s1 =	sshrl.u32 s22, $0x3;
	s4 =	sshrl.u32 @p0 s6, $0x3;
	[dreg:$0xc] =	wrdreg s24  }
.Ltmp0:
0x17: {  	s1 =	sadd.s32 s12, s1;
	[dreg:$0xe] =	wrdreg s4;
	(pc) =	sbr.rel .LBB2_1-.Ltmp0, $4  }
0x18: {  	s5 =	sadd.s32 $0x6F180, s3;
	s0 =	sshrl.u32 @!p0 s0, $0x3;
	[dreg:$0xb] =	wrdreg s1  }
0x19: {  	s1 =	sadd.s32 s7, s3;
	[dreg:$0xf] =	wrdreg s0;
	s0 =	sshrl.u32 @p0 s5, $0x3  }
0x1a: {  	v1 =	vimm.s32 $0x0;
	vm0 =	vcmask $0x300;
	s22 =	simm.s32 $0xCF20;
	[dreg:$0x10] =	wrdreg s0;
	s0 =	sshrl.u32 @!p0 s1, $0x3  }
0x1b: {  	v0 =	vimm.f32 $0.0e+00;
	v1 =	vsel vm0, $0x3, v1;
	s5 =	simm.s32 $0x0;
	s1 =	simm.s32 $0xCEA0;
	[dreg:$0x11] =	wrdreg s0  }
.LBB2_20:
0x1c: {  	s0 =	simm.s32 $0x3  }
0x1d: {  	_ =	swait.ge [sflag:s0], $0x1800  }
0x1e: {  	[sflag:s0] =	ssyncset.done $0x0  }
0x1f: {  	s25 =	simm.s32 $0x4;
	[sflag:s0] =	ssyncadd.s32 $0xFFFFE800  }
0x20: {  	_ =	swait.ge [sflag:s25], $0x1800  }
0x21: {  	[sflag:s25] =	ssyncset.done $0x0  }
0x22: {  	[sflag:s25] =	ssyncadd.s32 $0xFFFFE800  }
0x23: {  	[bflag:$0x0] =	sbarrier.arrive $0xFFFF  }
0x24: {  	s4 =	rddreg [dreg:$0xc]  }
0x25: {  	s0 =	simm.s32 @p0 $0x1FC5;
	s7 =	rddreg [dreg:$0x10]  }
0x26: {  	[hbm:s4], [sflag:s0] =	dma.local @p0 [spmem:s7], $0xC30  }
0x27: {  	s0 =	simm.s32 @p0 $0x5  }
0x28: {  	_ =	swait.ge @p0 [sflag:s0], $0xC30  }
0x29: {  	[sflag:s0] =	ssyncset.done @p0 $0x0;
	s4 =	rddreg [dreg:$0x11]  }
0x2a: {  	[sflag:s0] =	ssyncadd.s32 @p0 $0xFFFFF3D0;
	s0 =	rddreg [dreg:$0xb]  }
0x2b: {  	[hbm:s0], [sflag:s6] =	dma.local @!p0 [spmem:s4], $0xED0  }
0x2c: {  	s0 =	simm.s32 @!p0 $0x5  }
0x2d: {  	_ =	swait.ge @!p0 [sflag:s0], $0xED0  }
0x2e: {  	s5 =	sadd.s32 $0x1, s5;
	s26 =	rddreg [dreg:$0xd]  }
0x2f: {  	p1 =	sne.s32 s5, s26  }
.Ltmp1:
0x30: {  	_ = 	snop;
	(pc) =	sbr.rel @!p1 .LBB2_21-.Ltmp1, $3  }
0x31: {  	_ =	sdelay $0x1  }
0x32: {  	[sflag:s0] =	ssyncset.done @!p0 $0x0  }
0x33: {  	[sflag:s0] =	ssyncadd.s32 @!p0 $0xFFFFF130  }
.LBB2_1:
0x34: {  	s0 =	simm.s32 $0x0;
	s4 =	rddreg [dreg:$0x7]  }
0x35: {  	[tilespmem:s0], [sflag:$0x5] =	stream.linear.gather [hbm4b:s4+s0], $0x2800, $0x38;
	[tilespmem:$0x1EB00] =	vst v63  }
0x36: {  	_ =	swait.ge [sflag:s16], $0x2800  }
0x37: {  	[sflag:s16] =	ssyncset.done $0x0  }
0x38: {  	s6 =	simm.s32 $0x2800;
	s24 =	rddreg [dreg:$0x8];
	[sflag:s16] =	ssyncadd.s32 $0xFFFFD800  }
0x39: {  	[tilespmem:s6], [sflag:$0x5] =	stream.linear.gather [hbm4b:s24+s0], $0x2800, $0x38;
	[tilespmem:$0x1EB00] =	vst v63  }
0x3a: {  	_ =	swait.ge [sflag:s16], $0x2800  }
0x3b: {  	[sflag:s16] =	ssyncset.done $0x0  }
0x3c: {  	s25 =	rddreg [dreg:$0x5];
	[sflag:s16] =	ssyncadd.s32 $0xFFFFD800  }
0x3d: {  	[tilespmem:s18], [sflag:$0x5] =	stream.linear.gather [hbm4b:s25+s0], $0x2710, $0x38;
	[tilespmem:$0x1EB00] =	vst v63  }
0x3e: {  	_ =	swait.ge [sflag:s16], $0x2710  }
0x3f: {  	[sflag:s16] =	ssyncset.done $0x0  }
0x40: {  	s26 =	rddreg [dreg:$0x6];
	[sflag:s16] =	ssyncadd.s32 $0xFFFFD8F0  }
0x41: {  	[tilespmem:s19], [sflag:$0x5] =	stream.linear.gather [hbm4b:s26+s0], $0x2710, $0x38;
	[tilespmem:$0x1EB00] =	vst v63  }
0x42: {  	_ =	swait.ge [sflag:s16], $0x2710  }
0x43: {  	[sflag:s16] =	ssyncset.done $0x0;
	s4 =	rddreg [dreg:$0xa]  }
0x44: {  	s0 =	simm.s32 @p0 $0x1FC5;
	s6 =	rddreg [dreg:$0xe];
	[sflag:s16] =	ssyncadd.s32 $0xFFFFD8F0  }
0x45: {  	[spmem:s6], [sflag:s0] =	dma.local @p0 [hbm:s4], $0xC30  }
0x46: {  	s0 =	simm.s32 @p0 $0x5  }
0x47: {  	s4 =	stileid.u32;
	_ =	swait.ge @p0 [sflag:s0], $0xC30  }
0x48: {  	s6 =	sshll.u32 @!p0 s4, $0x6;
	[sflag:s0] =	ssyncset.done @p0 $0x0;
	s4 =	rddreg [dreg:$0xf]  }
0x49: {  	s6 =	sor.u32 @!p0 $0x1C05, s6;
	[sflag:s0] =	ssyncadd.s32 @p0 $0xFFFFF3D0;
	s0 =	rddreg [dreg:$0x9]  }
0x4a: {  	[spmem:s4], [sflag:s6] =	dma.local @!p0 [hbm:s0], $0xED0  }
0x4b: {  	s0 =	simm.s32 @!p0 $0x5  }
0x4c: {  	_ =	swait.ge @!p0 [sflag:s0], $0xED0  }
0x4d: {  	[sflag:s0] =	ssyncset.done @!p0 $0x0  }
0x4e: {  	[sflag:s0] =	ssyncadd.s32 @!p0 $0xFFFFF130  }
0x4f: {  	[tilespmem:$0xCF20] =	vst v0  }
0x50: {  	[tilespmem:$0xCF30] =	vst v0  }
0x51: {  	[tilespmem:$0xCF40] =	vst v0  }
0x52: {  	[tilespmem:$0xCF50] =	vst v0  }
0x53: {  	[tilespmem:$0xCF60] =	vst v0  }
0x54: {  	[tilespmem:$0xCF70] =	vst v0  }
0x55: {  	[tilespmem:$0xCF80] =	vst v0  }
0x56: {  	[tilespmem:$0xCF90] =	vst v0  }
0x57: {  	[tilespmem:$0xCFA0] =	vst v0  }
0x58: {  	[tilespmem:$0xCFB0] =	vst v0  }
0x59: {  	[tilespmem:$0xCFC0] =	vst v0  }
0x5a: {  	[tilespmem:$0xCFD0] =	vst v0  }
0x5b: {  	[tilespmem:$0xCFE0] =	vst v0  }
0x5c: {  	[tilespmem:$0xCFF0] =	vst v0  }
0x5d: {  	[tilespmem:$0xD000] =	vst v0  }
0x5e: {  	[tilespmem:$0xD010] =	vst v0  }
0x5f: {  	[tilespmem:$0xD020] =	vst v0  }
0x60: {  	[tilespmem:$0xD030] =	vst v0  }
0x61: {  	[tilespmem:$0xD040] =	vst v0  }
0x62: {  	[tilespmem:$0xD050] =	vst v0  }
0x63: {  	[tilespmem:$0xD060] =	vst v0  }
0x64: {  	p1 =	sne.s32 s11, $0x1;
	[tilespmem:$0xD070] =	vst v0  }
.Ltmp2:
0x65: {  	[tilespmem:$0xD080] =	vst v0;
	(pc) =	sbr.rel @!p1 .LBB2_3-.Ltmp2, $4  }
0x66: {  	[tilespmem:$0xD090] =	vst v0  }
0x67: {  	[spmem:s15] =	stream.linear.scatter [tilespmem:s22], [sflag:$0x5], $0x180, $0x38;
	[tilespmem:$0x1EB00] =	vst v63  }
0x68: {  	_ =	swait.ge [sflag:s16], $0x180  }
0x69: {  	s7 =	smov.u32 s15;
	s0 =	sadd.s32 $0xFFFFFFFF, s11;
	[sflag:s16] =	ssyncset.done $0x0  }
.LBB2_2:
0x6a: {  	p1 =	sne.s32 s0, $0x1;
	[sflag:s16] =	ssyncadd.s32 $0xFFFFFE80;
	s7 =	sadd.s32 $0x180, s7  }
.Ltmp3:
0x6b: {  	s0 =	sadd.s32 $0xFFFFFFFF, s0;
	(pc) =	sbr.rel @p1 .LBB2_2-.Ltmp3, $4  }
0x6c: {  	_ = 	snop  }
0x6d: {  	[spmem:s7] =	stream.linear.scatter [tilespmem:s22], [sflag:$0x5], $0x180, $0x38;
	[tilespmem:$0x1EB00] =	vst v63  }
0x6e: {  	_ =	swait.ge [sflag:s16], $0x180  }
0x6f: {  	[sflag:s16] =	ssyncset.done $0x0  }
.LBB2_3:
0x70: {  	[sflag:s16] =	ssyncadd.s32 $0xFFFFFE80;
	s7 =	simm.s32 $0x0  }
0x71: {  	s0 =	simm.s32 $0x9E20;
	s8 =	simm.s32 $0x2810;
	[bflag:$0x0] =	sbarrier.arrive $0xFFFF  }
0x72: {  	[tilespmem:s0], [sflag:$0x1] =	stream.indirect.gather [spmem:s2], $0x30, s7, s23, $0xb8;
	[tilespmem:$0x1EB00] =	vst v63  }
0x73: {  	s9 =	simm.s32 $0x10;
	s10 =	simm.s32 $0x2890;
	s12 =	simm.s32 $0x90  }
0x74: {  	[tilespmem:s28], [sflag:$0x2] =	stream.indirect.gather [spmem:s2], $0x30, s23, s23, $0xb8;
	[tilespmem:$0x1EB00] =	vst v63  }
.LBB2_4:
0x75: {  	_ =	swait.ge [sflag:s29], $0x1800  }
0x76: {  	p1 =	seq.s32 s7, $0x0;
	[sflag:s29] =	ssyncset.done $0x0  }
0x77: {  	s0 =	simm.s32 @!p1 $0x3;
	[sflag:s29] =	ssyncadd.s32 $0xFFFFE800  }
0x78: {  	_ =	swait.ge @!p1 [sflag:s0], $0x1800  }
0x79: {  	[sflag:s0] =	ssyncset.done @!p1 $0x0  }
0x7a: {  	[sflag:s0] =	ssyncadd.s32 @!p1 $0xFFFFE800  }
0x7b: {  	v2 =	vld [tilespmem:s9+$0x0]  }
0x7c: {  	v3 =	vld [tilespmem:s8+$0x0];
	_ =	sdelay $0x5  }
0x7d: {  	v4 =	vld [tilespmem:s8+$0xFFFFFFF0]  }
0x7e: {  	v2 =	vld.idx.msk [tilespmem:v2+s18+$0x0], $0xffff  }
0x7f: {  	v3 =	vld.idx.msk [tilespmem:v3+s19+$0x0], $0xffff  }
0x80: {  	v5 =	vld [tilespmem:s9+$0xFFFFFFF0];
	_ =	sdelay $0x1  }
0x81: {  	s26 =	sadd.s32 $0x20, s9  }
0x82: {  	v6 =	vld [tilespmem:s26+$0x0]  }
0x83: {  	s13 =	sadd.s32 $0x20, s8;
	v2 =	vadd.f32 v3, v2  }
0x84: {  	v7 =	vld [tilespmem:s13+$0x0]  }
0x85: {  	v3 =	vld.idx.msk [tilespmem:v4+s19+$0x0], $0xffff;
	v8 =	vmul.f32 $2.000000030e-01, v2  }
0x86: {  	v4 =	vld [tilespmem:s13+$0xFFFFFFF0];
	vm0 =	vgt.f32 v2, $0.0e+00  }
0x87: {  	v5 =	vld.idx.msk [tilespmem:v5+s18+$0x0], $0xffff;
	v2 =	vsel vm0, v2, v8  }
0x88: {  	v2 =	vmul.f32 $1.442695020e+00, v2  }
0x89: {  	v9 =	vld [tilespmem:s26+$0xFFFFFFF0]  }
0x8a: {  	s21 =	sadd.s32 $0x20, s26;
	v6 =	vld.idx.msk [tilespmem:v6+s18+$0x0], $0xffff;
	(erf) = vpow2.f32 v2  }
0x8b: {  	v8 =	vld [tilespmem:s21+$0x0]  }
0x8c: {  	s20 =	sadd.s32 $0x20, s13;
	v7 =	vld.idx.msk [tilespmem:v7+s19+$0x0], $0xffff;
	v5 =	vadd.f32 v3, v5  }
0x8d: {  	v2 =	vld [tilespmem:s20+$0x0]  }
0x8e: {  	v11 =	vld.idx.msk [tilespmem:v4+s19+$0x0], $0xffff;
	v4 =	vmul.f32 $2.000000030e-01, v5  }
0x8f: {  	v10 =	vld [tilespmem:s20+$0xFFFFFFF0];
	vm14 =	vgt.f32 v5, $0.0e+00  }
0x90: {  	v4 =	vsel vm14, v5, v4  }
0x91: {  	v6 =	vadd.f32 v7, v6;
	v7 =	vmul.f32 $1.442695020e+00, v4  }
0x92: {  	v9 =	vld.idx.msk [tilespmem:v9+s18+$0x0], $0xffff  }
0x93: {  	v5 =	vmul.f32 $2.000000030e-01, v6;
	v4 =	vld.idx.msk [tilespmem:v8+s18+$0x0], $0xffff;
	v8 =	vpop (erf);
	(erf) = vpow2.f32 v7  }
0x94: {  	vm15 =	vgt.f32 v6, $0.0e+00;
	v3 =	vld [tilespmem:s21+$0xFFFFFFF0]  }
0x95: {  	v6 =	vsel vm15, v6, v5  }
0x96: {  	s13 =	simm.s32 $0xCE30;
	v6 =	vmul.f32 $1.442695020e+00, v6;
	v5 =	vld.idx.msk [tilespmem:v2+s19+$0x0], $0xffff  }
0x97: {  	s14 =	sshll.u32 s7, $0x1;
	s0 =	simm.s32 $0x4;
	s21 =	sadd.s32 $0x20, s21;
	v2 =	vld.idx.msk [tilespmem:v10+s19+$0x0], $0xffff;
	v7 =	vadd.f32 v11, v9;
	[tilespmem:s13+$0x0] =	vst v8  }
.LBB2_5:
0x98: {  	v8 =	vld [tilespmem:s21+$0x0];
	s20 =	sadd.s32 $0x20, s20;
	(erf) = vpow2.f32 v6  }
0x99: {  	s0 =	sadd.s32 $0x2, s0;
	v6 =	vld [tilespmem:s20+$0x0];
	vm0 =	vgt.f32 v7, $0.0e+00;
	v9 =	vmul.f32 $2.000000030e-01, v7  }
0x9a: {  	p2 =	slt.u32 s0, $0x6;
	v10 =	vld [tilespmem:s20+$0xFFFFFFF0]  }
0x9b: {  	v11 =	vld [tilespmem:s21+$0xFFFFFFF0];
	v7 =	vsel vm0, v7, v9  }
0x9c: {  	v9 =	vld.idx.msk [tilespmem:v3+s18+$0x0], $0xffff;
	v3 =	vadd.f32 v5, v4;
	v4 =	vmul.f32 $1.442695020e+00, v7;
	v5 =	vpop (erf)  }
0x9d: {  	[tilespmem:s13+$0xFFFFFFF0] =	vst v5  }
.Ltmp4:
0x9e: {  	v5 =	vmul.f32 $2.000000030e-01, v3;
	(erf) = vpow2.f32 v4;
	(pc) =	sbr.rel @p2 .LBB2_5-.Ltmp4, $4  }
0x9f: {  	vm0 =	vgt.f32 v3, $0.0e+00  }
0xa0: {  	v4 =	vld.idx.msk [tilespmem:v8+s18+$0x0], $0xffff;
	v7 =	vsel vm0, v3, v5;
	v3 =	vmov v11  }
0xa1: {  	s13 =	sadd.s32 $0x20, s13;
	v5 =	vld.idx.msk [tilespmem:v6+s19+$0x0], $0xffff;
	v6 =	vmul.f32 $1.442695020e+00, v7;
	v8 =	vpop (erf)  }
0xa2: {  	s21 =	sadd.s32 $0x20, s21;
	v7 =	vadd.f32 v2, v9;
	v2 =	vld.idx.msk [tilespmem:v10+s19+$0x0], $0xffff;
	[tilespmem:s13+$0x0] =	vst v8  }
0xa3: {  	_ =	sdelay $0x3  }
0xa4: {  	v3 =	vld.idx.msk [tilespmem:v3+s18+$0x0], $0xffff;
	_ =	sdelay $0x3  }
0xa5: {  	v4 =	vadd.f32 v5, v4  }
0xa6: {  	v54 =	vmul.f32 $2.000000030e-01, v7;
	v2 =	vadd.f32 v2, v3  }
0xa7: {  	vm0 =	vgt.f32 v7, $0.0e+00;
	v3 =	vmul.f32 $2.000000030e-01, v4  }
0xa8: {  	v5 =	vsel vm0, v7, v54;
	vm14 =	vgt.f32 v4, $0.0e+00;
	v55 =	vmul.f32 $2.000000030e-01, v2  }
0xa9: {  	v5 =	vmul.f32 $1.442695020e+00, v5;
	v3 =	vsel vm14, v4, v3;
	vm15 =	vgt.f32 v2, $0.0e+00  }
0xaa: {  	(erf) = vpow2.f32 v6;
	v3 =	vmul.f32 $1.442695020e+00, v3;
	v2 =	vsel vm15, v2, v55  }
0xab: {  	(erf) = vpow2.f32 v5;
	v2 =	vmul.f32 $1.442695020e+00, v2  }
0xac: {  	(erf) = vpow2.f32 v3  }
0xad: {  	s0 =	simm.s32 $0x0;
	s20 =	simm.s32 $0x2;
	s4 =	simm.s32 $0x3;
	(erf) = vpow2.f32 v2  }
0xae: {  	s21 =	simm.s32 $0x4;
	s24 =	simm.s32 $0x5;
	v56 =	vmov s20;
	v57 =	vmov s4;
	v2 =	vmov s0  }
0xaf: {  	s25 =	simm.s32 $0x6;
	v58 =	vmov s21;
	v59 =	vmov s24;
	v2 =	vshrl.u32 v2, $0x3  }
0xb0: {  	v8 =	vmov s25;
	v6 =	vshrl.u32 v58, $0x3;
	v2 =	vshll.u32 v2, v1  }
0xb1: {  	v8 =	vshrl.u32 v8, $0x3;
	v7 =	vshrl.u32 v59, $0x3;
	v60 =	vshll.u32 v6, v1  }
0xb2: {  	s26 =	simm.s32 $0x1;
	p3 =	por $0x1, $0x1;
	v8 =	vshll.u32 v8, v1;
	v9 =	vpop (erf);
	v61 =	vshll.u32 v7, v1;
	v17 =	vadd.s32 $0x4, v60  }
.Ltmp5:
0xb3: {  	v19 =	vadd.s32 $0x6, v8;
	[tilespmem:s13+$0xFFFFFFF0] =	vst v9;
	v3 =	vmov s26;
	s26 =	sadd.s32 $0x20, s13;
	v10 =	vbroadcast v2, $0x0;
	v2 =	vpop (erf);
	(pc) =	sbr.rel @!p3 .LBB2_7-.Ltmp5, $4  }
0xb4: {  	v18 =	vadd.s32 $0x5, v61;
	v4 =	vshrl.u32 v56, $0x3;
	v3 =	vshrl.u32 v3, $0x3;
	v9 =	vpop (erf);
	[tilespmem:s26+$0x0] =	vst v2  }
0xb5: {  	v5 =	vshrl.u32 v57, $0x3;
	v4 =	vshll.u32 v4, v1;
	v3 =	vshll.u32 v3, v1;
	s0 =	sadd.s32 $0x20, s26;
	[tilespmem:s26+$0xFFFFFFF0] =	vst v9;
	v62 =	vpop (erf)  }
0xb6: {  	p2 =	por $0x0, $0x0;
	s20 =	simm.s32 $0xCFE0;
	v4 =	vadd.s32 $0x2, v4;
	v3 =	vadd.s32 $0x1, v3;
	v2 =	vshll.u32 v5, v1;
	[tilespmem:s0+$0x0] =	vst v62;
	v63 =	vpop (erf)  }
0xb7: {  	s13 =	simm.s32 $0x9EE0;
	v12 =	vbroadcast v4, $0x0;
	v11 =	vbroadcast v3, $0x0;
	v21 =	vadd.s32 $0x3, v2;
	s26 =	simm.s32 $0x7;
	[tilespmem:s0+$0xFFFFFFF0] =	vst v63;
	s0 =	simm.s32 $0x8  }
0xb8: {  	_ =	sdelay $0x2  }
0xb9: {  	v2 =	vbroadcast v21, $0x0;
	v3 =	vmov s26  }
0xba: {  	v9 =	vbroadcast v18, $0x0;
	v7 =	vld.idx.msk [tilespmem:v10+s30+$0x0], $0xffff;
	v3 =	vshrl.u32 v3, $0x3  }
0xbb: {  	v10 =	vbroadcast v19, $0x0;
	v14 =	vld [tilespmem:s13+$0xFFFFFFD0];
	v3 =	vshll.u32 v3, v1  }
0xbc: {  	v8 =	vld.idx.msk [tilespmem:v11+s30+$0x0], $0xffff;
	v3 =	vadd.s32 $0x7, v3  }
0xbd: {  	v6 =	vld.idx.msk [tilespmem:v12+s30+$0x0], $0xffff;
	v11 =	vbroadcast v3, $0x0  }
0xbe: {  	v12 =	vld [tilespmem:s13+$0xFFFFFF70]  }
0xbf: {  	v4 =	vld.idx.msk [tilespmem:v2+s30+$0x0], $0xffff  }
0xc0: {  	v3 =	vld.idx.msk [tilespmem:v9+s30+$0x0], $0xffff  }
0xc1: {  	v2 =	vld.idx.msk [tilespmem:v10+s30+$0x0], $0xffff  }
0xc2: {  	v5 =	vbroadcast v17, $0x0;
	v10 =	vld [tilespmem:s13+$0x90]  }
0xc3: {  	v9 =	vld.idx.msk [tilespmem:v11+s30+$0x0], $0xffff  }
0xc4: {  	v11 =	vld [tilespmem:s13+$0xFFFFFF40]  }
0xc5: {  	v13 =	vld [tilespmem:s13+$0xFFFFFFA0]  }
0xc6: {  	v15 =	vmov s0;
	v16 =	vld [tilespmem:s13+$0x0];
	v12 =	vmul.f32 v12, v8  }
0xc7: {  	s4 =	simm.s32 $0x9;
	v17 =	vld [tilespmem:s13+$0x30];
	v15 =	vshrl.u32 v15, $0x3  }
0xc8: {  	v18 =	vmov s4;
	v5 =	vld.idx.msk [tilespmem:v5+s30+$0x0], $0xffff;
	[tilespmem:s20+$0xFFFFFF70] =	vst v12;
	v12 =	vmul.f32 v14, v4;
	v10 =	vmul.f32 v10, v9  }
0xc9: {  	s21 =	simm.s32 $0xA;
	v14 =	vshll.u32 v15, v1;
	v15 =	vshrl.u32 v18, $0x3;
	v18 =	vld [tilespmem:s13+$0xFFFFFF80];
	v11 =	vmul.f32 v11, v7  }
0xca: {  	s24 =	simm.s32 $0xC;
	v20 =	vld [tilespmem:s13+$0x60];
	s25 =	simm.s32 $0xD;
	v19 =	vmov s21;
	[tilespmem:s20+$0x90] =	vst v10  }
0xcb: {  	s26 =	simm.s32 $0xE;
	v21 =	vmov s24;
	v22 =	vmov s25;
	[tilespmem:s20+$0xFFFFFF40] =	vst v11;
	v11 =	vmul.f32 v13, v6;
	v13 =	vld [tilespmem:s13+$0xA0]  }
0xcc: {  	s21 =	simm.s32 $0xB;
	v23 =	vmov s26;
	[tilespmem:s20+$0xFFFFFFD0] =	vst v12;
	v12 =	vmul.f32 v17, v3;
	v17 =	vshrl.u32 v21, $0x3;
	v24 =	vld [tilespmem:s13+$0xFFFFFF50]  }
0xcd: {  	v21 =	vshrl.u32 v22, $0x3;
	v22 =	vld [tilespmem:s13+$0xFFFFFFE0];
	v10 =	vmov s21;
	[tilespmem:s20+$0xFFFFFFA0] =	vst v11;
	v11 =	vmul.f32 v16, v5  }
0xce: {  	[tilespmem:s20+$0x30] =	vst v12;
	v18 =	vmul.f32 v18, v8;
	v16 =	vshrl.u32 v19, $0x3;
	v19 =	vshrl.u32 v10, $0x3;
	v25 =	vld [tilespmem:s13+$0xFFFFFFB0]  }
0xcf: {  	v10 =	vbroadcast v14, $0x0;
	v14 =	vshrl.u32 v23, $0x3;
	v23 =	vld [tilespmem:s13+$0x40];
	[tilespmem:s20+$0x0] =	vst v11;
	v11 =	vmul.f32 v20, v2  }
0xd0: {  	[tilespmem:s20+$0xFFFFFF80] =	vst v18;
	v20 =	vld [tilespmem:s13+$0x10];
	v12 =	vmul.f32 v13, v9  }
0xd1: {  	v15 =	vshll.u32 v15, v1;
	v13 =	vmul.f32 v24, v7;
	[tilespmem:s20+$0x60] =	vst v11  }
0xd2: {  	p3 =	por $0x1, $0x1;
	v26 =	vadd.s32 $0x1, v15;
	v17 =	vshll.u32 v17, v1;
	v22 =	vmul.f32 v22, v4;
	v62 =	vld [tilespmem:s13+$0x70];
	[tilespmem:s20+$0xA0] =	vst v12  }
.Ltmp6:
0xd3: {  	v17 =	vadd.s32 $0x4, v17;
	v16 =	vshll.u32 v16, v1;
	[tilespmem:s20+$0xFFFFFF50] =	vst v13;
	v25 =	vmul.f32 v25, v6;
	v13 =	vld [tilespmem:s13+$0xB0];
	(pc) =	sbr.rel @!p3 .LBB2_9-.Ltmp6, $4  }
0xd4: {  	v27 =	vadd.s32 $0x2, v16;
	[tilespmem:s20+$0xFFFFFFE0] =	vst v22;
	v11 =	vshll.u32 v19, v1;
	v19 =	vshll.u32 v14, v1;
	v14 =	vld [tilespmem:s13+$0xFFFFFF60]  }
0xd5: {  	v15 =	vld [tilespmem:s13+$0xFFFFFF90];
	v22 =	vmul.f32 v23, v3;
	v19 =	vadd.s32 $0x6, v19;
	[tilespmem:s20+$0xFFFFFFB0] =	vst v25;
	v63 =	vmul.f32 v20, v5  }
0xd6: {  	p2 =	por $0x1, $0x1;
	s26 =	simm.s32 $0xF;
	v12 =	vshll.u32 v21, v1;
	v21 =	vadd.s32 $0x3, v11;
	v11 =	vbroadcast v26, $0x0;
	v16 =	vld [tilespmem:s13+$0xFFFFFFC0]  }
0xd7: {  	s25 =	simm.s32 $0x10;
	s24 =	simm.s32 $0x9EE0;
	s21 =	simm.s32 $0xCFE0;
	v18 =	vadd.s32 $0x5, v12;
	v12 =	vbroadcast v27, $0x0;
	v20 =	vld [tilespmem:s13+$0xFFFFFFF0];
	[tilespmem:s20+$0x10] =	vst v63;
	v23 =	vmul.f32 v62, v2  }
.LBB2_10:
0xd8: {  	p3 =	slt.u32 s25, $0x78;
	v21 =	vbroadcast v21, $0x0;
	v24 =	vmov s26;
	v25 =	vld [tilespmem:s24+$0x20];
	[tilespmem:s21+$0x40] =	vst v22;
	v9 =	vmul.f32 v13, v9  }
0xd9: {  	v13 =	vbroadcast v17, $0x0;
	v17 =	vshrl.u32 v24, $0x3;
	v14 =	vmul.f32 v14, v7;
	v22 =	vld [tilespmem:s24+$0x50];
	[tilespmem:s21+$0x70] =	vst v23  }
0xda: {  	v18 =	vbroadcast v18, $0x0;
	v17 =	vshll.u32 v17, v1;
	v15 =	vmul.f32 v15, v8;
	v23 =	vld [tilespmem:s24+$0x80];
	[tilespmem:s21+$0xB0] =	vst v9  }
0xdb: {  	v9 =	vbroadcast v19, $0x0;
	v7 =	vld.idx.msk [tilespmem:v10+s30+$0x0], $0xffff;
	v10 =	vadd.s32 $0x7, v17;
	[tilespmem:s21+$0xFFFFFF60] =	vst v14;
	v14 =	vmul.f32 v16, v6  }
0xdc: {  	v8 =	vld.idx.msk [tilespmem:v11+s30+$0x0], $0xffff;
	v10 =	vbroadcast v10, $0x0;
	[tilespmem:s21+$0xFFFFFF90] =	vst v15;
	v11 =	vmul.f32 v20, v4  }
0xdd: {  	v6 =	vld.idx.msk [tilespmem:v12+s30+$0x0], $0xffff;
	[tilespmem:s21+$0xFFFFFFC0] =	vst v14;
	v12 =	vmul.f32 v25, v5  }
0xde: {  	v4 =	vld.idx.msk [tilespmem:v21+s30+$0x0], $0xffff;
	[tilespmem:s21+$0xFFFFFFF0] =	vst v11;
	v11 =	vmul.f32 v22, v3  }
0xdf: {  	v5 =	vld.idx.msk [tilespmem:v13+s30+$0x0], $0xffff;
	[tilespmem:s21+$0x20] =	vst v12;
	v12 =	vmul.f32 v23, v2  }
0xe0: {  	v3 =	vld.idx.msk [tilespmem:v18+s30+$0x0], $0xffff;
	[tilespmem:s21+$0x50] =	vst v11  }
0xe1: {  	v2 =	vld.idx.msk [tilespmem:v9+s30+$0x0], $0xffff;
	[tilespmem:s21+$0x80] =	vst v12  }
0xe2: {  	s24 =	sadd.s32 $0x180, s24;
	v9 =	vld.idx.msk [tilespmem:v10+s30+$0x0], $0xffff  }
0xe3: {  	v10 =	vld [tilespmem:s24+$0x90]  }
0xe4: {  	v11 =	vld [tilespmem:s24+$0xFFFFFF40]  }
0xe5: {  	v12 =	vld [tilespmem:s24+$0xFFFFFF70]  }
0xe6: {  	v13 =	vld [tilespmem:s24+$0xFFFFFFA0]  }
0xe7: {  	v14 =	vld [tilespmem:s24+$0xFFFFFFD0]  }
0xe8: {  	v15 =	vmov s25;
	v16 =	vld [tilespmem:s24+$0x0];
	v10 =	vmul.f32 v10, v9  }
0xe9: {  	s0 =	sadd.s32 $0x1, s25;
	s26 =	sadd.s32 $0x2, s25;
	v15 =	vshrl.u32 v15, $0x3;
	s21 =	sadd.s32 $0x180, s21;
	v11 =	vmul.f32 v11, v7;
	v17 =	vld [tilespmem:s24+$0x30]  }
0xea: {  	v19 =	vmov s26;
	s26 =	sadd.s32 $0x4, s25;
	v18 =	vmov s0;
	s0 =	sadd.s32 $0x3, s25;
	v12 =	vmul.f32 v12, v8;
	v20 =	vld [tilespmem:s24+$0x60];
	[tilespmem:s21+$0x90] =	vst v10  }
0xeb: {  	v21 =	vmov s26;
	s26 =	sadd.s32 $0x6, s25;
	v10 =	vmov s0;
	s0 =	sadd.s32 $0x5, s25;
	[tilespmem:s21+$0xFFFFFF40] =	vst v11;
	v11 =	vmul.f32 v13, v6;
	v13 =	vld [tilespmem:s24+$0xA0]  }
0xec: {  	v23 =	vmov s26;
	v22 =	vmov s0;
	v24 =	vld [tilespmem:s24+$0xFFFFFF50];
	[tilespmem:s21+$0xFFFFFF70] =	vst v12;
	v12 =	vmul.f32 v14, v4  }
0xed: {  	v14 =	vshll.u32 v15, v1;
	v15 =	vshrl.u32 v18, $0x3;
	v18 =	vld [tilespmem:s24+$0xFFFFFF80];
	[tilespmem:s21+$0xFFFFFFA0] =	vst v11;
	v11 =	vmul.f32 v16, v5  }
0xee: {  	v16 =	vshrl.u32 v19, $0x3;
	v19 =	vshrl.u32 v10, $0x3;
	v25 =	vld [tilespmem:s24+$0xFFFFFFB0];
	[tilespmem:s21+$0xFFFFFFD0] =	vst v12;
	v12 =	vmul.f32 v17, v3  }
0xef: {  	v17 =	vshrl.u32 v21, $0x3;
	v21 =	vshrl.u32 v22, $0x3;
	v22 =	vld [tilespmem:s24+$0xFFFFFFE0];
	[tilespmem:s21+$0x0] =	vst v11;
	v11 =	vmul.f32 v20, v2  }
0xf0: {  	v10 =	vbroadcast v14, $0x0;
	v14 =	vshrl.u32 v23, $0x3;
	v20 =	vld [tilespmem:s24+$0x10];
	[tilespmem:s21+$0x30] =	vst v12;
	v12 =	vmul.f32 v13, v9  }
0xf1: {  	v15 =	vshll.u32 v15, v1;
	v16 =	vshll.u32 v16, v1;
	v13 =	vmul.f32 v24, v7;
	v23 =	vld [tilespmem:s24+$0x40];
	[tilespmem:s21+$0x60] =	vst v11  }
0xf2: {  	v17 =	vshll.u32 v17, v1;
	v11 =	vshll.u32 v19, v1;
	v18 =	vmul.f32 v18, v8;
	v24 =	vld [tilespmem:s24+$0x70];
	[tilespmem:s21+$0xA0] =	vst v12  }
.Ltmp7:
0xf3: {  	v19 =	vshll.u32 v14, v1;
	v12 =	vshll.u32 v21, v1;
	[tilespmem:s21+$0xFFFFFF50] =	vst v13;
	v25 =	vmul.f32 v25, v6;
	v13 =	vld [tilespmem:s24+$0xB0];
	(pc) =	sbr.rel @p3 .LBB2_10-.Ltmp7, $4  }
0xf4: {  	v26 =	vadd.s32 $0x1, v15;
	v27 =	vadd.s32 $0x2, v16;
	v14 =	vld [tilespmem:s24+$0xFFFFFF60];
	[tilespmem:s21+$0xFFFFFF80] =	vst v18;
	v22 =	vmul.f32 v22, v4  }
0xf5: {  	v17 =	vadd.s32 $0x4, v17;
	v21 =	vadd.s32 $0x3, v11;
	v15 =	vld [tilespmem:s24+$0xFFFFFF90];
	[tilespmem:s21+$0xFFFFFFB0] =	vst v25;
	v25 =	vmul.f32 v20, v5  }
0xf6: {  	v11 =	vbroadcast v26, $0x0;
	v18 =	vadd.s32 $0x5, v12;
	v16 =	vld [tilespmem:s24+$0xFFFFFFC0];
	[tilespmem:s21+$0xFFFFFFE0] =	vst v22;
	v22 =	vmul.f32 v23, v3  }
0xf7: {  	s26 =	sadd.s32 $0x7, s25;
	s25 =	sadd.s32 $0x8, s25;
	v19 =	vadd.s32 $0x6, v19;
	v12 =	vbroadcast v27, $0x0;
	v20 =	vld [tilespmem:s24+$0xFFFFFFF0];
	[tilespmem:s21+$0x10] =	vst v25;
	v23 =	vmul.f32 v24, v2  }
.LBB2_11:
0xf8: {  	_ =	sdelay $0x2  }
0xf9: {  	v25 =	vld @p2 [tilespmem:s24+$0x20]  }
0xfa: {  	v10 =	vld.idx.msk [tilespmem:v10+s30+$0x0], $0xffff  }
0xfb: {  	v24 =	vmov s26;
	[tilespmem:s21+$0x40] =	vst @p2 v22;
	v11 =	vld.idx.msk [tilespmem:v11+s30+$0x0], $0xffff  }
0xfc: {  	v54 =	vshrl.u32 v24, $0x3;
	v24 =	vld @p2 [tilespmem:s24+$0x50]  }
0xfd: {  	v21 =	vbroadcast v21, $0x0;
	s0 =	sadd.s32 @p2 $0x180, s24;
	[tilespmem:s21+$0x70] =	vst @p2 v23;
	v12 =	vld.idx.msk [tilespmem:v12+s30+$0x0], $0xffff  }
0xfe: {  	v17 =	vbroadcast v17, $0x0;
	v7 =	vmul.f32 @p2 v14, v7;
	s13 =	smov.u32 @p2 s0;
	v23 =	vld @p2 [tilespmem:s24+$0x80]  }
0xff: {  	v22 =	vshll.u32 v54, v1;
	v8 =	vmul.f32 @p2 v15, v8;
	v58 =	vld [tilespmem:s13+$0x60]  }
0x100: {  	v22 =	vadd.s32 $0x7, v22;
	[tilespmem:s21+$0xFFFFFF60] =	vst @p2 v7;
	v6 =	vmul.f32 @p2 v16, v6;
	v7 =	vld [tilespmem:s13+$0x90]  }
0x101: {  	v22 =	vbroadcast v22, $0x0;
	[tilespmem:s21+$0xFFFFFF90] =	vst @p2 v8;
	v8 =	vld [tilespmem:s13+$0xFFFFFF40]  }
0x102: {  	[tilespmem:s21+$0xFFFFFFC0] =	vst @p2 v6;
	v6 =	vld [tilespmem:s13+$0xFFFFFF70]  }
0x103: {  	v18 =	vbroadcast v18, $0x0;
	v4 =	vmul.f32 @p2 v20, v4;
	v21 =	vld.idx.msk [tilespmem:v21+s30+$0x0], $0xffff  }
0x104: {  	v19 =	vbroadcast v19, $0x0;
	v5 =	vmul.f32 @p2 v25, v5;
	v17 =	vld.idx.msk [tilespmem:v17+s30+$0x0], $0xffff  }
0x105: {  	[tilespmem:s21+$0xFFFFFFF0] =	vst @p2 v4;
	v3 =	vmul.f32 @p2 v24, v3;
	v4 =	vld [tilespmem:s13+$0xFFFFFFA0]  }
0x106: {  	[tilespmem:s21+$0x20] =	vst @p2 v5;
	v2 =	vmul.f32 @p2 v23, v2;
	v5 =	vld [tilespmem:s13+$0xFFFFFFD0]  }
0x107: {  	[tilespmem:s21+$0x50] =	vst @p2 v3;
	v57 =	vld.idx.msk [tilespmem:v22+s30+$0x0], $0xffff  }
0x108: {  	s0 =	sadd.s32 @p2 $0x180, s21;
	v3 =	vld [tilespmem:s13+$0x0];
	[tilespmem:s21+$0x80] =	vst @p2 v2;
	v2 =	vmul.f32 v8, v10  }
0x109: {  	s20 =	smov.u32 @p2 s0;
	v55 =	vld.idx.msk [tilespmem:v18+s30+$0x0], $0xffff;
	v6 =	vmul.f32 v6, v11  }
0x10a: {  	v56 =	vld.idx.msk [tilespmem:v19+s30+$0x0], $0xffff;
	[tilespmem:s20+$0xFFFFFF40] =	vst v2;
	v2 =	vmul.f32 v4, v12  }
0x10b: {  	v8 =	vld [tilespmem:s13+$0x30];
	[tilespmem:s20+$0xFFFFFF70] =	vst v6;
	v5 =	vmul.f32 v5, v21  }
0x10c: {  	v6 =	vld [tilespmem:s13+$0xFFFFFF80];
	[tilespmem:s20+$0xFFFFFFA0] =	vst v2;
	v7 =	vmul.f32 v7, v57  }
0x10d: {  	v2 =	vmul.f32 v3, v17;
	v3 =	vld [tilespmem:s13+$0xFFFFFFB0];
	[tilespmem:s20+$0xFFFFFFD0] =	vst v5  }
0x10e: {  	[tilespmem:s20+$0x90] =	vst v7;
	v7 =	vld [tilespmem:s13+$0xFFFFFF50]  }
0x10f: {  	[tilespmem:s20+$0x0] =	vst v2;
	v2 =	vmul.f32 v58, v56;
	v4 =	vld [tilespmem:s13+$0xA0]  }
0x110: {  	v5 =	vmul.f32 v8, v55;
	v8 =	vld [tilespmem:s13+$0xFFFFFFE0]  }
0x111: {  	v59 =	vld [tilespmem:s13+$0x10];
	[tilespmem:s20+$0x60] =	vst v2;
	v2 =	vmul.f32 v6, v11  }
0x112: {  	[tilespmem:s20+$0x30] =	vst v5;
	v3 =	vmul.f32 v3, v12  }
0x113: {  	v6 =	vld [tilespmem:s13+$0x70];
	[tilespmem:s20+$0xFFFFFF80] =	vst v2;
	v5 =	vmul.f32 v7, v10  }
0x114: {  	[tilespmem:s20+$0xFFFFFFB0] =	vst v3;
	v7 =	vld [tilespmem:s13+$0x40];
	v4 =	vmul.f32 v4, v57  }
0x115: {  	v2 =	vmul.f32 v8, v21;
	v8 =	vld [tilespmem:s13+$0xFFFFFF90];
	[tilespmem:s20+$0xFFFFFF50] =	vst v5  }
0x116: {  	v3 =	vmul.f32 v59, v17;
	[tilespmem:s20+$0xA0] =	vst v4;
	v5 =	vld [tilespmem:s13+$0xFFFFFF60]  }
0x117: {  	v4 =	vld [tilespmem:s13+$0xB0]  }
0x118: {  	[tilespmem:s20+$0x10] =	vst v3;
	v3 =	vmul.f32 v6, v56  }
0x119: {  	v60 =	vld [tilespmem:s13+$0xFFFFFFC0];
	[tilespmem:s20+$0xFFFFFFE0] =	vst v2;
	v2 =	vmul.f32 v7, v55  }
0x11a: {  	v9 =	vmul.f32 @p2 v13, v9;
	[tilespmem:s20+$0x70] =	vst v3;
	v7 =	vld [tilespmem:s13+$0xFFFFFFF0]  }
0x11b: {  	v6 =	vld [tilespmem:s13+$0x20];
	v3 =	vmul.f32 v8, v11;
	[tilespmem:s20+$0x40] =	vst v2  }
0x11c: {  	[tilespmem:s21+$0xB0] =	vst @p2 v9;
	v2 =	vmul.f32 v4, v57;
	v4 =	vmul.f32 v5, v10;
	v5 =	vld [tilespmem:s13+$0x50]  }
0x11d: {  	v8 =	vld [tilespmem:s13+$0x80];
	[tilespmem:s20+$0xFFFFFF90] =	vst v3  }
0x11e: {  	[tilespmem:s20+$0xB0] =	vst v2;
	v2 =	vmul.f32 v60, v12  }
0x11f: {  	v3 =	vmul.f32 v7, v21;
	[tilespmem:s20+$0xFFFFFF60] =	vst v4  }
0x120: {  	[tilespmem:s20+$0xFFFFFFC0] =	vst v2;
	v2 =	vmul.f32 v6, v17  }
0x121: {  	[tilespmem:s20+$0xFFFFFFF0] =	vst v3;
	v3 =	vmul.f32 v5, v55  }
0x122: {  	s0 =	sshll.u32 s7, $0xA;
	[tilespmem:s20+$0x20] =	vst v2;
	v2 =	vmul.f32 v8, v56  }
0x123: {  	p2 =	seq.s32 s7, $0x27;
	s13 =	sshrl.u32 s0, $0x2;
	[tilespmem:s20+$0x50] =	vst v3  }
0x124: {  	s0 =	sshrl.u32 @!p2 s0, $0x2;
	s21 =	sadd.s32 $0x2800, s13;
	[tilespmem:s20+$0x80] =	vst v2  }
0x125: {  	[spmem:s3] =	stream.indirect.scatter.add.f32 [tilespmem:s22], [sflag:$0x3], $0x30, s21, s23, $0xb8;
	[tilespmem:$0x1EB00] =	vst v63  }
0x126: {  	s0 =	sadd.s32 @!p2 $0x100, s0;
	s20 =	simm.s32 @!p2 $0x80;
	s21 =	simm.s32 @!p2 $0x9E20  }
0x127: {  	[tilespmem:s21], [sflag:$0x1] =	stream.indirect.gather @!p2 [spmem:s2], $0x30, s0, s20, $0xb8;
	[tilespmem:$0x1EB00] =	vst v63  }
0x128: {  	_ =	swait.ge [sflag:s31], $0x1800  }
0x129: {  	[sflag:s31] =	ssyncset.done $0x0  }
0x12a: {  	s0 =	simm.s32 @!p1 $0x4;
	[sflag:s31] =	ssyncadd.s32 $0xFFFFE800  }
0x12b: {  	_ =	swait.ge @!p1 [sflag:s0], $0x1800  }
0x12c: {  	[sflag:s0] =	ssyncset.done @!p1 $0x0  }
0x12d: {  	[sflag:s0] =	ssyncadd.s32 @!p1 $0xFFFFE800  }
0x12e: {  	v2 =	vld [tilespmem:s12+$0x0]  }
0x12f: {  	v3 =	vld [tilespmem:s10+$0x0];
	_ =	sdelay $0x5  }
0x130: {  	v4 =	vld [tilespmem:s10+$0xFFFFFFF0]  }
0x131: {  	v2 =	vld.idx.msk [tilespmem:v2+s18+$0x0], $0xffff  }
0x132: {  	v3 =	vld.idx.msk [tilespmem:v3+s19+$0x0], $0xffff  }
0x133: {  	v5 =	vld [tilespmem:s12+$0xFFFFFFF0];
	_ =	sdelay $0x1  }
0x134: {  	s24 =	sadd.s32 $0x20, s12  }
0x135: {  	v6 =	vld [tilespmem:s24+$0x0]  }
0x136: {  	s25 =	sadd.s32 $0x20, s10;
	v2 =	vadd.f32 v3, v2  }
0x137: {  	v7 =	vld [tilespmem:s25+$0x0]  }
0x138: {  	v3 =	vld.idx.msk [tilespmem:v4+s19+$0x0], $0xffff;
	v8 =	vmul.f32 $2.000000030e-01, v2  }
0x139: {  	v4 =	vld [tilespmem:s25+$0xFFFFFFF0];
	vm0 =	vgt.f32 v2, $0.0e+00  }
0x13a: {  	v5 =	vld.idx.msk [tilespmem:v5+s18+$0x0], $0xffff;
	v2 =	vsel vm0, v2, v8  }
0x13b: {  	v2 =	vmul.f32 $1.442695020e+00, v2  }
0x13c: {  	v61 =	vld [tilespmem:s24+$0xFFFFFFF0]  }
0x13d: {  	s26 =	sadd.s32 $0x20, s24;
	v6 =	vld.idx.msk [tilespmem:v6+s18+$0x0], $0xffff;
	(erf) = vpow2.f32 v2  }
0x13e: {  	v8 =	vld [tilespmem:s26+$0x0]  }
0x13f: {  	s21 =	sadd.s32 $0x20, s25;
	v7 =	vld.idx.msk [tilespmem:v7+s19+$0x0], $0xffff;
	v5 =	vadd.f32 v3, v5  }
0x140: {  	v2 =	vld [tilespmem:s21+$0x0]  }
0x141: {  	v63 =	vld.idx.msk [tilespmem:v4+s19+$0x0], $0xffff;
	v4 =	vmul.f32 $2.000000030e-01, v5  }
0x142: {  	v62 =	vld [tilespmem:s21+$0xFFFFFFF0];
	vm14 =	vgt.f32 v5, $0.0e+00  }
0x143: {  	v4 =	vsel vm14, v5, v4  }
0x144: {  	v6 =	vadd.f32 v7, v6;
	v7 =	vmul.f32 $1.442695020e+00, v4  }
0x145: {  	v9 =	vld.idx.msk [tilespmem:v61+s18+$0x0], $0xffff  }
0x146: {  	v5 =	vmul.f32 $2.000000030e-01, v6;
	v4 =	vld.idx.msk [tilespmem:v8+s18+$0x0], $0xffff;
	v8 =	vpop (erf);
	(erf) = vpow2.f32 v7  }
0x147: {  	vm15 =	vgt.f32 v6, $0.0e+00;
	v3 =	vld [tilespmem:s26+$0xFFFFFFF0]  }
0x148: {  	v6 =	vsel vm15, v6, v5  }
0x149: {  	s20 =	simm.s32 $0xCEB0;
	v6 =	vmul.f32 $1.442695020e+00, v6;
	v5 =	vld.idx.msk [tilespmem:v2+s19+$0x0], $0xffff  }
0x14a: {  	s14 =	sor.u32 $0x1, s14;
	s0 =	simm.s32 $0x4;
	s24 =	sadd.s32 $0x20, s26;
	v2 =	vld.idx.msk [tilespmem:v62+s19+$0x0], $0xffff;
	v7 =	vadd.f32 v63, v9;
	[tilespmem:s20+$0x0] =	vst v8  }
.LBB2_12:
0x14b: {  	v8 =	vld [tilespmem:s24+$0x0];
	s21 =	sadd.s32 $0x20, s21;
	(erf) = vpow2.f32 v6  }
0x14c: {  	s0 =	sadd.s32 $0x2, s0;
	v6 =	vld [tilespmem:s21+$0x0];
	vm0 =	vgt.f32 v7, $0.0e+00;
	v9 =	vmul.f32 $2.000000030e-01, v7  }
0x14d: {  	p1 =	slt.u32 s0, $0x6;
	v10 =	vld [tilespmem:s21+$0xFFFFFFF0]  }
0x14e: {  	v11 =	vld [tilespmem:s24+$0xFFFFFFF0];
	v7 =	vsel vm0, v7, v9  }
0x14f: {  	v9 =	vld.idx.msk [tilespmem:v3+s18+$0x0], $0xffff;
	v3 =	vadd.f32 v5, v4;
	v4 =	vmul.f32 $1.442695020e+00, v7;
	v5 =	vpop (erf)  }
0x150: {  	[tilespmem:s20+$0xFFFFFFF0] =	vst v5  }
.Ltmp8:
0x151: {  	v5 =	vmul.f32 $2.000000030e-01, v3;
	(erf) = vpow2.f32 v4;
	(pc) =	sbr.rel @p1 .LBB2_12-.Ltmp8, $4  }
0x152: {  	vm0 =	vgt.f32 v3, $0.0e+00  }
0x153: {  	v4 =	vld.idx.msk [tilespmem:v8+s18+$0x0], $0xffff;
	v7 =	vsel vm0, v3, v5;
	v3 =	vmov v11  }
0x154: {  	s20 =	sadd.s32 $0x20, s20;
	v5 =	vld.idx.msk [tilespmem:v6+s19+$0x0], $0xffff;
	v6 =	vmul.f32 $1.442695020e+00, v7;
	v8 =	vpop (erf)  }
0x155: {  	s24 =	sadd.s32 $0x20, s24;
	v7 =	vadd.f32 v2, v9;
	v2 =	vld.idx.msk [tilespmem:v10+s19+$0x0], $0xffff;
	[tilespmem:s20+$0x0] =	vst v8  }
0x156: {  	_ =	sdelay $0x3  }
0x157: {  	v3 =	vld.idx.msk [tilespmem:v3+s18+$0x0], $0xffff;
	_ =	sdelay $0x3  }
0x158: {  	v4 =	vadd.f32 v5, v4  }
0x159: {  	v54 =	vmul.f32 $2.000000030e-01, v7;
	v2 =	vadd.f32 v2, v3  }
0x15a: {  	vm0 =	vgt.f32 v7, $0.0e+00;
	v3 =	vmul.f32 $2.000000030e-01, v4  }
0x15b: {  	v5 =	vsel vm0, v7, v54;
	vm14 =	vgt.f32 v4, $0.0e+00;
	v55 =	vmul.f32 $2.000000030e-01, v2  }
0x15c: {  	v5 =	vmul.f32 $1.442695020e+00, v5;
	v3 =	vsel vm14, v4, v3;
	vm15 =	vgt.f32 v2, $0.0e+00  }
0x15d: {  	(erf) = vpow2.f32 v6;
	v3 =	vmul.f32 $1.442695020e+00, v3;
	v2 =	vsel vm15, v2, v55  }
0x15e: {  	(erf) = vpow2.f32 v5;
	v2 =	vmul.f32 $1.442695020e+00, v2  }
0x15f: {  	(erf) = vpow2.f32 v3  }
0x160: {  	s0 =	simm.s32 $0x0;
	s21 =	simm.s32 $0x2;
	s4 =	simm.s32 $0x3;
	(erf) = vpow2.f32 v2  }
0x161: {  	s24 =	simm.s32 $0x4;
	s25 =	simm.s32 $0x6;
	v56 =	vmov s21;
	v57 =	vmov s4;
	v2 =	vmov s0  }
0x162: {  	v58 =	vmov s24;
	s24 =	simm.s32 $0x5;
	v8 =	vmov s25;
	v2 =	vshrl.u32 v2, $0x3  }
0x163: {  	v59 =	vmov s24;
	v6 =	vshrl.u32 v58, $0x3;
	v2 =	vshll.u32 v2, v1  }
0x164: {  	v8 =	vshrl.u32 v8, $0x3;
	v7 =	vshrl.u32 v59, $0x3;
	v60 =	vshll.u32 v6, v1  }
0x165: {  	s26 =	simm.s32 $0x1;
	p3 =	por $0x1, $0x1;
	v8 =	vshll.u32 v8, v1;
	v9 =	vpop (erf);
	v61 =	vshll.u32 v7, v1;
	v17 =	vadd.s32 $0x4, v60  }
.Ltmp9:
0x166: {  	v19 =	vadd.s32 $0x6, v8;
	[tilespmem:s20+$0xFFFFFFF0] =	vst v9;
	v3 =	vmov s26;
	s26 =	sadd.s32 $0x20, s20;
	v10 =	vbroadcast v2, $0x0;
	v2 =	vpop (erf);
	(pc) =	sbr.rel @!p3 .LBB2_14-.Ltmp9, $4  }
0x167: {  	v18 =	vadd.s32 $0x5, v61;
	v4 =	vshrl.u32 v56, $0x3;
	v3 =	vshrl.u32 v3, $0x3;
	v9 =	vpop (erf);
	[tilespmem:s26+$0x0] =	vst v2  }
0x168: {  	v5 =	vshrl.u32 v57, $0x3;
	v4 =	vshll.u32 v4, v1;
	v3 =	vshll.u32 v3, v1;
	s0 =	sadd.s32 $0x20, s26;
	[tilespmem:s26+$0xFFFFFFF0] =	vst v9;
	v62 =	vpop (erf)  }
0x169: {  	p1 =	por $0x0, $0x0;
	s21 =	simm.s32 $0xB790;
	v4 =	vadd.s32 $0x2, v4;
	v3 =	vadd.s32 $0x1, v3;
	v2 =	vshll.u32 v5, v1;
	[tilespmem:s0+$0x0] =	vst v62;
	v63 =	vpop (erf)  }
0x16a: {  	s24 =	simm.s32 $0x8;
	s20 =	simm.s32 $0xE890;
	v12 =	vbroadcast v4, $0x0;
	v11 =	vbroadcast v3, $0x0;
	v21 =	vadd.s32 $0x3, v2;
	[tilespmem:s0+$0xFFFFFFF0] =	vst v63;
	s0 =	simm.s32 $0x7  }
0x16b: {  	_ =	sdelay $0x3  }
0x16c: {  	v2 =	vbroadcast v21, $0x0;
	v3 =	vmov s0;
	v7 =	vld.idx.msk [tilespmem:v10+s1+$0x0], $0xffff  }
0x16d: {  	v9 =	vbroadcast v18, $0x0;
	v13 =	vld [tilespmem:s21+$0xFFFFFEF0];
	v3 =	vshrl.u32 v3, $0x3  }
0x16e: {  	v10 =	vbroadcast v19, $0x0;
	v14 =	vld [tilespmem:s21+$0xFFFFFF20];
	v3 =	vshll.u32 v3, v1  }
0x16f: {  	v8 =	vld.idx.msk [tilespmem:v11+s1+$0x0], $0xffff;
	v3 =	vadd.s32 $0x7, v3  }
0x170: {  	v6 =	vld.idx.msk [tilespmem:v12+s1+$0x0], $0xffff;
	v11 =	vbroadcast v3, $0x0  }
0x171: {  	v12 =	vld [tilespmem:s21+$0xFFFFFEC0]  }
0x172: {  	v4 =	vld.idx.msk [tilespmem:v2+s1+$0x0], $0xffff  }
0x173: {  	v3 =	vld.idx.msk [tilespmem:v9+s1+$0x0], $0xffff  }
0x174: {  	v5 =	vbroadcast v17, $0x0;
	v2 =	vld.idx.msk [tilespmem:v10+s1+$0x0], $0xffff  }
0x175: {  	v10 =	vld [tilespmem:s21+$0xFFFFFFE0]  }
0x176: {  	v9 =	vld.idx.msk [tilespmem:v11+s1+$0x0], $0xffff  }
0x177: {  	v11 =	vld [tilespmem:s21+$0xFFFFFE90]  }
0x178: {  	v16 =	vld [tilespmem:s21+$0xFFFFFF50];
	v12 =	vmul.f32 v12, v8  }
0x179: {  	v15 =	vmov s24;
	s24 =	simm.s32 $0x9;
	v17 =	vld [tilespmem:s21+$0xFFFFFF80]  }
0x17a: {  	v15 =	vshrl.u32 v15, $0x3;
	v18 =	vmov s24;
	v5 =	vld.idx.msk [tilespmem:v5+s1+$0x0], $0xffff;
	[tilespmem:s20+$0xFFFFFEC0] =	vst v12;
	v12 =	vmul.f32 v14, v4  }
0x17b: {  	v14 =	vshll.u32 v15, v1;
	v15 =	vshrl.u32 v18, $0x3;
	v18 =	vld [tilespmem:s21+$0xFFFFFED0];
	v10 =	vmul.f32 v10, v9  }
0x17c: {  	s25 =	simm.s32 $0xA;
	v11 =	vmul.f32 v11, v7  }
0x17d: {  	s4 =	simm.s32 $0xC;
	v20 =	vld [tilespmem:s21+$0xFFFFFFB0];
	v19 =	vmov s25;
	s25 =	simm.s32 $0xD;
	[tilespmem:s20+$0xFFFFFFE0] =	vst v10  }
0x17e: {  	v21 =	vmov s4;
	v22 =	vmov s25;
	[tilespmem:s20+$0xFFFFFE90] =	vst v11;
	v11 =	vmul.f32 v13, v6;
	v13 =	vld [tilespmem:s21+$0xFFFFFFF0]  }
0x17f: {  	s26 =	simm.s32 $0xB;
	[tilespmem:s20+$0xFFFFFF20] =	vst v12;
	v12 =	vmul.f32 v17, v3;
	v17 =	vshrl.u32 v21, $0x3;
	v21 =	vshrl.u32 v22, $0x3;
	v24 =	vld [tilespmem:s21+$0xFFFFFEA0]  }
0x180: {  	v22 =	vld [tilespmem:s21+$0xFFFFFF30];
	v18 =	vmul.f32 v18, v8;
	v10 =	vmov s26;
	s26 =	simm.s32 $0xE;
	[tilespmem:s20+$0xFFFFFEF0] =	vst v11;
	v11 =	vmul.f32 v16, v5  }
0x181: {  	[tilespmem:s20+$0xFFFFFF80] =	vst v12;
	v23 =	vmov s26;
	v16 =	vshrl.u32 v19, $0x3;
	v19 =	vshrl.u32 v10, $0x3;
	v25 =	vld [tilespmem:s21+$0xFFFFFF00]  }
0x182: {  	v10 =	vbroadcast v14, $0x0;
	v14 =	vshrl.u32 v23, $0x3;
	v23 =	vld [tilespmem:s21+$0xFFFFFF90];
	[tilespmem:s20+$0xFFFFFF50] =	vst v11;
	v11 =	vmul.f32 v20, v2  }
0x183: {  	[tilespmem:s20+$0xFFFFFED0] =	vst v18;
	v20 =	vld [tilespmem:s21+$0xFFFFFF60];
	v12 =	vmul.f32 v13, v9  }
0x184: {  	v15 =	vshll.u32 v15, v1;
	v13 =	vmul.f32 v24, v7;
	[tilespmem:s20+$0xFFFFFFB0] =	vst v11  }
0x185: {  	p3 =	por $0x1, $0x1;
	v26 =	vadd.s32 $0x1, v15;
	v17 =	vshll.u32 v17, v1;
	v22 =	vmul.f32 v22, v4;
	v62 =	vld [tilespmem:s21+$0xFFFFFFC0];
	[tilespmem:s20+$0xFFFFFFF0] =	vst v12  }
.Ltmp10:
0x186: {  	v17 =	vadd.s32 $0x4, v17;
	v16 =	vshll.u32 v16, v1;
	[tilespmem:s20+$0xFFFFFEA0] =	vst v13;
	v25 =	vmul.f32 v25, v6;
	v13 =	vld [tilespmem:s21+$0x0];
	(pc) =	sbr.rel @!p3 .LBB2_16-.Ltmp10, $4  }
0x187: {  	v27 =	vadd.s32 $0x2, v16;
	[tilespmem:s20+$0xFFFFFF30] =	vst v22;
	v11 =	vshll.u32 v19, v1;
	v19 =	vshll.u32 v14, v1;
	v14 =	vld [tilespmem:s21+$0xFFFFFEB0]  }
0x188: {  	v15 =	vld [tilespmem:s21+$0xFFFFFEE0];
	v22 =	vmul.f32 v23, v3;
	v19 =	vadd.s32 $0x6, v19;
	[tilespmem:s20+$0xFFFFFF00] =	vst v25;
	v63 =	vmul.f32 v20, v5  }
0x189: {  	s0 =	simm.s32 $0xF;
	p1 =	por $0x1, $0x1;
	v12 =	vshll.u32 v21, v1;
	v21 =	vadd.s32 $0x3, v11;
	v11 =	vbroadcast v26, $0x0;
	v16 =	vld [tilespmem:s21+$0xFFFFFF10]  }
0x18a: {  	s24 =	simm.s32 $0xE890;
	s25 =	simm.s32 $0xB790;
	s26 =	simm.s32 $0x10;
	v18 =	vadd.s32 $0x5, v12;
	v12 =	vbroadcast v27, $0x0;
	v20 =	vld [tilespmem:s21+$0xFFFFFF40];
	[tilespmem:s20+$0xFFFFFF60] =	vst v63;
	v23 =	vmul.f32 v62, v2  }
.LBB2_17:
0x18b: {  	p3 =	slt.u32 s26, $0x78;
	v21 =	vbroadcast v21, $0x0;
	v24 =	vmov s0;
	v25 =	vld [tilespmem:s25+$0xFFFFFF70];
	[tilespmem:s24+$0xFFFFFF90] =	vst v22;
	v9 =	vmul.f32 v13, v9  }
0x18c: {  	v13 =	vbroadcast v17, $0x0;
	v17 =	vshrl.u32 v24, $0x3;
	v14 =	vmul.f32 v14, v7;
	v22 =	vld [tilespmem:s25+$0xFFFFFFA0];
	[tilespmem:s24+$0xFFFFFFC0] =	vst v23  }
0x18d: {  	v18 =	vbroadcast v18, $0x0;
	v17 =	vshll.u32 v17, v1;
	v15 =	vmul.f32 v15, v8;
	v23 =	vld [tilespmem:s25+$0xFFFFFFD0];
	[tilespmem:s24+$0x0] =	vst v9  }
0x18e: {  	v9 =	vbroadcast v19, $0x0;
	v7 =	vld.idx.msk [tilespmem:v10+s1+$0x0], $0xffff;
	v10 =	vadd.s32 $0x7, v17;
	[tilespmem:s24+$0xFFFFFEB0] =	vst v14;
	v14 =	vmul.f32 v16, v6  }
0x18f: {  	v8 =	vld.idx.msk [tilespmem:v11+s1+$0x0], $0xffff;
	v10 =	vbroadcast v10, $0x0;
	[tilespmem:s24+$0xFFFFFEE0] =	vst v15;
	v11 =	vmul.f32 v20, v4  }
0x190: {  	v6 =	vld.idx.msk [tilespmem:v12+s1+$0x0], $0xffff;
	[tilespmem:s24+$0xFFFFFF10] =	vst v14;
	v12 =	vmul.f32 v25, v5  }
0x191: {  	v4 =	vld.idx.msk [tilespmem:v21+s1+$0x0], $0xffff;
	[tilespmem:s24+$0xFFFFFF40] =	vst v11;
	v11 =	vmul.f32 v22, v3  }
0x192: {  	v5 =	vld.idx.msk [tilespmem:v13+s1+$0x0], $0xffff;
	[tilespmem:s24+$0xFFFFFF70] =	vst v12;
	v12 =	vmul.f32 v23, v2  }
0x193: {  	v3 =	vld.idx.msk [tilespmem:v18+s1+$0x0], $0xffff;
	[tilespmem:s24+$0xFFFFFFA0] =	vst v11  }
0x194: {  	v2 =	vld.idx.msk [tilespmem:v9+s1+$0x0], $0xffff;
	[tilespmem:s24+$0xFFFFFFD0] =	vst v12  }
0x195: {  	s25 =	sadd.s32 $0x180, s25;
	v9 =	vld.idx.msk [tilespmem:v10+s1+$0x0], $0xffff  }
0x196: {  	v10 =	vld [tilespmem:s25+$0xFFFFFFE0]  }
0x197: {  	v11 =	vld [tilespmem:s25+$0xFFFFFE90]  }
0x198: {  	v12 =	vld [tilespmem:s25+$0xFFFFFEC0]  }
0x199: {  	v13 =	vld [tilespmem:s25+$0xFFFFFEF0]  }
0x19a: {  	v14 =	vld [tilespmem:s25+$0xFFFFFF20]  }
0x19b: {  	v15 =	vmov s26;
	v16 =	vld [tilespmem:s25+$0xFFFFFF50];
	v10 =	vmul.f32 v10, v9  }
0x19c: {  	s0 =	sadd.s32 $0x1, s26;
	s4 =	sadd.s32 $0x2, s26;
	v15 =	vshrl.u32 v15, $0x3;
	s24 =	sadd.s32 $0x180, s24;
	v11 =	vmul.f32 v11, v7;
	v17 =	vld [tilespmem:s25+$0xFFFFFF80]  }
0x19d: {  	v19 =	vmov s4;
	s4 =	sadd.s32 $0x4, s26;
	v18 =	vmov s0;
	s0 =	sadd.s32 $0x3, s26;
	v12 =	vmul.f32 v12, v8;
	v20 =	vld [tilespmem:s25+$0xFFFFFFB0];
	[tilespmem:s24+$0xFFFFFFE0] =	vst v10  }
0x19e: {  	v21 =	vmov s4;
	s4 =	sadd.s32 $0x6, s26;
	v10 =	vmov s0;
	s0 =	sadd.s32 $0x5, s26;
	[tilespmem:s24+$0xFFFFFE90] =	vst v11;
	v11 =	vmul.f32 v13, v6;
	v13 =	vld [tilespmem:s25+$0xFFFFFFF0]  }
0x19f: {  	v23 =	vmov s4;
	v22 =	vmov s0;
	v24 =	vld [tilespmem:s25+$0xFFFFFEA0];
	[tilespmem:s24+$0xFFFFFEC0] =	vst v12;
	v12 =	vmul.f32 v14, v4  }
0x1a0: {  	v14 =	vshll.u32 v15, v1;
	v15 =	vshrl.u32 v18, $0x3;
	v18 =	vld [tilespmem:s25+$0xFFFFFED0];
	[tilespmem:s24+$0xFFFFFEF0] =	vst v11;
	v11 =	vmul.f32 v16, v5  }
0x1a1: {  	v16 =	vshrl.u32 v19, $0x3;
	v19 =	vshrl.u32 v10, $0x3;
	v25 =	vld [tilespmem:s25+$0xFFFFFF00];
	[tilespmem:s24+$0xFFFFFF20] =	vst v12;
	v12 =	vmul.f32 v17, v3  }
0x1a2: {  	v17 =	vshrl.u32 v21, $0x3;
	v21 =	vshrl.u32 v22, $0x3;
	v22 =	vld [tilespmem:s25+$0xFFFFFF30];
	[tilespmem:s24+$0xFFFFFF50] =	vst v11;
	v11 =	vmul.f32 v20, v2  }
0x1a3: {  	v10 =	vbroadcast v14, $0x0;
	v14 =	vshrl.u32 v23, $0x3;
	v20 =	vld [tilespmem:s25+$0xFFFFFF60];
	[tilespmem:s24+$0xFFFFFF80] =	vst v12;
	v12 =	vmul.f32 v13, v9  }
0x1a4: {  	v15 =	vshll.u32 v15, v1;
	v16 =	vshll.u32 v16, v1;
	v13 =	vmul.f32 v24, v7;
	v23 =	vld [tilespmem:s25+$0xFFFFFF90];
	[tilespmem:s24+$0xFFFFFFB0] =	vst v11  }
0x1a5: {  	v17 =	vshll.u32 v17, v1;
	v11 =	vshll.u32 v19, v1;
	v18 =	vmul.f32 v18, v8;
	v24 =	vld [tilespmem:s25+$0xFFFFFFC0];
	[tilespmem:s24+$0xFFFFFFF0] =	vst v12  }
.Ltmp11:
0x1a6: {  	v19 =	vshll.u32 v14, v1;
	v12 =	vshll.u32 v21, v1;
	[tilespmem:s24+$0xFFFFFEA0] =	vst v13;
	v25 =	vmul.f32 v25, v6;
	v13 =	vld [tilespmem:s25+$0x0];
	(pc) =	sbr.rel @p3 .LBB2_17-.Ltmp11, $4  }
0x1a7: {  	v26 =	vadd.s32 $0x1, v15;
	v27 =	vadd.s32 $0x2, v16;
	v14 =	vld [tilespmem:s25+$0xFFFFFEB0];
	[tilespmem:s24+$0xFFFFFED0] =	vst v18;
	v22 =	vmul.f32 v22, v4  }
0x1a8: {  	v17 =	vadd.s32 $0x4, v17;
	v21 =	vadd.s32 $0x3, v11;
	v15 =	vld [tilespmem:s25+$0xFFFFFEE0];
	[tilespmem:s24+$0xFFFFFF00] =	vst v25;
	v25 =	vmul.f32 v20, v5  }
0x1a9: {  	v11 =	vbroadcast v26, $0x0;
	v18 =	vadd.s32 $0x5, v12;
	v16 =	vld [tilespmem:s25+$0xFFFFFF10];
	[tilespmem:s24+$0xFFFFFF30] =	vst v22;
	v22 =	vmul.f32 v23, v3  }
0x1aa: {  	s0 =	sadd.s32 $0x7, s26;
	s26 =	sadd.s32 $0x8, s26;
	v19 =	vadd.s32 $0x6, v19;
	v12 =	vbroadcast v27, $0x0;
	v20 =	vld [tilespmem:s25+$0xFFFFFF40];
	[tilespmem:s24+$0xFFFFFF60] =	vst v25;
	v23 =	vmul.f32 v24, v2  }
.LBB2_18:
0x1ab: {  	_ =	sdelay $0x2  }
0x1ac: {  	v25 =	vld @p1 [tilespmem:s25+$0xFFFFFF70]  }
0x1ad: {  	v10 =	vld.idx.msk [tilespmem:v10+s1+$0x0], $0xffff  }
0x1ae: {  	v24 =	vmov s0;
	[tilespmem:s24+$0xFFFFFF90] =	vst @p1 v22;
	v11 =	vld.idx.msk [tilespmem:v11+s1+$0x0], $0xffff  }
0x1af: {  	v38 =	vshrl.u32 v24, $0x3;
	v24 =	vld @p1 [tilespmem:s25+$0xFFFFFFA0]  }
0x1b0: {  	s0 =	sadd.s32 @p1 $0x180, s25;
	[tilespmem:s24+$0xFFFFFFC0] =	vst @p1 v23;
	v12 =	vld.idx.msk [tilespmem:v12+s1+$0x0], $0xffff;
	v22 =	vshll.u32 v38, v1  }
0x1b1: {  	s21 =	smov.u32 @p1 s0;
	v23 =	vld @p1 [tilespmem:s25+$0xFFFFFFD0];
	v22 =	vadd.s32 $0x7, v22  }
0x1b2: {  	v42 =	vld [tilespmem:s21+$0xFFFFFFE0];
	v22 =	vbroadcast v22, $0x0  }
0x1b3: {  	v43 =	vld [tilespmem:s21+$0xFFFFFE90]  }
0x1b4: {  	v21 =	vbroadcast v21, $0x0;
	v9 =	vmul.f32 @p1 v13, v9;
	v44 =	vld [tilespmem:s21+$0xFFFFFEC0]  }
0x1b5: {  	v17 =	vbroadcast v17, $0x0;
	v7 =	vmul.f32 @p1 v14, v7;
	v45 =	vld [tilespmem:s21+$0xFFFFFEF0]  }
0x1b6: {  	v8 =	vmul.f32 @p1 v15, v8;
	[tilespmem:s24+$0x0] =	vst @p1 v9;
	v46 =	vld [tilespmem:s21+$0xFFFFFF20]  }
0x1b7: {  	v18 =	vbroadcast v18, $0x0;
	v47 =	vld [tilespmem:s21+$0xFFFFFF80];
	[tilespmem:s24+$0xFFFFFEB0] =	vst @p1 v7;
	v6 =	vmul.f32 @p1 v16, v6  }
0x1b8: {  	v19 =	vbroadcast v19, $0x0;
	[tilespmem:s24+$0xFFFFFEE0] =	vst @p1 v8;
	v4 =	vmul.f32 @p1 v20, v4;
	v41 =	vld.idx.msk [tilespmem:v22+s1+$0x0], $0xffff  }
0x1b9: {  	v48 =	vld [tilespmem:s21+$0xFFFFFFB0];
	[tilespmem:s24+$0xFFFFFF10] =	vst @p1 v6;
	v3 =	vmul.f32 @p1 v24, v3  }
0x1ba: {  	v21 =	vld.idx.msk [tilespmem:v21+s1+$0x0], $0xffff;
	[tilespmem:s24+$0xFFFFFF40] =	vst @p1 v4;
	v2 =	vmul.f32 @p1 v23, v2  }
0x1bb: {  	v5 =	vmul.f32 @p1 v25, v5;
	v17 =	vld.idx.msk [tilespmem:v17+s1+$0x0], $0xffff;
	[tilespmem:s24+$0xFFFFFFA0] =	vst @p1 v3  }
0x1bc: {  	s0 =	sadd.s32 @p1 $0x180, s24;
	v3 =	vld [tilespmem:s21+$0xFFFFFF50];
	[tilespmem:s24+$0xFFFFFFD0] =	vst @p1 v2;
	v2 =	vmul.f32 v43, v10  }
0x1bd: {  	s20 =	smov.u32 @p1 s0;
	v39 =	vld.idx.msk [tilespmem:v18+s1+$0x0], $0xffff;
	[tilespmem:s24+$0xFFFFFF70] =	vst @p1 v5;
	v7 =	vmul.f32 v42, v41  }
0x1be: {  	v40 =	vld.idx.msk [tilespmem:v19+s1+$0x0], $0xffff;
	v6 =	vmul.f32 v44, v11;
	[tilespmem:s20+$0xFFFFFE90] =	vst v2  }
0x1bf: {  	v2 =	vmul.f32 v45, v12;
	v50 =	vld [tilespmem:s21+$0xFFFFFEA0];
	[tilespmem:s20+$0xFFFFFFE0] =	vst v7  }
0x1c0: {  	[tilespmem:s20+$0xFFFFFEC0] =	vst v6;
	v5 =	vmul.f32 v46, v21;
	v49 =	vld [tilespmem:s21+$0xFFFFFFF0]  }
0x1c1: {  	v6 =	vld [tilespmem:s21+$0xFFFFFED0];
	[tilespmem:s20+$0xFFFFFEF0] =	vst v2;
	v2 =	vmul.f32 v3, v17  }
0x1c2: {  	v51 =	vmul.f32 v47, v39;
	[tilespmem:s20+$0xFFFFFF20] =	vst v5;
	v3 =	vld [tilespmem:s21+$0xFFFFFF00]  }
0x1c3: {  	v52 =	vld [tilespmem:s21+$0xFFFFFF30];
	[tilespmem:s20+$0xFFFFFF50] =	vst v2;
	v2 =	vmul.f32 v48, v40  }
0x1c4: {  	[tilespmem:s20+$0xFFFFFF80] =	vst v51;
	v53 =	vld [tilespmem:s21+$0xFFFFFF60];
	v54 =	vmul.f32 v50, v10  }
0x1c5: {  	v55 =	vld [tilespmem:s21+$0xFFFFFF90];
	[tilespmem:s20+$0xFFFFFFB0] =	vst v2;
	v4 =	vmul.f32 v49, v41  }
0x1c6: {  	v2 =	vmul.f32 v6, v11;
	v56 =	vld [tilespmem:s21+$0xFFFFFFC0];
	[tilespmem:s20+$0xFFFFFEA0] =	vst v54  }
0x1c7: {  	v3 =	vmul.f32 v3, v12;
	v5 =	vld [tilespmem:s21+$0xFFFFFEB0];
	[tilespmem:s20+$0xFFFFFFF0] =	vst v4  }
0x1c8: {  	[tilespmem:s20+$0xFFFFFED0] =	vst v2;
	v2 =	vmul.f32 v52, v21;
	v4 =	vld [tilespmem:s21+$0x0]  }
0x1c9: {  	v57 =	vld [tilespmem:s21+$0xFFFFFEE0];
	[tilespmem:s20+$0xFFFFFF00] =	vst v3;
	v3 =	vmul.f32 v53, v17  }
0x1ca: {  	[tilespmem:s20+$0xFFFFFF30] =	vst v2;
	v2 =	vmul.f32 v55, v39;
	v58 =	vld [tilespmem:s21+$0xFFFFFF10]  }
0x1cb: {  	v59 =	vld [tilespmem:s21+$0xFFFFFF40];
	[tilespmem:s20+$0xFFFFFF60] =	vst v3;
	v3 =	vmul.f32 v56, v40  }
0x1cc: {  	[tilespmem:s20+$0xFFFFFF90] =	vst v2;
	v60 =	vld [tilespmem:s21+$0xFFFFFF70];
	v61 =	vmul.f32 v5, v10  }
0x1cd: {  	v62 =	vld [tilespmem:s21+$0xFFFFFFA0];
	[tilespmem:s20+$0xFFFFFFC0] =	vst v3;
	v2 =	vmul.f32 v4, v41  }
0x1ce: {  	v3 =	vmul.f32 v57, v11;
	v63 =	vld [tilespmem:s21+$0xFFFFFFD0];
	[tilespmem:s20+$0xFFFFFEB0] =	vst v61  }
0x1cf: {  	[tilespmem:s20+$0x0] =	vst v2;
	v2 =	vmul.f32 v58, v12  }
0x1d0: {  	[tilespmem:s20+$0xFFFFFEE0] =	vst v3;
	v3 =	vmul.f32 v59, v21  }
0x1d1: {  	[tilespmem:s20+$0xFFFFFF10] =	vst v2;
	v2 =	vmul.f32 v60, v17  }
.Ltmp12:
0x1d2: {  	[tilespmem:s20+$0xFFFFFF40] =	vst v3;
	v3 =	vmul.f32 v62, v39;
	(pc) =	sbr.rel @p2 .LBB2_20-.Ltmp12, $4  }
0x1d3: {  	s26 =	sshll.u32 s14, $0x7;
	[tilespmem:s20+$0xFFFFFF70] =	vst v2;
	v2 =	vmul.f32 v63, v40  }
0x1d4: {  	s0 =	sand.u32 $0x3FFFFF80, s26;
	[tilespmem:s20+$0xFFFFFFA0] =	vst v3  }
0x1d5: {  	s0 =	sadd.s32 $0x2800, s0;
	[tilespmem:s20+$0xFFFFFFD0] =	vst v2  }
0x1d6: {  	[spmem:s3] =	stream.indirect.scatter.add.f32 [tilespmem:s17], [sflag:$0x4], $0x30, s0, s23, $0xb8;
	[tilespmem:$0x1EB00] =	vst v63  }
.Ltmp13:
0x1d7: {  	(pc) =	sbr.rel .LBB2_4-.Ltmp13, $4  }
0x1d8: {  	_ = 	snop  }
0x1d9: {  	s0 =	sadd.s32 $0x180, s13;
	s7 =	sadd.s32 $0x1, s7;
	s8 =	sadd.s32 $0x100, s8  }
0x1da: {  	s9 =	sadd.s32 $0x100, s9;
	s10 =	sadd.s32 $0x100, s10;
	s12 =	sadd.s32 $0x100, s12  }
0x1db: {  	[tilespmem:s28], [sflag:$0x2] =	stream.indirect.gather [spmem:s2], $0x30, s0, s23, $0xb8;
	[tilespmem:$0x1EB00] =	vst v63  }
.LBB2_7:
.Ltmp14:
0x1dc: {  	(pc) =	sbr.rel .LBB2_11-.Ltmp14, $2  }
0x1dd: {  	_ =	sdelay $0x2  }
0x1de: {  	s24 =	simm.s32 $0x9EE0;
	s21 =	simm.s32 $0xCFE0  }
.LBB2_14:
.Ltmp15:
0x1df: {  	(pc) =	sbr.rel .LBB2_18-.Ltmp15, $2  }
0x1e0: {  	_ =	sdelay $0x2  }
0x1e1: {  	s25 =	simm.s32 $0xB790;
	s24 =	simm.s32 $0xE890  }
.LBB2_9:
.Ltmp16:
0x1e2: {  	(pc) =	sbr.rel .LBB2_11-.Ltmp16, $2  }
0x1e3: {  	_ =	sdelay $0x2  }
0x1e4: {  	s24 =	simm.s32 $0x9EE0;
	s21 =	simm.s32 $0xCFE0  }
.LBB2_16:
.Ltmp17:
0x1e5: {  	(pc) =	sbr.rel .LBB2_18-.Ltmp17, $2  }
0x1e6: {  	_ =	sdelay $0x2  }
0x1e7: {  	s25 =	simm.s32 $0xB790;
	s24 =	simm.s32 $0xE890  }
.LBB2_21:
0x1e8: {  	_ =	sfence.sel $0x180000  }
0x1e9: {  	[bflag:$0x0] =	sbarrier.arrive $0xFFFF  }
0x1ea: {  	_ =	strace $0x9000004A  }
0x1eb: {  	s0 =	stileid.u32;
	[bflag:$0x2] =	sbarrier.arrive $0xFFFF  }
0x1ec: {  	p0 =	sne.s32 s0, $0x0;
	s0 =	rddreg [dreg:$0x4]  }
0x1ed: {  	s0 =	sadd.s32 @!p0 $0x100000, s0  }
0x1ee: {  	[sflag:s0] =	ssyncadd.tile.s32 @!p0 $0x1;
	_ =	shalt  }
.Lfunc_end2:
_tile_overlayer_lowered:
.L_overlay_start_2:
0x1ef: {  	(tag) =	ssettag $0x2  }
0x1f0: {  	s0 =	rddreg [dreg:$0x0];
	s2 =	stileid.u32  }
0x1f1: {  	s1 =	rddreg [dreg:$0x1];
	p0 =	sne.s32 s2, $0x0  }
0x1f2: {  	s3 =	rddreg [dreg:$0x2];
	[bflag:$0x3] =	sbarrier.arrive $0xFFFF;
	s2 =	simm.s32 @!p0 $0x1C05  }
0x1f3: {  	[timem:s3], [sflag:s2] =	dma.local @!p0 [hbm:s0], s1  }
0x1f4: {  	s0 =	simm.s32 @!p0 $0x5  }
0x1f5: {  	_ =	swait.ge @!p0 [sflag:s0], s1  }
0x1f6: {  	s1 =	ssub.s32 @!p0 $0x0, s1;
	[sflag:s0] =	ssyncset.done @!p0 $0x0  }
0x1f7: {  	[sflag:s0] =	ssyncadd.s32 @!p0 s1  }
0x1f8: {  	[bflag:$0x3] =	sbarrier.arrive $0xFFFF  }
0x1f9: {  	_ =	shalt  }

// kernel: kernel.7.cloned.1.call-start
scs
__scs_entry_jumppad:
0x0: {  	(pc) =	sbr.rel $0x88, $3  }
0x1: {  	(tag) =	ssettag $0x0;
	lr =	simm.s32 $0x1  }
0x2: {  	[smem:$0x3F97] =	sst lr;
	_ =	strace $0xD0000000  }
0x3: {  	_ = 	snop  }
0x4: {  	_ = 	snop  }
0x5: {  	_ = 	snop  }
0x6: {  	_ = 	snop  }
0x7: {  	_ = 	snop  }
__scs_overlays_trampoline_lowered:
0x8: {  	[smem:$0x3FA6] =	sst s0  }
0x9: {  	[smem:$0x3FA7] =	sst s1  }
0xa: {  	[smem:$0x3FA8] =	sst s2  }
0xb: {  	[smem:$0x3FA9] =	sst s3  }
0xc: {  	[smem:$0x3FAA] =	sst s4  }
0xd: {  	[smem:$0x3FAB] =	sst s5  }
0xe: {  	[smem:$0x3FAC] =	sst s6  }
0xf: {  	[smem:$0x3FAD] =	sst s7  }
0x10: {  	[smem:$0x3FAE] =	sst s8  }
0x11: {  	[smem:$0x3FAF] =	sst s9;
	s0 =	simm.s32 @!p0 $0x0  }
0x12: {  	s1 =	sld [smem:$0x3F95];
	s0 =	simm.s32 @p0 $0x1  }
0x13: {  	[smem:$0x3FB0] =	sst s0;
	s0 =	simm.s32 @!p1 $0x0  }
0x14: {  	s2 =	sld [smem:$0x3F94];
	s0 =	simm.s32 @p1 $0x1  }
0x15: {  	[smem:$0x3FB1] =	sst s0;
	s0 =	simm.s32 @!p2 $0x0  }
0x16: {  	s3 =	sld [smem:$0x3FDB];
	s0 =	simm.s32 @p2 $0x1  }
0x17: {  	s4 =	simm.s32 $0x1BF5;
	[smem:$0x3FB3] =	sst s0  }
0x18: {  	s0 =	sld [smem:$0x3F96];
	_ =	swait.ge [sflag:s4], $0x0  }
0x19: {  	s7 =	sld [smem:$0x3F97]  }
0x1a: {  	s8 =	sadd.s32 $0xFFFFE003, lr  }
0x1b: {  	s9 =	sadd.s32 $0xFFFFFEF7, lr;
	s5 =	simm.s32 $0xFFFFFFFF;
	p2 =	slt.u32 s8, $0xFFFFF086  }
0x1c: {  	p1 =	slt.u32 s9, $0xF7A;
	s5 =	simm.s32 @!p2 $0x0  }
0x1d: {  	s5 =	simm.s32 @p1 $0x1;
	p0 =	seq.s32 s7, s2  }
0x1e: {  	s7 =	smul.u32 @!p0 $0xF7A, s2;
	p2 =	seq.s32 @!p0 s5, $0x0  }
0x1f: {  	s9 =	smul.u32 $0xF7A, s1;
	s8 =	simm.s32 @!p0 $0x1BF5;
	p2 =	por !p2, p0  }
0x20: {  	[sflag:s8] =	ssyncset.s32 @!p0 $0xFFFFF086;
	s6 =	sadd.s32 @!p0 s3, s7;
	s7 =	simm.s32 @!p0 $0x108  }
0x21: {  	s3 =	sadd.s32 s3, s9;
	s6 =	sadd.s32 @!p0 $0x88, s6;
	s7 =	simm.s32 @p2 $0x1082  }
0x22: {  	[simem:s7], [sflag:s8] =	dma.local @!p0 [hbm:s6], $0xF7A  }
0x23: {  	s9 =	sor.u32 $0xD0000000, s2;
	s6 =	simm.s32 $0x108;
	_ =	swait.ge @!p0 [sflag:s8], $0x0  }
0x24: {  	s3 =	sadd.s32 $0x88, s3;
	s6 =	simm.s32 @!p1 $0x1082;
	[sflag:s4] =	ssyncset.s32 $0xFFFFF086  }
0x25: {  	[simem:s6], [sflag:s4] =	dma.local [hbm:s3], $0xF7A  }
0x26: {  	[smem:$0x3F97] =	sst s1;
	(tag) =	ssettag s2;
	_ =	strace s9  }
0x27: {  	s1 =	sld [smem:$0x3FA7]  }
0x28: {  	s2 =	sld [smem:$0x3FA8]  }
0x29: {  	s4 =	sld [smem:$0x3FAA]  }
0x2a: {  	p0 =	seq.s32 s5, $0x0;
	s5 =	sld [smem:$0x3FAB]  }
0x2b: {  	s6 =	sld [smem:$0x3FAC]  }
0x2c: {  	s7 =	sld [smem:$0x3FAD]  }
0x2d: {  	s3 =	simm.s32 $0x108;
	s8 =	sld [smem:$0x3FAE]  }
0x2e: {  	s3 =	simm.s32 @!p0 $0x1082;
	s9 =	sld [smem:$0x3FAF]  }
0x2f: {  	lr =	sadd.s32 s0, s3;
	s0 =	sld [smem:$0x3FA6]  }
0x30: {  	s3 =	sld [smem:$0x3FA9]  }
0x31: {  	[smem:$0x3FB2] =	sst s10  }
0x32: {  	s10 =	sld [smem:$0x3FB0];
	_ =	sdelay $0x3  }
0x33: {  	p0 =	seq.s32 s10, $0x1;
	s10 =	sld [smem:$0x3FB2];
	_ =	sdelay $0x3  }
0x34: {  	[smem:$0x3FB2] =	sst s10  }
0x35: {  	s10 =	sld [smem:$0x3FB1];
	_ =	sdelay $0x3  }
0x36: {  	p1 =	seq.s32 s10, $0x1;
	s10 =	sld [smem:$0x3FB2];
	_ =	sdelay $0x3  }
0x37: {  	[smem:$0x3FB2] =	sst s10  }
0x38: {  	s10 =	sld [smem:$0x3FB3]  }
0x39: {  	_ = 	snop;
	(pc) =	sbr.ind lr, $3  }
0x3a: {  	_ = 	snop  }
0x3b: {  	_ = 	snop  }
0x3c: {  	p2 =	seq.s32 s10, $0x1;
	s10 =	sld [smem:$0x3FB2]  }
0x3d: {  	_ =	shalt  }
0x3e: {  	_ =	shalt  }
0x3f: {  	_ =	shalt  }
0x40: {  	_ =	shalt  }
0x41: {  	_ =	shalt  }
0x42: {  	_ =	shalt  }
0x43: {  	_ =	shalt  }
0x44: {  	_ =	shalt  }
0x45: {  	_ =	shalt  }
0x46: {  	_ =	shalt  }
0x47: {  	_ =	shalt  }
0x48: {  	_ =	shalt  }
0x49: {  	_ =	shalt  }
0x4a: {  	_ =	shalt  }
0x4b: {  	_ =	shalt  }
0x4c: {  	_ =	shalt  }
0x4d: {  	_ =	shalt  }
0x4e: {  	_ =	shalt  }
0x4f: {  	_ =	shalt  }
0x50: {  	_ =	shalt  }
0x51: {  	_ =	shalt  }
0x52: {  	_ =	shalt  }
0x53: {  	_ =	shalt  }
0x54: {  	_ =	shalt  }
0x55: {  	_ =	shalt  }
0x56: {  	_ =	shalt  }
0x57: {  	_ =	shalt  }
0x58: {  	_ =	shalt  }
0x59: {  	_ =	shalt  }
0x5a: {  	_ =	shalt  }
0x5b: {  	_ =	shalt  }
0x5c: {  	_ =	shalt  }
0x5d: {  	_ =	shalt  }
0x5e: {  	_ =	shalt  }
0x5f: {  	_ =	shalt  }
0x60: {  	_ =	shalt  }
0x61: {  	_ =	shalt  }
0x62: {  	_ =	shalt  }
0x63: {  	_ =	shalt  }
0x64: {  	_ =	shalt  }
0x65: {  	_ =	shalt  }
0x66: {  	_ =	shalt  }
0x67: {  	_ =	shalt  }
0x68: {  	_ =	shalt  }
0x69: {  	_ =	shalt  }
0x6a: {  	_ =	shalt  }
0x6b: {  	_ =	shalt  }
0x6c: {  	_ =	shalt  }
0x6d: {  	_ =	shalt  }
0x6e: {  	_ =	shalt  }
0x6f: {  	_ =	shalt  }
0x70: {  	_ =	shalt  }
0x71: {  	_ =	shalt  }
0x72: {  	_ =	shalt  }
0x73: {  	_ =	shalt  }
0x74: {  	_ =	shalt  }
0x75: {  	_ =	shalt  }
0x76: {  	_ =	shalt  }
0x77: {  	_ =	shalt  }
0x78: {  	_ =	shalt  }
0x79: {  	_ =	shalt  }
0x7a: {  	_ =	shalt  }
0x7b: {  	_ =	shalt  }
0x7c: {  	_ =	shalt  }
0x7d: {  	_ =	shalt  }
0x7e: {  	_ =	shalt  }
0x7f: {  	_ =	shalt  }
0x80: {  	_ =	shalt  }
0x81: {  	_ =	shalt  }
0x82: {  	_ =	shalt  }
0x83: {  	_ =	shalt  }
0x84: {  	_ =	shalt  }
0x85: {  	_ =	shalt  }
0x86: {  	_ =	shalt  }
0x87: {  	_ =	shalt  }
.Lfunc_end0:
.L_simem_size_0:
called_computation_lowered:
.L_overlay_start_0:
0x88: {  	s2 =	sld [smem:$0x3FD9]  }
0x89: {  	s3 =	sld [smem:$0x3FFE];
	_ =	sdelay $0x1  }
0x8a: {  	s1 =	srdreg.scid  }
0x8b: {  	s0 =	sand.u32 $0x1, s1  }
0x8c: {  	s17 =	sshll.u32 s0, $0xA;
	s2 =	sadd.s32 s3, s2  }
0x8d: {  	s2 =	sadd.s32 s2, s17  }
0x8e: {  	[smem:$0x3FBE] =	sst s2  }
0x8f: {  	_ = 	snop  }
0x90: {  	s2 =	sld [smem:$0x3FD0];
	(tm) =	ssettm $0x1  }
0x91: {  	s18 =	sld [smem:$0x3FFB];
	_ =	sdelay $0x3  }
0x92: {  	_ =	strace s18  }
0x93: {  	s3 =	sld [smem:$0x3FFC];
	_ =	sdelay $0x3  }
0x94: {  	_ =	strace s3  }
0x95: {  	s3 =	sld [smem:$0x3FFD];
	_ =	sdelay $0x3  }
0x96: {  	_ =	strace s3  }
0x97: {  	_ =	strace $0x8FFFFFFF  }
0x98: {  	s19 =	sld [smem:$0x3FDB];
	_ =	sdelay $0x1  }
0x99: {  	s4 =	simm.s32 $_scs_section_size  }
0x9a: {  	s5 =	simm.s32 $_size__tile_overlayer_lowered;
	s6 =	simm.s32 $_tile_overlayer_lowered  }
0x9b: {  	s22 =	simm.s32 $0x1BFF;
	s21 =	sshll.u32 s6, $0x1;
	s3 =	sadd.s32 s4, s19  }
0x9c: {  	s7 =	simm.s32 $0x0;
	s20 =	sshll.u32 s5, $0x1;
	s5 =	sadd.s32 s21, s3  }
0x9d: {  	[timem:s7], [sflag:s22] =	dma.local [hbm:s5], s20  }
0x9e: {  	_ =	swait.ge [sflag:s22], s20  }
0x9f: {  	s4 =	ssub.s32 $0x0, s20;
	[sflag:s22] =	ssyncset.done $0x0  }
0xa0: {  	[sflag:s22] =	ssyncadd.s32 s4;
	_ =	sdelay $0x1  }
0xa1: {  	s23 =	simm.s32 $0x1B8B  }
0xa2: {  	_ =	swait.ge [sflag:s23], $0x1  }
0xa3: {  	[sflag:s23] =	ssyncset.done $0x0  }
0xa4: {  	s25 =	simm.s32 $0x1B8E;
	s24 =	sld [smem:$0x3FFE];
	[sflag:s23] =	ssyncadd.s32 $0xFFFFFFFF  }
0xa5: {  	s26 =	simm.s32 $execute0_lowered;
	[smem:$0x3FD2] =	sst s25  }
0xa6: {  	s5 =	sshll.u32 s26, $0x1;
	_ =	strace $0x80000046;
	[dreg:$0x1] =	wrdreg $0xFFFFFFFF  }
0xa7: {  	s28 =	simm.s32 $_size_execute0_lowered;
	s3 =	sadd.s32 s3, s5;
	[dreg:$0x0] =	wrdreg $0x0  }
0xa8: {  	s5 =	sshll.u32 s28, $0x1;
	[dreg:$0x2] =	wrdreg s3  }
0xa9: {  	[dreg:$0x3] =	wrdreg s5  }
0xaa: {  	[dreg:$0x4] =	wrdreg $0xC0  }
0xab: {  	_ =	task [dreg:s7], $0x5FFFF  }
0xac: {  	[dreg:$0x1] =	wrdreg $0xFFFFFFFF  }
0xad: {  	[dreg:$0x0] =	wrdreg $0x60  }
0xae: {  	[dreg:$0x2] =	wrdreg s2  }
0xaf: {  	[dreg:$0x3] =	wrdreg s24  }
0xb0: {  	[dreg:$0x4] =	wrdreg $0xE0000  }
0xb1: {  	[dreg:$0x5] =	wrdreg $0x17E400  }
0xb2: {  	[dreg:$0x6] =	wrdreg $0x9  }
0xb3: {  	_ =	task.clear_ibuf [dreg:s7], $0x7FFFF;
	_ =	strace $0x90000046  }
0xb4: {  	s29 =	simm.s32 $0x9;
	_ =	strace $0x80000048  }
0xb5: {  	_ =	swait.ge [sflag:s29], $0x1  }
0xb6: {  	[sflag:s29] =	ssyncadd.s32 $0xFFFFFFFF  }
0xb7: {  	_ =	strace $0x90000048  }
0xb8: {  	_ =	sfence  }
0xb9: {  	s30 =	sld [smem:$0x0];
	_ =	sdelay $0x2  }
0xba: {  	s31 =	sshll.u32 s1, $0xD;
	s1 =	sshrl.u32 s1, $0x2  }
0xbb: {  	s3 =	sand.u32 $0x4000, s31;
	s1 =	sadd.s32 s1, s30  }
0xbc: {  	s0 =	sor.u32 s3, s0;
	s1 =	sshll.u32 s1, $0x11  }
0xbd: {  	s0 =	sor.u32 s1, s0  }
0xbe: {  	s0 =	sadd.s32 $0x8F2B, s0  }
0xbf: {  	[sflag:s0] =	ssyncadd.remote.s32 $0x1  }
0xc0: {  	_ =	sfence.sel $0xFFFF  }
0xc1: {  	[dreg:$0x0] =	wrdreg $0xFFFFFFFF;
	(pc) =	sbr.abs _section_cstart, $3  }
0xc2: {  	[dreg:$0x1] =	wrdreg $0xFFFFFFFF  }
0xc3: {  	_ =	task.clear_ibuf [dreg:s7], $0x2FFFF;
	_ =	strace $0x9FFFFFFF  }
0xc4: {  	(tm) =	ssettm $0x7FFFFFFF  }
0xc5: {  	_ =	shalt  }
tec
execute0_lowered:
.L_overlay_start_1:
0x0: {  	(tag) =	ssettag $0x1  }
0x1: {  	s0 =	rddreg [dreg:$0x0]  }
0x2: {  	s1 =	rddreg [dreg:$0x1]  }
0x3: {  	s3 =	srdreg.scid;
	s13 =	stileid.u32  }
0x4: {  	s2 =	rddreg [dreg:$0x2];
	s6 =	simm.s32 $0x0;
	s14 =	simm.s32 $0x41  }
0x5: {  	s28 =	simm.s32 $0x6000;
	s30 =	simm.s32 $0x5800;
	s29 =	simm.s32 $0x1  }
0x6: {  	s31 =	simm.s32 $0x2;
	s4 =	sand.u32 $0x1, s3;
	s12 =	smul.u32 $0x27800, s13  }
0x7: {  	s5 =	sshll.u32 s13, $0x1;
	s3 =	rddreg [dreg:$0x3];
	s15 =	smul.u32 $0x9E00, s13  }
0x8: {  	[smem:$0x7FF] =	sst s6;
	p0 =	seq.s32 s13, $0xF;
	s13 =	smul.u32 $0x2780, s13  }
0x9: {  	s6 =	sadd.s32 $0x5E00, s1;
	s10 =	sadd.s32 $0x19C00, s1;
	s16 =	smul.u32 $0x9C400, s4  }
0xa: {  	s5 =	sor.u32 s4, s5;
	s8 =	ssub.s32 $0x2, s4;
	s4 =	smul.u32 $0x27100, s4  }
0xb: {  	_ =	strace $0x80000047;
	s14 =	simm.s32 @!p0 $0x4F;
	s7 =	smul.u32 $0x500, s5  }
0xc: {  	s5 =	sadd.s32 $0xE00, s1;
	s11 =	sshrl.u32 s8, $0x1;
	s18 =	sshrl.u32 s12, $0x2  }
0xd: {  	s21 =	sshrl.u32 s15, $0x2;
	[dreg:$0x6] =	wrdreg s14;
	s11 =	ssub.s32 s8, s11  }
0xe: {  	s19 =	sadd.s32 s15, s16;
	s20 =	sadd.s32 s18, s2;
	s22 =	sadd.s32 s21, s3  }
0xf: {  	s24 =	sadd.s32 s13, s4;
	s4 =	sshrl.u32 s4, $0x3;
	s21 =	simm.s32 $0x80  }
0x10: {  	s18 =	simm.s32 $0x0;
	s9 =	sadd.s32 s7, s1;
	s1 =	sadd.s32 $0x40E00, s1  }
0x11: {  	s0 =	sadd.s32 s0, s7;
	[dreg:$0x8] =	wrdreg s20;
	s12 =	sshrl.u32 s19, $0x3  }
0x12: {  	[dreg:$0x9] =	wrdreg s22;
	s7 =	sshrl.u32 s16, $0x3;
	s26 =	smax.u32 s11, $0x1  }
0x13: {  	s19 =	simm.s32 $0xA000;
	s20 =	simm.s32 $0x9000;
	[dreg:$0x5] =	wrdreg s0  }
0x14: {  	s17 =	sadd.s32 $0xFC00, s9;
	s23 =	sadd.s32 s10, s12;
	[dreg:$0xe] =	wrdreg s26  }
0x15: {  	s0 =	sadd.s32 s15, s2;
	s9 =	sshrl.u32 s24, $0x3;
	[dreg:$0x7] =	wrdreg s17  }
0x16: {  	s7 =	sadd.s32 s10, s7;
	s26 =	simm.s32 $0x8000;
	[dreg:$0xa] =	wrdreg s23  }
0x17: {  	s25 =	sadd.s32 s1, s9;
	s9 =	sadd.s32 s13, s3;
	s7 =	sadd.s32 $0x12840, s7  }
0x18: {  	s1 =	sadd.s32 s1, s4;
	s4 =	sadd.s32 $0x94200, s2;
	[dreg:$0xb] =	wrdreg s25  }
0x19: {  	s17 =	simm.s32 $0x5;
	s0 =	sshrl.u32 @!p0 s0, $0x3;
	[dreg:$0xc] =	wrdreg s7  }
.Ltmp0:
0x1a: {  	s1 =	sadd.s32 $0x4A10, s1;
	[dreg:$0x11] =	wrdreg s0;
	(pc) =	sbr.rel .LBB2_1-.Ltmp0, $4  }
0x1b: {  	s13 =	simm.s32 $0x2800;
	s4 =	sshrl.u32 @p0 s4, $0x3;
	[dreg:$0xd] =	wrdreg s1  }
0x1c: {  	v2 =	vlaneseq.u32;
	s0 =	sshrl.u32 @!p0 s9, $0x3;
	s1 =	sadd.s32 $0x25080, s3;
	[dreg:$0xf] =	wrdreg s4  }
0x1d: {  	v0 =	vimm.f32 $0.0e+00;
	v1 =	vand.u32 $0x7, v2;
	v2 =	vshrl.u32 v2, $0x3;
	[dreg:$0x12] =	wrdreg s0;
	s0 =	simm.s32 $0xC000;
	s1 =	sshrl.u32 @p0 s1, $0x3  }
0x1e: {  	v3 =	vor.u32 $0x2, v2;
	v4 =	vor.u32 $0x4, v2;
	v5 =	vor.u32 $0x6, v2;
	s4 =	simm.s32 $0x9800;
	[dreg:$0x10] =	wrdreg s1;
	s1 =	simm.s32 $0x6800  }
.LBB2_12:
0x1f: {  	s7 =	simm.s32 $0x3  }
0x20: {  	_ =	swait.ge [sflag:s7], $0x2000  }
0x21: {  	[sflag:s7] =	ssyncset.done $0x0  }
0x22: {  	[sflag:s7] =	ssyncadd.s32 $0xFFFFE000  }
0x23: {  	_ =	swait.ge [sflag:s7], $0x800  }
0x24: {  	[sflag:s7] =	ssyncset.done $0x0  }
0x25: {  	s24 =	simm.s32 $0x4;
	[sflag:s7] =	ssyncadd.s32 $0xFFFFF800  }
0x26: {  	_ =	swait.ge [sflag:s24], $0x2000  }
0x27: {  	[sflag:s24] =	ssyncset.done $0x0  }
0x28: {  	[sflag:s24] =	ssyncadd.s32 $0xFFFFE000  }
0x29: {  	_ =	swait.ge [sflag:s24], $0x800  }
0x2a: {  	[sflag:s24] =	ssyncset.done $0x0  }
0x2b: {  	[sflag:s24] =	ssyncadd.s32 $0xFFFFF800  }
0x2c: {  	[bflag:$0x0] =	sbarrier.arrive $0xFFFF  }
0x2d: {  	s8 =	rddreg [dreg:$0xc]  }
0x2e: {  	s7 =	simm.s32 @p0 $0x1FC5;
	s9 =	rddreg [dreg:$0xf]  }
0x2f: {  	[hbm:s8], [sflag:s7] =	dma.local @p0 [spmem:s9], $0x1040  }
0x30: {  	s8 =	simm.s32 @p0 $0x5  }
0x31: {  	_ =	swait.ge @p0 [sflag:s8], $0x1040  }
0x32: {  	[sflag:s8] =	ssyncset.done @p0 $0x0;
	s9 =	rddreg [dreg:$0xd]  }
0x33: {  	s10 =	rddreg [dreg:$0x10];
	[sflag:s8] =	ssyncadd.s32 @p0 $0xFFFFEFC0  }
0x34: {  	[hbm:s9], [sflag:s7] =	dma.local @p0 [spmem:s10], $0x410  }
0x35: {  	s7 =	stileid.u32;
	_ =	swait.ge @p0 [sflag:s8], $0x410  }
0x36: {  	s7 =	sshll.u32 @!p0 s7, $0x6;
	[sflag:s8] =	ssyncset.done @p0 $0x0;
	s9 =	rddreg [dreg:$0x11]  }
0x37: {  	s7 =	sor.u32 @!p0 $0x1C05, s7;
	[sflag:s8] =	ssyncadd.s32 @p0 $0xFFFFFBF0;
	s8 =	rddreg [dreg:$0xa]  }
0x38: {  	[hbm:s8], [sflag:s7] =	dma.local @!p0 [spmem:s9], $0x13C0  }
0x39: {  	s8 =	simm.s32 @!p0 $0x5  }
0x3a: {  	_ =	swait.ge @!p0 [sflag:s8], $0x13C0  }
0x3b: {  	[sflag:s8] =	ssyncset.done @!p0 $0x0;
	s9 =	rddreg [dreg:$0xb]  }
0x3c: {  	s10 =	rddreg [dreg:$0x12];
	[sflag:s8] =	ssyncadd.s32 @!p0 $0xFFFFEC40  }
0x3d: {  	[hbm:s9], [sflag:s7] =	dma.local @!p0 [spmem:s10], $0x4F0  }
0x3e: {  	_ =	swait.ge @!p0 [sflag:s8], $0x4F0  }
0x3f: {  	s18 =	sadd.s32 $0x1, s18;
	s25 =	rddreg [dreg:$0xe]  }
0x40: {  	p1 =	sne.s32 s18, s25  }
.Ltmp1:
0x41: {  	_ = 	snop;
	(pc) =	sbr.rel @!p1 .LBB2_13-.Ltmp1, $3  }
0x42: {  	_ =	sdelay $0x1  }
0x43: {  	[sflag:s8] =	ssyncset.done @!p0 $0x0  }
0x44: {  	s13 =	simm.s32 $0x2800;
	s14 =	rddreg [dreg:$0x6];
	[sflag:s8] =	ssyncadd.s32 @!p0 $0xFFFFFB10  }
.LBB2_1:
0x45: {  	s7 =	simm.s32 $0x0;
	s8 =	rddreg [dreg:$0x5]  }
0x46: {  	[tilespmem:s7], [sflag:$0x5] =	stream.linear.gather [hbm4b:s8+s7], $0x2800, $0x38;
	[tilespmem:$0x1A5D0] =	vst v63  }
0x47: {  	_ =	swait.ge [sflag:s17], $0x2800  }
0x48: {  	[sflag:s17] =	ssyncset.done $0x0  }
0x49: {  	s25 =	rddreg [dreg:$0x7];
	[sflag:s17] =	ssyncadd.s32 $0xFFFFD800  }
0x4a: {  	[tilespmem:s13], [sflag:$0x5] =	stream.linear.gather [hbm4b:s25+s7], $0x2800, $0x38;
	[tilespmem:$0x1A5D0] =	vst v63  }
0x4b: {  	_ =	swait.ge [sflag:s17], $0x2800  }
0x4c: {  	[sflag:s17] =	ssyncset.done $0x0  }
0x4d: {  	[sflag:s17] =	ssyncadd.s32 $0xFFFFD800  }
0x4e: {  	[tilespmem:$0xA000] =	vst v0  }
0x4f: {  	[tilespmem:$0xA010] =	vst v0  }
0x50: {  	[tilespmem:$0xA020] =	vst v0  }
0x51: {  	[tilespmem:$0xA030] =	vst v0  }
0x52: {  	[tilespmem:$0xA040] =	vst v0  }
0x53: {  	[tilespmem:$0xA050] =	vst v0  }
0x54: {  	[tilespmem:$0xA060] =	vst v0  }
0x55: {  	[tilespmem:$0xA070] =	vst v0  }
0x56: {  	[tilespmem:$0xA080] =	vst v0  }
0x57: {  	[tilespmem:$0xA090] =	vst v0  }
0x58: {  	[tilespmem:$0xA0A0] =	vst v0  }
0x59: {  	[tilespmem:$0xA0B0] =	vst v0  }
0x5a: {  	[tilespmem:$0xA0C0] =	vst v0  }
0x5b: {  	[tilespmem:$0xA0D0] =	vst v0  }
0x5c: {  	[tilespmem:$0xA0E0] =	vst v0  }
0x5d: {  	[tilespmem:$0xA0F0] =	vst v0  }
0x5e: {  	[tilespmem:$0xA100] =	vst v0  }
0x5f: {  	[tilespmem:$0xA110] =	vst v0  }
0x60: {  	[tilespmem:$0xA120] =	vst v0  }
0x61: {  	[tilespmem:$0xA130] =	vst v0  }
0x62: {  	[tilespmem:$0xA140] =	vst v0  }
0x63: {  	[tilespmem:$0xA150] =	vst v0  }
0x64: {  	[tilespmem:$0xA160] =	vst v0  }
0x65: {  	[tilespmem:$0xA170] =	vst v0  }
0x66: {  	[tilespmem:$0xA180] =	vst v0  }
0x67: {  	[tilespmem:$0xA190] =	vst v0  }
0x68: {  	[tilespmem:$0xA1A0] =	vst v0  }
0x69: {  	[tilespmem:$0xA1B0] =	vst v0  }
0x6a: {  	[tilespmem:$0xA1C0] =	vst v0  }
0x6b: {  	p1 =	sne.s32 s14, $0x1;
	[tilespmem:$0xA1D0] =	vst v0  }
.Ltmp2:
0x6c: {  	[tilespmem:$0xA1E0] =	vst v0;
	(pc) =	sbr.rel @!p1 .LBB2_3-.Ltmp2, $4  }
0x6d: {  	s11 =	rddreg [dreg:$0x8];
	[tilespmem:$0xA1F0] =	vst v0  }
0x6e: {  	[spmem:s11] =	stream.linear.scatter [tilespmem:s19], [sflag:$0x5], $0x200, $0x38;
	[tilespmem:$0x1A5D0] =	vst v63  }
0x6f: {  	_ =	swait.ge [sflag:s17], $0x200  }
0x70: {  	s10 =	sadd.s32 $0xFFFFFFFF, s14;
	[sflag:s17] =	ssyncset.done $0x0  }
.LBB2_2:
0x71: {  	p2 =	sne.s32 s10, $0x1;
	[sflag:s17] =	ssyncadd.s32 $0xFFFFFE00;
	s11 =	sadd.s32 $0x200, s11  }
.Ltmp3:
0x72: {  	s10 =	sadd.s32 $0xFFFFFFFF, s10;
	(pc) =	sbr.rel @p2 .LBB2_2-.Ltmp3, $4  }
0x73: {  	_ = 	snop  }
0x74: {  	[spmem:s11] =	stream.linear.scatter [tilespmem:s19], [sflag:$0x5], $0x200, $0x38;
	[tilespmem:$0x1A5D0] =	vst v63  }
0x75: {  	_ =	swait.ge [sflag:s17], $0x200  }
0x76: {  	[sflag:s17] =	ssyncset.done $0x0  }
.LBB2_3:
0x77: {  	[sflag:s17] =	ssyncadd.s32 $0xFFFFFE00  }
0x78: {  	[tilespmem:$0x9000] =	vst v0  }
0x79: {  	[tilespmem:$0x9010] =	vst v0  }
0x7a: {  	[tilespmem:$0x9020] =	vst v0  }
0x7b: {  	[tilespmem:$0x9030] =	vst v0  }
0x7c: {  	[tilespmem:$0x9040] =	vst v0  }
0x7d: {  	[tilespmem:$0x9050] =	vst v0  }
.Ltmp4:
0x7e: {  	[tilespmem:$0x9060] =	vst v0;
	(pc) =	sbr.rel @!p1 .LBB2_5-.Ltmp4, $4  }
0x7f: {  	s11 =	rddreg [dreg:$0x9];
	[tilespmem:$0x9070] =	vst v0  }
0x80: {  	[spmem:s11] =	stream.linear.scatter [tilespmem:s20], [sflag:$0x5], $0x80, $0x38;
	[tilespmem:$0x1A5D0] =	vst v63  }
0x81: {  	_ =	swait.ge [sflag:s17], $0x80  }
0x82: {  	s10 =	sadd.s32 $0xFFFFFFFF, s14;
	[sflag:s17] =	ssyncset.done $0x0  }
.LBB2_4:
0x83: {  	p1 =	sne.s32 s10, $0x1;
	[sflag:s17] =	ssyncadd.s32 $0xFFFFFF80;
	s11 =	sadd.s32 $0x80, s11  }
.Ltmp5:
0x84: {  	s10 =	sadd.s32 $0xFFFFFFFF, s10;
	(pc) =	sbr.rel @p1 .LBB2_4-.Ltmp5, $4  }
0x85: {  	_ = 	snop  }
0x86: {  	[spmem:s11] =	stream.linear.scatter [tilespmem:s20], [sflag:$0x5], $0x80, $0x38;
	[tilespmem:$0x1A5D0] =	vst v63  }
0x87: {  	_ =	swait.ge [sflag:s17], $0x80  }
0x88: {  	[sflag:s17] =	ssyncset.done $0x0  }
.LBB2_5:
0x89: {  	[sflag:s17] =	ssyncadd.s32 $0xFFFFFF80  }
0x8a: {  	s12 =	simm.s32 $0x0;
	s7 =	simm.s32 $0x5000;
	[bflag:$0x0] =	sbarrier.arrive $0xFFFF  }
0x8b: {  	[tilespmem:s7], [sflag:$0x1] =	stream.indirect.gather [hbm4b:s5+s21], $0x10, s12, s21, $0xb8;
	[tilespmem:$0x1A5D0] =	vst v63  }
0x8c: {  	_ = 	snop  }
0x8d: {  	[tilespmem:s28], [sflag:$0x1] =	stream.indirect.gather [hbm4b:s5+s21], $0x10, s13, s21, $0xb8;
	[tilespmem:$0x1A5D0] =	vst v63  }
0x8e: {  	s24 =	simm.s32 $0x7000  }
0x8f: {  	[tilespmem:s24], [sflag:$0x1] =	stream.indirect.gather [hbm4b:s6+s21], $0x20, s12, s21, $0xb8;
	[tilespmem:$0x1A5D0] =	vst v63  }
0x90: {  	_ = 	snop  }
0x91: {  	[tilespmem:s30], [sflag:$0x2] =	stream.indirect.gather [hbm4b:s5+s21], $0x10, s21, s21, $0xb8;
	[tilespmem:$0x1A5D0] =	vst v63  }
0x92: {  	s25 =	simm.s32 $0x2880  }
0x93: {  	[tilespmem:s1], [sflag:$0x2] =	stream.indirect.gather [hbm4b:s5+s21], $0x10, s25, s21, $0xb8;
	[tilespmem:$0x1A5D0] =	vst v63  }
0x94: {  	_ = 	snop  }
0x95: {  	[tilespmem:s26], [sflag:$0x2] =	stream.indirect.gather [hbm4b:s6+s21], $0x20, s21, s21, $0xb8;
	[tilespmem:$0x1A5D0] =	vst v63  }
.LBB2_6:
0x96: {  	_ =	swait.ge [sflag:s29], $0x800  }
0x97: {  	[sflag:s29] =	ssyncset.done $0x0  }
0x98: {  	[sflag:s29] =	ssyncadd.s32 $0xFFFFF800  }
0x99: {  	_ =	swait.ge [sflag:s29], $0x800  }
0x9a: {  	[sflag:s29] =	ssyncset.done $0x0  }
0x9b: {  	s10 =	simm.s32 $0x0;
	[sflag:s29] =	ssyncadd.s32 $0xFFFFF800  }
0x9c: {  	v6 =	vmov s10;
	_ =	swait.ge [sflag:s29], $0x1000  }
0x9d: {  	p1 =	seq.s32 s12, $0x0;
	v6 =	vor.u32 $0x8, v6;
	[sflag:s29] =	ssyncset.done $0x0  }
0x9e: {  	s10 =	simm.s32 @!p1 $0x3;
	v6 =	vbroadcast v6, $0x0;
	[sflag:s29] =	ssyncadd.s32 $0xFFFFF000  }
0x9f: {  	s11 =	simm.s32 $0x30;
	_ =	swait.ge @!p1 [sflag:s10], $0x2000  }
0xa0: {  	v7 =	vmov s11;
	v6 =	vor.u32 v1, v6;
	[sflag:s10] =	ssyncset.done @!p1 $0x0  }
0xa1: {  	s13 =	simm.s32 $0x10;
	v7 =	vor.u32 $0x8, v7;
	[sflag:s10] =	ssyncadd.s32 @!p1 $0xFFFFE000  }
0xa2: {  	v8 =	vmov s13;
	v7 =	vbroadcast v7, $0x0;
	_ =	swait.ge @!p1 [sflag:s10], $0x800  }
0xa3: {  	v8 =	vor.u32 $0x8, v8;
	[sflag:s10] =	ssyncset.done @!p1 $0x0  }
0xa4: {  	v8 =	vbroadcast v8, $0x0;
	v7 =	vor.u32 v1, v7;
	[sflag:s10] =	ssyncadd.s32 @!p1 $0xFFFFF800  }
0xa5: {  	s14 =	simm.s32 $0x5020;
	v6 =	vld.idx.msk [tilespmem:v6+s28+$0x0], $0xffff  }
0xa6: {  	v8 =	vor.u32 v1, v8;
	v9 =	vld [tilespmem:s14+$0xFFFFFFE0];
	_ =	sdelay $0x2  }
0xa7: {  	v7 =	vld.idx.msk [tilespmem:v7+s28+$0x0], $0xffff  }
0xa8: {  	v10 =	vld [tilespmem:s14+$0x10]  }
0xa9: {  	v8 =	vld.idx.msk [tilespmem:v8+s28+$0x0], $0xffff;
	v6 =	vadd.f32 v6, v9  }
0xaa: {  	v9 =	vld [tilespmem:s14+$0xFFFFFFF0]  }
0xab: {  	s15 =	simm.s32 $0x20;
	v11 =	vmul.f32 $2.000000030e-01, v6  }
0xac: {  	v12 =	vmov s15;
	vm0 =	vgt.f32 v6, $0.0e+00  }
0xad: {  	v7 =	vadd.f32 v7, v10;
	v6 =	vsel vm0, v6, v11;
	v11 =	vor.u32 $0x8, v12  }
0xae: {  	v6 =	vmul.f32 $1.442695020e+00, v6;
	v10 =	vbroadcast v11, $0x0  }
0xaf: {  	v8 =	vadd.f32 v8, v9;
	v9 =	vmul.f32 $2.000000030e-01, v7  }
0xb0: {  	vm0 =	vgt.f32 v7, $0.0e+00;
	(erf) = vpow2.f32 v6;
	v6 =	vor.u32 v1, v10  }
0xb1: {  	v10 =	vmul.f32 $2.000000030e-01, v8;
	v7 =	vsel vm0, v7, v9  }
0xb2: {  	s16 =	simm.s32 $0x50;
	s13 =	simm.s32 $0x40;
	vm0 =	vgt.f32 v8, $0.0e+00;
	v7 =	vmul.f32 $1.442695020e+00, v7  }
0xb3: {  	v9 =	vmov s16;
	v8 =	vsel vm0, v8, v10;
	v10 =	vmov s13  }
0xb4: {  	(erf) = vpow2.f32 v7;
	v7 =	vor.u32 $0x8, v9;
	v9 =	vld [tilespmem:s14+$0x0];
	v10 =	vor.u32 $0x8, v10  }
0xb5: {  	s22 =	simm.s32 $0x60;
	v8 =	vmul.f32 $1.442695020e+00, v8;
	v10 =	vbroadcast v10, $0x0;
	v6 =	vld.idx.msk [tilespmem:v6+s28+$0x0], $0xffff  }
0xb6: {  	v11 =	vmov s22;
	v7 =	vbroadcast v7, $0x0  }
0xb7: {  	s23 =	simm.s32 $0x70;
	v11 =	vor.u32 $0x8, v11;
	v10 =	vor.u32 v1, v10  }
0xb8: {  	v12 =	vmov s23;
	s22 =	simm.s32 $0x5060;
	v11 =	vbroadcast v11, $0x0;
	v7 =	vor.u32 v1, v7  }
0xb9: {  	s24 =	simm.s32 $0x9020;
	v12 =	vor.u32 $0x8, v12;
	v17 =	vld [tilespmem:s22+$0xFFFFFFE0];
	(erf) = vpow2.f32 v8;
	v8 =	vpop (erf)  }
0xba: {  	s15 =	simm.s32 $0x7040;
	v12 =	vbroadcast v12, $0x0;
	[tilespmem:s24+$0xFFFFFFE0] =	vst v8;
	v6 =	vadd.f32 v6, v9;
	v9 =	vor.u32 v1, v11;
	v11 =	vld [tilespmem:s22+$0xFFFFFFF0]  }
0xbb: {  	v14 =	vld [tilespmem:s15+$0xFFFFFFC0]  }
0xbc: {  	v12 =	vor.u32 v1, v12;
	v10 =	vld.idx.msk [tilespmem:v10+s28+$0x0], $0xffff  }
0xbd: {  	v15 =	vld.idx.msk [tilespmem:v7+s28+$0x0], $0xffff;
	v16 =	vmul.f32 $2.000000030e-01, v6;
	v7 =	vpop (erf)  }
0xbe: {  	v13 =	vld [tilespmem:s22+$0x0];
	v20 =	vperm.xlane v8, v2;
	vm0 =	vgt.f32 v6, $0.0e+00;
	[tilespmem:s24+$0x10] =	vst v7  }
0xbf: {  	v22 =	vperm.xlane v7, v2;
	v6 =	vsel vm0, v6, v16;
	v16 =	vperm.xlane v8, v3;
	v18 =	vld [tilespmem:s15+$0x20]  }
0xc0: {  	v23 =	vperm.xlane v7, v3;
	v19 =	vmul.f32 $1.442695020e+00, v6;
	v9 =	vld.idx.msk [tilespmem:v9+s28+$0x0], $0xffff;
	v21 =	vunpack.i.u.bf16.f32 v14  }
0xc1: {  	v12 =	vld.idx.msk [tilespmem:v12+s28+$0x0], $0xffff;
	v14 =	vunpack.i.l.bf16.f32 v14;
	v10 =	vadd.f32 v10, v17;
	v21 =	vmul.f32 v16, v21  }
0xc2: {  	v6 =	vpop (erf);
	v16 =	vadd.f32 v15, v11;
	v11 =	vld [tilespmem:s22+$0x10];
	v14 =	vmul.f32 v20, v14;
	(erf) = vpow2.f32 v19  }
0xc3: {  	[tilespmem:s24+$0xFFFFFFF0] =	vst v6;
	v24 =	vperm.xlane v6, v3;
	v19 =	vmul.f32 $2.000000030e-01, v10;
	vm1 =	vgt.f32 v10, $0.0e+00  }
0xc4: {  	v20 =	vld [tilespmem:s15+$0xFFFFFFE0];
	v17 =	vmul.f32 $2.000000030e-01, v16;
	v15 =	vunpack.i.u.bf16.f32 v18;
	v18 =	vunpack.i.l.bf16.f32 v18  }
0xc5: {  	s14 =	simm.s32 $0xA080;
	v15 =	vmul.f32 v23, v15;
	v9 =	vadd.f32 v9, v13;
	v10 =	vsel vm1, v10, v19  }
0xc6: {  	[tilespmem:s14+$0xFFFFFF90] =	vst v21;
	v13 =	vmul.f32 v22, v18;
	v10 =	vmul.f32 $1.442695020e+00, v10  }
0xc7: {  	[tilespmem:s14+$0xFFFFFF80] =	vst v14;
	v18 =	vperm.xlane v6, v2;
	v14 =	vadd.f32 v12, v11;
	v19 =	vmul.f32 $2.000000030e-01, v9  }
0xc8: {  	v11 =	vperm.xlane v8, v4;
	v12 =	vld [tilespmem:s15+$0xFFFFFFD0];
	[tilespmem:s14+$0x50] =	vst v15;
	vm2 =	vgt.f32 v9, $0.0e+00;
	(erf) = vpow2.f32 v10  }
0xc9: {  	[tilespmem:s14+$0x40] =	vst v13;
	v21 =	vunpack.i.l.bf16.f32 v20;
	v9 =	vsel vm2, v9, v19;
	v10 =	vunpack.i.u.bf16.f32 v20  }
0xca: {  	v18 =	vmul.f32 v18, v21;
	v13 =	vmul.f32 $1.442695020e+00, v9;
	v9 =	vld [tilespmem:s15+$0x30]  }
0xcb: {  	vm0 =	vgt.f32 v16, $0.0e+00;
	v15 =	vperm.xlane v6, v5;
	v21 =	vmul.f32 $2.000000030e-01, v14  }
0xcc: {  	s25 =	simm.s32 $0x8;
	s23 =	simm.s32 $0x9060;
	vm1 =	vgt.f32 v14, $0.0e+00;
	v19 =	vperm.xlane v7, v5;
	v20 =	vmul.f32 v24, v10;
	[tilespmem:s14+$0xFFFFFFC0] =	vst v18;
	v10 =	vpop (erf)  }
0xcd: {  	s16 =	simm.s32 $0xA180;
	s13 =	sshll.u32 s12, $0x8;
	v21 =	vsel vm1, v14, v21;
	v14 =	vunpack.i.u.bf16.f32 v12;
	[tilespmem:s24+$0x0] =	vst v10;
	v18 =	vperm.xlane v10, v2;
	s24 =	simm.s32 $0x7040  }
.LBB2_7:
0xce: {  	s10 =	smov.u32 s25  }
0xcf: {  	s11 =	sshll.u32 s25, $0x4;
	v16 =	vsel vm0, v16, v17;
	v17 =	vmul.f32 $1.442695020e+00, v21;
	[tilespmem:s14+$0xFFFFFFD0] =	vst v20;
	v20 =	vld [tilespmem:s15+$0x0];
	v21 =	vunpack.i.u.bf16.f32 v9;
	s24 =	sadd.s32 $0x80, s24;
	s10 =	sadd.s32 $0x4, s25  }
0xd0: {  	v22 =	vmov s11;
	s8 =	sadd.s32 $0x10, s11;
	s7 =	sadd.s32 $0x20, s11;
	s11 =	sadd.s32 $0x30, s11;
	v16 =	vmul.f32 $1.442695020e+00, v16;
	v19 =	vmul.f32 v19, v21;
	v23 =	vld [tilespmem:s15+$0xFFFFFFF0]  }
0xd1: {  	p2 =	slt.u32 s25, $0x7C;
	v21 =	vmov s8;
	v24 =	vmov s7;
	(erf) = vpow2.f32 v17  }
0xd2: {  	v17 =	vor.u32 $0x8, v22;
	v21 =	vor.u32 $0x8, v21;
	(erf) = vpow2.f32 v16;
	[tilespmem:s14+$0x70] =	vst v19  }
0xd3: {  	v16 =	vbroadcast v17, $0x0;
	v17 =	vmov s11;
	v19 =	vperm.xlane v10, v3  }
0xd4: {  	v22 =	vor.u32 $0x8, v24;
	v21 =	vbroadcast v21, $0x0;
	v24 =	vunpack.i.u.bf16.f32 v20  }
0xd5: {  	v17 =	vor.u32 $0x8, v17;
	v16 =	vor.u32 v1, v16;
	v19 =	vmul.f32 v19, v24;
	v25 =	vpop (erf)  }
0xd6: {  	s22 =	sadd.s32 $0x40, s22;
	v22 =	vbroadcast v22, $0x0;
	v20 =	vunpack.i.l.bf16.f32 v20;
	v21 =	vor.u32 v1, v21  }
0xd7: {  	v18 =	vmul.f32 v18, v20;
	v27 =	vunpack.i.u.bf16.f32 v23;
	v26 =	vperm.xlane v25, v3;
	v24 =	vld [tilespmem:s22+$0x0];
	[tilespmem:s23+$0xFFFFFFE0] =	vst v25  }
0xd8: {  	v20 =	vor.u32 v1, v22;
	v28 =	vperm.xlane v25, v2;
	v15 =	vmul.f32 v15, v27;
	v22 =	vld [tilespmem:s24+$0xFFFFFFC0];
	[tilespmem:s14+$0x10] =	vst v19  }
0xd9: {  	v12 =	vunpack.i.l.bf16.f32 v12;
	v17 =	vbroadcast v17, $0x0;
	v27 =	vperm.xlane v8, v5;
	v8 =	vmovc v25;
	v19 =	vld [tilespmem:s22+$0xFFFFFFF0];
	[tilespmem:s14+$0x0] =	vst v18  }
0xda: {  	v11 =	vmul.f32 v11, v12;
	[tilespmem:s14+$0xFFFFFFF0] =	vst v15;
	v12 =	vld [tilespmem:s15+$0x10];
	v15 =	vperm.xlane v7, v4;
	v7 =	vpop (erf);
	s15 =	smov.u32 s24  }
0xdb: {  	v17 =	vor.u32 v1, v17;
	v14 =	vmul.f32 v27, v14;
	v18 =	vld.idx.msk [tilespmem:v21+s28+$0x0], $0xffff;
	v21 =	vperm.xlane v6, v4;
	v6 =	vpop (erf)  }
0xdc: {  	v9 =	vunpack.i.l.bf16.f32 v9;
	v25 =	vld.idx.msk [tilespmem:v16+s28+$0x0], $0xffff;
	[tilespmem:s14+$0xFFFFFFA0] =	vst v11;
	v11 =	vperm.xlane v10, v4;
	v10 =	vperm.xlane v10, v5  }
0xdd: {  	v23 =	vunpack.i.l.bf16.f32 v23;
	v27 =	vld [tilespmem:s22+$0xFFFFFFE0];
	v16 =	vunpack.i.u.bf16.f32 v22;
	v22 =	vunpack.i.l.bf16.f32 v22;
	[tilespmem:s23+$0x10] =	vst v7  }
0xde: {  	v26 =	vmul.f32 v26, v16;
	v29 =	vld [tilespmem:s24+$0x20];
	[tilespmem:s14+$0xFFFFFFB0] =	vst v14;
	v14 =	vmul.f32 v21, v23  }
0xdf: {  	v9 =	vmul.f32 v15, v9;
	v21 =	vperm.xlane v7, v2;
	v20 =	vld.idx.msk [tilespmem:v20+s28+$0x0], $0xffff;
	v16 =	vunpack.i.u.bf16.f32 v12  }
0xe0: {  	v23 =	vperm.xlane v7, v3;
	v12 =	vunpack.i.l.bf16.f32 v12;
	v15 =	vld.idx.msk [tilespmem:v17+s28+$0x0], $0xffff;
	[tilespmem:s23+$0xFFFFFFF0] =	vst v6;
	v10 =	vmul.f32 v10, v16  }
0xe1: {  	v16 =	vadd.f32 v18, v19;
	v19 =	vperm.xlane v6, v3;
	v11 =	vmul.f32 v11, v12;
	v18 =	vld [tilespmem:s22+$0x10];
	[tilespmem:s16+$0xFFFFFF90] =	vst v26  }
0xe2: {  	v12 =	vmul.f32 v28, v22;
	v25 =	vadd.f32 v25, v27;
	v22 =	vld [tilespmem:s24+$0xFFFFFFE0];
	(erf) = vpow2.f32 v13;
	[tilespmem:s14+$0x60] =	vst v9  }
0xe3: {  	vm0 =	vgt.f32 v16, $0.0e+00;
	v17 =	vmul.f32 $2.000000030e-01, v16;
	v9 =	vunpack.i.u.bf16.f32 v29;
	[tilespmem:s14+$0x30] =	vst v10  }
0xe4: {  	v10 =	vmul.f32 $2.000000030e-01, v25;
	[tilespmem:s16+$0xFFFFFF80] =	vst v12;
	v12 =	vunpack.i.l.bf16.f32 v29;
	v9 =	vmul.f32 v23, v9  }
0xe5: {  	vm1 =	vgt.f32 v25, $0.0e+00;
	v13 =	vadd.f32 v20, v24;
	v20 =	vmul.f32 v21, v12;
	[tilespmem:s14+$0x20] =	vst v11  }
0xe6: {  	v11 =	vperm.xlane v8, v4;
	v18 =	vadd.f32 v15, v18;
	v12 =	vld [tilespmem:s24+$0xFFFFFFD0];
	v15 =	vperm.xlane v6, v2;
	[tilespmem:s16+$0x50] =	vst v9  }
0xe7: {  	v9 =	vsel vm1, v25, v10;
	v10 =	vmul.f32 $2.000000030e-01, v13;
	v21 =	vunpack.i.l.bf16.f32 v22;
	[tilespmem:s16+$0x40] =	vst v20  }
.Ltmp6:
0xe8: {  	v20 =	vmul.f32 $1.442695020e+00, v9;
	vm1 =	vgt.f32 v18, $0.0e+00;
	v21 =	vmul.f32 v15, v21;
	v9 =	vld [tilespmem:s24+$0x30];
	[tilespmem:s14+$0xFFFFFFE0] =	vst v14;
	s14 =	smov.u32 s16;
	(pc) =	sbr.rel @p2 .LBB2_7-.Ltmp6, $4  }
0xe9: {  	vm2 =	vgt.f32 v13, $0.0e+00;
	v14 =	vmul.f32 $2.000000030e-01, v18;
	v15 =	vperm.xlane v6, v5  }
0xea: {  	v23 =	vsel vm2, v13, v10;
	(erf) = vpow2.f32 v20;
	v20 =	vunpack.i.u.bf16.f32 v22;
	[tilespmem:s16+$0xFFFFFFC0] =	vst v21  }
0xeb: {  	v13 =	vmul.f32 $1.442695020e+00, v23;
	v21 =	vsel vm1, v18, v14;
	v20 =	vmul.f32 v19, v20;
	v10 =	vpop (erf)  }
0xec: {  	s25 =	smov.u32 s10;
	s16 =	sadd.s32 $0x100, s16;
	v14 =	vunpack.i.u.bf16.f32 v12;
	v19 =	vperm.xlane v7, v5;
	[tilespmem:s23+$0x0] =	vst v10;
	v18 =	vperm.xlane v10, v2;
	s23 =	sadd.s32 $0x40, s23  }
0xed: {  	v21 =	vmul.f32 $1.442695020e+00, v21;
	v16 =	vsel vm0, v16, v17  }
0xee: {  	v16 =	vmul.f32 $1.442695020e+00, v16  }
0xef: {  	(erf) = vpow2.f32 v21  }
0xf0: {  	(erf) = vpow2.f32 v16;
	v16 =	vld [tilespmem:s15+$0x0];
	_ =	sdelay $0x1  }
0xf1: {  	v17 =	vunpack.i.u.bf16.f32 v9  }
0xf2: {  	[tilespmem:s14+$0xFFFFFFD0] =	vst v20;
	v17 =	vmul.f32 v19, v17  }
0xf3: {  	v20 =	vld [tilespmem:s15+$0xFFFFFFF0];
	(erf) = vpow2.f32 v13;
	v13 =	vperm.xlane v10, v3  }
0xf4: {  	[tilespmem:s14+$0x70] =	vst v17;
	v17 =	vunpack.i.u.bf16.f32 v16  }
0xf5: {  	v13 =	vmul.f32 v13, v17  }
0xf6: {  	v19 =	vpop (erf)  }
0xf7: {  	s10 =	sadd.s32 $0x80, s24;
	v12 =	vunpack.i.l.bf16.f32 v12;
	[tilespmem:s23+$0xFFFFFFE0] =	vst v19;
	v17 =	vpop (erf)  }
0xf8: {  	v11 =	vmul.f32 v11, v12;
	v22 =	vunpack.i.u.bf16.f32 v20;
	v16 =	vunpack.i.l.bf16.f32 v16;
	v21 =	vld [tilespmem:s10+$0xFFFFFFC0];
	[tilespmem:s23+$0x10] =	vst v17  }
0xf9: {  	v15 =	vmul.f32 v15, v22;
	v16 =	vmul.f32 v18, v16;
	[tilespmem:s14+$0x10] =	vst v13;
	v13 =	vpop (erf);
	v18 =	vld [tilespmem:s10+$0x20]  }
0xfa: {  	[tilespmem:s23+$0xFFFFFFF0] =	vst v13  }
0xfb: {  	v8 =	vperm.xlane v8, v5;
	[tilespmem:s14+$0xFFFFFFA0] =	vst v11;
	v12 =	vld [tilespmem:s10+$0xFFFFFFE0]  }
0xfc: {  	[tilespmem:s14+$0x0] =	vst v16;
	v16 =	vperm.xlane v19, v3  }
0xfd: {  	v8 =	vmul.f32 v8, v14;
	[tilespmem:s14+$0xFFFFFFF0] =	vst v15;
	v14 =	vperm.xlane v17, v3;
	v11 =	vunpack.i.u.bf16.f32 v21;
	v15 =	vpop (erf)  }
0xfe: {  	v11 =	vmul.f32 v16, v11;
	v16 =	vperm.xlane v17, v2;
	[tilespmem:s23+$0x0] =	vst v15;
	v22 =	vunpack.i.u.bf16.f32 v18  }
0xff: {  	[tilespmem:s14+$0xFFFFFFB0] =	vst v8;
	v8 =	vunpack.i.l.bf16.f32 v18;
	v18 =	vperm.xlane v13, v2;
	v14 =	vmul.f32 v14, v22;
	v22 =	vld [tilespmem:s10+$0x0]  }
0x100: {  	[tilespmem:s16+$0xFFFFFF90] =	vst v11;
	v11 =	vperm.xlane v13, v3;
	v8 =	vmul.f32 v16, v8;
	v16 =	vunpack.i.l.bf16.f32 v12  }
0x101: {  	v23 =	vperm.xlane v19, v2;
	v12 =	vunpack.i.u.bf16.f32 v12;
	[tilespmem:s16+$0x50] =	vst v14;
	v14 =	vld [tilespmem:s15+$0x10];
	v16 =	vmul.f32 v18, v16  }
0x102: {  	v7 =	vperm.xlane v7, v4;
	v18 =	vunpack.i.l.bf16.f32 v21;
	[tilespmem:s16+$0x40] =	vst v8;
	v8 =	vmul.f32 v11, v12  }
0x103: {  	v9 =	vunpack.i.l.bf16.f32 v9;
	v12 =	vperm.xlane v15, v3;
	v11 =	vmul.f32 v23, v18;
	[tilespmem:s16+$0xFFFFFFC0] =	vst v16  }
0x104: {  	v7 =	vmul.f32 v7, v9;
	v9 =	vld [tilespmem:s10+$0x30];
	v16 =	vperm.xlane v15, v2;
	[tilespmem:s16+$0xFFFFFFD0] =	vst v8;
	v8 =	vunpack.i.u.bf16.f32 v22  }
0x105: {  	v18 =	vperm.xlane v10, v5;
	[tilespmem:s16+$0xFFFFFF80] =	vst v11;
	v11 =	vld [tilespmem:s10+$0xFFFFFFF0];
	v8 =	vmul.f32 v12, v8;
	v12 =	vunpack.i.l.bf16.f32 v22  }
0x106: {  	[tilespmem:s14+$0x60] =	vst v7;
	v10 =	vperm.xlane v10, v4;
	v7 =	vld [tilespmem:s10+$0xFFFFFFD0];
	v21 =	vunpack.i.u.bf16.f32 v14;
	v12 =	vmul.f32 v16, v12  }
0x107: {  	v6 =	vperm.xlane v6, v4;
	v14 =	vunpack.i.l.bf16.f32 v14;
	v16 =	vmul.f32 v18, v21;
	[tilespmem:s16+$0x10] =	vst v8  }
0x108: {  	v8 =	vunpack.i.l.bf16.f32 v20;
	v10 =	vmul.f32 v10, v14;
	v14 =	vperm.xlane v17, v5;
	[tilespmem:s16+$0x0] =	vst v12  }
0x109: {  	v6 =	vmul.f32 v6, v8;
	v8 =	vperm.xlane v13, v5;
	v12 =	vunpack.i.u.bf16.f32 v9;
	[tilespmem:s14+$0x30] =	vst v16;
	v16 =	vld [tilespmem:s10+$0x10]  }
0x10a: {  	[tilespmem:s14+$0x20] =	vst v10;
	v10 =	vperm.xlane v19, v4;
	v12 =	vmul.f32 v14, v12;
	v14 =	vunpack.i.u.bf16.f32 v11  }
0x10b: {  	[tilespmem:s14+$0xFFFFFFE0] =	vst v6;
	v6 =	vmul.f32 v8, v14;
	v8 =	vunpack.i.l.bf16.f32 v7;
	v14 =	vperm.xlane v19, v5  }
0x10c: {  	v7 =	vunpack.i.u.bf16.f32 v7;
	[tilespmem:s16+$0x70] =	vst v12;
	v8 =	vmul.f32 v10, v8;
	v10 =	vperm.xlane v17, v4  }
0x10d: {  	v9 =	vunpack.i.l.bf16.f32 v9;
	[tilespmem:s16+$0xFFFFFFF0] =	vst v6;
	v6 =	vmul.f32 v14, v7;
	v7 =	vperm.xlane v15, v5  }
0x10e: {  	[tilespmem:s16+$0xFFFFFFA0] =	vst v8;
	v8 =	vperm.xlane v15, v4;
	v9 =	vmul.f32 v10, v9;
	v12 =	vunpack.i.u.bf16.f32 v16  }
0x10f: {  	v10 =	vperm.xlane v13, v4;
	[tilespmem:s16+$0xFFFFFFB0] =	vst v6;
	v6 =	vunpack.i.l.bf16.f32 v16;
	v7 =	vmul.f32 v7, v12  }
0x110: {  	v11 =	vunpack.i.l.bf16.f32 v11;
	v6 =	vmul.f32 v8, v6;
	[tilespmem:s16+$0x60] =	vst v9  }
0x111: {  	v8 =	vmul.f32 v10, v11;
	[tilespmem:s16+$0x30] =	vst v7  }
0x112: {  	s14 =	sand.u32 $0x3FFFFF00, s13;
	[tilespmem:s16+$0x20] =	vst v6  }
0x113: {  	s7 =	sadd.s32 $0x2800, s14;
	[tilespmem:s16+$0xFFFFFFE0] =	vst v8  }
0x114: {  	[spmem:s2] =	stream.indirect.scatter.add.f32 [tilespmem:s19], [sflag:$0x3], $0x40, s7, s21, $0xb8;
	[tilespmem:$0x1A5D0] =	vst v63  }
0x115: {  	p2 =	seq.s32 s12, $0x27  }
0x116: {  	[spmem:s3] =	stream.indirect.scatter.add.f32 [tilespmem:s20], [sflag:$0x3], $0x10, s7, s21, $0xb8;
	[tilespmem:$0x1A5D0] =	vst v63  }
0x117: {  	s8 =	simm.s32 @!p2 $0x80;
	s10 =	simm.s32 @!p2 $0x5000;
	s7 =	sadd.s32 @!p2 $0x100, s13  }
0x118: {  	[tilespmem:s10], [sflag:$0x1] =	stream.indirect.gather @!p2 [hbm4b:s5+s8], $0x10, s7, s8, $0xb8;
	[tilespmem:$0x1A5D0] =	vst v63  }
0x119: {  	s11 =	simm.s32 @!p2 $0x6000;
	s10 =	sadd.s32 @!p2 $0x2900, s13  }
0x11a: {  	[tilespmem:s11], [sflag:$0x1] =	stream.indirect.gather @!p2 [hbm4b:s5+s8], $0x10, s10, s8, $0xb8;
	[tilespmem:$0x1A5D0] =	vst v63  }
0x11b: {  	s10 =	simm.s32 @!p2 $0x7000  }
0x11c: {  	[tilespmem:s10], [sflag:$0x1] =	stream.indirect.gather @!p2 [hbm4b:s6+s8], $0x20, s7, s8, $0xb8;
	[tilespmem:$0x1A5D0] =	vst v63  }
0x11d: {  	_ =	swait.ge [sflag:s31], $0x800  }
0x11e: {  	[sflag:s31] =	ssyncset.done $0x0  }
0x11f: {  	[sflag:s31] =	ssyncadd.s32 $0xFFFFF800  }
0x120: {  	_ =	swait.ge [sflag:s31], $0x800  }
0x121: {  	[sflag:s31] =	ssyncset.done $0x0  }
0x122: {  	s8 =	simm.s32 $0x0;
	[sflag:s31] =	ssyncadd.s32 $0xFFFFF800  }
0x123: {  	v6 =	vmov s8;
	_ =	swait.ge [sflag:s31], $0x1000  }
0x124: {  	v6 =	vor.u32 $0x8, v6;
	[sflag:s31] =	ssyncset.done $0x0  }
0x125: {  	s7 =	simm.s32 @!p1 $0x4;
	v6 =	vbroadcast v6, $0x0;
	[sflag:s31] =	ssyncadd.s32 $0xFFFFF000  }
0x126: {  	s9 =	simm.s32 $0x30;
	_ =	swait.ge @!p1 [sflag:s7], $0x2000  }
0x127: {  	v7 =	vmov s9;
	v6 =	vor.u32 v1, v6;
	[sflag:s7] =	ssyncset.done @!p1 $0x0  }
0x128: {  	v7 =	vor.u32 $0x8, v7;
	s10 =	simm.s32 $0x10;
	[sflag:s7] =	ssyncadd.s32 @!p1 $0xFFFFE000  }
0x129: {  	v7 =	vbroadcast v7, $0x0;
	v8 =	vmov s10;
	_ =	swait.ge @!p1 [sflag:s7], $0x800  }
0x12a: {  	v8 =	vor.u32 $0x8, v8;
	[sflag:s7] =	ssyncset.done @!p1 $0x0  }
0x12b: {  	v7 =	vor.u32 v1, v7;
	v8 =	vbroadcast v8, $0x0;
	[sflag:s7] =	ssyncadd.s32 @!p1 $0xFFFFF800  }
0x12c: {  	s11 =	simm.s32 $0x5830;
	v6 =	vld.idx.msk [tilespmem:v6+s1+$0x0], $0xffff  }
0x12d: {  	v8 =	vor.u32 v1, v8;
	v9 =	vld [tilespmem:s11+$0xFFFFFFD0];
	_ =	sdelay $0x2  }
0x12e: {  	v7 =	vld.idx.msk [tilespmem:v7+s1+$0x0], $0xffff  }
0x12f: {  	v10 =	vld [tilespmem:s11+$0x0]  }
0x130: {  	v8 =	vld.idx.msk [tilespmem:v8+s1+$0x0], $0xffff;
	v6 =	vadd.f32 v6, v9  }
0x131: {  	v9 =	vld [tilespmem:s11+$0xFFFFFFE0]  }
0x132: {  	s15 =	simm.s32 $0x20;
	v11 =	vmul.f32 $2.000000030e-01, v6  }
0x133: {  	v12 =	vmov s15;
	vm0 =	vgt.f32 v6, $0.0e+00  }
0x134: {  	v7 =	vadd.f32 v7, v10;
	v6 =	vsel vm0, v6, v11;
	v11 =	vor.u32 $0x8, v12  }
0x135: {  	v6 =	vmul.f32 $1.442695020e+00, v6;
	v10 =	vbroadcast v11, $0x0  }
0x136: {  	v8 =	vadd.f32 v8, v9;
	v9 =	vmul.f32 $2.000000030e-01, v7  }
0x137: {  	vm0 =	vgt.f32 v7, $0.0e+00;
	(erf) = vpow2.f32 v6;
	v6 =	vor.u32 v1, v10  }
0x138: {  	v10 =	vmul.f32 $2.000000030e-01, v8;
	v7 =	vsel vm0, v7, v9  }
0x139: {  	s22 =	simm.s32 $0x40;
	s16 =	simm.s32 $0x50;
	vm0 =	vgt.f32 v8, $0.0e+00;
	v7 =	vmul.f32 $1.442695020e+00, v7  }
0x13a: {  	v9 =	vmov s16;
	v8 =	vsel vm0, v8, v10;
	v10 =	vmov s22  }
0x13b: {  	(erf) = vpow2.f32 v7;
	v7 =	vor.u32 $0x8, v9;
	v9 =	vld [tilespmem:s11+$0xFFFFFFF0];
	v10 =	vor.u32 $0x8, v10  }
0x13c: {  	s23 =	simm.s32 $0x60;
	v8 =	vmul.f32 $1.442695020e+00, v8;
	v10 =	vbroadcast v10, $0x0;
	v6 =	vld.idx.msk [tilespmem:v6+s1+$0x0], $0xffff  }
0x13d: {  	v11 =	vmov s23;
	v7 =	vbroadcast v7, $0x0  }
0x13e: {  	s24 =	simm.s32 $0x70;
	v11 =	vor.u32 $0x8, v11;
	v10 =	vor.u32 v1, v10  }
0x13f: {  	v12 =	vmov s24;
	s23 =	simm.s32 $0x5870;
	v11 =	vbroadcast v11, $0x0;
	v7 =	vor.u32 v1, v7  }
0x140: {  	s25 =	simm.s32 $0x9830;
	v12 =	vor.u32 $0x8, v12;
	v17 =	vld [tilespmem:s23+$0xFFFFFFD0];
	(erf) = vpow2.f32 v8;
	v8 =	vpop (erf)  }
0x141: {  	v12 =	vbroadcast v12, $0x0;
	s16 =	simm.s32 $0x8070;
	[tilespmem:s25+$0xFFFFFFD0] =	vst v8;
	v6 =	vadd.f32 v6, v9;
	v9 =	vor.u32 v1, v11;
	v11 =	vld [tilespmem:s23+$0xFFFFFFE0]  }
0x142: {  	v14 =	vld [tilespmem:s16+$0xFFFFFF90]  }
0x143: {  	v12 =	vor.u32 v1, v12;
	v10 =	vld.idx.msk [tilespmem:v10+s1+$0x0], $0xffff  }
0x144: {  	v15 =	vld.idx.msk [tilespmem:v7+s1+$0x0], $0xffff;
	v16 =	vmul.f32 $2.000000030e-01, v6;
	v7 =	vpop (erf)  }
0x145: {  	v13 =	vld [tilespmem:s23+$0xFFFFFFF0];
	v20 =	vperm.xlane v8, v2;
	vm0 =	vgt.f32 v6, $0.0e+00;
	[tilespmem:s25+$0x0] =	vst v7  }
0x146: {  	v22 =	vperm.xlane v7, v2;
	v6 =	vsel vm0, v6, v16;
	v16 =	vperm.xlane v8, v3;
	v18 =	vld [tilespmem:s16+$0xFFFFFFF0]  }
0x147: {  	v23 =	vperm.xlane v7, v3;
	v19 =	vmul.f32 $1.442695020e+00, v6;
	v9 =	vld.idx.msk [tilespmem:v9+s1+$0x0], $0xffff;
	v21 =	vunpack.i.u.bf16.f32 v14  }
0x148: {  	v12 =	vld.idx.msk [tilespmem:v12+s1+$0x0], $0xffff;
	v14 =	vunpack.i.l.bf16.f32 v14;
	v10 =	vadd.f32 v10, v17;
	v21 =	vmul.f32 v16, v21  }
0x149: {  	v6 =	vpop (erf);
	v16 =	vadd.f32 v15, v11;
	v11 =	vld [tilespmem:s23+$0x0];
	v14 =	vmul.f32 v20, v14;
	(erf) = vpow2.f32 v19  }
0x14a: {  	[tilespmem:s25+$0xFFFFFFE0] =	vst v6;
	v24 =	vperm.xlane v6, v3;
	v19 =	vmul.f32 $2.000000030e-01, v10;
	vm1 =	vgt.f32 v10, $0.0e+00  }
0x14b: {  	v20 =	vld [tilespmem:s16+$0xFFFFFFB0];
	v17 =	vmul.f32 $2.000000030e-01, v16;
	v15 =	vunpack.i.u.bf16.f32 v18;
	v18 =	vunpack.i.l.bf16.f32 v18  }
0x14c: {  	s15 =	simm.s32 $0xC0F0;
	v15 =	vmul.f32 v23, v15;
	v9 =	vadd.f32 v9, v13;
	v10 =	vsel vm1, v10, v19  }
0x14d: {  	[tilespmem:s15+$0xFFFFFF20] =	vst v21;
	v13 =	vmul.f32 v22, v18;
	v10 =	vmul.f32 $1.442695020e+00, v10  }
0x14e: {  	[tilespmem:s15+$0xFFFFFF10] =	vst v14;
	v18 =	vperm.xlane v6, v2;
	v14 =	vadd.f32 v12, v11;
	v19 =	vmul.f32 $2.000000030e-01, v9  }
0x14f: {  	v11 =	vperm.xlane v8, v4;
	v12 =	vld [tilespmem:s16+$0xFFFFFFA0];
	[tilespmem:s15+$0xFFFFFFE0] =	vst v15;
	vm2 =	vgt.f32 v9, $0.0e+00;
	(erf) = vpow2.f32 v10  }
0x150: {  	[tilespmem:s15+$0xFFFFFFD0] =	vst v13;
	v21 =	vunpack.i.l.bf16.f32 v20;
	v9 =	vsel vm2, v9, v19;
	v10 =	vunpack.i.u.bf16.f32 v20  }
0x151: {  	v18 =	vmul.f32 v18, v21;
	v13 =	vmul.f32 $1.442695020e+00, v9;
	v9 =	vld [tilespmem:s16+$0x0]  }
0x152: {  	vm0 =	vgt.f32 v16, $0.0e+00;
	v15 =	vperm.xlane v6, v5;
	v21 =	vmul.f32 $2.000000030e-01, v14  }
0x153: {  	s10 =	simm.s32 $0x8;
	vm1 =	vgt.f32 v14, $0.0e+00;
	v19 =	vperm.xlane v7, v5;
	v20 =	vmul.f32 v24, v10;
	[tilespmem:s15+$0xFFFFFF50] =	vst v18;
	v10 =	vpop (erf)  }
0x154: {  	s24 =	simm.s32 $0x9870;
	s22 =	simm.s32 $0xC1F0;
	v21 =	vsel vm1, v14, v21;
	v14 =	vunpack.i.u.bf16.f32 v12;
	[tilespmem:s25+$0xFFFFFFF0] =	vst v10;
	v18 =	vperm.xlane v10, v2;
	s25 =	simm.s32 $0x8070  }
.LBB2_9:
0x155: {  	s7 =	sshll.u32 s10, $0x4  }
0x156: {  	v16 =	vsel vm0, v16, v17;
	v17 =	vmul.f32 $1.442695020e+00, v21;
	[tilespmem:s15+$0xFFFFFF60] =	vst v20;
	v20 =	vld [tilespmem:s16+$0xFFFFFFD0];
	v21 =	vunpack.i.u.bf16.f32 v9;
	s25 =	sadd.s32 $0x80, s25;
	s8 =	smov.u32 s10;
	s11 =	sadd.s32 $0x4, s10  }
0x157: {  	v22 =	vmov s7;
	s8 =	sadd.s32 $0x10, s7;
	s9 =	sadd.s32 $0x20, s7;
	s7 =	sadd.s32 $0x30, s7;
	v16 =	vmul.f32 $1.442695020e+00, v16;
	v23 =	vld [tilespmem:s16+$0xFFFFFFC0];
	v19 =	vmul.f32 v19, v21  }
0x158: {  	p1 =	slt.u32 s10, $0x7C;
	v21 =	vmov s8;
	v24 =	vmov s9;
	(erf) = vpow2.f32 v17  }
0x159: {  	v17 =	vor.u32 $0x8, v22;
	v21 =	vor.u32 $0x8, v21;
	(erf) = vpow2.f32 v16;
	[tilespmem:s15+$0x0] =	vst v19  }
0x15a: {  	v16 =	vbroadcast v17, $0x0;
	v17 =	vmov s7;
	v19 =	vperm.xlane v10, v3  }
0x15b: {  	v22 =	vor.u32 $0x8, v24;
	v21 =	vbroadcast v21, $0x0;
	v24 =	vunpack.i.u.bf16.f32 v20  }
0x15c: {  	v17 =	vor.u32 $0x8, v17;
	v16 =	vor.u32 v1, v16;
	v25 =	vpop (erf);
	v19 =	vmul.f32 v19, v24  }
0x15d: {  	s23 =	sadd.s32 $0x40, s23;
	v22 =	vbroadcast v22, $0x0;
	v20 =	vunpack.i.l.bf16.f32 v20;
	v21 =	vor.u32 v1, v21  }
0x15e: {  	v27 =	vunpack.i.u.bf16.f32 v23;
	v18 =	vmul.f32 v18, v20;
	v26 =	vperm.xlane v25, v3;
	v24 =	vld [tilespmem:s23+$0xFFFFFFF0];
	[tilespmem:s24+$0xFFFFFFD0] =	vst v25  }
0x15f: {  	v20 =	vor.u32 v1, v22;
	v28 =	vperm.xlane v25, v2;
	v15 =	vmul.f32 v15, v27;
	v22 =	vld [tilespmem:s25+$0xFFFFFF90];
	[tilespmem:s15+$0xFFFFFFA0] =	vst v19  }
0x160: {  	v12 =	vunpack.i.l.bf16.f32 v12;
	v17 =	vbroadcast v17, $0x0;
	v27 =	vperm.xlane v8, v5;
	v8 =	vmovc v25;
	v19 =	vld [tilespmem:s23+$0xFFFFFFE0];
	[tilespmem:s15+$0xFFFFFF90] =	vst v18  }
0x161: {  	v11 =	vmul.f32 v11, v12;
	[tilespmem:s15+$0xFFFFFF80] =	vst v15;
	v12 =	vld [tilespmem:s16+$0xFFFFFFE0];
	v15 =	vperm.xlane v7, v4;
	v7 =	vpop (erf);
	s16 =	smov.u32 s25  }
0x162: {  	v17 =	vor.u32 v1, v17;
	v14 =	vmul.f32 v27, v14;
	v18 =	vld.idx.msk [tilespmem:v21+s1+$0x0], $0xffff;
	v21 =	vperm.xlane v6, v4;
	v6 =	vpop (erf)  }
0x163: {  	v9 =	vunpack.i.l.bf16.f32 v9;
	v25 =	vld.idx.msk [tilespmem:v16+s1+$0x0], $0xffff;
	[tilespmem:s15+$0xFFFFFF30] =	vst v11;
	v11 =	vperm.xlane v10, v4;
	v10 =	vperm.xlane v10, v5  }
0x164: {  	v23 =	vunpack.i.l.bf16.f32 v23;
	v27 =	vld [tilespmem:s23+$0xFFFFFFD0];
	v16 =	vunpack.i.u.bf16.f32 v22;
	v22 =	vunpack.i.l.bf16.f32 v22;
	[tilespmem:s24+$0x0] =	vst v7  }
0x165: {  	v26 =	vmul.f32 v26, v16;
	v29 =	vld [tilespmem:s25+$0xFFFFFFF0];
	[tilespmem:s15+$0xFFFFFF40] =	vst v14;
	v14 =	vmul.f32 v21, v23  }
0x166: {  	v9 =	vmul.f32 v15, v9;
	v21 =	vperm.xlane v7, v2;
	v20 =	vld.idx.msk [tilespmem:v20+s1+$0x0], $0xffff;
	v16 =	vunpack.i.u.bf16.f32 v12  }
0x167: {  	v23 =	vperm.xlane v7, v3;
	v12 =	vunpack.i.l.bf16.f32 v12;
	v15 =	vld.idx.msk [tilespmem:v17+s1+$0x0], $0xffff;
	[tilespmem:s24+$0xFFFFFFE0] =	vst v6;
	v10 =	vmul.f32 v10, v16  }
0x168: {  	v16 =	vadd.f32 v18, v19;
	v19 =	vperm.xlane v6, v3;
	v11 =	vmul.f32 v11, v12;
	v18 =	vld [tilespmem:s23+$0x0];
	[tilespmem:s22+$0xFFFFFF20] =	vst v26  }
0x169: {  	v12 =	vmul.f32 v28, v22;
	v25 =	vadd.f32 v25, v27;
	v22 =	vld [tilespmem:s25+$0xFFFFFFB0];
	(erf) = vpow2.f32 v13;
	[tilespmem:s15+$0xFFFFFFF0] =	vst v9  }
0x16a: {  	vm0 =	vgt.f32 v16, $0.0e+00;
	v17 =	vmul.f32 $2.000000030e-01, v16;
	v9 =	vunpack.i.u.bf16.f32 v29;
	[tilespmem:s15+$0xFFFFFFC0] =	vst v10  }
0x16b: {  	v10 =	vmul.f32 $2.000000030e-01, v25;
	[tilespmem:s22+$0xFFFFFF10] =	vst v12;
	v12 =	vunpack.i.l.bf16.f32 v29;
	v9 =	vmul.f32 v23, v9  }
0x16c: {  	vm1 =	vgt.f32 v25, $0.0e+00;
	v13 =	vadd.f32 v20, v24;
	v20 =	vmul.f32 v21, v12;
	[tilespmem:s15+$0xFFFFFFB0] =	vst v11  }
0x16d: {  	v11 =	vperm.xlane v8, v4;
	v18 =	vadd.f32 v15, v18;
	v12 =	vld [tilespmem:s25+$0xFFFFFFA0];
	v15 =	vperm.xlane v6, v2;
	[tilespmem:s22+$0xFFFFFFE0] =	vst v9  }
0x16e: {  	v9 =	vsel vm1, v25, v10;
	v10 =	vmul.f32 $2.000000030e-01, v13;
	v21 =	vunpack.i.l.bf16.f32 v22;
	[tilespmem:s22+$0xFFFFFFD0] =	vst v20  }
.Ltmp7:
0x16f: {  	v20 =	vmul.f32 $1.442695020e+00, v9;
	vm1 =	vgt.f32 v18, $0.0e+00;
	v21 =	vmul.f32 v15, v21;
	v9 =	vld [tilespmem:s25+$0x0];
	[tilespmem:s15+$0xFFFFFF70] =	vst v14;
	s15 =	smov.u32 s22;
	(pc) =	sbr.rel @p1 .LBB2_9-.Ltmp7, $4  }
0x170: {  	vm2 =	vgt.f32 v13, $0.0e+00;
	v14 =	vmul.f32 $2.000000030e-01, v18;
	v15 =	vperm.xlane v6, v5  }
0x171: {  	v23 =	vsel vm2, v13, v10;
	(erf) = vpow2.f32 v20;
	v20 =	vunpack.i.u.bf16.f32 v22;
	[tilespmem:s22+$0xFFFFFF50] =	vst v21  }
0x172: {  	v13 =	vmul.f32 $1.442695020e+00, v23;
	v21 =	vsel vm1, v18, v14;
	v20 =	vmul.f32 v19, v20;
	v10 =	vpop (erf)  }
0x173: {  	s10 =	smov.u32 s11;
	s22 =	sadd.s32 $0x100, s22;
	v14 =	vunpack.i.u.bf16.f32 v12;
	v19 =	vperm.xlane v7, v5;
	[tilespmem:s24+$0xFFFFFFF0] =	vst v10;
	v18 =	vperm.xlane v10, v2;
	s24 =	sadd.s32 $0x40, s24  }
0x174: {  	v21 =	vmul.f32 $1.442695020e+00, v21  }
0x175: {  	v16 =	vsel vm0, v16, v17  }
0x176: {  	v16 =	vmul.f32 $1.442695020e+00, v16;
	(erf) = vpow2.f32 v21  }
0x177: {  	v55 =	vld [tilespmem:s16+$0xFFFFFFD0]  }
0x178: {  	(erf) = vpow2.f32 v16;
	_ =	sdelay $0x1  }
0x179: {  	v56 =	vunpack.i.u.bf16.f32 v9  }
0x17a: {  	v57 =	vperm.xlane v10, v3;
	v17 =	vmul.f32 v19, v56  }
0x17b: {  	[tilespmem:s15+$0xFFFFFF60] =	vst v20;
	v12 =	vunpack.i.l.bf16.f32 v12;
	(erf) = vpow2.f32 v13;
	v59 =	vunpack.i.u.bf16.f32 v55  }
0x17c: {  	v11 =	vmul.f32 v11, v12;
	[tilespmem:s15+$0x0] =	vst v17;
	v58 =	vpop (erf);
	v13 =	vmul.f32 v57, v59  }
0x17d: {  	s10 =	sadd.s32 $0x80, s25;
	[tilespmem:s24+$0xFFFFFFD0] =	vst v58  }
0x17e: {  	v8 =	vperm.xlane v8, v5;
	[tilespmem:s15+$0xFFFFFF30] =	vst v11;
	v61 =	vld [tilespmem:s10+$0xFFFFFF90];
	v60 =	vpop (erf)  }
0x17f: {  	v7 =	vperm.xlane v7, v4;
	[tilespmem:s24+$0x0] =	vst v60  }
0x180: {  	v38 =	vunpack.i.l.bf16.f32 v9;
	v8 =	vmul.f32 v8, v14;
	[tilespmem:s15+$0xFFFFFFA0] =	vst v13;
	v13 =	vpop (erf);
	v62 =	vld [tilespmem:s10+$0xFFFFFFF0]  }
0x181: {  	v7 =	vmul.f32 v7, v38;
	v16 =	vunpack.i.l.bf16.f32 v55;
	[tilespmem:s24+$0xFFFFFFE0] =	vst v13  }
0x182: {  	[tilespmem:s15+$0xFFFFFF40] =	vst v8;
	v16 =	vmul.f32 v18, v16;
	v24 =	vperm.xlane v58, v3;
	v63 =	vld [tilespmem:s10+$0xFFFFFFB0]  }
0x183: {  	[tilespmem:s15+$0xFFFFFFF0] =	vst v7;
	v23 =	vperm.xlane v58, v2;
	v25 =	vunpack.i.u.bf16.f32 v61  }
0x184: {  	v20 =	vld [tilespmem:s16+$0xFFFFFFC0];
	[tilespmem:s15+$0xFFFFFF90] =	vst v16;
	v26 =	vperm.xlane v60, v3;
	v27 =	vpop (erf);
	v36 =	vunpack.i.l.bf16.f32 v61;
	v11 =	vmul.f32 v24, v25  }
0x185: {  	v28 =	vperm.xlane v60, v2;
	[tilespmem:s24+$0xFFFFFFF0] =	vst v27;
	v39 =	vmul.f32 v23, v36;
	v29 =	vunpack.i.u.bf16.f32 v62  }
0x186: {  	v31 =	vperm.xlane v13, v2;
	v32 =	vld [tilespmem:s10+$0xFFFFFFD0];
	[tilespmem:s22+$0xFFFFFF20] =	vst v11;
	v30 =	vunpack.i.l.bf16.f32 v62;
	v14 =	vmul.f32 v26, v29  }
0x187: {  	v33 =	vperm.xlane v13, v3;
	[tilespmem:s22+$0xFFFFFF10] =	vst v39;
	v8 =	vmul.f32 v28, v30;
	v34 =	vunpack.i.l.bf16.f32 v63  }
0x188: {  	v35 =	vld [tilespmem:s16+$0xFFFFFFE0];
	v12 =	vunpack.i.u.bf16.f32 v63;
	v16 =	vmul.f32 v31, v34;
	[tilespmem:s22+$0xFFFFFFE0] =	vst v14  }
0x189: {  	v6 =	vperm.xlane v6, v4;
	v22 =	vunpack.i.u.bf16.f32 v20;
	v37 =	vmul.f32 v33, v12;
	[tilespmem:s22+$0xFFFFFFD0] =	vst v8  }
0x18a: {  	v50 =	vunpack.i.l.bf16.f32 v20;
	v15 =	vmul.f32 v15, v22;
	v40 =	vperm.xlane v27, v3;
	v7 =	vld [tilespmem:s10+$0xFFFFFFA0];
	[tilespmem:s22+$0xFFFFFF50] =	vst v16  }
0x18b: {  	v6 =	vmul.f32 v6, v50;
	v42 =	vperm.xlane v27, v2;
	v43 =	vunpack.i.u.bf16.f32 v32;
	v41 =	vld [tilespmem:s10+$0x0];
	[tilespmem:s22+$0xFFFFFF60] =	vst v37  }
0x18c: {  	v44 =	vperm.xlane v10, v5;
	[tilespmem:s15+$0xFFFFFF80] =	vst v15;
	v46 =	vunpack.i.l.bf16.f32 v32;
	v8 =	vmul.f32 v40, v43;
	v45 =	vld [tilespmem:s10+$0xFFFFFFC0]  }
0x18d: {  	v47 =	vperm.xlane v10, v4;
	[tilespmem:s15+$0xFFFFFF70] =	vst v6;
	v48 =	vunpack.i.u.bf16.f32 v35;
	v12 =	vmul.f32 v42, v46  }
0x18e: {  	v55 =	vperm.xlane v58, v4;
	v49 =	vmul.f32 v44, v48;
	v14 =	vunpack.i.l.bf16.f32 v35;
	[tilespmem:s22+$0xFFFFFFA0] =	vst v8  }
0x18f: {  	v51 =	vperm.xlane v60, v5;
	v10 =	vmul.f32 v47, v14;
	v57 =	vunpack.i.l.bf16.f32 v7;
	[tilespmem:s22+$0xFFFFFF90] =	vst v12  }
0x190: {  	v52 =	vperm.xlane v13, v5;
	[tilespmem:s15+$0xFFFFFFC0] =	vst v49;
	v8 =	vmul.f32 v55, v57;
	v54 =	vld [tilespmem:s10+$0xFFFFFFE0];
	v53 =	vunpack.i.u.bf16.f32 v41  }
0x191: {  	v59 =	vperm.xlane v60, v4;
	[tilespmem:s15+$0xFFFFFFB0] =	vst v10;
	v12 =	vmul.f32 v51, v53;
	v56 =	vunpack.i.u.bf16.f32 v45  }
0x192: {  	v58 =	vperm.xlane v58, v5;
	[tilespmem:s22+$0xFFFFFF30] =	vst v8;
	v9 =	vunpack.i.l.bf16.f32 v41;
	v6 =	vmul.f32 v52, v56  }
0x193: {  	v62 =	vperm.xlane v13, v4;
	v7 =	vunpack.i.u.bf16.f32 v7;
	v9 =	vmul.f32 v59, v9;
	[tilespmem:s22+$0x0] =	vst v12  }
0x194: {  	v11 =	vunpack.i.l.bf16.f32 v45;
	[tilespmem:s22+$0xFFFFFF80] =	vst v6;
	v6 =	vmul.f32 v58, v7;
	v7 =	vperm.xlane v27, v5  }
0x195: {  	v60 =	vperm.xlane v27, v4;
	v61 =	vunpack.i.u.bf16.f32 v54;
	v63 =	vmul.f32 v62, v11;
	[tilespmem:s22+$0xFFFFFFF0] =	vst v9  }
0x196: {  	[tilespmem:s22+$0xFFFFFF40] =	vst v6;
	v6 =	vunpack.i.l.bf16.f32 v54;
	v7 =	vmul.f32 v7, v61  }
0x197: {  	[tilespmem:s22+$0xFFFFFF70] =	vst v63;
	v6 =	vmul.f32 v60, v6  }
.Ltmp8:
0x198: {  	[tilespmem:s22+$0xFFFFFFC0] =	vst v7;
	(pc) =	sbr.rel @p2 .LBB2_12-.Ltmp8, $4  }
0x199: {  	s7 =	sadd.s32 $0x2880, s14;
	[tilespmem:s22+$0xFFFFFFB0] =	vst v6  }
0x19a: {  	[spmem:s2] =	stream.indirect.scatter.add.f32 [tilespmem:s0], [sflag:$0x4], $0x40, s7, s21, $0xb8;
	[tilespmem:$0x1A5D0] =	vst v63  }
0x19b: {  	_ = 	snop  }
0x19c: {  	[spmem:s3] =	stream.indirect.scatter.add.f32 [tilespmem:s4], [sflag:$0x4], $0x10, s7, s21, $0xb8;
	[tilespmem:$0x1A5D0] =	vst v63  }
0x19d: {  	s7 =	sadd.s32 $0x180, s13  }
0x19e: {  	[tilespmem:s30], [sflag:$0x2] =	stream.indirect.gather [hbm4b:s5+s21], $0x10, s7, s21, $0xb8;
	[tilespmem:$0x1A5D0] =	vst v63  }
.Ltmp9:
0x19f: {  	_ = 	snop;
	(pc) =	sbr.rel .LBB2_6-.Ltmp9, $4  }
0x1a0: {  	s8 =	sadd.s32 $0x2980, s13  }
0x1a1: {  	[tilespmem:s1], [sflag:$0x2] =	stream.indirect.gather [hbm4b:s5+s21], $0x10, s8, s21, $0xb8;
	[tilespmem:$0x1A5D0] =	vst v63  }
0x1a2: {  	s12 =	sadd.s32 $0x1, s12  }
0x1a3: {  	[tilespmem:s26], [sflag:$0x2] =	stream.indirect.gather [hbm4b:s6+s21], $0x20, s7, s21, $0xb8;
	[tilespmem:$0x1A5D0] =	vst v63  }
.LBB2_13:
0x1a4: {  	_ =	sfence.sel $0x180000  }
0x1a5: {  	[bflag:$0x0] =	sbarrier.arrive $0xFFFF  }
0x1a6: {  	_ =	strace $0x90000047  }
0x1a7: {  	s0 =	stileid.u32;
	[bflag:$0x2] =	sbarrier.arrive $0xFFFF  }
0x1a8: {  	p0 =	sne.s32 s0, $0x0;
	s0 =	rddreg [dreg:$0x4]  }
0x1a9: {  	s0 =	sadd.s32 @!p0 $0x100000, s0  }
0x1aa: {  	[sflag:s0] =	ssyncadd.tile.s32 @!p0 $0x1;
	_ =	shalt  }
.Lfunc_end2:
_tile_overlayer_lowered:
.L_overlay_start_2:
0x1ab: {  	(tag) =	ssettag $0x2  }
0x1ac: {  	s0 =	rddreg [dreg:$0x0];
	s2 =	stileid.u32  }
0x1ad: {  	s1 =	rddreg [dreg:$0x1];
	p0 =	sne.s32 s2, $0x0  }
0x1ae: {  	s3 =	rddreg [dreg:$0x2];
	[bflag:$0x3] =	sbarrier.arrive $0xFFFF;
	s2 =	simm.s32 @!p0 $0x1C05  }
0x1af: {  	[timem:s3], [sflag:s2] =	dma.local @!p0 [hbm:s0], s1  }
0x1b0: {  	s0 =	simm.s32 @!p0 $0x5  }
0x1b1: {  	_ =	swait.ge @!p0 [sflag:s0], s1  }
0x1b2: {  	s1 =	ssub.s32 @!p0 $0x0, s1;
	[sflag:s0] =	ssyncset.done @!p0 $0x0  }
0x1b3: {  	[sflag:s0] =	ssyncadd.s32 @!p0 s1  }
0x1b4: {  	[bflag:$0x3] =	sbarrier.arrive $0xFFFF  }
0x1b5: {  	_ =	shalt  }

</sc_bundles>
